<compile_context>
chip_gen: v7x
topology: tpu7x:2x2x1
jax: 0.10.2.dev20260603
libtpu: 0.0.44.dev20260713+nightly
codegen_flags: <defaults>
</compile_context>

<pallas_src>
import functools

import jax
import jax.numpy as jnp
from jax import lax
from jax.experimental import pallas as pl
from jax.experimental.pallas import tpu as pltpu
from jax.experimental.pallas import tpu_sc as plsc

_N = 100000
_D = 128
_NW = 32
_B = 80
_CHUNKS = 80
_CH_A = 52
_CH_B = 28
_NPAD = 16 * _B * _CHUNKS



_BM = 1024


def _mm_body(x_ref, wc_ref, b_ref, o0, o1, o2, o3, o4):
    y = jnp.dot(x_ref[...], wc_ref[...], preferred_element_type=jnp.float32)
    o0[...] = y[:, 0 * _D:1 * _D] + b_ref[...]
    o1[...] = y[:, 1 * _D:2 * _D]
    o2[...] = y[:, 2 * _D:3 * _D]
    o3[...] = y[:, 3 * _D:4 * _D]
    o4[...] = y[:, 4 * _D:5 * _D]


def _tc_tables(xp, wc, b):
    grid = _NPAD // _BM
    out_sd = jax.ShapeDtypeStruct((_NPAD, _D), jnp.float32)
    obs = pl.BlockSpec((_BM, _D), lambda i: (i, 0))
    return pl.pallas_call(
        _mm_body,
        grid=(grid,),
        in_specs=[
            pl.BlockSpec((_BM, _D), lambda i: (i, 0)),
            pl.BlockSpec((_D, 5 * _D), lambda i: (0, 0)),
            pl.BlockSpec((1, _D), lambda i: (0, 0)),
        ],
        out_specs=[obs, obs, obs, obs, obs],
        out_shape=[out_sd, out_sd, out_sd, out_sd, out_sd],
    )(xp, wc, b)




def _sc_body(y0_hbm, y1_hbm, y2_hbm, y3_hbm, y4_hbm,
             i0_hbm, i1_hbm, i2_hbm, i3_hbm,
             out_hbm, *scr):
    sets = []
    for sidx in range(2):
        o = sidx * 9
        sets.append(dict(
            xv=scr[o:o + 4], acc=scr[o + 4], gv=scr[o + 5:o + 9],
            sems=scr[18 + sidx * 5:18 + sidx * 5 + 5],
        ))
    ih = (i0_hbm, i1_hbm, i2_hbm, i3_hbm)
    tbl = (y1_hbm, y2_hbm, y3_hbm, y4_hbm)
    cc = lax.axis_index("c")
    ss = lax.axis_index("s")
    nch = jnp.where(cc == 0, _CH_A, _CH_B)
    base0 = jnp.where(cc == 0, ss * _CH_A, 16 * _CH_A + ss * _CH_B) * _B

    def issue(ci, st):
        base = base0 + ci * _B
        for k in range(4):
            pltpu.sync_copy(ih[k].at[pl.ds(base, _B)], st["xv"][k])
        for k in range(4):
            pltpu.async_copy(tbl[k].at[st["xv"][k]], st["gv"][k],
                             st["sems"][k])
        pltpu.async_copy(y0_hbm.at[pl.ds(base, _B)], st["acc"],
                         st["sems"][4])

    def finish(ci, st):
        base = base0 + ci * _B
        acc_v = st["acc"]
        g0_v, g1_v, g2_v, g3_v = st["gv"]
        for k in range(4):
            pltpu.make_async_copy(tbl[k].at[pl.ds(0, _B)], st["gv"][k],
                                  st["sems"][k]).wait()
        pltpu.make_async_copy(y0_hbm.at[pl.ds(0, _B)], acc_v,
                              st["sems"][4]).wait()

        def row_body(r, rcarry):
            for c in range(_D // 16):
                s = pl.ds(c * 16, 16)
                v = (acc_v[r, s] + g0_v[r, s] + g1_v[r, s]
                     + g2_v[r, s] + g3_v[r, s])
                acc_v[r, s] = jnp.maximum(v, 0.0)
            return rcarry

        lax.fori_loop(0, _B, row_body, 0)
        pltpu.sync_copy(acc_v, out_hbm.at[pl.ds(base, _B)])

    issue(0, sets[0])

    def pair_body(i, carry):
        c0 = 2 * i
        issue(c0 + 1, sets[1])
        finish(c0, sets[0])

        @pl.when(c0 + 2 < nch)
        def _():
            issue(c0 + 2, sets[0])

        finish(c0 + 1, sets[1])
        return carry

    lax.fori_loop(0, nch // 2, pair_body, 0)


@functools.cache
def _sc_gather_sum_kernel():
    scratch = []
    for _ in range(2):
        scratch += [pltpu.VMEM((_B,), jnp.int32) for _ in range(4)]
        scratch += [pltpu.VMEM((_B, _D), jnp.float32) for _ in range(5)]
    scratch += [pltpu.SemaphoreType.DMA for _ in range(10)]
    return pl.kernel(
        _sc_body,
        mesh=plsc.VectorSubcoreMesh(core_axis_name="c", subcore_axis_name="s"),
        out_type=jax.ShapeDtypeStruct((_NPAD, _D), jnp.float32),
        scratch_types=scratch,
    )


def _sc_gather_sum(*args):
    return _sc_gather_sum_kernel()(*args)




def kernel(x, neighbors, W0, b0, W1, b1):
    xp = jnp.pad(x, ((0, _NPAD - _N), (0, 0)))
    nb = jnp.pad(neighbors.astype(jnp.int32), ((0, _NPAD - _N), (0, 0)))
    i0 = nb[:, 0]
    i1 = nb[:, 1]
    i2 = nb[:, 2]
    i3 = nb[:, 3]

    def wcat(W):
        return W.reshape(5, _D, _D).transpose(1, 0, 2).reshape(_D, 5 * _D)

    y = _tc_tables(xp, wcat(W0), b0.reshape(1, _D))
    h1 = _sc_gather_sum(y[0], y[1], y[2], y[3], y[4], i0, i1, i2, i3)
    y = _tc_tables(h1, wcat(W1), b1.reshape(1, _D))
    h2 = _sc_gather_sum(y[0], y[1], y[2], y[3], y[4], i0, i1, i2, i3)
    return h2[:_N]

# --- scband reference (transcript-rebuilt; emitter-appended) ---
"""Pipeline reference for scband-tet-cnn-pp-27247272526413 (READ-ONLY COPY).

The authoritative reference and input builder live on the scoring server;
editing this copy changes nothing except your own understanding.
"""

import jax, jax.numpy as jnp
import numpy as np

N = 100000
D = 128


def _mother_cube_conv(x, neighbors, W, b):
    # For each tet: concat [self.features, n0, n1, n2, n3] (missing neighbors padded
    # with self features; here neighbors is dense [N,4] so padding is implicit when
    # a neighbor index equals the tet's own index). Gather -> concat -> linear -> relu.
    nbr_feats = x[neighbors]                                  # [N, 4, d] gather
    cat = jnp.concatenate([x[:, None, :], nbr_feats], axis=1)  # [N, 5, d]
    cat = cat.reshape(x.shape[0], -1)                          # [N, 5*d]
    return jax.nn.relu(cat @ W + b)


def setup_inputs(seed: int = 0) -> dict:
    key = jax.random.key(seed)
    k1, k2, k3, k4 = jax.random.split(key, 4)
    x = jax.random.normal(k1, (N, D), dtype=jnp.float32)
    neighbors = jax.random.randint(k2, (N, 4), 0, N)
    scale = 1.0 / np.sqrt(5 * D)
    W0 = jax.random.normal(k3, (5 * D, D), dtype=jnp.float32) * scale
    b0 = jnp.zeros((D,), dtype=jnp.float32)
    W1 = jax.random.normal(k4, (5 * D, D), dtype=jnp.float32) * scale
    b1 = jnp.zeros((D,), dtype=jnp.float32)
    return {"x": x, "neighbors": neighbors, "W0": W0, "b0": b0, "W1": W1, "b1": b1}


def reference(x, neighbors, W0, b0, W1, b1):
    # TetCNN_PP with ncf=[128,128,128]: two MotherCubeConv layers applied in sequence.
    # (MotherCubePool performs structural edge collapse on the mesh data structure,
    # which does not change feature math per conv; omitted as non-tensor structural op.)
    h = _mother_cube_conv(x, neighbors, W0, b0)
    h = _mother_cube_conv(h, neighbors, W1, b1)
    return h

if __name__ == "__main__":
    import jax
    _d = setup_inputs()
    print(jax.jit(kernel)(*tuple(_d.values())))

</pallas_src>

<mosaic_0001>
#map = affine_map<(d0, d1) -> (0, 0)>
#map1 = affine_map<(d0, d1) -> (0)>
module attributes {stable_mosaic.version = 14 : i64} {
  func.func @_sc_body(%arg0: i32, %arg1: i32, %arg2: memref<102400x128xf32, #tpu.memory_space<hbm>>, %arg3: memref<102400x128xf32, #tpu.memory_space<hbm>>, %arg4: memref<102400x128xf32, #tpu.memory_space<hbm>>, %arg5: memref<102400x128xf32, #tpu.memory_space<hbm>>, %arg6: memref<102400x128xf32, #tpu.memory_space<hbm>>, %arg7: memref<102400xi32, #tpu.memory_space<hbm>>, %arg8: memref<102400xi32, #tpu.memory_space<hbm>>, %arg9: memref<102400xi32, #tpu.memory_space<hbm>>, %arg10: memref<102400xi32, #tpu.memory_space<hbm>>, %arg11: memref<102400x128xf32, #tpu.memory_space<hbm>>, %arg12: memref<80xi32, #tpu.memory_space<vmem>>, %arg13: memref<80xi32, #tpu.memory_space<vmem>>, %arg14: memref<80xi32, #tpu.memory_space<vmem>>, %arg15: memref<80xi32, #tpu.memory_space<vmem>>, %arg16: memref<80x128xf32, #tpu.memory_space<vmem>>, %arg17: memref<80x128xf32, #tpu.memory_space<vmem>>, %arg18: memref<80x128xf32, #tpu.memory_space<vmem>>, %arg19: memref<80x128xf32, #tpu.memory_space<vmem>>, %arg20: memref<80x128xf32, #tpu.memory_space<vmem>>, %arg21: memref<80xi32, #tpu.memory_space<vmem>>, %arg22: memref<80xi32, #tpu.memory_space<vmem>>, %arg23: memref<80xi32, #tpu.memory_space<vmem>>, %arg24: memref<80xi32, #tpu.memory_space<vmem>>, %arg25: memref<80x128xf32, #tpu.memory_space<vmem>>, %arg26: memref<80x128xf32, #tpu.memory_space<vmem>>, %arg27: memref<80x128xf32, #tpu.memory_space<vmem>>, %arg28: memref<80x128xf32, #tpu.memory_space<vmem>>, %arg29: memref<80x128xf32, #tpu.memory_space<vmem>>, %arg30: memref<!tpu.dma_semaphore, #tpu.memory_space<semaphore_mem>>, %arg31: memref<!tpu.dma_semaphore, #tpu.memory_space<semaphore_mem>>, %arg32: memref<!tpu.dma_semaphore, #tpu.memory_space<semaphore_mem>>, %arg33: memref<!tpu.dma_semaphore, #tpu.memory_space<semaphore_mem>>, %arg34: memref<!tpu.dma_semaphore, #tpu.memory_space<semaphore_mem>>, %arg35: memref<!tpu.dma_semaphore, #tpu.memory_space<semaphore_mem>>, %arg36: memref<!tpu.dma_semaphore, #tpu.memory_space<semaphore_mem>>, %arg37: memref<!tpu.dma_semaphore, #tpu.memory_space<semaphore_mem>>, %arg38: memref<!tpu.dma_semaphore, #tpu.memory_space<semaphore_mem>>, %arg39: memref<!tpu.dma_semaphore, #tpu.memory_space<semaphore_mem>>) attributes {dimension_semantics = [#tpu.dimension_semantics<core_parallel>, #tpu.dimension_semantics<subcore_parallel>], iteration_bounds = array<i64: 2, 16>, scalar_prefetch = 0 : i64, scratch_operands = 28 : i64, tpu.core_type = #tpu.core_type<sc_vector_subcore>, window_params = [{transform_indices = #map}, {transform_indices = #map}, {transform_indices = #map}, {transform_indices = #map}, {transform_indices = #map}, {transform_indices = #map1}, {transform_indices = #map1}, {transform_indices = #map1}, {transform_indices = #map1}, {transform_indices = #map}]} {
    %eq3A = arith.constant 0 : i32
    %eq3A_0 = arith.cmpi eq, %arg0, %eq3A : i32
    %jit3A = arith.constant 52 : i32
    %jit3A_1 = arith.constant 28 : i32
    %select_n3A = arith.select %eq3A_0, %jit3A, %jit3A_1 : i32
    %eq3A_2 = arith.constant 0 : i32
    %eq3A_3 = arith.cmpi eq, %arg0, %eq3A_2 : i32
    %mul3A = arith.constant 52 : i32
    %mul3A_4 = arith.muli %arg1, %mul3A : i32
    %mul3A_5 = arith.constant 28 : i32
    %mul3A_6 = arith.muli %arg1, %mul3A_5 : i32
    %add3A = arith.constant 832 : i32
    %add3A_7 = arith.addi %add3A, %mul3A_6 : i32
    %select_n3A_8 = arith.select %eq3A_3, %mul3A_4, %add3A_7 : i32
    %mul3A_9 = arith.constant 80 : i32
    %mul3A_10 = arith.muli %select_n3A_8, %mul3A_9 : i32
    %add3A_11 = arith.constant 0 : i32
    %add3A_12 = arith.addi %mul3A_10, %add3A_11 : i32
    "tpu.region"() ({
      %run_scoped3A = tpu.sem_alloc : memref<!tpu.dma_semaphore, #tpu.memory_space<semaphore_mem>>
      %dma_start3A_55 = tpu.memref_slice %arg7[%add3A_12] : memref<102400xi32, #tpu.memory_space<hbm>> -> memref<80xi32, #tpu.memory_space<hbm>>
      %dma_start3A_56 = tpu.memref_slice %arg7[%add3A_12] : memref<102400xi32, #tpu.memory_space<hbm>> -> memref<80xi32, #tpu.memory_space<hbm>>
      tpu.enqueue_dma source(%dma_start3A_56 : memref<80xi32, #tpu.memory_space<hbm>>) target(%arg12 : memref<80xi32, #tpu.memory_space<vmem>>) target_semaphore(%run_scoped3A : memref<!tpu.dma_semaphore, #tpu.memory_space<semaphore_mem>>)
      %dma_wait3A = tpu.memref_slice %arg7[%add3A_12] : memref<102400xi32, #tpu.memory_space<hbm>> -> memref<80xi32, #tpu.memory_space<hbm>>
      %dma_wait3A_57 = tpu.memref_slice %arg7[%add3A_12] : memref<102400xi32, #tpu.memory_space<hbm>> -> memref<80xi32, #tpu.memory_space<hbm>>
      tpu.wait_dma2 semaphore(%run_scoped3A : memref<!tpu.dma_semaphore, #tpu.memory_space<semaphore_mem>>) src(%dma_wait3A_57 : memref<80xi32, #tpu.memory_space<hbm>>) dst(%arg12 : memref<80xi32, #tpu.memory_space<vmem>>)
      tpu.yield
    }) : () -> ()
    "tpu.region"() ({
      %run_scoped3A = tpu.sem_alloc : memref<!tpu.dma_semaphore, #tpu.memory_space<semaphore_mem>>
      %dma_start3A_55 = tpu.memref_slice %arg8[%add3A_12] : memref<102400xi32, #tpu.memory_space<hbm>> -> memref<80xi32, #tpu.memory_space<hbm>>
      %dma_start3A_56 = tpu.memref_slice %arg8[%add3A_12] : memref<102400xi32, #tpu.memory_space<hbm>> -> memref<80xi32, #tpu.memory_space<hbm>>
      tpu.enqueue_dma source(%dma_start3A_56 : memref<80xi32, #tpu.memory_space<hbm>>) target(%arg13 : memref<80xi32, #tpu.memory_space<vmem>>) target_semaphore(%run_scoped3A : memref<!tpu.dma_semaphore, #tpu.memory_space<semaphore_mem>>)
      %dma_wait3A = tpu.memref_slice %arg8[%add3A_12] : memref<102400xi32, #tpu.memory_space<hbm>> -> memref<80xi32, #tpu.memory_space<hbm>>
      %dma_wait3A_57 = tpu.memref_slice %arg8[%add3A_12] : memref<102400xi32, #tpu.memory_space<hbm>> -> memref<80xi32, #tpu.memory_space<hbm>>
      tpu.wait_dma2 semaphore(%run_scoped3A : memref<!tpu.dma_semaphore, #tpu.memory_space<semaphore_mem>>) src(%dma_wait3A_57 : memref<80xi32, #tpu.memory_space<hbm>>) dst(%arg13 : memref<80xi32, #tpu.memory_space<vmem>>)
      tpu.yield
    }) : () -> ()
    "tpu.region"() ({
      %run_scoped3A = tpu.sem_alloc : memref<!tpu.dma_semaphore, #tpu.memory_space<semaphore_mem>>
      %dma_start3A_55 = tpu.memref_slice %arg9[%add3A_12] : memref<102400xi32, #tpu.memory_space<hbm>> -> memref<80xi32, #tpu.memory_space<hbm>>
      %dma_start3A_56 = tpu.memref_slice %arg9[%add3A_12] : memref<102400xi32, #tpu.memory_space<hbm>> -> memref<80xi32, #tpu.memory_space<hbm>>
      tpu.enqueue_dma source(%dma_start3A_56 : memref<80xi32, #tpu.memory_space<hbm>>) target(%arg14 : memref<80xi32, #tpu.memory_space<vmem>>) target_semaphore(%run_scoped3A : memref<!tpu.dma_semaphore, #tpu.memory_space<semaphore_mem>>)
      %dma_wait3A = tpu.memref_slice %arg9[%add3A_12] : memref<102400xi32, #tpu.memory_space<hbm>> -> memref<80xi32, #tpu.memory_space<hbm>>
      %dma_wait3A_57 = tpu.memref_slice %arg9[%add3A_12] : memref<102400xi32, #tpu.memory_space<hbm>> -> memref<80xi32, #tpu.memory_space<hbm>>
      tpu.wait_dma2 semaphore(%run_scoped3A : memref<!tpu.dma_semaphore, #tpu.memory_space<semaphore_mem>>) src(%dma_wait3A_57 : memref<80xi32, #tpu.memory_space<hbm>>) dst(%arg14 : memref<80xi32, #tpu.memory_space<vmem>>)
      tpu.yield
    }) : () -> ()
    "tpu.region"() ({
      %run_scoped3A = tpu.sem_alloc : memref<!tpu.dma_semaphore, #tpu.memory_space<semaphore_mem>>
      %dma_start3A_55 = tpu.memref_slice %arg10[%add3A_12] : memref<102400xi32, #tpu.memory_space<hbm>> -> memref<80xi32, #tpu.memory_space<hbm>>
      %dma_start3A_56 = tpu.memref_slice %arg10[%add3A_12] : memref<102400xi32, #tpu.memory_space<hbm>> -> memref<80xi32, #tpu.memory_space<hbm>>
      tpu.enqueue_dma source(%dma_start3A_56 : memref<80xi32, #tpu.memory_space<hbm>>) target(%arg15 : memref<80xi32, #tpu.memory_space<vmem>>) target_semaphore(%run_scoped3A : memref<!tpu.dma_semaphore, #tpu.memory_space<semaphore_mem>>)
      %dma_wait3A = tpu.memref_slice %arg10[%add3A_12] : memref<102400xi32, #tpu.memory_space<hbm>> -> memref<80xi32, #tpu.memory_space<hbm>>
      %dma_wait3A_57 = tpu.memref_slice %arg10[%add3A_12] : memref<102400xi32, #tpu.memory_space<hbm>> -> memref<80xi32, #tpu.memory_space<hbm>>
      tpu.wait_dma2 semaphore(%run_scoped3A : memref<!tpu.dma_semaphore, #tpu.memory_space<semaphore_mem>>) src(%dma_wait3A_57 : memref<80xi32, #tpu.memory_space<hbm>>) dst(%arg15 : memref<80xi32, #tpu.memory_space<vmem>>)
      tpu.yield
    }) : () -> ()
    %dma_start3A = arith.constant 0 : i32
    %dma_start3A_13 = arith.constant 0 : i32
    %dma_start3A_14 = tpu.memref_slice %arg3[%dma_start3A, %dma_start3A_13] : memref<102400x128xf32, #tpu.memory_space<hbm>> -> memref<102400x128xf32, #tpu.memory_space<hbm>>
    tpu.enqueue_indirect_dma source(%dma_start3A_14 : memref<102400x128xf32, #tpu.memory_space<hbm>>) target(%arg17 : memref<80x128xf32, #tpu.memory_space<vmem>>) offsets(%arg12 : memref<80xi32, #tpu.memory_space<vmem>>) semaphore(%arg30 : memref<!tpu.dma_semaphore, #tpu.memory_space<semaphore_mem>>)
    %dma_start3A_15 = arith.constant 0 : i32
    %dma_start3A_16 = arith.constant 0 : i32
    %dma_start3A_17 = tpu.memref_slice %arg4[%dma_start3A_15, %dma_start3A_16] : memref<102400x128xf32, #tpu.memory_space<hbm>> -> memref<102400x128xf32, #tpu.memory_space<hbm>>
    tpu.enqueue_indirect_dma source(%dma_start3A_17 : memref<102400x128xf32, #tpu.memory_space<hbm>>) target(%arg18 : memref<80x128xf32, #tpu.memory_space<vmem>>) offsets(%arg13 : memref<80xi32, #tpu.memory_space<vmem>>) semaphore(%arg31 : memref<!tpu.dma_semaphore, #tpu.memory_space<semaphore_mem>>)
    %dma_start3A_18 = arith.constant 0 : i32
    %dma_start3A_19 = arith.constant 0 : i32
    %dma_start3A_20 = tpu.memref_slice %arg5[%dma_start3A_18, %dma_start3A_19] : memref<102400x128xf32, #tpu.memory_space<hbm>> -> memref<102400x128xf32, #tpu.memory_space<hbm>>
    tpu.enqueue_indirect_dma source(%dma_start3A_20 : memref<102400x128xf32, #tpu.memory_space<hbm>>) target(%arg19 : memref<80x128xf32, #tpu.memory_space<vmem>>) offsets(%arg14 : memref<80xi32, #tpu.memory_space<vmem>>) semaphore(%arg32 : memref<!tpu.dma_semaphore, #tpu.memory_space<semaphore_mem>>)
    %dma_start3A_21 = arith.constant 0 : i32
    %dma_start3A_22 = arith.constant 0 : i32
    %dma_start3A_23 = tpu.memref_slice %arg6[%dma_start3A_21, %dma_start3A_22] : memref<102400x128xf32, #tpu.memory_space<hbm>> -> memref<102400x128xf32, #tpu.memory_space<hbm>>
    tpu.enqueue_indirect_dma source(%dma_start3A_23 : memref<102400x128xf32, #tpu.memory_space<hbm>>) target(%arg20 : memref<80x128xf32, #tpu.memory_space<vmem>>) offsets(%arg15 : memref<80xi32, #tpu.memory_space<vmem>>) semaphore(%arg33 : memref<!tpu.dma_semaphore, #tpu.memory_space<semaphore_mem>>)
    %dma_start3A_24 = arith.constant 0 : i32
    %dma_start3A_25 = tpu.memref_slice %arg2[%add3A_12, %dma_start3A_24] : memref<102400x128xf32, #tpu.memory_space<hbm>> -> memref<80x128xf32, #tpu.memory_space<hbm>>
    %dma_start3A_26 = arith.constant 0 : i32
    %dma_start3A_27 = tpu.memref_slice %arg2[%add3A_12, %dma_start3A_26] : memref<102400x128xf32, #tpu.memory_space<hbm>> -> memref<80x128xf32, #tpu.memory_space<hbm>>
    tpu.enqueue_dma source(%dma_start3A_27 : memref<80x128xf32, #tpu.memory_space<hbm>>) target(%arg16 : memref<80x128xf32, #tpu.memory_space<vmem>>) target_semaphore(%arg34 : memref<!tpu.dma_semaphore, #tpu.memory_space<semaphore_mem>>)
    %jit3A_28 = arith.constant 2 : i32
    %div3A = arith.divsi %select_n3A, %jit3A_28 : i32
    %sign3A = arith.constant 0 : i32
    %sign3A_29 = arith.cmpi sgt, %select_n3A, %sign3A : i32
    %sign3A_30 = arith.extui %sign3A_29 : i1 to i32
    %sign3A_31 = arith.constant 0 : i32
    %sign3A_32 = arith.cmpi slt, %select_n3A, %sign3A_31 : i32
    %sign3A_33 = arith.extui %sign3A_32 : i1 to i32
    %sign3A_34 = arith.subi %sign3A_30, %sign3A_33 : i32
    %sign3A_35 = arith.constant 0 : i32
    %sign3A_36 = arith.cmpi sgt, %jit3A_28, %sign3A_35 : i32
    %sign3A_37 = arith.extui %sign3A_36 : i1 to i32
    %sign3A_38 = arith.constant 0 : i32
    %sign3A_39 = arith.cmpi slt, %jit3A_28, %sign3A_38 : i32
    %sign3A_40 = arith.extui %sign3A_39 : i1 to i32
    %sign3A_41 = arith.subi %sign3A_37, %sign3A_40 : i32
    %ne3A = arith.cmpi ne, %sign3A_34, %sign3A_41 : i32
    %rem3A = arith.remsi %select_n3A, %jit3A_28 : i32
    %ne3A_42 = arith.constant 0 : i32
    %ne3A_43 = arith.cmpi ne, %rem3A, %ne3A_42 : i32
    %and3A = arith.andi %ne3A, %ne3A_43 : i1
    %sub3A = arith.constant 1 : i32
    %sub3A_44 = arith.subi %div3A, %sub3A : i32
    %select_n3A_45 = arith.select %and3A, %sub3A_44, %div3A : i32
    %while3A = arith.constant 0 : i32
    %while3A_46 = arith.constant 0 : i32
    %while3A_47 = arith.subi %select_n3A_45, %while3A_46 : i32
    %while3A_48 = arith.addi %while3A_46, %while3A_47 : i32
    %while3A_49 = arith.constant 1 : i32
    %while3A_50 = arith.divsi %while3A_47, %while3A_49 : i32
    %while3A_51 = arith.muli %while3A_50, %while3A_49 : i32
    %while3A_52 = arith.addi %while3A_46, %while3A_51 : i32
    %while3A_53 = arith.constant 1 : i32
    scf.for %while3A_55 = %while3A_46 to %while3A_52 step %while3A_53  : i32 {
      %mul3A_56 = arith.constant 2 : i32
      %mul3A_57 = arith.muli %mul3A_56, %while3A_55 : i32
      %add3A_58 = arith.constant 1 : i32
      %add3A_59 = arith.addi %mul3A_57, %add3A_58 : i32
      %mul3A_60 = arith.constant 80 : i32
      %mul3A_61 = arith.muli %add3A_59, %mul3A_60 : i32
      %add3A_62 = arith.addi %mul3A_10, %mul3A_61 : i32
      "tpu.region"() ({
        %run_scoped3A = tpu.sem_alloc : memref<!tpu.dma_semaphore, #tpu.memory_space<semaphore_mem>>
        %dma_start3A_160 = tpu.memref_slice %arg7[%add3A_62] : memref<102400xi32, #tpu.memory_space<hbm>> -> memref<80xi32, #tpu.memory_space<hbm>>
        %dma_start3A_161 = tpu.memref_slice %arg7[%add3A_62] : memref<102400xi32, #tpu.memory_space<hbm>> -> memref<80xi32, #tpu.memory_space<hbm>>
        tpu.enqueue_dma source(%dma_start3A_161 : memref<80xi32, #tpu.memory_space<hbm>>) target(%arg21 : memref<80xi32, #tpu.memory_space<vmem>>) target_semaphore(%run_scoped3A : memref<!tpu.dma_semaphore, #tpu.memory_space<semaphore_mem>>)
        %dma_wait3A_162 = tpu.memref_slice %arg7[%add3A_62] : memref<102400xi32, #tpu.memory_space<hbm>> -> memref<80xi32, #tpu.memory_space<hbm>>
        %dma_wait3A_163 = tpu.memref_slice %arg7[%add3A_62] : memref<102400xi32, #tpu.memory_space<hbm>> -> memref<80xi32, #tpu.memory_space<hbm>>
        tpu.wait_dma2 semaphore(%run_scoped3A : memref<!tpu.dma_semaphore, #tpu.memory_space<semaphore_mem>>) src(%dma_wait3A_163 : memref<80xi32, #tpu.memory_space<hbm>>) dst(%arg21 : memref<80xi32, #tpu.memory_space<vmem>>)
        tpu.yield
      }) : () -> ()
      "tpu.region"() ({
        %run_scoped3A = tpu.sem_alloc : memref<!tpu.dma_semaphore, #tpu.memory_space<semaphore_mem>>
        %dma_start3A_160 = tpu.memref_slice %arg8[%add3A_62] : memref<102400xi32, #tpu.memory_space<hbm>> -> memref<80xi32, #tpu.memory_space<hbm>>
        %dma_start3A_161 = tpu.memref_slice %arg8[%add3A_62] : memref<102400xi32, #tpu.memory_space<hbm>> -> memref<80xi32, #tpu.memory_space<hbm>>
        tpu.enqueue_dma source(%dma_start3A_161 : memref<80xi32, #tpu.memory_space<hbm>>) target(%arg22 : memref<80xi32, #tpu.memory_space<vmem>>) target_semaphore(%run_scoped3A : memref<!tpu.dma_semaphore, #tpu.memory_space<semaphore_mem>>)
        %dma_wait3A_162 = tpu.memref_slice %arg8[%add3A_62] : memref<102400xi32, #tpu.memory_space<hbm>> -> memref<80xi32, #tpu.memory_space<hbm>>
        %dma_wait3A_163 = tpu.memref_slice %arg8[%add3A_62] : memref<102400xi32, #tpu.memory_space<hbm>> -> memref<80xi32, #tpu.memory_space<hbm>>
        tpu.wait_dma2 semaphore(%run_scoped3A : memref<!tpu.dma_semaphore, #tpu.memory_space<semaphore_mem>>) src(%dma_wait3A_163 : memref<80xi32, #tpu.memory_space<hbm>>) dst(%arg22 : memref<80xi32, #tpu.memory_space<vmem>>)
        tpu.yield
      }) : () -> ()
      "tpu.region"() ({
        %run_scoped3A = tpu.sem_alloc : memref<!tpu.dma_semaphore, #tpu.memory_space<semaphore_mem>>
        %dma_start3A_160 = tpu.memref_slice %arg9[%add3A_62] : memref<102400xi32, #tpu.memory_space<hbm>> -> memref<80xi32, #tpu.memory_space<hbm>>
        %dma_start3A_161 = tpu.memref_slice %arg9[%add3A_62] : memref<102400xi32, #tpu.memory_space<hbm>> -> memref<80xi32, #tpu.memory_space<hbm>>
        tpu.enqueue_dma source(%dma_start3A_161 : memref<80xi32, #tpu.memory_space<hbm>>) target(%arg23 : memref<80xi32, #tpu.memory_space<vmem>>) target_semaphore(%run_scoped3A : memref<!tpu.dma_semaphore, #tpu.memory_space<semaphore_mem>>)
        %dma_wait3A_162 = tpu.memref_slice %arg9[%add3A_62] : memref<102400xi32, #tpu.memory_space<hbm>> -> memref<80xi32, #tpu.memory_space<hbm>>
        %dma_wait3A_163 = tpu.memref_slice %arg9[%add3A_62] : memref<102400xi32, #tpu.memory_space<hbm>> -> memref<80xi32, #tpu.memory_space<hbm>>
        tpu.wait_dma2 semaphore(%run_scoped3A : memref<!tpu.dma_semaphore, #tpu.memory_space<semaphore_mem>>) src(%dma_wait3A_163 : memref<80xi32, #tpu.memory_space<hbm>>) dst(%arg23 : memref<80xi32, #tpu.memory_space<vmem>>)
        tpu.yield
      }) : () -> ()
      "tpu.region"() ({
        %run_scoped3A = tpu.sem_alloc : memref<!tpu.dma_semaphore, #tpu.memory_space<semaphore_mem>>
        %dma_start3A_160 = tpu.memref_slice %arg10[%add3A_62] : memref<102400xi32, #tpu.memory_space<hbm>> -> memref<80xi32, #tpu.memory_space<hbm>>
        %dma_start3A_161 = tpu.memref_slice %arg10[%add3A_62] : memref<102400xi32, #tpu.memory_space<hbm>> -> memref<80xi32, #tpu.memory_space<hbm>>
        tpu.enqueue_dma source(%dma_start3A_161 : memref<80xi32, #tpu.memory_space<hbm>>) target(%arg24 : memref<80xi32, #tpu.memory_space<vmem>>) target_semaphore(%run_scoped3A : memref<!tpu.dma_semaphore, #tpu.memory_space<semaphore_mem>>)
        %dma_wait3A_162 = tpu.memref_slice %arg10[%add3A_62] : memref<102400xi32, #tpu.memory_space<hbm>> -> memref<80xi32, #tpu.memory_space<hbm>>
        %dma_wait3A_163 = tpu.memref_slice %arg10[%add3A_62] : memref<102400xi32, #tpu.memory_space<hbm>> -> memref<80xi32, #tpu.memory_space<hbm>>
        tpu.wait_dma2 semaphore(%run_scoped3A : memref<!tpu.dma_semaphore, #tpu.memory_space<semaphore_mem>>) src(%dma_wait3A_163 : memref<80xi32, #tpu.memory_space<hbm>>) dst(%arg24 : memref<80xi32, #tpu.memory_space<vmem>>)
        tpu.yield
      }) : () -> ()
      %dma_start3A_63 = arith.constant 0 : i32
      %dma_start3A_64 = arith.constant 0 : i32
      %dma_start3A_65 = tpu.memref_slice %arg3[%dma_start3A_63, %dma_start3A_64] : memref<102400x128xf32, #tpu.memory_space<hbm>> -> memref<102400x128xf32, #tpu.memory_space<hbm>>
      tpu.enqueue_indirect_dma source(%dma_start3A_65 : memref<102400x128xf32, #tpu.memory_space<hbm>>) target(%arg26 : memref<80x128xf32, #tpu.memory_space<vmem>>) offsets(%arg21 : memref<80xi32, #tpu.memory_space<vmem>>) semaphore(%arg35 : memref<!tpu.dma_semaphore, #tpu.memory_space<semaphore_mem>>)
      %dma_start3A_66 = arith.constant 0 : i32
      %dma_start3A_67 = arith.constant 0 : i32
      %dma_start3A_68 = tpu.memref_slice %arg4[%dma_start3A_66, %dma_start3A_67] : memref<102400x128xf32, #tpu.memory_space<hbm>> -> memref<102400x128xf32, #tpu.memory_space<hbm>>
      tpu.enqueue_indirect_dma source(%dma_start3A_68 : memref<102400x128xf32, #tpu.memory_space<hbm>>) target(%arg27 : memref<80x128xf32, #tpu.memory_space<vmem>>) offsets(%arg22 : memref<80xi32, #tpu.memory_space<vmem>>) semaphore(%arg36 : memref<!tpu.dma_semaphore, #tpu.memory_space<semaphore_mem>>)
      %dma_start3A_69 = arith.constant 0 : i32
      %dma_start3A_70 = arith.constant 0 : i32
      %dma_start3A_71 = tpu.memref_slice %arg5[%dma_start3A_69, %dma_start3A_70] : memref<102400x128xf32, #tpu.memory_space<hbm>> -> memref<102400x128xf32, #tpu.memory_space<hbm>>
      tpu.enqueue_indirect_dma source(%dma_start3A_71 : memref<102400x128xf32, #tpu.memory_space<hbm>>) target(%arg28 : memref<80x128xf32, #tpu.memory_space<vmem>>) offsets(%arg23 : memref<80xi32, #tpu.memory_space<vmem>>) semaphore(%arg37 : memref<!tpu.dma_semaphore, #tpu.memory_space<semaphore_mem>>)
      %dma_start3A_72 = arith.constant 0 : i32
      %dma_start3A_73 = arith.constant 0 : i32
      %dma_start3A_74 = tpu.memref_slice %arg6[%dma_start3A_72, %dma_start3A_73] : memref<102400x128xf32, #tpu.memory_space<hbm>> -> memref<102400x128xf32, #tpu.memory_space<hbm>>
      tpu.enqueue_indirect_dma source(%dma_start3A_74 : memref<102400x128xf32, #tpu.memory_space<hbm>>) target(%arg29 : memref<80x128xf32, #tpu.memory_space<vmem>>) offsets(%arg24 : memref<80xi32, #tpu.memory_space<vmem>>) semaphore(%arg38 : memref<!tpu.dma_semaphore, #tpu.memory_space<semaphore_mem>>)
      %dma_start3A_75 = arith.constant 0 : i32
      %dma_start3A_76 = tpu.memref_slice %arg2[%add3A_62, %dma_start3A_75] : memref<102400x128xf32, #tpu.memory_space<hbm>> -> memref<80x128xf32, #tpu.memory_space<hbm>>
      %dma_start3A_77 = arith.constant 0 : i32
      %dma_start3A_78 = tpu.memref_slice %arg2[%add3A_62, %dma_start3A_77] : memref<102400x128xf32, #tpu.memory_space<hbm>> -> memref<80x128xf32, #tpu.memory_space<hbm>>
      tpu.enqueue_dma source(%dma_start3A_78 : memref<80x128xf32, #tpu.memory_space<hbm>>) target(%arg25 : memref<80x128xf32, #tpu.memory_space<vmem>>) target_semaphore(%arg39 : memref<!tpu.dma_semaphore, #tpu.memory_space<semaphore_mem>>)
      %mul3A_79 = arith.constant 80 : i32
      %mul3A_80 = arith.muli %mul3A_57, %mul3A_79 : i32
      %add3A_81 = arith.addi %mul3A_10, %mul3A_80 : i32
      %dma_wait3A = arith.constant 0 : i32
      %dma_wait3A_82 = arith.constant 0 : i32
      %dma_wait3A_83 = tpu.memref_slice %arg3[%dma_wait3A, %dma_wait3A_82] : memref<102400x128xf32, #tpu.memory_space<hbm>> -> memref<80x128xf32, #tpu.memory_space<hbm>>
      %dma_wait3A_84 = arith.constant 0 : i32
      %dma_wait3A_85 = arith.constant 0 : i32
      %dma_wait3A_86 = tpu.memref_slice %arg3[%dma_wait3A_84, %dma_wait3A_85] : memref<102400x128xf32, #tpu.memory_space<hbm>> -> memref<80x128xf32, #tpu.memory_space<hbm>>
      tpu.wait_dma2 semaphore(%arg30 : memref<!tpu.dma_semaphore, #tpu.memory_space<semaphore_mem>>) src(%dma_wait3A_86 : memref<80x128xf32, #tpu.memory_space<hbm>>) dst(%arg17 : memref<80x128xf32, #tpu.memory_space<vmem>>)
      %dma_wait3A_87 = arith.constant 0 : i32
      %dma_wait3A_88 = arith.constant 0 : i32
      %dma_wait3A_89 = tpu.memref_slice %arg4[%dma_wait3A_87, %dma_wait3A_88] : memref<102400x128xf32, #tpu.memory_space<hbm>> -> memref<80x128xf32, #tpu.memory_space<hbm>>
      %dma_wait3A_90 = arith.constant 0 : i32
      %dma_wait3A_91 = arith.constant 0 : i32
      %dma_wait3A_92 = tpu.memref_slice %arg4[%dma_wait3A_90, %dma_wait3A_91] : memref<102400x128xf32, #tpu.memory_space<hbm>> -> memref<80x128xf32, #tpu.memory_space<hbm>>
      tpu.wait_dma2 semaphore(%arg31 : memref<!tpu.dma_semaphore, #tpu.memory_space<semaphore_mem>>) src(%dma_wait3A_92 : memref<80x128xf32, #tpu.memory_space<hbm>>) dst(%arg18 : memref<80x128xf32, #tpu.memory_space<vmem>>)
      %dma_wait3A_93 = arith.constant 0 : i32
      %dma_wait3A_94 = arith.constant 0 : i32
      %dma_wait3A_95 = tpu.memref_slice %arg5[%dma_wait3A_93, %dma_wait3A_94] : memref<102400x128xf32, #tpu.memory_space<hbm>> -> memref<80x128xf32, #tpu.memory_space<hbm>>
      %dma_wait3A_96 = arith.constant 0 : i32
      %dma_wait3A_97 = arith.constant 0 : i32
      %dma_wait3A_98 = tpu.memref_slice %arg5[%dma_wait3A_96, %dma_wait3A_97] : memref<102400x128xf32, #tpu.memory_space<hbm>> -> memref<80x128xf32, #tpu.memory_space<hbm>>
      tpu.wait_dma2 semaphore(%arg32 : memref<!tpu.dma_semaphore, #tpu.memory_space<semaphore_mem>>) src(%dma_wait3A_98 : memref<80x128xf32, #tpu.memory_space<hbm>>) dst(%arg19 : memref<80x128xf32, #tpu.memory_space<vmem>>)
      %dma_wait3A_99 = arith.constant 0 : i32
      %dma_wait3A_100 = arith.constant 0 : i32
      %dma_wait3A_101 = tpu.memref_slice %arg6[%dma_wait3A_99, %dma_wait3A_100] : memref<102400x128xf32, #tpu.memory_space<hbm>> -> memref<80x128xf32, #tpu.memory_space<hbm>>
      %dma_wait3A_102 = arith.constant 0 : i32
      %dma_wait3A_103 = arith.constant 0 : i32
      %dma_wait3A_104 = tpu.memref_slice %arg6[%dma_wait3A_102, %dma_wait3A_103] : memref<102400x128xf32, #tpu.memory_space<hbm>> -> memref<80x128xf32, #tpu.memory_space<hbm>>
      tpu.wait_dma2 semaphore(%arg33 : memref<!tpu.dma_semaphore, #tpu.memory_space<semaphore_mem>>) src(%dma_wait3A_104 : memref<80x128xf32, #tpu.memory_space<hbm>>) dst(%arg20 : memref<80x128xf32, #tpu.memory_space<vmem>>)
      %dma_wait3A_105 = arith.constant 0 : i32
      %dma_wait3A_106 = arith.constant 0 : i32
      %dma_wait3A_107 = tpu.memref_slice %arg2[%dma_wait3A_105, %dma_wait3A_106] : memref<102400x128xf32, #tpu.memory_space<hbm>> -> memref<80x128xf32, #tpu.memory_space<hbm>>
      %dma_wait3A_108 = arith.constant 0 : i32
      %dma_wait3A_109 = arith.constant 0 : i32
      %dma_wait3A_110 = tpu.memref_slice %arg2[%dma_wait3A_108, %dma_wait3A_109] : memref<102400x128xf32, #tpu.memory_space<hbm>> -> memref<80x128xf32, #tpu.memory_space<hbm>>
      tpu.wait_dma2 semaphore(%arg34 : memref<!tpu.dma_semaphore, #tpu.memory_space<semaphore_mem>>) src(%dma_wait3A_110 : memref<80x128xf32, #tpu.memory_space<hbm>>) dst(%arg16 : memref<80x128xf32, #tpu.memory_space<vmem>>)
      %scan3A = arith.constant 0 : i32
      %scan3A_111 = arith.constant 0 : i32
      %scan3A_112 = arith.constant 80 : i32
      %scan3A_113 = arith.addi %scan3A_111, %scan3A_112 : i32
      %scan3A_114 = arith.constant 1 : i32
      scf.for %scan3A_160 = %scan3A_111 to %scan3A_113 step %scan3A_114  : i32 {
        %get3A = arith.index_cast %scan3A_160 : i32 to index
        %get3A_161 = arith.constant 0 : index
        %get3A_162 = tpu.vector_load %arg16[%get3A, %get3A_161] {strides = array<i32>} : memref<80x128xf32, #tpu.memory_space<vmem>>, vector<1x16xf32>,
        %get3A_163 = vector.shape_cast %get3A_162 : vector<1x16xf32> to vector<16xf32>
        %get3A_164 = arith.index_cast %scan3A_160 : i32 to index
        %get3A_165 = arith.constant 0 : index
        %get3A_166 = tpu.vector_load %arg17[%get3A_164, %get3A_165] {strides = array<i32>} : memref<80x128xf32, #tpu.memory_space<vmem>>, vector<1x16xf32>,
        %get3A_167 = vector.shape_cast %get3A_166 : vector<1x16xf32> to vector<16xf32>
        %add3A_168 = arith.addf %get3A_163, %get3A_167 : vector<16xf32>
        %get3A_169 = arith.index_cast %scan3A_160 : i32 to index
        %get3A_170 = arith.constant 0 : index
        %get3A_171 = tpu.vector_load %arg18[%get3A_169, %get3A_170] {strides = array<i32>} : memref<80x128xf32, #tpu.memory_space<vmem>>, vector<1x16xf32>,
        %get3A_172 = vector.shape_cast %get3A_171 : vector<1x16xf32> to vector<16xf32>
        %add3A_173 = arith.addf %add3A_168, %get3A_172 : vector<16xf32>
        %get3A_174 = arith.index_cast %scan3A_160 : i32 to index
        %get3A_175 = arith.constant 0 : index
        %get3A_176 = tpu.vector_load %arg19[%get3A_174, %get3A_175] {strides = array<i32>} : memref<80x128xf32, #tpu.memory_space<vmem>>, vector<1x16xf32>,
        %get3A_177 = vector.shape_cast %get3A_176 : vector<1x16xf32> to vector<16xf32>
        %add3A_178 = arith.addf %add3A_173, %get3A_177 : vector<16xf32>
        %get3A_179 = arith.index_cast %scan3A_160 : i32 to index
        %get3A_180 = arith.constant 0 : index
        %get3A_181 = tpu.vector_load %arg20[%get3A_179, %get3A_180] {strides = array<i32>} : memref<80x128xf32, #tpu.memory_space<vmem>>, vector<1x16xf32>,
        %get3A_182 = vector.shape_cast %get3A_181 : vector<1x16xf32> to vector<16xf32>
        %add3A_183 = arith.addf %add3A_178, %get3A_182 : vector<16xf32>
        %max3A = arith.constant 0.000000e+00 : f32
        %max3A_184 = vector.broadcast %max3A : f32 to vector<16xf32>
        %max3A_185 = arith.maximumf %add3A_183, %max3A_184 : vector<16xf32>
        %swap3A = arith.index_cast %scan3A_160 : i32 to index
        %swap3A_186 = arith.constant 0 : index
        %swap3A_187 = tpu.vector_load %arg16[%swap3A, %swap3A_186] {strides = array<i32>} : memref<80x128xf32, #tpu.memory_space<vmem>>, vector<1x16xf32>,
        %swap3A_188 = vector.shape_cast %swap3A_187 : vector<1x16xf32> to vector<16xf32>
        %swap3A_189 = vector.shape_cast %max3A_185 : vector<16xf32> to vector<1x16xf32>
        tpu.vector_store %arg16[%swap3A, %swap3A_186], %swap3A_189 {strides = array<i32>} : memref<80x128xf32, #tpu.memory_space<vmem>>, vector<1x16xf32>,
        %get3A_190 = arith.index_cast %scan3A_160 : i32 to index
        %get3A_191 = arith.constant 16 : index
        %get3A_192 = tpu.vector_load %arg16[%get3A_190, %get3A_191] {strides = array<i32>} : memref<80x128xf32, #tpu.memory_space<vmem>>, vector<1x16xf32>,
        %get3A_193 = vector.shape_cast %get3A_192 : vector<1x16xf32> to vector<16xf32>
        %get3A_194 = arith.index_cast %scan3A_160 : i32 to index
        %get3A_195 = arith.constant 16 : index
        %get3A_196 = tpu.vector_load %arg17[%get3A_194, %get3A_195] {strides = array<i32>} : memref<80x128xf32, #tpu.memory_space<vmem>>, vector<1x16xf32>,
        %get3A_197 = vector.shape_cast %get3A_196 : vector<1x16xf32> to vector<16xf32>
        %add3A_198 = arith.addf %get3A_193, %get3A_197 : vector<16xf32>
        %get3A_199 = arith.index_cast %scan3A_160 : i32 to index
        %get3A_200 = arith.constant 16 : index
        %get3A_201 = tpu.vector_load %arg18[%get3A_199, %get3A_200] {strides = array<i32>} : memref<80x128xf32, #tpu.memory_space<vmem>>, vector<1x16xf32>,
        %get3A_202 = vector.shape_cast %get3A_201 : vector<1x16xf32> to vector<16xf32>
        %add3A_203 = arith.addf %add3A_198, %get3A_202 : vector<16xf32>
        %get3A_204 = arith.index_cast %scan3A_160 : i32 to index
        %get3A_205 = arith.constant 16 : index
        %get3A_206 = tpu.vector_load %arg19[%get3A_204, %get3A_205] {strides = array<i32>} : memref<80x128xf32, #tpu.memory_space<vmem>>, vector<1x16xf32>,
        %get3A_207 = vector.shape_cast %get3A_206 : vector<1x16xf32> to vector<16xf32>
        %add3A_208 = arith.addf %add3A_203, %get3A_207 : vector<16xf32>
        %get3A_209 = arith.index_cast %scan3A_160 : i32 to index
        %get3A_210 = arith.constant 16 : index
        %get3A_211 = tpu.vector_load %arg20[%get3A_209, %get3A_210] {strides = array<i32>} : memref<80x128xf32, #tpu.memory_space<vmem>>, vector<1x16xf32>,
        %get3A_212 = vector.shape_cast %get3A_211 : vector<1x16xf32> to vector<16xf32>
        %add3A_213 = arith.addf %add3A_208, %get3A_212 : vector<16xf32>
        %max3A_214 = arith.constant 0.000000e+00 : f32
        %max3A_215 = vector.broadcast %max3A_214 : f32 to vector<16xf32>
        %max3A_216 = arith.maximumf %add3A_213, %max3A_215 : vector<16xf32>
        %swap3A_217 = arith.index_cast %scan3A_160 : i32 to index
        %swap3A_218 = arith.constant 16 : index
        %swap3A_219 = tpu.vector_load %arg16[%swap3A_217, %swap3A_218] {strides = array<i32>} : memref<80x128xf32, #tpu.memory_space<vmem>>, vector<1x16xf32>,
        %swap3A_220 = vector.shape_cast %swap3A_219 : vector<1x16xf32> to vector<16xf32>
        %swap3A_221 = vector.shape_cast %max3A_216 : vector<16xf32> to vector<1x16xf32>
        tpu.vector_store %arg16[%swap3A_217, %swap3A_218], %swap3A_221 {strides = array<i32>} : memref<80x128xf32, #tpu.memory_space<vmem>>, vector<1x16xf32>,
        %get3A_222 = arith.index_cast %scan3A_160 : i32 to index
        %get3A_223 = arith.constant 32 : index
        %get3A_224 = tpu.vector_load %arg16[%get3A_222, %get3A_223] {strides = array<i32>} : memref<80x128xf32, #tpu.memory_space<vmem>>, vector<1x16xf32>,
        %get3A_225 = vector.shape_cast %get3A_224 : vector<1x16xf32> to vector<16xf32>
        %get3A_226 = arith.index_cast %scan3A_160 : i32 to index
        %get3A_227 = arith.constant 32 : index
        %get3A_228 = tpu.vector_load %arg17[%get3A_226, %get3A_227] {strides = array<i32>} : memref<80x128xf32, #tpu.memory_space<vmem>>, vector<1x16xf32>,
        %get3A_229 = vector.shape_cast %get3A_228 : vector<1x16xf32> to vector<16xf32>
        %add3A_230 = arith.addf %get3A_225, %get3A_229 : vector<16xf32>
        %get3A_231 = arith.index_cast %scan3A_160 : i32 to index
        %get3A_232 = arith.constant 32 : index
        %get3A_233 = tpu.vector_load %arg18[%get3A_231, %get3A_232] {strides = array<i32>} : memref<80x128xf32, #tpu.memory_space<vmem>>, vector<1x16xf32>,
        %get3A_234 = vector.shape_cast %get3A_233 : vector<1x16xf32> to vector<16xf32>
        %add3A_235 = arith.addf %add3A_230, %get3A_234 : vector<16xf32>
        %get3A_236 = arith.index_cast %scan3A_160 : i32 to index
        %get3A_237 = arith.constant 32 : index
        %get3A_238 = tpu.vector_load %arg19[%get3A_236, %get3A_237] {strides = array<i32>} : memref<80x128xf32, #tpu.memory_space<vmem>>, vector<1x16xf32>,
        %get3A_239 = vector.shape_cast %get3A_238 : vector<1x16xf32> to vector<16xf32>
        %add3A_240 = arith.addf %add3A_235, %get3A_239 : vector<16xf32>
        %get3A_241 = arith.index_cast %scan3A_160 : i32 to index
        %get3A_242 = arith.constant 32 : index
        %get3A_243 = tpu.vector_load %arg20[%get3A_241, %get3A_242] {strides = array<i32>} : memref<80x128xf32, #tpu.memory_space<vmem>>, vector<1x16xf32>,
        %get3A_244 = vector.shape_cast %get3A_243 : vector<1x16xf32> to vector<16xf32>
        %add3A_245 = arith.addf %add3A_240, %get3A_244 : vector<16xf32>
        %max3A_246 = arith.constant 0.000000e+00 : f32
        %max3A_247 = vector.broadcast %max3A_246 : f32 to vector<16xf32>
        %max3A_248 = arith.maximumf %add3A_245, %max3A_247 : vector<16xf32>
        %swap3A_249 = arith.index_cast %scan3A_160 : i32 to index
        %swap3A_250 = arith.constant 32 : index
        %swap3A_251 = tpu.vector_load %arg16[%swap3A_249, %swap3A_250] {strides = array<i32>} : memref<80x128xf32, #tpu.memory_space<vmem>>, vector<1x16xf32>,
        %swap3A_252 = vector.shape_cast %swap3A_251 : vector<1x16xf32> to vector<16xf32>
        %swap3A_253 = vector.shape_cast %max3A_248 : vector<16xf32> to vector<1x16xf32>
        tpu.vector_store %arg16[%swap3A_249, %swap3A_250], %swap3A_253 {strides = array<i32>} : memref<80x128xf32, #tpu.memory_space<vmem>>, vector<1x16xf32>,
        %get3A_254 = arith.index_cast %scan3A_160 : i32 to index
        %get3A_255 = arith.constant 48 : index
        %get3A_256 = tpu.vector_load %arg16[%get3A_254, %get3A_255] {strides = array<i32>} : memref<80x128xf32, #tpu.memory_space<vmem>>, vector<1x16xf32>,
        %get3A_257 = vector.shape_cast %get3A_256 : vector<1x16xf32> to vector<16xf32>
        %get3A_258 = arith.index_cast %scan3A_160 : i32 to index
        %get3A_259 = arith.constant 48 : index
        %get3A_260 = tpu.vector_load %arg17[%get3A_258, %get3A_259] {strides = array<i32>} : memref<80x128xf32, #tpu.memory_space<vmem>>, vector<1x16xf32>,
        %get3A_261 = vector.shape_cast %get3A_260 : vector<1x16xf32> to vector<16xf32>
        %add3A_262 = arith.addf %get3A_257, %get3A_261 : vector<16xf32>
        %get3A_263 = arith.index_cast %scan3A_160 : i32 to index
        %get3A_264 = arith.constant 48 : index
        %get3A_265 = tpu.vector_load %arg18[%get3A_263, %get3A_264] {strides = array<i32>} : memref<80x128xf32, #tpu.memory_space<vmem>>, vector<1x16xf32>,
        %get3A_266 = vector.shape_cast %get3A_265 : vector<1x16xf32> to vector<16xf32>
        %add3A_267 = arith.addf %add3A_262, %get3A_266 : vector<16xf32>
        %get3A_268 = arith.index_cast %scan3A_160 : i32 to index
        %get3A_269 = arith.constant 48 : index
        %get3A_270 = tpu.vector_load %arg19[%get3A_268, %get3A_269] {strides = array<i32>} : memref<80x128xf32, #tpu.memory_space<vmem>>, vector<1x16xf32>,
        %get3A_271 = vector.shape_cast %get3A_270 : vector<1x16xf32> to vector<16xf32>
        %add3A_272 = arith.addf %add3A_267, %get3A_271 : vector<16xf32>
        %get3A_273 = arith.index_cast %scan3A_160 : i32 to index
        %get3A_274 = arith.constant 48 : index
        %get3A_275 = tpu.vector_load %arg20[%get3A_273, %get3A_274] {strides = array<i32>} : memref<80x128xf32, #tpu.memory_space<vmem>>, vector<1x16xf32>,
        %get3A_276 = vector.shape_cast %get3A_275 : vector<1x16xf32> to vector<16xf32>
        %add3A_277 = arith.addf %add3A_272, %get3A_276 : vector<16xf32>
        %max3A_278 = arith.constant 0.000000e+00 : f32
        %max3A_279 = vector.broadcast %max3A_278 : f32 to vector<16xf32>
        %max3A_280 = arith.maximumf %add3A_277, %max3A_279 : vector<16xf32>
        %swap3A_281 = arith.index_cast %scan3A_160 : i32 to index
        %swap3A_282 = arith.constant 48 : index
        %swap3A_283 = tpu.vector_load %arg16[%swap3A_281, %swap3A_282] {strides = array<i32>} : memref<80x128xf32, #tpu.memory_space<vmem>>, vector<1x16xf32>,
        %swap3A_284 = vector.shape_cast %swap3A_283 : vector<1x16xf32> to vector<16xf32>
        %swap3A_285 = vector.shape_cast %max3A_280 : vector<16xf32> to vector<1x16xf32>
        tpu.vector_store %arg16[%swap3A_281, %swap3A_282], %swap3A_285 {strides = array<i32>} : memref<80x128xf32, #tpu.memory_space<vmem>>, vector<1x16xf32>,
        %get3A_286 = arith.index_cast %scan3A_160 : i32 to index
        %get3A_287 = arith.constant 64 : index
        %get3A_288 = tpu.vector_load %arg16[%get3A_286, %get3A_287] {strides = array<i32>} : memref<80x128xf32, #tpu.memory_space<vmem>>, vector<1x16xf32>,
        %get3A_289 = vector.shape_cast %get3A_288 : vector<1x16xf32> to vector<16xf32>
        %get3A_290 = arith.index_cast %scan3A_160 : i32 to index
        %get3A_291 = arith.constant 64 : index
        %get3A_292 = tpu.vector_load %arg17[%get3A_290, %get3A_291] {strides = array<i32>} : memref<80x128xf32, #tpu.memory_space<vmem>>, vector<1x16xf32>,
        %get3A_293 = vector.shape_cast %get3A_292 : vector<1x16xf32> to vector<16xf32>
        %add3A_294 = arith.addf %get3A_289, %get3A_293 : vector<16xf32>
        %get3A_295 = arith.index_cast %scan3A_160 : i32 to index
        %get3A_296 = arith.constant 64 : index
        %get3A_297 = tpu.vector_load %arg18[%get3A_295, %get3A_296] {strides = array<i32>} : memref<80x128xf32, #tpu.memory_space<vmem>>, vector<1x16xf32>,
        %get3A_298 = vector.shape_cast %get3A_297 : vector<1x16xf32> to vector<16xf32>
        %add3A_299 = arith.addf %add3A_294, %get3A_298 : vector<16xf32>
        %get3A_300 = arith.index_cast %scan3A_160 : i32 to index
        %get3A_301 = arith.constant 64 : index
        %get3A_302 = tpu.vector_load %arg19[%get3A_300, %get3A_301] {strides = array<i32>} : memref<80x128xf32, #tpu.memory_space<vmem>>, vector<1x16xf32>,
        %get3A_303 = vector.shape_cast %get3A_302 : vector<1x16xf32> to vector<16xf32>
        %add3A_304 = arith.addf %add3A_299, %get3A_303 : vector<16xf32>
        %get3A_305 = arith.index_cast %scan3A_160 : i32 to index
        %get3A_306 = arith.constant 64 : index
        %get3A_307 = tpu.vector_load %arg20[%get3A_305, %get3A_306] {strides = array<i32>} : memref<80x128xf32, #tpu.memory_space<vmem>>, vector<1x16xf32>,
        %get3A_308 = vector.shape_cast %get3A_307 : vector<1x16xf32> to vector<16xf32>
        %add3A_309 = arith.addf %add3A_304, %get3A_308 : vector<16xf32>
        %max3A_310 = arith.constant 0.000000e+00 : f32
        %max3A_311 = vector.broadcast %max3A_310 : f32 to vector<16xf32>
        %max3A_312 = arith.maximumf %add3A_309, %max3A_311 : vector<16xf32>
        %swap3A_313 = arith.index_cast %scan3A_160 : i32 to index
        %swap3A_314 = arith.constant 64 : index
        %swap3A_315 = tpu.vector_load %arg16[%swap3A_313, %swap3A_314] {strides = array<i32>} : memref<80x128xf32, #tpu.memory_space<vmem>>, vector<1x16xf32>,
        %swap3A_316 = vector.shape_cast %swap3A_315 : vector<1x16xf32> to vector<16xf32>
        %swap3A_317 = vector.shape_cast %max3A_312 : vector<16xf32> to vector<1x16xf32>
        tpu.vector_store %arg16[%swap3A_313, %swap3A_314], %swap3A_317 {strides = array<i32>} : memref<80x128xf32, #tpu.memory_space<vmem>>, vector<1x16xf32>,
        %get3A_318 = arith.index_cast %scan3A_160 : i32 to index
        %get3A_319 = arith.constant 80 : index
        %get3A_320 = tpu.vector_load %arg16[%get3A_318, %get3A_319] {strides = array<i32>} : memref<80x128xf32, #tpu.memory_space<vmem>>, vector<1x16xf32>,
        %get3A_321 = vector.shape_cast %get3A_320 : vector<1x16xf32> to vector<16xf32>
        %get3A_322 = arith.index_cast %scan3A_160 : i32 to index
        %get3A_323 = arith.constant 80 : index
        %get3A_324 = tpu.vector_load %arg17[%get3A_322, %get3A_323] {strides = array<i32>} : memref<80x128xf32, #tpu.memory_space<vmem>>, vector<1x16xf32>,
        %get3A_325 = vector.shape_cast %get3A_324 : vector<1x16xf32> to vector<16xf32>
        %add3A_326 = arith.addf %get3A_321, %get3A_325 : vector<16xf32>
        %get3A_327 = arith.index_cast %scan3A_160 : i32 to index
        %get3A_328 = arith.constant 80 : index
        %get3A_329 = tpu.vector_load %arg18[%get3A_327, %get3A_328] {strides = array<i32>} : memref<80x128xf32, #tpu.memory_space<vmem>>, vector<1x16xf32>,
        %get3A_330 = vector.shape_cast %get3A_329 : vector<1x16xf32> to vector<16xf32>
        %add3A_331 = arith.addf %add3A_326, %get3A_330 : vector<16xf32>
        %get3A_332 = arith.index_cast %scan3A_160 : i32 to index
        %get3A_333 = arith.constant 80 : index
        %get3A_334 = tpu.vector_load %arg19[%get3A_332, %get3A_333] {strides = array<i32>} : memref<80x128xf32, #tpu.memory_space<vmem>>, vector<1x16xf32>,
        %get3A_335 = vector.shape_cast %get3A_334 : vector<1x16xf32> to vector<16xf32>
        %add3A_336 = arith.addf %add3A_331, %get3A_335 : vector<16xf32>
        %get3A_337 = arith.index_cast %scan3A_160 : i32 to index
        %get3A_338 = arith.constant 80 : index
        %get3A_339 = tpu.vector_load %arg20[%get3A_337, %get3A_338] {strides = array<i32>} : memref<80x128xf32, #tpu.memory_space<vmem>>, vector<1x16xf32>,
        %get3A_340 = vector.shape_cast %get3A_339 : vector<1x16xf32> to vector<16xf32>
        %add3A_341 = arith.addf %add3A_336, %get3A_340 : vector<16xf32>
        %max3A_342 = arith.constant 0.000000e+00 : f32
        %max3A_343 = vector.broadcast %max3A_342 : f32 to vector<16xf32>
        %max3A_344 = arith.maximumf %add3A_341, %max3A_343 : vector<16xf32>
        %swap3A_345 = arith.index_cast %scan3A_160 : i32 to index
        %swap3A_346 = arith.constant 80 : index
        %swap3A_347 = tpu.vector_load %arg16[%swap3A_345, %swap3A_346] {strides = array<i32>} : memref<80x128xf32, #tpu.memory_space<vmem>>, vector<1x16xf32>,
        %swap3A_348 = vector.shape_cast %swap3A_347 : vector<1x16xf32> to vector<16xf32>
        %swap3A_349 = vector.shape_cast %max3A_344 : vector<16xf32> to vector<1x16xf32>
        tpu.vector_store %arg16[%swap3A_345, %swap3A_346], %swap3A_349 {strides = array<i32>} : memref<80x128xf32, #tpu.memory_space<vmem>>, vector<1x16xf32>,
        %get3A_350 = arith.index_cast %scan3A_160 : i32 to index
        %get3A_351 = arith.constant 96 : index
        %get3A_352 = tpu.vector_load %arg16[%get3A_350, %get3A_351] {strides = array<i32>} : memref<80x128xf32, #tpu.memory_space<vmem>>, vector<1x16xf32>,
        %get3A_353 = vector.shape_cast %get3A_352 : vector<1x16xf32> to vector<16xf32>
        %get3A_354 = arith.index_cast %scan3A_160 : i32 to index
        %get3A_355 = arith.constant 96 : index
        %get3A_356 = tpu.vector_load %arg17[%get3A_354, %get3A_355] {strides = array<i32>} : memref<80x128xf32, #tpu.memory_space<vmem>>, vector<1x16xf32>,
        %get3A_357 = vector.shape_cast %get3A_356 : vector<1x16xf32> to vector<16xf32>
        %add3A_358 = arith.addf %get3A_353, %get3A_357 : vector<16xf32>
        %get3A_359 = arith.index_cast %scan3A_160 : i32 to index
        %get3A_360 = arith.constant 96 : index
        %get3A_361 = tpu.vector_load %arg18[%get3A_359, %get3A_360] {strides = array<i32>} : memref<80x128xf32, #tpu.memory_space<vmem>>, vector<1x16xf32>,
        %get3A_362 = vector.shape_cast %get3A_361 : vector<1x16xf32> to vector<16xf32>
        %add3A_363 = arith.addf %add3A_358, %get3A_362 : vector<16xf32>
        %get3A_364 = arith.index_cast %scan3A_160 : i32 to index
        %get3A_365 = arith.constant 96 : index
        %get3A_366 = tpu.vector_load %arg19[%get3A_364, %get3A_365] {strides = array<i32>} : memref<80x128xf32, #tpu.memory_space<vmem>>, vector<1x16xf32>,
        %get3A_367 = vector.shape_cast %get3A_366 : vector<1x16xf32> to vector<16xf32>
        %add3A_368 = arith.addf %add3A_363, %get3A_367 : vector<16xf32>
        %get3A_369 = arith.index_cast %scan3A_160 : i32 to index
        %get3A_370 = arith.constant 96 : index
        %get3A_371 = tpu.vector_load %arg20[%get3A_369, %get3A_370] {strides = array<i32>} : memref<80x128xf32, #tpu.memory_space<vmem>>, vector<1x16xf32>,
        %get3A_372 = vector.shape_cast %get3A_371 : vector<1x16xf32> to vector<16xf32>
        %add3A_373 = arith.addf %add3A_368, %get3A_372 : vector<16xf32>
        %max3A_374 = arith.constant 0.000000e+00 : f32
        %max3A_375 = vector.broadcast %max3A_374 : f32 to vector<16xf32>
        %max3A_376 = arith.maximumf %add3A_373, %max3A_375 : vector<16xf32>
        %swap3A_377 = arith.index_cast %scan3A_160 : i32 to index
        %swap3A_378 = arith.constant 96 : index
        %swap3A_379 = tpu.vector_load %arg16[%swap3A_377, %swap3A_378] {strides = array<i32>} : memref<80x128xf32, #tpu.memory_space<vmem>>, vector<1x16xf32>,
        %swap3A_380 = vector.shape_cast %swap3A_379 : vector<1x16xf32> to vector<16xf32>
        %swap3A_381 = vector.shape_cast %max3A_376 : vector<16xf32> to vector<1x16xf32>
        tpu.vector_store %arg16[%swap3A_377, %swap3A_378], %swap3A_381 {strides = array<i32>} : memref<80x128xf32, #tpu.memory_space<vmem>>, vector<1x16xf32>,
        %get3A_382 = arith.index_cast %scan3A_160 : i32 to index
        %get3A_383 = arith.constant 112 : index
        %get3A_384 = tpu.vector_load %arg16[%get3A_382, %get3A_383] {strides = array<i32>} : memref<80x128xf32, #tpu.memory_space<vmem>>, vector<1x16xf32>,
        %get3A_385 = vector.shape_cast %get3A_384 : vector<1x16xf32> to vector<16xf32>
        %get3A_386 = arith.index_cast %scan3A_160 : i32 to index
        %get3A_387 = arith.constant 112 : index
        %get3A_388 = tpu.vector_load %arg17[%get3A_386, %get3A_387] {strides = array<i32>} : memref<80x128xf32, #tpu.memory_space<vmem>>, vector<1x16xf32>,
        %get3A_389 = vector.shape_cast %get3A_388 : vector<1x16xf32> to vector<16xf32>
        %add3A_390 = arith.addf %get3A_385, %get3A_389 : vector<16xf32>
        %get3A_391 = arith.index_cast %scan3A_160 : i32 to index
        %get3A_392 = arith.constant 112 : index
        %get3A_393 = tpu.vector_load %arg18[%get3A_391, %get3A_392] {strides = array<i32>} : memref<80x128xf32, #tpu.memory_space<vmem>>, vector<1x16xf32>,
        %get3A_394 = vector.shape_cast %get3A_393 : vector<1x16xf32> to vector<16xf32>
        %add3A_395 = arith.addf %add3A_390, %get3A_394 : vector<16xf32>
        %get3A_396 = arith.index_cast %scan3A_160 : i32 to index
        %get3A_397 = arith.constant 112 : index
        %get3A_398 = tpu.vector_load %arg19[%get3A_396, %get3A_397] {strides = array<i32>} : memref<80x128xf32, #tpu.memory_space<vmem>>, vector<1x16xf32>,
        %get3A_399 = vector.shape_cast %get3A_398 : vector<1x16xf32> to vector<16xf32>
        %add3A_400 = arith.addf %add3A_395, %get3A_399 : vector<16xf32>
        %get3A_401 = arith.index_cast %scan3A_160 : i32 to index
        %get3A_402 = arith.constant 112 : index
        %get3A_403 = tpu.vector_load %arg20[%get3A_401, %get3A_402] {strides = array<i32>} : memref<80x128xf32, #tpu.memory_space<vmem>>, vector<1x16xf32>,
        %get3A_404 = vector.shape_cast %get3A_403 : vector<1x16xf32> to vector<16xf32>
        %add3A_405 = arith.addf %add3A_400, %get3A_404 : vector<16xf32>
        %max3A_406 = arith.constant 0.000000e+00 : f32
        %max3A_407 = vector.broadcast %max3A_406 : f32 to vector<16xf32>
        %max3A_408 = arith.maximumf %add3A_405, %max3A_407 : vector<16xf32>
        %swap3A_409 = arith.index_cast %scan3A_160 : i32 to index
        %swap3A_410 = arith.constant 112 : index
        %swap3A_411 = tpu.vector_load %arg16[%swap3A_409, %swap3A_410] {strides = array<i32>} : memref<80x128xf32, #tpu.memory_space<vmem>>, vector<1x16xf32>,
        %swap3A_412 = vector.shape_cast %swap3A_411 : vector<1x16xf32> to vector<16xf32>
        %swap3A_413 = vector.shape_cast %max3A_408 : vector<16xf32> to vector<1x16xf32>
        tpu.vector_store %arg16[%swap3A_409, %swap3A_410], %swap3A_413 {strides = array<i32>} : memref<80x128xf32, #tpu.memory_space<vmem>>, vector<1x16xf32>,
      }
      %scan3A_115 = arith.constant 80 : i32
      "tpu.region"() ({
        %run_scoped3A = tpu.sem_alloc : memref<!tpu.dma_semaphore, #tpu.memory_space<semaphore_mem>>
        %dma_start3A_160 = arith.constant 0 : i32
        %dma_start3A_161 = tpu.memref_slice %arg11[%add3A_81, %dma_start3A_160] : memref<102400x128xf32, #tpu.memory_space<hbm>> -> memref<80x128xf32, #tpu.memory_space<hbm>>
        %dma_start3A_162 = arith.constant 0 : i32
        %dma_start3A_163 = tpu.memref_slice %arg11[%add3A_81, %dma_start3A_162] : memref<102400x128xf32, #tpu.memory_space<hbm>> -> memref<80x128xf32, #tpu.memory_space<hbm>>
        tpu.enqueue_dma source(%arg16 : memref<80x128xf32, #tpu.memory_space<vmem>>) target(%dma_start3A_163 : memref<80x128xf32, #tpu.memory_space<hbm>>) target_semaphore(%run_scoped3A : memref<!tpu.dma_semaphore, #tpu.memory_space<semaphore_mem>>)
        %dma_wait3A_164 = arith.constant 0 : i32
        %dma_wait3A_165 = tpu.memref_slice %arg11[%add3A_81, %dma_wait3A_164] : memref<102400x128xf32, #tpu.memory_space<hbm>> -> memref<80x128xf32, #tpu.memory_space<hbm>>
        %dma_wait3A_166 = arith.constant 0 : i32
        %dma_wait3A_167 = tpu.memref_slice %arg11[%add3A_81, %dma_wait3A_166] : memref<102400x128xf32, #tpu.memory_space<hbm>> -> memref<80x128xf32, #tpu.memory_space<hbm>>
        tpu.wait_dma2 semaphore(%run_scoped3A : memref<!tpu.dma_semaphore, #tpu.memory_space<semaphore_mem>>) src(%arg16 : memref<80x128xf32, #tpu.memory_space<vmem>>) dst(%dma_wait3A_167 : memref<80x128xf32, #tpu.memory_space<hbm>>)
        tpu.yield
      }) : () -> ()
      %add3A_116 = arith.constant 2 : i32
      %add3A_117 = arith.addi %mul3A_57, %add3A_116 : i32
      %lt3A = arith.cmpi slt, %add3A_117, %select_n3A : i32
      %convert_element_type3A = arith.extui %lt3A : i1 to i32
      %cond3A = arith.constant 0 : i32
      %cond3A_118 = arith.cmpi ne, %convert_element_type3A, %cond3A : i32
      scf.if %cond3A_118 {
        %add3A_160 = arith.constant 2 : i32
        %add3A_161 = arith.addi %mul3A_57, %add3A_160 : i32
        %mul3A_162 = arith.constant 80 : i32
        %mul3A_163 = arith.muli %add3A_161, %mul3A_162 : i32
        %add3A_164 = arith.addi %mul3A_10, %mul3A_163 : i32
        "tpu.region"() ({
          %run_scoped3A = tpu.sem_alloc : memref<!tpu.dma_semaphore, #tpu.memory_space<semaphore_mem>>
          %dma_start3A_181 = tpu.memref_slice %arg7[%add3A_164] : memref<102400xi32, #tpu.memory_space<hbm>> -> memref<80xi32, #tpu.memory_space<hbm>>
          %dma_start3A_182 = tpu.memref_slice %arg7[%add3A_164] : memref<102400xi32, #tpu.memory_space<hbm>> -> memref<80xi32, #tpu.memory_space<hbm>>
          tpu.enqueue_dma source(%dma_start3A_182 : memref<80xi32, #tpu.memory_space<hbm>>) target(%arg12 : memref<80xi32, #tpu.memory_space<vmem>>) target_semaphore(%run_scoped3A : memref<!tpu.dma_semaphore, #tpu.memory_space<semaphore_mem>>)
          %dma_wait3A_183 = tpu.memref_slice %arg7[%add3A_164] : memref<102400xi32, #tpu.memory_space<hbm>> -> memref<80xi32, #tpu.memory_space<hbm>>
          %dma_wait3A_184 = tpu.memref_slice %arg7[%add3A_164] : memref<102400xi32, #tpu.memory_space<hbm>> -> memref<80xi32, #tpu.memory_space<hbm>>
          tpu.wait_dma2 semaphore(%run_scoped3A : memref<!tpu.dma_semaphore, #tpu.memory_space<semaphore_mem>>) src(%dma_wait3A_184 : memref<80xi32, #tpu.memory_space<hbm>>) dst(%arg12 : memref<80xi32, #tpu.memory_space<vmem>>)
          tpu.yield
        }) : () -> ()
        "tpu.region"() ({
          %run_scoped3A = tpu.sem_alloc : memref<!tpu.dma_semaphore, #tpu.memory_space<semaphore_mem>>
          %dma_start3A_181 = tpu.memref_slice %arg8[%add3A_164] : memref<102400xi32, #tpu.memory_space<hbm>> -> memref<80xi32, #tpu.memory_space<hbm>>
          %dma_start3A_182 = tpu.memref_slice %arg8[%add3A_164] : memref<102400xi32, #tpu.memory_space<hbm>> -> memref<80xi32, #tpu.memory_space<hbm>>
          tpu.enqueue_dma source(%dma_start3A_182 : memref<80xi32, #tpu.memory_space<hbm>>) target(%arg13 : memref<80xi32, #tpu.memory_space<vmem>>) target_semaphore(%run_scoped3A : memref<!tpu.dma_semaphore, #tpu.memory_space<semaphore_mem>>)
          %dma_wait3A_183 = tpu.memref_slice %arg8[%add3A_164] : memref<102400xi32, #tpu.memory_space<hbm>> -> memref<80xi32, #tpu.memory_space<hbm>>
          %dma_wait3A_184 = tpu.memref_slice %arg8[%add3A_164] : memref<102400xi32, #tpu.memory_space<hbm>> -> memref<80xi32, #tpu.memory_space<hbm>>
          tpu.wait_dma2 semaphore(%run_scoped3A : memref<!tpu.dma_semaphore, #tpu.memory_space<semaphore_mem>>) src(%dma_wait3A_184 : memref<80xi32, #tpu.memory_space<hbm>>) dst(%arg13 : memref<80xi32, #tpu.memory_space<vmem>>)
          tpu.yield
        }) : () -> ()
        "tpu.region"() ({
          %run_scoped3A = tpu.sem_alloc : memref<!tpu.dma_semaphore, #tpu.memory_space<semaphore_mem>>
          %dma_start3A_181 = tpu.memref_slice %arg9[%add3A_164] : memref<102400xi32, #tpu.memory_space<hbm>> -> memref<80xi32, #tpu.memory_space<hbm>>
          %dma_start3A_182 = tpu.memref_slice %arg9[%add3A_164] : memref<102400xi32, #tpu.memory_space<hbm>> -> memref<80xi32, #tpu.memory_space<hbm>>
          tpu.enqueue_dma source(%dma_start3A_182 : memref<80xi32, #tpu.memory_space<hbm>>) target(%arg14 : memref<80xi32, #tpu.memory_space<vmem>>) target_semaphore(%run_scoped3A : memref<!tpu.dma_semaphore, #tpu.memory_space<semaphore_mem>>)
          %dma_wait3A_183 = tpu.memref_slice %arg9[%add3A_164] : memref<102400xi32, #tpu.memory_space<hbm>> -> memref<80xi32, #tpu.memory_space<hbm>>
          %dma_wait3A_184 = tpu.memref_slice %arg9[%add3A_164] : memref<102400xi32, #tpu.memory_space<hbm>> -> memref<80xi32, #tpu.memory_space<hbm>>
          tpu.wait_dma2 semaphore(%run_scoped3A : memref<!tpu.dma_semaphore, #tpu.memory_space<semaphore_mem>>) src(%dma_wait3A_184 : memref<80xi32, #tpu.memory_space<hbm>>) dst(%arg14 : memref<80xi32, #tpu.memory_space<vmem>>)
          tpu.yield
        }) : () -> ()
        "tpu.region"() ({
          %run_scoped3A = tpu.sem_alloc : memref<!tpu.dma_semaphore, #tpu.memory_space<semaphore_mem>>
          %dma_start3A_181 = tpu.memref_slice %arg10[%add3A_164] : memref<102400xi32, #tpu.memory_space<hbm>> -> memref<80xi32, #tpu.memory_space<hbm>>
          %dma_start3A_182 = tpu.memref_slice %arg10[%add3A_164] : memref<102400xi32, #tpu.memory_space<hbm>> -> memref<80xi32, #tpu.memory_space<hbm>>
          tpu.enqueue_dma source(%dma_start3A_182 : memref<80xi32, #tpu.memory_space<hbm>>) target(%arg15 : memref<80xi32, #tpu.memory_space<vmem>>) target_semaphore(%run_scoped3A : memref<!tpu.dma_semaphore, #tpu.memory_space<semaphore_mem>>)
          %dma_wait3A_183 = tpu.memref_slice %arg10[%add3A_164] : memref<102400xi32, #tpu.memory_space<hbm>> -> memref<80xi32, #tpu.memory_space<hbm>>
          %dma_wait3A_184 = tpu.memref_slice %arg10[%add3A_164] : memref<102400xi32, #tpu.memory_space<hbm>> -> memref<80xi32, #tpu.memory_space<hbm>>
          tpu.wait_dma2 semaphore(%run_scoped3A : memref<!tpu.dma_semaphore, #tpu.memory_space<semaphore_mem>>) src(%dma_wait3A_184 : memref<80xi32, #tpu.memory_space<hbm>>) dst(%arg15 : memref<80xi32, #tpu.memory_space<vmem>>)
          tpu.yield
        }) : () -> ()
        %dma_start3A_165 = arith.constant 0 : i32
        %dma_start3A_166 = arith.constant 0 : i32
        %dma_start3A_167 = tpu.memref_slice %arg3[%dma_start3A_165, %dma_start3A_166] : memref<102400x128xf32, #tpu.memory_space<hbm>> -> memref<102400x128xf32, #tpu.memory_space<hbm>>
        tpu.enqueue_indirect_dma source(%dma_start3A_167 : memref<102400x128xf32, #tpu.memory_space<hbm>>) target(%arg17 : memref<80x128xf32, #tpu.memory_space<vmem>>) offsets(%arg12 : memref<80xi32, #tpu.memory_space<vmem>>) semaphore(%arg30 : memref<!tpu.dma_semaphore, #tpu.memory_space<semaphore_mem>>)
        %dma_start3A_168 = arith.constant 0 : i32
        %dma_start3A_169 = arith.constant 0 : i32
        %dma_start3A_170 = tpu.memref_slice %arg4[%dma_start3A_168, %dma_start3A_169] : memref<102400x128xf32, #tpu.memory_space<hbm>> -> memref<102400x128xf32, #tpu.memory_space<hbm>>
        tpu.enqueue_indirect_dma source(%dma_start3A_170 : memref<102400x128xf32, #tpu.memory_space<hbm>>) target(%arg18 : memref<80x128xf32, #tpu.memory_space<vmem>>) offsets(%arg13 : memref<80xi32, #tpu.memory_space<vmem>>) semaphore(%arg31 : memref<!tpu.dma_semaphore, #tpu.memory_space<semaphore_mem>>)
        %dma_start3A_171 = arith.constant 0 : i32
        %dma_start3A_172 = arith.constant 0 : i32
        %dma_start3A_173 = tpu.memref_slice %arg5[%dma_start3A_171, %dma_start3A_172] : memref<102400x128xf32, #tpu.memory_space<hbm>> -> memref<102400x128xf32, #tpu.memory_space<hbm>>
        tpu.enqueue_indirect_dma source(%dma_start3A_173 : memref<102400x128xf32, #tpu.memory_space<hbm>>) target(%arg19 : memref<80x128xf32, #tpu.memory_space<vmem>>) offsets(%arg14 : memref<80xi32, #tpu.memory_space<vmem>>) semaphore(%arg32 : memref<!tpu.dma_semaphore, #tpu.memory_space<semaphore_mem>>)
        %dma_start3A_174 = arith.constant 0 : i32
        %dma_start3A_175 = arith.constant 0 : i32
        %dma_start3A_176 = tpu.memref_slice %arg6[%dma_start3A_174, %dma_start3A_175] : memref<102400x128xf32, #tpu.memory_space<hbm>> -> memref<102400x128xf32, #tpu.memory_space<hbm>>
        tpu.enqueue_indirect_dma source(%dma_start3A_176 : memref<102400x128xf32, #tpu.memory_space<hbm>>) target(%arg20 : memref<80x128xf32, #tpu.memory_space<vmem>>) offsets(%arg15 : memref<80xi32, #tpu.memory_space<vmem>>) semaphore(%arg33 : memref<!tpu.dma_semaphore, #tpu.memory_space<semaphore_mem>>)
        %dma_start3A_177 = arith.constant 0 : i32
        %dma_start3A_178 = tpu.memref_slice %arg2[%add3A_164, %dma_start3A_177] : memref<102400x128xf32, #tpu.memory_space<hbm>> -> memref<80x128xf32, #tpu.memory_space<hbm>>
        %dma_start3A_179 = arith.constant 0 : i32
        %dma_start3A_180 = tpu.memref_slice %arg2[%add3A_164, %dma_start3A_179] : memref<102400x128xf32, #tpu.memory_space<hbm>> -> memref<80x128xf32, #tpu.memory_space<hbm>>
        tpu.enqueue_dma source(%dma_start3A_180 : memref<80x128xf32, #tpu.memory_space<hbm>>) target(%arg16 : memref<80x128xf32, #tpu.memory_space<vmem>>) target_semaphore(%arg34 : memref<!tpu.dma_semaphore, #tpu.memory_space<semaphore_mem>>)
      } else {
      }
      %add3A_119 = arith.constant 1 : i32
      %add3A_120 = arith.addi %mul3A_57, %add3A_119 : i32
      %mul3A_121 = arith.constant 80 : i32
      %mul3A_122 = arith.muli %add3A_120, %mul3A_121 : i32
      %add3A_123 = arith.addi %mul3A_10, %mul3A_122 : i32
      %dma_wait3A_124 = arith.constant 0 : i32
      %dma_wait3A_125 = arith.constant 0 : i32
      %dma_wait3A_126 = tpu.memref_slice %arg3[%dma_wait3A_124, %dma_wait3A_125] : memref<102400x128xf32, #tpu.memory_space<hbm>> -> memref<80x128xf32, #tpu.memory_space<hbm>>
      %dma_wait3A_127 = arith.constant 0 : i32
      %dma_wait3A_128 = arith.constant 0 : i32
      %dma_wait3A_129 = tpu.memref_slice %arg3[%dma_wait3A_127, %dma_wait3A_128] : memref<102400x128xf32, #tpu.memory_space<hbm>> -> memref<80x128xf32, #tpu.memory_space<hbm>>
      tpu.wait_dma2 semaphore(%arg35 : memref<!tpu.dma_semaphore, #tpu.memory_space<semaphore_mem>>) src(%dma_wait3A_129 : memref<80x128xf32, #tpu.memory_space<hbm>>) dst(%arg26 : memref<80x128xf32, #tpu.memory_space<vmem>>)
      %dma_wait3A_130 = arith.constant 0 : i32
      %dma_wait3A_131 = arith.constant 0 : i32
      %dma_wait3A_132 = tpu.memref_slice %arg4[%dma_wait3A_130, %dma_wait3A_131] : memref<102400x128xf32, #tpu.memory_space<hbm>> -> memref<80x128xf32, #tpu.memory_space<hbm>>
      %dma_wait3A_133 = arith.constant 0 : i32
      %dma_wait3A_134 = arith.constant 0 : i32
      %dma_wait3A_135 = tpu.memref_slice %arg4[%dma_wait3A_133, %dma_wait3A_134] : memref<102400x128xf32, #tpu.memory_space<hbm>> -> memref<80x128xf32, #tpu.memory_space<hbm>>
      tpu.wait_dma2 semaphore(%arg36 : memref<!tpu.dma_semaphore, #tpu.memory_space<semaphore_mem>>) src(%dma_wait3A_135 : memref<80x128xf32, #tpu.memory_space<hbm>>) dst(%arg27 : memref<80x128xf32, #tpu.memory_space<vmem>>)
      %dma_wait3A_136 = arith.constant 0 : i32
      %dma_wait3A_137 = arith.constant 0 : i32
      %dma_wait3A_138 = tpu.memref_slice %arg5[%dma_wait3A_136, %dma_wait3A_137] : memref<102400x128xf32, #tpu.memory_space<hbm>> -> memref<80x128xf32, #tpu.memory_space<hbm>>
      %dma_wait3A_139 = arith.constant 0 : i32
      %dma_wait3A_140 = arith.constant 0 : i32
      %dma_wait3A_141 = tpu.memref_slice %arg5[%dma_wait3A_139, %dma_wait3A_140] : memref<102400x128xf32, #tpu.memory_space<hbm>> -> memref<80x128xf32, #tpu.memory_space<hbm>>
      tpu.wait_dma2 semaphore(%arg37 : memref<!tpu.dma_semaphore, #tpu.memory_space<semaphore_mem>>) src(%dma_wait3A_141 : memref<80x128xf32, #tpu.memory_space<hbm>>) dst(%arg28 : memref<80x128xf32, #tpu.memory_space<vmem>>)
      %dma_wait3A_142 = arith.constant 0 : i32
      %dma_wait3A_143 = arith.constant 0 : i32
      %dma_wait3A_144 = tpu.memref_slice %arg6[%dma_wait3A_142, %dma_wait3A_143] : memref<102400x128xf32, #tpu.memory_space<hbm>> -> memref<80x128xf32, #tpu.memory_space<hbm>>
      %dma_wait3A_145 = arith.constant 0 : i32
      %dma_wait3A_146 = arith.constant 0 : i32
      %dma_wait3A_147 = tpu.memref_slice %arg6[%dma_wait3A_145, %dma_wait3A_146] : memref<102400x128xf32, #tpu.memory_space<hbm>> -> memref<80x128xf32, #tpu.memory_space<hbm>>
      tpu.wait_dma2 semaphore(%arg38 : memref<!tpu.dma_semaphore, #tpu.memory_space<semaphore_mem>>) src(%dma_wait3A_147 : memref<80x128xf32, #tpu.memory_space<hbm>>) dst(%arg29 : memref<80x128xf32, #tpu.memory_space<vmem>>)
      %dma_wait3A_148 = arith.constant 0 : i32
      %dma_wait3A_149 = arith.constant 0 : i32
      %dma_wait3A_150 = tpu.memref_slice %arg2[%dma_wait3A_148, %dma_wait3A_149] : memref<102400x128xf32, #tpu.memory_space<hbm>> -> memref<80x128xf32, #tpu.memory_space<hbm>>
      %dma_wait3A_151 = arith.constant 0 : i32
      %dma_wait3A_152 = arith.constant 0 : i32
      %dma_wait3A_153 = tpu.memref_slice %arg2[%dma_wait3A_151, %dma_wait3A_152] : memref<102400x128xf32, #tpu.memory_space<hbm>> -> memref<80x128xf32, #tpu.memory_space<hbm>>
      tpu.wait_dma2 semaphore(%arg39 : memref<!tpu.dma_semaphore, #tpu.memory_space<semaphore_mem>>) src(%dma_wait3A_153 : memref<80x128xf32, #tpu.memory_space<hbm>>) dst(%arg25 : memref<80x128xf32, #tpu.memory_space<vmem>>)
      %scan3A_154 = arith.constant 0 : i32
      %scan3A_155 = arith.constant 0 : i32
      %scan3A_156 = arith.constant 80 : i32
      %scan3A_157 = arith.addi %scan3A_155, %scan3A_156 : i32
      %scan3A_158 = arith.constant 1 : i32
      scf.for %scan3A_160 = %scan3A_155 to %scan3A_157 step %scan3A_158  : i32 {
        %get3A = arith.index_cast %scan3A_160 : i32 to index
        %get3A_161 = arith.constant 0 : index
        %get3A_162 = tpu.vector_load %arg25[%get3A, %get3A_161] {strides = array<i32>} : memref<80x128xf32, #tpu.memory_space<vmem>>, vector<1x16xf32>,
        %get3A_163 = vector.shape_cast %get3A_162 : vector<1x16xf32> to vector<16xf32>
        %get3A_164 = arith.index_cast %scan3A_160 : i32 to index
        %get3A_165 = arith.constant 0 : index
        %get3A_166 = tpu.vector_load %arg26[%get3A_164, %get3A_165] {strides = array<i32>} : memref<80x128xf32, #tpu.memory_space<vmem>>, vector<1x16xf32>,
        %get3A_167 = vector.shape_cast %get3A_166 : vector<1x16xf32> to vector<16xf32>
        %add3A_168 = arith.addf %get3A_163, %get3A_167 : vector<16xf32>
        %get3A_169 = arith.index_cast %scan3A_160 : i32 to index
        %get3A_170 = arith.constant 0 : index
        %get3A_171 = tpu.vector_load %arg27[%get3A_169, %get3A_170] {strides = array<i32>} : memref<80x128xf32, #tpu.memory_space<vmem>>, vector<1x16xf32>,
        %get3A_172 = vector.shape_cast %get3A_171 : vector<1x16xf32> to vector<16xf32>
        %add3A_173 = arith.addf %add3A_168, %get3A_172 : vector<16xf32>
        %get3A_174 = arith.index_cast %scan3A_160 : i32 to index
        %get3A_175 = arith.constant 0 : index
        %get3A_176 = tpu.vector_load %arg28[%get3A_174, %get3A_175] {strides = array<i32>} : memref<80x128xf32, #tpu.memory_space<vmem>>, vector<1x16xf32>,
        %get3A_177 = vector.shape_cast %get3A_176 : vector<1x16xf32> to vector<16xf32>
        %add3A_178 = arith.addf %add3A_173, %get3A_177 : vector<16xf32>
        %get3A_179 = arith.index_cast %scan3A_160 : i32 to index
        %get3A_180 = arith.constant 0 : index
        %get3A_181 = tpu.vector_load %arg29[%get3A_179, %get3A_180] {strides = array<i32>} : memref<80x128xf32, #tpu.memory_space<vmem>>, vector<1x16xf32>,
        %get3A_182 = vector.shape_cast %get3A_181 : vector<1x16xf32> to vector<16xf32>
        %add3A_183 = arith.addf %add3A_178, %get3A_182 : vector<16xf32>
        %max3A = arith.constant 0.000000e+00 : f32
        %max3A_184 = vector.broadcast %max3A : f32 to vector<16xf32>
        %max3A_185 = arith.maximumf %add3A_183, %max3A_184 : vector<16xf32>
        %swap3A = arith.index_cast %scan3A_160 : i32 to index
        %swap3A_186 = arith.constant 0 : index
        %swap3A_187 = tpu.vector_load %arg25[%swap3A, %swap3A_186] {strides = array<i32>} : memref<80x128xf32, #tpu.memory_space<vmem>>, vector<1x16xf32>,
        %swap3A_188 = vector.shape_cast %swap3A_187 : vector<1x16xf32> to vector<16xf32>
        %swap3A_189 = vector.shape_cast %max3A_185 : vector<16xf32> to vector<1x16xf32>
        tpu.vector_store %arg25[%swap3A, %swap3A_186], %swap3A_189 {strides = array<i32>} : memref<80x128xf32, #tpu.memory_space<vmem>>, vector<1x16xf32>,
        %get3A_190 = arith.index_cast %scan3A_160 : i32 to index
        %get3A_191 = arith.constant 16 : index
        %get3A_192 = tpu.vector_load %arg25[%get3A_190, %get3A_191] {strides = array<i32>} : memref<80x128xf32, #tpu.memory_space<vmem>>, vector<1x16xf32>,
        %get3A_193 = vector.shape_cast %get3A_192 : vector<1x16xf32> to vector<16xf32>
        %get3A_194 = arith.index_cast %scan3A_160 : i32 to index
        %get3A_195 = arith.constant 16 : index
        %get3A_196 = tpu.vector_load %arg26[%get3A_194, %get3A_195] {strides = array<i32>} : memref<80x128xf32, #tpu.memory_space<vmem>>, vector<1x16xf32>,
        %get3A_197 = vector.shape_cast %get3A_196 : vector<1x16xf32> to vector<16xf32>
        %add3A_198 = arith.addf %get3A_193, %get3A_197 : vector<16xf32>
        %get3A_199 = arith.index_cast %scan3A_160 : i32 to index
        %get3A_200 = arith.constant 16 : index
        %get3A_201 = tpu.vector_load %arg27[%get3A_199, %get3A_200] {strides = array<i32>} : memref<80x128xf32, #tpu.memory_space<vmem>>, vector<1x16xf32>,
        %get3A_202 = vector.shape_cast %get3A_201 : vector<1x16xf32> to vector<16xf32>
        %add3A_203 = arith.addf %add3A_198, %get3A_202 : vector<16xf32>
        %get3A_204 = arith.index_cast %scan3A_160 : i32 to index
        %get3A_205 = arith.constant 16 : index
        %get3A_206 = tpu.vector_load %arg28[%get3A_204, %get3A_205] {strides = array<i32>} : memref<80x128xf32, #tpu.memory_space<vmem>>, vector<1x16xf32>,
        %get3A_207 = vector.shape_cast %get3A_206 : vector<1x16xf32> to vector<16xf32>
        %add3A_208 = arith.addf %add3A_203, %get3A_207 : vector<16xf32>
        %get3A_209 = arith.index_cast %scan3A_160 : i32 to index
        %get3A_210 = arith.constant 16 : index
        %get3A_211 = tpu.vector_load %arg29[%get3A_209, %get3A_210] {strides = array<i32>} : memref<80x128xf32, #tpu.memory_space<vmem>>, vector<1x16xf32>,
        %get3A_212 = vector.shape_cast %get3A_211 : vector<1x16xf32> to vector<16xf32>
        %add3A_213 = arith.addf %add3A_208, %get3A_212 : vector<16xf32>
        %max3A_214 = arith.constant 0.000000e+00 : f32
        %max3A_215 = vector.broadcast %max3A_214 : f32 to vector<16xf32>
        %max3A_216 = arith.maximumf %add3A_213, %max3A_215 : vector<16xf32>
        %swap3A_217 = arith.index_cast %scan3A_160 : i32 to index
        %swap3A_218 = arith.constant 16 : index
        %swap3A_219 = tpu.vector_load %arg25[%swap3A_217, %swap3A_218] {strides = array<i32>} : memref<80x128xf32, #tpu.memory_space<vmem>>, vector<1x16xf32>,
        %swap3A_220 = vector.shape_cast %swap3A_219 : vector<1x16xf32> to vector<16xf32>
        %swap3A_221 = vector.shape_cast %max3A_216 : vector<16xf32> to vector<1x16xf32>
        tpu.vector_store %arg25[%swap3A_217, %swap3A_218], %swap3A_221 {strides = array<i32>} : memref<80x128xf32, #tpu.memory_space<vmem>>, vector<1x16xf32>,
        %get3A_222 = arith.index_cast %scan3A_160 : i32 to index
        %get3A_223 = arith.constant 32 : index
        %get3A_224 = tpu.vector_load %arg25[%get3A_222, %get3A_223] {strides = array<i32>} : memref<80x128xf32, #tpu.memory_space<vmem>>, vector<1x16xf32>,
        %get3A_225 = vector.shape_cast %get3A_224 : vector<1x16xf32> to vector<16xf32>
        %get3A_226 = arith.index_cast %scan3A_160 : i32 to index
        %get3A_227 = arith.constant 32 : index
        %get3A_228 = tpu.vector_load %arg26[%get3A_226, %get3A_227] {strides = array<i32>} : memref<80x128xf32, #tpu.memory_space<vmem>>, vector<1x16xf32>,
        %get3A_229 = vector.shape_cast %get3A_228 : vector<1x16xf32> to vector<16xf32>
        %add3A_230 = arith.addf %get3A_225, %get3A_229 : vector<16xf32>
        %get3A_231 = arith.index_cast %scan3A_160 : i32 to index
        %get3A_232 = arith.constant 32 : index
        %get3A_233 = tpu.vector_load %arg27[%get3A_231, %get3A_232] {strides = array<i32>} : memref<80x128xf32, #tpu.memory_space<vmem>>, vector<1x16xf32>,
        %get3A_234 = vector.shape_cast %get3A_233 : vector<1x16xf32> to vector<16xf32>
        %add3A_235 = arith.addf %add3A_230, %get3A_234 : vector<16xf32>
        %get3A_236 = arith.index_cast %scan3A_160 : i32 to index
        %get3A_237 = arith.constant 32 : index
        %get3A_238 = tpu.vector_load %arg28[%get3A_236, %get3A_237] {strides = array<i32>} : memref<80x128xf32, #tpu.memory_space<vmem>>, vector<1x16xf32>,
        %get3A_239 = vector.shape_cast %get3A_238 : vector<1x16xf32> to vector<16xf32>
        %add3A_240 = arith.addf %add3A_235, %get3A_239 : vector<16xf32>
        %get3A_241 = arith.index_cast %scan3A_160 : i32 to index
        %get3A_242 = arith.constant 32 : index
        %get3A_243 = tpu.vector_load %arg29[%get3A_241, %get3A_242] {strides = array<i32>} : memref<80x128xf32, #tpu.memory_space<vmem>>, vector<1x16xf32>,
        %get3A_244 = vector.shape_cast %get3A_243 : vector<1x16xf32> to vector<16xf32>
        %add3A_245 = arith.addf %add3A_240, %get3A_244 : vector<16xf32>
        %max3A_246 = arith.constant 0.000000e+00 : f32
        %max3A_247 = vector.broadcast %max3A_246 : f32 to vector<16xf32>
        %max3A_248 = arith.maximumf %add3A_245, %max3A_247 : vector<16xf32>
        %swap3A_249 = arith.index_cast %scan3A_160 : i32 to index
        %swap3A_250 = arith.constant 32 : index
        %swap3A_251 = tpu.vector_load %arg25[%swap3A_249, %swap3A_250] {strides = array<i32>} : memref<80x128xf32, #tpu.memory_space<vmem>>, vector<1x16xf32>,
        %swap3A_252 = vector.shape_cast %swap3A_251 : vector<1x16xf32> to vector<16xf32>
        %swap3A_253 = vector.shape_cast %max3A_248 : vector<16xf32> to vector<1x16xf32>
        tpu.vector_store %arg25[%swap3A_249, %swap3A_250], %swap3A_253 {strides = array<i32>} : memref<80x128xf32, #tpu.memory_space<vmem>>, vector<1x16xf32>,
        %get3A_254 = arith.index_cast %scan3A_160 : i32 to index
        %get3A_255 = arith.constant 48 : index
        %get3A_256 = tpu.vector_load %arg25[%get3A_254, %get3A_255] {strides = array<i32>} : memref<80x128xf32, #tpu.memory_space<vmem>>, vector<1x16xf32>,
        %get3A_257 = vector.shape_cast %get3A_256 : vector<1x16xf32> to vector<16xf32>
        %get3A_258 = arith.index_cast %scan3A_160 : i32 to index
        %get3A_259 = arith.constant 48 : index
        %get3A_260 = tpu.vector_load %arg26[%get3A_258, %get3A_259] {strides = array<i32>} : memref<80x128xf32, #tpu.memory_space<vmem>>, vector<1x16xf32>,
        %get3A_261 = vector.shape_cast %get3A_260 : vector<1x16xf32> to vector<16xf32>
        %add3A_262 = arith.addf %get3A_257, %get3A_261 : vector<16xf32>
        %get3A_263 = arith.index_cast %scan3A_160 : i32 to index
        %get3A_264 = arith.constant 48 : index
        %get3A_265 = tpu.vector_load %arg27[%get3A_263, %get3A_264] {strides = array<i32>} : memref<80x128xf32, #tpu.memory_space<vmem>>, vector<1x16xf32>,
        %get3A_266 = vector.shape_cast %get3A_265 : vector<1x16xf32> to vector<16xf32>
        %add3A_267 = arith.addf %add3A_262, %get3A_266 : vector<16xf32>
        %get3A_268 = arith.index_cast %scan3A_160 : i32 to index
        %get3A_269 = arith.constant 48 : index
        %get3A_270 = tpu.vector_load %arg28[%get3A_268, %get3A_269] {strides = array<i32>} : memref<80x128xf32, #tpu.memory_space<vmem>>, vector<1x16xf32>,
        %get3A_271 = vector.shape_cast %get3A_270 : vector<1x16xf32> to vector<16xf32>
        %add3A_272 = arith.addf %add3A_267, %get3A_271 : vector<16xf32>
        %get3A_273 = arith.index_cast %scan3A_160 : i32 to index
        %get3A_274 = arith.constant 48 : index
        %get3A_275 = tpu.vector_load %arg29[%get3A_273, %get3A_274] {strides = array<i32>} : memref<80x128xf32, #tpu.memory_space<vmem>>, vector<1x16xf32>,
        %get3A_276 = vector.shape_cast %get3A_275 : vector<1x16xf32> to vector<16xf32>
        %add3A_277 = arith.addf %add3A_272, %get3A_276 : vector<16xf32>
        %max3A_278 = arith.constant 0.000000e+00 : f32
        %max3A_279 = vector.broadcast %max3A_278 : f32 to vector<16xf32>
        %max3A_280 = arith.maximumf %add3A_277, %max3A_279 : vector<16xf32>
        %swap3A_281 = arith.index_cast %scan3A_160 : i32 to index
        %swap3A_282 = arith.constant 48 : index
        %swap3A_283 = tpu.vector_load %arg25[%swap3A_281, %swap3A_282] {strides = array<i32>} : memref<80x128xf32, #tpu.memory_space<vmem>>, vector<1x16xf32>,
        %swap3A_284 = vector.shape_cast %swap3A_283 : vector<1x16xf32> to vector<16xf32>
        %swap3A_285 = vector.shape_cast %max3A_280 : vector<16xf32> to vector<1x16xf32>
        tpu.vector_store %arg25[%swap3A_281, %swap3A_282], %swap3A_285 {strides = array<i32>} : memref<80x128xf32, #tpu.memory_space<vmem>>, vector<1x16xf32>,
        %get3A_286 = arith.index_cast %scan3A_160 : i32 to index
        %get3A_287 = arith.constant 64 : index
        %get3A_288 = tpu.vector_load %arg25[%get3A_286, %get3A_287] {strides = array<i32>} : memref<80x128xf32, #tpu.memory_space<vmem>>, vector<1x16xf32>,
        %get3A_289 = vector.shape_cast %get3A_288 : vector<1x16xf32> to vector<16xf32>
        %get3A_290 = arith.index_cast %scan3A_160 : i32 to index
        %get3A_291 = arith.constant 64 : index
        %get3A_292 = tpu.vector_load %arg26[%get3A_290, %get3A_291] {strides = array<i32>} : memref<80x128xf32, #tpu.memory_space<vmem>>, vector<1x16xf32>,
        %get3A_293 = vector.shape_cast %get3A_292 : vector<1x16xf32> to vector<16xf32>
        %add3A_294 = arith.addf %get3A_289, %get3A_293 : vector<16xf32>
        %get3A_295 = arith.index_cast %scan3A_160 : i32 to index
        %get3A_296 = arith.constant 64 : index
        %get3A_297 = tpu.vector_load %arg27[%get3A_295, %get3A_296] {strides = array<i32>} : memref<80x128xf32, #tpu.memory_space<vmem>>, vector<1x16xf32>,
        %get3A_298 = vector.shape_cast %get3A_297 : vector<1x16xf32> to vector<16xf32>
        %add3A_299 = arith.addf %add3A_294, %get3A_298 : vector<16xf32>
        %get3A_300 = arith.index_cast %scan3A_160 : i32 to index
        %get3A_301 = arith.constant 64 : index
        %get3A_302 = tpu.vector_load %arg28[%get3A_300, %get3A_301] {strides = array<i32>} : memref<80x128xf32, #tpu.memory_space<vmem>>, vector<1x16xf32>,
        %get3A_303 = vector.shape_cast %get3A_302 : vector<1x16xf32> to vector<16xf32>
        %add3A_304 = arith.addf %add3A_299, %get3A_303 : vector<16xf32>
        %get3A_305 = arith.index_cast %scan3A_160 : i32 to index
        %get3A_306 = arith.constant 64 : index
        %get3A_307 = tpu.vector_load %arg29[%get3A_305, %get3A_306] {strides = array<i32>} : memref<80x128xf32, #tpu.memory_space<vmem>>, vector<1x16xf32>,
        %get3A_308 = vector.shape_cast %get3A_307 : vector<1x16xf32> to vector<16xf32>
        %add3A_309 = arith.addf %add3A_304, %get3A_308 : vector<16xf32>
        %max3A_310 = arith.constant 0.000000e+00 : f32
        %max3A_311 = vector.broadcast %max3A_310 : f32 to vector<16xf32>
        %max3A_312 = arith.maximumf %add3A_309, %max3A_311 : vector<16xf32>
        %swap3A_313 = arith.index_cast %scan3A_160 : i32 to index
        %swap3A_314 = arith.constant 64 : index
        %swap3A_315 = tpu.vector_load %arg25[%swap3A_313, %swap3A_314] {strides = array<i32>} : memref<80x128xf32, #tpu.memory_space<vmem>>, vector<1x16xf32>,
        %swap3A_316 = vector.shape_cast %swap3A_315 : vector<1x16xf32> to vector<16xf32>
        %swap3A_317 = vector.shape_cast %max3A_312 : vector<16xf32> to vector<1x16xf32>
        tpu.vector_store %arg25[%swap3A_313, %swap3A_314], %swap3A_317 {strides = array<i32>} : memref<80x128xf32, #tpu.memory_space<vmem>>, vector<1x16xf32>,
        %get3A_318 = arith.index_cast %scan3A_160 : i32 to index
        %get3A_319 = arith.constant 80 : index
        %get3A_320 = tpu.vector_load %arg25[%get3A_318, %get3A_319] {strides = array<i32>} : memref<80x128xf32, #tpu.memory_space<vmem>>, vector<1x16xf32>,
        %get3A_321 = vector.shape_cast %get3A_320 : vector<1x16xf32> to vector<16xf32>
        %get3A_322 = arith.index_cast %scan3A_160 : i32 to index
        %get3A_323 = arith.constant 80 : index
        %get3A_324 = tpu.vector_load %arg26[%get3A_322, %get3A_323] {strides = array<i32>} : memref<80x128xf32, #tpu.memory_space<vmem>>, vector<1x16xf32>,
        %get3A_325 = vector.shape_cast %get3A_324 : vector<1x16xf32> to vector<16xf32>
        %add3A_326 = arith.addf %get3A_321, %get3A_325 : vector<16xf32>
        %get3A_327 = arith.index_cast %scan3A_160 : i32 to index
        %get3A_328 = arith.constant 80 : index
        %get3A_329 = tpu.vector_load %arg27[%get3A_327, %get3A_328] {strides = array<i32>} : memref<80x128xf32, #tpu.memory_space<vmem>>, vector<1x16xf32>,
        %get3A_330 = vector.shape_cast %get3A_329 : vector<1x16xf32> to vector<16xf32>
        %add3A_331 = arith.addf %add3A_326, %get3A_330 : vector<16xf32>
        %get3A_332 = arith.index_cast %scan3A_160 : i32 to index
        %get3A_333 = arith.constant 80 : index
        %get3A_334 = tpu.vector_load %arg28[%get3A_332, %get3A_333] {strides = array<i32>} : memref<80x128xf32, #tpu.memory_space<vmem>>, vector<1x16xf32>,
        %get3A_335 = vector.shape_cast %get3A_334 : vector<1x16xf32> to vector<16xf32>
        %add3A_336 = arith.addf %add3A_331, %get3A_335 : vector<16xf32>
        %get3A_337 = arith.index_cast %scan3A_160 : i32 to index
        %get3A_338 = arith.constant 80 : index
        %get3A_339 = tpu.vector_load %arg29[%get3A_337, %get3A_338] {strides = array<i32>} : memref<80x128xf32, #tpu.memory_space<vmem>>, vector<1x16xf32>,
        %get3A_340 = vector.shape_cast %get3A_339 : vector<1x16xf32> to vector<16xf32>
        %add3A_341 = arith.addf %add3A_336, %get3A_340 : vector<16xf32>
        %max3A_342 = arith.constant 0.000000e+00 : f32
        %max3A_343 = vector.broadcast %max3A_342 : f32 to vector<16xf32>
        %max3A_344 = arith.maximumf %add3A_341, %max3A_343 : vector<16xf32>
        %swap3A_345 = arith.index_cast %scan3A_160 : i32 to index
        %swap3A_346 = arith.constant 80 : index
        %swap3A_347 = tpu.vector_load %arg25[%swap3A_345, %swap3A_346] {strides = array<i32>} : memref<80x128xf32, #tpu.memory_space<vmem>>, vector<1x16xf32>,
        %swap3A_348 = vector.shape_cast %swap3A_347 : vector<1x16xf32> to vector<16xf32>
        %swap3A_349 = vector.shape_cast %max3A_344 : vector<16xf32> to vector<1x16xf32>
        tpu.vector_store %arg25[%swap3A_345, %swap3A_346], %swap3A_349 {strides = array<i32>} : memref<80x128xf32, #tpu.memory_space<vmem>>, vector<1x16xf32>,
        %get3A_350 = arith.index_cast %scan3A_160 : i32 to index
        %get3A_351 = arith.constant 96 : index
        %get3A_352 = tpu.vector_load %arg25[%get3A_350, %get3A_351] {strides = array<i32>} : memref<80x128xf32, #tpu.memory_space<vmem>>, vector<1x16xf32>,
        %get3A_353 = vector.shape_cast %get3A_352 : vector<1x16xf32> to vector<16xf32>
        %get3A_354 = arith.index_cast %scan3A_160 : i32 to index
        %get3A_355 = arith.constant 96 : index
        %get3A_356 = tpu.vector_load %arg26[%get3A_354, %get3A_355] {strides = array<i32>} : memref<80x128xf32, #tpu.memory_space<vmem>>, vector<1x16xf32>,
        %get3A_357 = vector.shape_cast %get3A_356 : vector<1x16xf32> to vector<16xf32>
        %add3A_358 = arith.addf %get3A_353, %get3A_357 : vector<16xf32>
        %get3A_359 = arith.index_cast %scan3A_160 : i32 to index
        %get3A_360 = arith.constant 96 : index
        %get3A_361 = tpu.vector_load %arg27[%get3A_359, %get3A_360] {strides = array<i32>} : memref<80x128xf32, #tpu.memory_space<vmem>>, vector<1x16xf32>,
        %get3A_362 = vector.shape_cast %get3A_361 : vector<1x16xf32> to vector<16xf32>
        %add3A_363 = arith.addf %add3A_358, %get3A_362 : vector<16xf32>
        %get3A_364 = arith.index_cast %scan3A_160 : i32 to index
        %get3A_365 = arith.constant 96 : index
        %get3A_366 = tpu.vector_load %arg28[%get3A_364, %get3A_365] {strides = array<i32>} : memref<80x128xf32, #tpu.memory_space<vmem>>, vector<1x16xf32>,
        %get3A_367 = vector.shape_cast %get3A_366 : vector<1x16xf32> to vector<16xf32>
        %add3A_368 = arith.addf %add3A_363, %get3A_367 : vector<16xf32>
        %get3A_369 = arith.index_cast %scan3A_160 : i32 to index
        %get3A_370 = arith.constant 96 : index
        %get3A_371 = tpu.vector_load %arg29[%get3A_369, %get3A_370] {strides = array<i32>} : memref<80x128xf32, #tpu.memory_space<vmem>>, vector<1x16xf32>,
        %get3A_372 = vector.shape_cast %get3A_371 : vector<1x16xf32> to vector<16xf32>
        %add3A_373 = arith.addf %add3A_368, %get3A_372 : vector<16xf32>
        %max3A_374 = arith.constant 0.000000e+00 : f32
        %max3A_375 = vector.broadcast %max3A_374 : f32 to vector<16xf32>
        %max3A_376 = arith.maximumf %add3A_373, %max3A_375 : vector<16xf32>
        %swap3A_377 = arith.index_cast %scan3A_160 : i32 to index
        %swap3A_378 = arith.constant 96 : index
        %swap3A_379 = tpu.vector_load %arg25[%swap3A_377, %swap3A_378] {strides = array<i32>} : memref<80x128xf32, #tpu.memory_space<vmem>>, vector<1x16xf32>,
        %swap3A_380 = vector.shape_cast %swap3A_379 : vector<1x16xf32> to vector<16xf32>
        %swap3A_381 = vector.shape_cast %max3A_376 : vector<16xf32> to vector<1x16xf32>
        tpu.vector_store %arg25[%swap3A_377, %swap3A_378], %swap3A_381 {strides = array<i32>} : memref<80x128xf32, #tpu.memory_space<vmem>>, vector<1x16xf32>,
        %get3A_382 = arith.index_cast %scan3A_160 : i32 to index
        %get3A_383 = arith.constant 112 : index
        %get3A_384 = tpu.vector_load %arg25[%get3A_382, %get3A_383] {strides = array<i32>} : memref<80x128xf32, #tpu.memory_space<vmem>>, vector<1x16xf32>,
        %get3A_385 = vector.shape_cast %get3A_384 : vector<1x16xf32> to vector<16xf32>
        %get3A_386 = arith.index_cast %scan3A_160 : i32 to index
        %get3A_387 = arith.constant 112 : index
        %get3A_388 = tpu.vector_load %arg26[%get3A_386, %get3A_387] {strides = array<i32>} : memref<80x128xf32, #tpu.memory_space<vmem>>, vector<1x16xf32>,
        %get3A_389 = vector.shape_cast %get3A_388 : vector<1x16xf32> to vector<16xf32>
        %add3A_390 = arith.addf %get3A_385, %get3A_389 : vector<16xf32>
        %get3A_391 = arith.index_cast %scan3A_160 : i32 to index
        %get3A_392 = arith.constant 112 : index
        %get3A_393 = tpu.vector_load %arg27[%get3A_391, %get3A_392] {strides = array<i32>} : memref<80x128xf32, #tpu.memory_space<vmem>>, vector<1x16xf32>,
        %get3A_394 = vector.shape_cast %get3A_393 : vector<1x16xf32> to vector<16xf32>
        %add3A_395 = arith.addf %add3A_390, %get3A_394 : vector<16xf32>
        %get3A_396 = arith.index_cast %scan3A_160 : i32 to index
        %get3A_397 = arith.constant 112 : index
        %get3A_398 = tpu.vector_load %arg28[%get3A_396, %get3A_397] {strides = array<i32>} : memref<80x128xf32, #tpu.memory_space<vmem>>, vector<1x16xf32>,
        %get3A_399 = vector.shape_cast %get3A_398 : vector<1x16xf32> to vector<16xf32>
        %add3A_400 = arith.addf %add3A_395, %get3A_399 : vector<16xf32>
        %get3A_401 = arith.index_cast %scan3A_160 : i32 to index
        %get3A_402 = arith.constant 112 : index
        %get3A_403 = tpu.vector_load %arg29[%get3A_401, %get3A_402] {strides = array<i32>} : memref<80x128xf32, #tpu.memory_space<vmem>>, vector<1x16xf32>,
        %get3A_404 = vector.shape_cast %get3A_403 : vector<1x16xf32> to vector<16xf32>
        %add3A_405 = arith.addf %add3A_400, %get3A_404 : vector<16xf32>
        %max3A_406 = arith.constant 0.000000e+00 : f32
        %max3A_407 = vector.broadcast %max3A_406 : f32 to vector<16xf32>
        %max3A_408 = arith.maximumf %add3A_405, %max3A_407 : vector<16xf32>
        %swap3A_409 = arith.index_cast %scan3A_160 : i32 to index
        %swap3A_410 = arith.constant 112 : index
        %swap3A_411 = tpu.vector_load %arg25[%swap3A_409, %swap3A_410] {strides = array<i32>} : memref<80x128xf32, #tpu.memory_space<vmem>>, vector<1x16xf32>,
        %swap3A_412 = vector.shape_cast %swap3A_411 : vector<1x16xf32> to vector<16xf32>
        %swap3A_413 = vector.shape_cast %max3A_408 : vector<16xf32> to vector<1x16xf32>
        tpu.vector_store %arg25[%swap3A_409, %swap3A_410], %swap3A_413 {strides = array<i32>} : memref<80x128xf32, #tpu.memory_space<vmem>>, vector<1x16xf32>,
      }
      %scan3A_159 = arith.constant 80 : i32
      "tpu.region"() ({
        %run_scoped3A = tpu.sem_alloc : memref<!tpu.dma_semaphore, #tpu.memory_space<semaphore_mem>>
        %dma_start3A_160 = arith.constant 0 : i32
        %dma_start3A_161 = tpu.memref_slice %arg11[%add3A_123, %dma_start3A_160] : memref<102400x128xf32, #tpu.memory_space<hbm>> -> memref<80x128xf32, #tpu.memory_space<hbm>>
        %dma_start3A_162 = arith.constant 0 : i32
        %dma_start3A_163 = tpu.memref_slice %arg11[%add3A_123, %dma_start3A_162] : memref<102400x128xf32, #tpu.memory_space<hbm>> -> memref<80x128xf32, #tpu.memory_space<hbm>>
        tpu.enqueue_dma source(%arg25 : memref<80x128xf32, #tpu.memory_space<vmem>>) target(%dma_start3A_163 : memref<80x128xf32, #tpu.memory_space<hbm>>) target_semaphore(%run_scoped3A : memref<!tpu.dma_semaphore, #tpu.memory_space<semaphore_mem>>)
        %dma_wait3A_164 = arith.constant 0 : i32
        %dma_wait3A_165 = tpu.memref_slice %arg11[%add3A_123, %dma_wait3A_164] : memref<102400x128xf32, #tpu.memory_space<hbm>> -> memref<80x128xf32, #tpu.memory_space<hbm>>
        %dma_wait3A_166 = arith.constant 0 : i32
        %dma_wait3A_167 = tpu.memref_slice %arg11[%add3A_123, %dma_wait3A_166] : memref<102400x128xf32, #tpu.memory_space<hbm>> -> memref<80x128xf32, #tpu.memory_space<hbm>>
        tpu.wait_dma2 semaphore(%run_scoped3A : memref<!tpu.dma_semaphore, #tpu.memory_space<semaphore_mem>>) src(%arg25 : memref<80x128xf32, #tpu.memory_space<vmem>>) dst(%dma_wait3A_167 : memref<80x128xf32, #tpu.memory_space<hbm>>)
        tpu.yield
      }) : () -> ()
    }
    %while3A_54 = arith.constant 1 : i32
    scf.for %while3A_55 = %while3A_52 to %while3A_48 step %while3A_54  : i32 {
      %mul3A_56 = arith.constant 2 : i32
      %mul3A_57 = arith.muli %mul3A_56, %while3A_55 : i32
      %add3A_58 = arith.constant 1 : i32
      %add3A_59 = arith.addi %mul3A_57, %add3A_58 : i32
      %mul3A_60 = arith.constant 80 : i32
      %mul3A_61 = arith.muli %add3A_59, %mul3A_60 : i32
      %add3A_62 = arith.addi %mul3A_10, %mul3A_61 : i32
      "tpu.region"() ({
        %run_scoped3A = tpu.sem_alloc : memref<!tpu.dma_semaphore, #tpu.memory_space<semaphore_mem>>
        %dma_start3A_160 = tpu.memref_slice %arg7[%add3A_62] : memref<102400xi32, #tpu.memory_space<hbm>> -> memref<80xi32, #tpu.memory_space<hbm>>
        %dma_start3A_161 = tpu.memref_slice %arg7[%add3A_62] : memref<102400xi32, #tpu.memory_space<hbm>> -> memref<80xi32, #tpu.memory_space<hbm>>
        tpu.enqueue_dma source(%dma_start3A_161 : memref<80xi32, #tpu.memory_space<hbm>>) target(%arg21 : memref<80xi32, #tpu.memory_space<vmem>>) target_semaphore(%run_scoped3A : memref<!tpu.dma_semaphore, #tpu.memory_space<semaphore_mem>>)
        %dma_wait3A_162 = tpu.memref_slice %arg7[%add3A_62] : memref<102400xi32, #tpu.memory_space<hbm>> -> memref<80xi32, #tpu.memory_space<hbm>>
        %dma_wait3A_163 = tpu.memref_slice %arg7[%add3A_62] : memref<102400xi32, #tpu.memory_space<hbm>> -> memref<80xi32, #tpu.memory_space<hbm>>
        tpu.wait_dma2 semaphore(%run_scoped3A : memref<!tpu.dma_semaphore, #tpu.memory_space<semaphore_mem>>) src(%dma_wait3A_163 : memref<80xi32, #tpu.memory_space<hbm>>) dst(%arg21 : memref<80xi32, #tpu.memory_space<vmem>>)
        tpu.yield
      }) : () -> ()
      "tpu.region"() ({
        %run_scoped3A = tpu.sem_alloc : memref<!tpu.dma_semaphore, #tpu.memory_space<semaphore_mem>>
        %dma_start3A_160 = tpu.memref_slice %arg8[%add3A_62] : memref<102400xi32, #tpu.memory_space<hbm>> -> memref<80xi32, #tpu.memory_space<hbm>>
        %dma_start3A_161 = tpu.memref_slice %arg8[%add3A_62] : memref<102400xi32, #tpu.memory_space<hbm>> -> memref<80xi32, #tpu.memory_space<hbm>>
        tpu.enqueue_dma source(%dma_start3A_161 : memref<80xi32, #tpu.memory_space<hbm>>) target(%arg22 : memref<80xi32, #tpu.memory_space<vmem>>) target_semaphore(%run_scoped3A : memref<!tpu.dma_semaphore, #tpu.memory_space<semaphore_mem>>)
        %dma_wait3A_162 = tpu.memref_slice %arg8[%add3A_62] : memref<102400xi32, #tpu.memory_space<hbm>> -> memref<80xi32, #tpu.memory_space<hbm>>
        %dma_wait3A_163 = tpu.memref_slice %arg8[%add3A_62] : memref<102400xi32, #tpu.memory_space<hbm>> -> memref<80xi32, #tpu.memory_space<hbm>>
        tpu.wait_dma2 semaphore(%run_scoped3A : memref<!tpu.dma_semaphore, #tpu.memory_space<semaphore_mem>>) src(%dma_wait3A_163 : memref<80xi32, #tpu.memory_space<hbm>>) dst(%arg22 : memref<80xi32, #tpu.memory_space<vmem>>)
        tpu.yield
      }) : () -> ()
      "tpu.region"() ({
        %run_scoped3A = tpu.sem_alloc : memref<!tpu.dma_semaphore, #tpu.memory_space<semaphore_mem>>
        %dma_start3A_160 = tpu.memref_slice %arg9[%add3A_62] : memref<102400xi32, #tpu.memory_space<hbm>> -> memref<80xi32, #tpu.memory_space<hbm>>
        %dma_start3A_161 = tpu.memref_slice %arg9[%add3A_62] : memref<102400xi32, #tpu.memory_space<hbm>> -> memref<80xi32, #tpu.memory_space<hbm>>
        tpu.enqueue_dma source(%dma_start3A_161 : memref<80xi32, #tpu.memory_space<hbm>>) target(%arg23 : memref<80xi32, #tpu.memory_space<vmem>>) target_semaphore(%run_scoped3A : memref<!tpu.dma_semaphore, #tpu.memory_space<semaphore_mem>>)
        %dma_wait3A_162 = tpu.memref_slice %arg9[%add3A_62] : memref<102400xi32, #tpu.memory_space<hbm>> -> memref<80xi32, #tpu.memory_space<hbm>>
        %dma_wait3A_163 = tpu.memref_slice %arg9[%add3A_62] : memref<102400xi32, #tpu.memory_space<hbm>> -> memref<80xi32, #tpu.memory_space<hbm>>
        tpu.wait_dma2 semaphore(%run_scoped3A : memref<!tpu.dma_semaphore, #tpu.memory_space<semaphore_mem>>) src(%dma_wait3A_163 : memref<80xi32, #tpu.memory_space<hbm>>) dst(%arg23 : memref<80xi32, #tpu.memory_space<vmem>>)
        tpu.yield
      }) : () -> ()
      "tpu.region"() ({
        %run_scoped3A = tpu.sem_alloc : memref<!tpu.dma_semaphore, #tpu.memory_space<semaphore_mem>>
        %dma_start3A_160 = tpu.memref_slice %arg10[%add3A_62] : memref<102400xi32, #tpu.memory_space<hbm>> -> memref<80xi32, #tpu.memory_space<hbm>>
        %dma_start3A_161 = tpu.memref_slice %arg10[%add3A_62] : memref<102400xi32, #tpu.memory_space<hbm>> -> memref<80xi32, #tpu.memory_space<hbm>>
        tpu.enqueue_dma source(%dma_start3A_161 : memref<80xi32, #tpu.memory_space<hbm>>) target(%arg24 : memref<80xi32, #tpu.memory_space<vmem>>) target_semaphore(%run_scoped3A : memref<!tpu.dma_semaphore, #tpu.memory_space<semaphore_mem>>)
        %dma_wait3A_162 = tpu.memref_slice %arg10[%add3A_62] : memref<102400xi32, #tpu.memory_space<hbm>> -> memref<80xi32, #tpu.memory_space<hbm>>
        %dma_wait3A_163 = tpu.memref_slice %arg10[%add3A_62] : memref<102400xi32, #tpu.memory_space<hbm>> -> memref<80xi32, #tpu.memory_space<hbm>>
        tpu.wait_dma2 semaphore(%run_scoped3A : memref<!tpu.dma_semaphore, #tpu.memory_space<semaphore_mem>>) src(%dma_wait3A_163 : memref<80xi32, #tpu.memory_space<hbm>>) dst(%arg24 : memref<80xi32, #tpu.memory_space<vmem>>)
        tpu.yield
      }) : () -> ()
      %dma_start3A_63 = arith.constant 0 : i32
      %dma_start3A_64 = arith.constant 0 : i32
      %dma_start3A_65 = tpu.memref_slice %arg3[%dma_start3A_63, %dma_start3A_64] : memref<102400x128xf32, #tpu.memory_space<hbm>> -> memref<102400x128xf32, #tpu.memory_space<hbm>>
      tpu.enqueue_indirect_dma source(%dma_start3A_65 : memref<102400x128xf32, #tpu.memory_space<hbm>>) target(%arg26 : memref<80x128xf32, #tpu.memory_space<vmem>>) offsets(%arg21 : memref<80xi32, #tpu.memory_space<vmem>>) semaphore(%arg35 : memref<!tpu.dma_semaphore, #tpu.memory_space<semaphore_mem>>)
      %dma_start3A_66 = arith.constant 0 : i32
      %dma_start3A_67 = arith.constant 0 : i32
      %dma_start3A_68 = tpu.memref_slice %arg4[%dma_start3A_66, %dma_start3A_67] : memref<102400x128xf32, #tpu.memory_space<hbm>> -> memref<102400x128xf32, #tpu.memory_space<hbm>>
      tpu.enqueue_indirect_dma source(%dma_start3A_68 : memref<102400x128xf32, #tpu.memory_space<hbm>>) target(%arg27 : memref<80x128xf32, #tpu.memory_space<vmem>>) offsets(%arg22 : memref<80xi32, #tpu.memory_space<vmem>>) semaphore(%arg36 : memref<!tpu.dma_semaphore, #tpu.memory_space<semaphore_mem>>)
      %dma_start3A_69 = arith.constant 0 : i32
      %dma_start3A_70 = arith.constant 0 : i32
      %dma_start3A_71 = tpu.memref_slice %arg5[%dma_start3A_69, %dma_start3A_70] : memref<102400x128xf32, #tpu.memory_space<hbm>> -> memref<102400x128xf32, #tpu.memory_space<hbm>>
      tpu.enqueue_indirect_dma source(%dma_start3A_71 : memref<102400x128xf32, #tpu.memory_space<hbm>>) target(%arg28 : memref<80x128xf32, #tpu.memory_space<vmem>>) offsets(%arg23 : memref<80xi32, #tpu.memory_space<vmem>>) semaphore(%arg37 : memref<!tpu.dma_semaphore, #tpu.memory_space<semaphore_mem>>)
      %dma_start3A_72 = arith.constant 0 : i32
      %dma_start3A_73 = arith.constant 0 : i32
      %dma_start3A_74 = tpu.memref_slice %arg6[%dma_start3A_72, %dma_start3A_73] : memref<102400x128xf32, #tpu.memory_space<hbm>> -> memref<102400x128xf32, #tpu.memory_space<hbm>>
      tpu.enqueue_indirect_dma source(%dma_start3A_74 : memref<102400x128xf32, #tpu.memory_space<hbm>>) target(%arg29 : memref<80x128xf32, #tpu.memory_space<vmem>>) offsets(%arg24 : memref<80xi32, #tpu.memory_space<vmem>>) semaphore(%arg38 : memref<!tpu.dma_semaphore, #tpu.memory_space<semaphore_mem>>)
      %dma_start3A_75 = arith.constant 0 : i32
      %dma_start3A_76 = tpu.memref_slice %arg2[%add3A_62, %dma_start3A_75] : memref<102400x128xf32, #tpu.memory_space<hbm>> -> memref<80x128xf32, #tpu.memory_space<hbm>>
      %dma_start3A_77 = arith.constant 0 : i32
      %dma_start3A_78 = tpu.memref_slice %arg2[%add3A_62, %dma_start3A_77] : memref<102400x128xf32, #tpu.memory_space<hbm>> -> memref<80x128xf32, #tpu.memory_space<hbm>>
      tpu.enqueue_dma source(%dma_start3A_78 : memref<80x128xf32, #tpu.memory_space<hbm>>) target(%arg25 : memref<80x128xf32, #tpu.memory_space<vmem>>) target_semaphore(%arg39 : memref<!tpu.dma_semaphore, #tpu.memory_space<semaphore_mem>>)
      %mul3A_79 = arith.constant 80 : i32
      %mul3A_80 = arith.muli %mul3A_57, %mul3A_79 : i32
      %add3A_81 = arith.addi %mul3A_10, %mul3A_80 : i32
      %dma_wait3A = arith.constant 0 : i32
      %dma_wait3A_82 = arith.constant 0 : i32
      %dma_wait3A_83 = tpu.memref_slice %arg3[%dma_wait3A, %dma_wait3A_82] : memref<102400x128xf32, #tpu.memory_space<hbm>> -> memref<80x128xf32, #tpu.memory_space<hbm>>
      %dma_wait3A_84 = arith.constant 0 : i32
      %dma_wait3A_85 = arith.constant 0 : i32
      %dma_wait3A_86 = tpu.memref_slice %arg3[%dma_wait3A_84, %dma_wait3A_85] : memref<102400x128xf32, #tpu.memory_space<hbm>> -> memref<80x128xf32, #tpu.memory_space<hbm>>
      tpu.wait_dma2 semaphore(%arg30 : memref<!tpu.dma_semaphore, #tpu.memory_space<semaphore_mem>>) src(%dma_wait3A_86 : memref<80x128xf32, #tpu.memory_space<hbm>>) dst(%arg17 : memref<80x128xf32, #tpu.memory_space<vmem>>)
      %dma_wait3A_87 = arith.constant 0 : i32
      %dma_wait3A_88 = arith.constant 0 : i32
      %dma_wait3A_89 = tpu.memref_slice %arg4[%dma_wait3A_87, %dma_wait3A_88] : memref<102400x128xf32, #tpu.memory_space<hbm>> -> memref<80x128xf32, #tpu.memory_space<hbm>>
      %dma_wait3A_90 = arith.constant 0 : i32
      %dma_wait3A_91 = arith.constant 0 : i32
      %dma_wait3A_92 = tpu.memref_slice %arg4[%dma_wait3A_90, %dma_wait3A_91] : memref<102400x128xf32, #tpu.memory_space<hbm>> -> memref<80x128xf32, #tpu.memory_space<hbm>>
      tpu.wait_dma2 semaphore(%arg31 : memref<!tpu.dma_semaphore, #tpu.memory_space<semaphore_mem>>) src(%dma_wait3A_92 : memref<80x128xf32, #tpu.memory_space<hbm>>) dst(%arg18 : memref<80x128xf32, #tpu.memory_space<vmem>>)
      %dma_wait3A_93 = arith.constant 0 : i32
      %dma_wait3A_94 = arith.constant 0 : i32
      %dma_wait3A_95 = tpu.memref_slice %arg5[%dma_wait3A_93, %dma_wait3A_94] : memref<102400x128xf32, #tpu.memory_space<hbm>> -> memref<80x128xf32, #tpu.memory_space<hbm>>
      %dma_wait3A_96 = arith.constant 0 : i32
      %dma_wait3A_97 = arith.constant 0 : i32
      %dma_wait3A_98 = tpu.memref_slice %arg5[%dma_wait3A_96, %dma_wait3A_97] : memref<102400x128xf32, #tpu.memory_space<hbm>> -> memref<80x128xf32, #tpu.memory_space<hbm>>
      tpu.wait_dma2 semaphore(%arg32 : memref<!tpu.dma_semaphore, #tpu.memory_space<semaphore_mem>>) src(%dma_wait3A_98 : memref<80x128xf32, #tpu.memory_space<hbm>>) dst(%arg19 : memref<80x128xf32, #tpu.memory_space<vmem>>)
      %dma_wait3A_99 = arith.constant 0 : i32
      %dma_wait3A_100 = arith.constant 0 : i32
      %dma_wait3A_101 = tpu.memref_slice %arg6[%dma_wait3A_99, %dma_wait3A_100] : memref<102400x128xf32, #tpu.memory_space<hbm>> -> memref<80x128xf32, #tpu.memory_space<hbm>>
      %dma_wait3A_102 = arith.constant 0 : i32
      %dma_wait3A_103 = arith.constant 0 : i32
      %dma_wait3A_104 = tpu.memref_slice %arg6[%dma_wait3A_102, %dma_wait3A_103] : memref<102400x128xf32, #tpu.memory_space<hbm>> -> memref<80x128xf32, #tpu.memory_space<hbm>>
      tpu.wait_dma2 semaphore(%arg33 : memref<!tpu.dma_semaphore, #tpu.memory_space<semaphore_mem>>) src(%dma_wait3A_104 : memref<80x128xf32, #tpu.memory_space<hbm>>) dst(%arg20 : memref<80x128xf32, #tpu.memory_space<vmem>>)
      %dma_wait3A_105 = arith.constant 0 : i32
      %dma_wait3A_106 = arith.constant 0 : i32
      %dma_wait3A_107 = tpu.memref_slice %arg2[%dma_wait3A_105, %dma_wait3A_106] : memref<102400x128xf32, #tpu.memory_space<hbm>> -> memref<80x128xf32, #tpu.memory_space<hbm>>
      %dma_wait3A_108 = arith.constant 0 : i32
      %dma_wait3A_109 = arith.constant 0 : i32
      %dma_wait3A_110 = tpu.memref_slice %arg2[%dma_wait3A_108, %dma_wait3A_109] : memref<102400x128xf32, #tpu.memory_space<hbm>> -> memref<80x128xf32, #tpu.memory_space<hbm>>
      tpu.wait_dma2 semaphore(%arg34 : memref<!tpu.dma_semaphore, #tpu.memory_space<semaphore_mem>>) src(%dma_wait3A_110 : memref<80x128xf32, #tpu.memory_space<hbm>>) dst(%arg16 : memref<80x128xf32, #tpu.memory_space<vmem>>)
      %scan3A = arith.constant 0 : i32
      %scan3A_111 = arith.constant 0 : i32
      %scan3A_112 = arith.constant 80 : i32
      %scan3A_113 = arith.addi %scan3A_111, %scan3A_112 : i32
      %scan3A_114 = arith.constant 1 : i32
      scf.for %scan3A_160 = %scan3A_111 to %scan3A_113 step %scan3A_114  : i32 {
        %get3A = arith.index_cast %scan3A_160 : i32 to index
        %get3A_161 = arith.constant 0 : index
        %get3A_162 = tpu.vector_load %arg16[%get3A, %get3A_161] {strides = array<i32>} : memref<80x128xf32, #tpu.memory_space<vmem>>, vector<1x16xf32>,
        %get3A_163 = vector.shape_cast %get3A_162 : vector<1x16xf32> to vector<16xf32>
        %get3A_164 = arith.index_cast %scan3A_160 : i32 to index
        %get3A_165 = arith.constant 0 : index
        %get3A_166 = tpu.vector_load %arg17[%get3A_164, %get3A_165] {strides = array<i32>} : memref<80x128xf32, #tpu.memory_space<vmem>>, vector<1x16xf32>,
        %get3A_167 = vector.shape_cast %get3A_166 : vector<1x16xf32> to vector<16xf32>
        %add3A_168 = arith.addf %get3A_163, %get3A_167 : vector<16xf32>
        %get3A_169 = arith.index_cast %scan3A_160 : i32 to index
        %get3A_170 = arith.constant 0 : index
        %get3A_171 = tpu.vector_load %arg18[%get3A_169, %get3A_170] {strides = array<i32>} : memref<80x128xf32, #tpu.memory_space<vmem>>, vector<1x16xf32>,
        %get3A_172 = vector.shape_cast %get3A_171 : vector<1x16xf32> to vector<16xf32>
        %add3A_173 = arith.addf %add3A_168, %get3A_172 : vector<16xf32>
        %get3A_174 = arith.index_cast %scan3A_160 : i32 to index
        %get3A_175 = arith.constant 0 : index
        %get3A_176 = tpu.vector_load %arg19[%get3A_174, %get3A_175] {strides = array<i32>} : memref<80x128xf32, #tpu.memory_space<vmem>>, vector<1x16xf32>,
        %get3A_177 = vector.shape_cast %get3A_176 : vector<1x16xf32> to vector<16xf32>
        %add3A_178 = arith.addf %add3A_173, %get3A_177 : vector<16xf32>
        %get3A_179 = arith.index_cast %scan3A_160 : i32 to index
        %get3A_180 = arith.constant 0 : index
        %get3A_181 = tpu.vector_load %arg20[%get3A_179, %get3A_180] {strides = array<i32>} : memref<80x128xf32, #tpu.memory_space<vmem>>, vector<1x16xf32>,
        %get3A_182 = vector.shape_cast %get3A_181 : vector<1x16xf32> to vector<16xf32>
        %add3A_183 = arith.addf %add3A_178, %get3A_182 : vector<16xf32>
        %max3A = arith.constant 0.000000e+00 : f32
        %max3A_184 = vector.broadcast %max3A : f32 to vector<16xf32>
        %max3A_185 = arith.maximumf %add3A_183, %max3A_184 : vector<16xf32>
        %swap3A = arith.index_cast %scan3A_160 : i32 to index
        %swap3A_186 = arith.constant 0 : index
        %swap3A_187 = tpu.vector_load %arg16[%swap3A, %swap3A_186] {strides = array<i32>} : memref<80x128xf32, #tpu.memory_space<vmem>>, vector<1x16xf32>,
        %swap3A_188 = vector.shape_cast %swap3A_187 : vector<1x16xf32> to vector<16xf32>
        %swap3A_189 = vector.shape_cast %max3A_185 : vector<16xf32> to vector<1x16xf32>
        tpu.vector_store %arg16[%swap3A, %swap3A_186], %swap3A_189 {strides = array<i32>} : memref<80x128xf32, #tpu.memory_space<vmem>>, vector<1x16xf32>,
        %get3A_190 = arith.index_cast %scan3A_160 : i32 to index
        %get3A_191 = arith.constant 16 : index
        %get3A_192 = tpu.vector_load %arg16[%get3A_190, %get3A_191] {strides = array<i32>} : memref<80x128xf32, #tpu.memory_space<vmem>>, vector<1x16xf32>,
        %get3A_193 = vector.shape_cast %get3A_192 : vector<1x16xf32> to vector<16xf32>
        %get3A_194 = arith.index_cast %scan3A_160 : i32 to index
        %get3A_195 = arith.constant 16 : index
        %get3A_196 = tpu.vector_load %arg17[%get3A_194, %get3A_195] {strides = array<i32>} : memref<80x128xf32, #tpu.memory_space<vmem>>, vector<1x16xf32>,
        %get3A_197 = vector.shape_cast %get3A_196 : vector<1x16xf32> to vector<16xf32>
        %add3A_198 = arith.addf %get3A_193, %get3A_197 : vector<16xf32>
        %get3A_199 = arith.index_cast %scan3A_160 : i32 to index
        %get3A_200 = arith.constant 16 : index
        %get3A_201 = tpu.vector_load %arg18[%get3A_199, %get3A_200] {strides = array<i32>} : memref<80x128xf32, #tpu.memory_space<vmem>>, vector<1x16xf32>,
        %get3A_202 = vector.shape_cast %get3A_201 : vector<1x16xf32> to vector<16xf32>
        %add3A_203 = arith.addf %add3A_198, %get3A_202 : vector<16xf32>
        %get3A_204 = arith.index_cast %scan3A_160 : i32 to index
        %get3A_205 = arith.constant 16 : index
        %get3A_206 = tpu.vector_load %arg19[%get3A_204, %get3A_205] {strides = array<i32>} : memref<80x128xf32, #tpu.memory_space<vmem>>, vector<1x16xf32>,
        %get3A_207 = vector.shape_cast %get3A_206 : vector<1x16xf32> to vector<16xf32>
        %add3A_208 = arith.addf %add3A_203, %get3A_207 : vector<16xf32>
        %get3A_209 = arith.index_cast %scan3A_160 : i32 to index
        %get3A_210 = arith.constant 16 : index
        %get3A_211 = tpu.vector_load %arg20[%get3A_209, %get3A_210] {strides = array<i32>} : memref<80x128xf32, #tpu.memory_space<vmem>>, vector<1x16xf32>,
        %get3A_212 = vector.shape_cast %get3A_211 : vector<1x16xf32> to vector<16xf32>
        %add3A_213 = arith.addf %add3A_208, %get3A_212 : vector<16xf32>
        %max3A_214 = arith.constant 0.000000e+00 : f32
        %max3A_215 = vector.broadcast %max3A_214 : f32 to vector<16xf32>
        %max3A_216 = arith.maximumf %add3A_213, %max3A_215 : vector<16xf32>
        %swap3A_217 = arith.index_cast %scan3A_160 : i32 to index
        %swap3A_218 = arith.constant 16 : index
        %swap3A_219 = tpu.vector_load %arg16[%swap3A_217, %swap3A_218] {strides = array<i32>} : memref<80x128xf32, #tpu.memory_space<vmem>>, vector<1x16xf32>,
        %swap3A_220 = vector.shape_cast %swap3A_219 : vector<1x16xf32> to vector<16xf32>
        %swap3A_221 = vector.shape_cast %max3A_216 : vector<16xf32> to vector<1x16xf32>
        tpu.vector_store %arg16[%swap3A_217, %swap3A_218], %swap3A_221 {strides = array<i32>} : memref<80x128xf32, #tpu.memory_space<vmem>>, vector<1x16xf32>,
        %get3A_222 = arith.index_cast %scan3A_160 : i32 to index
        %get3A_223 = arith.constant 32 : index
        %get3A_224 = tpu.vector_load %arg16[%get3A_222, %get3A_223] {strides = array<i32>} : memref<80x128xf32, #tpu.memory_space<vmem>>, vector<1x16xf32>,
        %get3A_225 = vector.shape_cast %get3A_224 : vector<1x16xf32> to vector<16xf32>
        %get3A_226 = arith.index_cast %scan3A_160 : i32 to index
        %get3A_227 = arith.constant 32 : index
        %get3A_228 = tpu.vector_load %arg17[%get3A_226, %get3A_227] {strides = array<i32>} : memref<80x128xf32, #tpu.memory_space<vmem>>, vector<1x16xf32>,
        %get3A_229 = vector.shape_cast %get3A_228 : vector<1x16xf32> to vector<16xf32>
        %add3A_230 = arith.addf %get3A_225, %get3A_229 : vector<16xf32>
        %get3A_231 = arith.index_cast %scan3A_160 : i32 to index
        %get3A_232 = arith.constant 32 : index
        %get3A_233 = tpu.vector_load %arg18[%get3A_231, %get3A_232] {strides = array<i32>} : memref<80x128xf32, #tpu.memory_space<vmem>>, vector<1x16xf32>,
        %get3A_234 = vector.shape_cast %get3A_233 : vector<1x16xf32> to vector<16xf32>
        %add3A_235 = arith.addf %add3A_230, %get3A_234 : vector<16xf32>
        %get3A_236 = arith.index_cast %scan3A_160 : i32 to index
        %get3A_237 = arith.constant 32 : index
        %get3A_238 = tpu.vector_load %arg19[%get3A_236, %get3A_237] {strides = array<i32>} : memref<80x128xf32, #tpu.memory_space<vmem>>, vector<1x16xf32>,
        %get3A_239 = vector.shape_cast %get3A_238 : vector<1x16xf32> to vector<16xf32>
        %add3A_240 = arith.addf %add3A_235, %get3A_239 : vector<16xf32>
        %get3A_241 = arith.index_cast %scan3A_160 : i32 to index
        %get3A_242 = arith.constant 32 : index
        %get3A_243 = tpu.vector_load %arg20[%get3A_241, %get3A_242] {strides = array<i32>} : memref<80x128xf32, #tpu.memory_space<vmem>>, vector<1x16xf32>,
        %get3A_244 = vector.shape_cast %get3A_243 : vector<1x16xf32> to vector<16xf32>
        %add3A_245 = arith.addf %add3A_240, %get3A_244 : vector<16xf32>
        %max3A_246 = arith.constant 0.000000e+00 : f32
        %max3A_247 = vector.broadcast %max3A_246 : f32 to vector<16xf32>
        %max3A_248 = arith.maximumf %add3A_245, %max3A_247 : vector<16xf32>
        %swap3A_249 = arith.index_cast %scan3A_160 : i32 to index
        %swap3A_250 = arith.constant 32 : index
        %swap3A_251 = tpu.vector_load %arg16[%swap3A_249, %swap3A_250] {strides = array<i32>} : memref<80x128xf32, #tpu.memory_space<vmem>>, vector<1x16xf32>,
        %swap3A_252 = vector.shape_cast %swap3A_251 : vector<1x16xf32> to vector<16xf32>
        %swap3A_253 = vector.shape_cast %max3A_248 : vector<16xf32> to vector<1x16xf32>
        tpu.vector_store %arg16[%swap3A_249, %swap3A_250], %swap3A_253 {strides = array<i32>} : memref<80x128xf32, #tpu.memory_space<vmem>>, vector<1x16xf32>,
        %get3A_254 = arith.index_cast %scan3A_160 : i32 to index
        %get3A_255 = arith.constant 48 : index
        %get3A_256 = tpu.vector_load %arg16[%get3A_254, %get3A_255] {strides = array<i32>} : memref<80x128xf32, #tpu.memory_space<vmem>>, vector<1x16xf32>,
        %get3A_257 = vector.shape_cast %get3A_256 : vector<1x16xf32> to vector<16xf32>
        %get3A_258 = arith.index_cast %scan3A_160 : i32 to index
        %get3A_259 = arith.constant 48 : index
        %get3A_260 = tpu.vector_load %arg17[%get3A_258, %get3A_259] {strides = array<i32>} : memref<80x128xf32, #tpu.memory_space<vmem>>, vector<1x16xf32>,
        %get3A_261 = vector.shape_cast %get3A_260 : vector<1x16xf32> to vector<16xf32>
        %add3A_262 = arith.addf %get3A_257, %get3A_261 : vector<16xf32>
        %get3A_263 = arith.index_cast %scan3A_160 : i32 to index
        %get3A_264 = arith.constant 48 : index
        %get3A_265 = tpu.vector_load %arg18[%get3A_263, %get3A_264] {strides = array<i32>} : memref<80x128xf32, #tpu.memory_space<vmem>>, vector<1x16xf32>,
        %get3A_266 = vector.shape_cast %get3A_265 : vector<1x16xf32> to vector<16xf32>
        %add3A_267 = arith.addf %add3A_262, %get3A_266 : vector<16xf32>
        %get3A_268 = arith.index_cast %scan3A_160 : i32 to index
        %get3A_269 = arith.constant 48 : index
        %get3A_270 = tpu.vector_load %arg19[%get3A_268, %get3A_269] {strides = array<i32>} : memref<80x128xf32, #tpu.memory_space<vmem>>, vector<1x16xf32>,
        %get3A_271 = vector.shape_cast %get3A_270 : vector<1x16xf32> to vector<16xf32>
        %add3A_272 = arith.addf %add3A_267, %get3A_271 : vector<16xf32>
        %get3A_273 = arith.index_cast %scan3A_160 : i32 to index
        %get3A_274 = arith.constant 48 : index
        %get3A_275 = tpu.vector_load %arg20[%get3A_273, %get3A_274] {strides = array<i32>} : memref<80x128xf32, #tpu.memory_space<vmem>>, vector<1x16xf32>,
        %get3A_276 = vector.shape_cast %get3A_275 : vector<1x16xf32> to vector<16xf32>
        %add3A_277 = arith.addf %add3A_272, %get3A_276 : vector<16xf32>
        %max3A_278 = arith.constant 0.000000e+00 : f32
        %max3A_279 = vector.broadcast %max3A_278 : f32 to vector<16xf32>
        %max3A_280 = arith.maximumf %add3A_277, %max3A_279 : vector<16xf32>
        %swap3A_281 = arith.index_cast %scan3A_160 : i32 to index
        %swap3A_282 = arith.constant 48 : index
        %swap3A_283 = tpu.vector_load %arg16[%swap3A_281, %swap3A_282] {strides = array<i32>} : memref<80x128xf32, #tpu.memory_space<vmem>>, vector<1x16xf32>,
        %swap3A_284 = vector.shape_cast %swap3A_283 : vector<1x16xf32> to vector<16xf32>
        %swap3A_285 = vector.shape_cast %max3A_280 : vector<16xf32> to vector<1x16xf32>
        tpu.vector_store %arg16[%swap3A_281, %swap3A_282], %swap3A_285 {strides = array<i32>} : memref<80x128xf32, #tpu.memory_space<vmem>>, vector<1x16xf32>,
        %get3A_286 = arith.index_cast %scan3A_160 : i32 to index
        %get3A_287 = arith.constant 64 : index
        %get3A_288 = tpu.vector_load %arg16[%get3A_286, %get3A_287] {strides = array<i32>} : memref<80x128xf32, #tpu.memory_space<vmem>>, vector<1x16xf32>,
        %get3A_289 = vector.shape_cast %get3A_288 : vector<1x16xf32> to vector<16xf32>
        %get3A_290 = arith.index_cast %scan3A_160 : i32 to index
        %get3A_291 = arith.constant 64 : index
        %get3A_292 = tpu.vector_load %arg17[%get3A_290, %get3A_291] {strides = array<i32>} : memref<80x128xf32, #tpu.memory_space<vmem>>, vector<1x16xf32>,
        %get3A_293 = vector.shape_cast %get3A_292 : vector<1x16xf32> to vector<16xf32>
        %add3A_294 = arith.addf %get3A_289, %get3A_293 : vector<16xf32>
        %get3A_295 = arith.index_cast %scan3A_160 : i32 to index
        %get3A_296 = arith.constant 64 : index
        %get3A_297 = tpu.vector_load %arg18[%get3A_295, %get3A_296] {strides = array<i32>} : memref<80x128xf32, #tpu.memory_space<vmem>>, vector<1x16xf32>,
        %get3A_298 = vector.shape_cast %get3A_297 : vector<1x16xf32> to vector<16xf32>
        %add3A_299 = arith.addf %add3A_294, %get3A_298 : vector<16xf32>
        %get3A_300 = arith.index_cast %scan3A_160 : i32 to index
        %get3A_301 = arith.constant 64 : index
        %get3A_302 = tpu.vector_load %arg19[%get3A_300, %get3A_301] {strides = array<i32>} : memref<80x128xf32, #tpu.memory_space<vmem>>, vector<1x16xf32>,
        %get3A_303 = vector.shape_cast %get3A_302 : vector<1x16xf32> to vector<16xf32>
        %add3A_304 = arith.addf %add3A_299, %get3A_303 : vector<16xf32>
        %get3A_305 = arith.index_cast %scan3A_160 : i32 to index
        %get3A_306 = arith.constant 64 : index
        %get3A_307 = tpu.vector_load %arg20[%get3A_305, %get3A_306] {strides = array<i32>} : memref<80x128xf32, #tpu.memory_space<vmem>>, vector<1x16xf32>,
        %get3A_308 = vector.shape_cast %get3A_307 : vector<1x16xf32> to vector<16xf32>
        %add3A_309 = arith.addf %add3A_304, %get3A_308 : vector<16xf32>
        %max3A_310 = arith.constant 0.000000e+00 : f32
        %max3A_311 = vector.broadcast %max3A_310 : f32 to vector<16xf32>
        %max3A_312 = arith.maximumf %add3A_309, %max3A_311 : vector<16xf32>
        %swap3A_313 = arith.index_cast %scan3A_160 : i32 to index
        %swap3A_314 = arith.constant 64 : index
        %swap3A_315 = tpu.vector_load %arg16[%swap3A_313, %swap3A_314] {strides = array<i32>} : memref<80x128xf32, #tpu.memory_space<vmem>>, vector<1x16xf32>,
        %swap3A_316 = vector.shape_cast %swap3A_315 : vector<1x16xf32> to vector<16xf32>
        %swap3A_317 = vector.shape_cast %max3A_312 : vector<16xf32> to vector<1x16xf32>
        tpu.vector_store %arg16[%swap3A_313, %swap3A_314], %swap3A_317 {strides = array<i32>} : memref<80x128xf32, #tpu.memory_space<vmem>>, vector<1x16xf32>,
        %get3A_318 = arith.index_cast %scan3A_160 : i32 to index
        %get3A_319 = arith.constant 80 : index
        %get3A_320 = tpu.vector_load %arg16[%get3A_318, %get3A_319] {strides = array<i32>} : memref<80x128xf32, #tpu.memory_space<vmem>>, vector<1x16xf32>,
        %get3A_321 = vector.shape_cast %get3A_320 : vector<1x16xf32> to vector<16xf32>
        %get3A_322 = arith.index_cast %scan3A_160 : i32 to index
        %get3A_323 = arith.constant 80 : index
        %get3A_324 = tpu.vector_load %arg17[%get3A_322, %get3A_323] {strides = array<i32>} : memref<80x128xf32, #tpu.memory_space<vmem>>, vector<1x16xf32>,
        %get3A_325 = vector.shape_cast %get3A_324 : vector<1x16xf32> to vector<16xf32>
        %add3A_326 = arith.addf %get3A_321, %get3A_325 : vector<16xf32>
        %get3A_327 = arith.index_cast %scan3A_160 : i32 to index
        %get3A_328 = arith.constant 80 : index
        %get3A_329 = tpu.vector_load %arg18[%get3A_327, %get3A_328] {strides = array<i32>} : memref<80x128xf32, #tpu.memory_space<vmem>>, vector<1x16xf32>,
        %get3A_330 = vector.shape_cast %get3A_329 : vector<1x16xf32> to vector<16xf32>
        %add3A_331 = arith.addf %add3A_326, %get3A_330 : vector<16xf32>
        %get3A_332 = arith.index_cast %scan3A_160 : i32 to index
        %get3A_333 = arith.constant 80 : index
        %get3A_334 = tpu.vector_load %arg19[%get3A_332, %get3A_333] {strides = array<i32>} : memref<80x128xf32, #tpu.memory_space<vmem>>, vector<1x16xf32>,
        %get3A_335 = vector.shape_cast %get3A_334 : vector<1x16xf32> to vector<16xf32>
        %add3A_336 = arith.addf %add3A_331, %get3A_335 : vector<16xf32>
        %get3A_337 = arith.index_cast %scan3A_160 : i32 to index
        %get3A_338 = arith.constant 80 : index
        %get3A_339 = tpu.vector_load %arg20[%get3A_337, %get3A_338] {strides = array<i32>} : memref<80x128xf32, #tpu.memory_space<vmem>>, vector<1x16xf32>,
        %get3A_340 = vector.shape_cast %get3A_339 : vector<1x16xf32> to vector<16xf32>
        %add3A_341 = arith.addf %add3A_336, %get3A_340 : vector<16xf32>
        %max3A_342 = arith.constant 0.000000e+00 : f32
        %max3A_343 = vector.broadcast %max3A_342 : f32 to vector<16xf32>
        %max3A_344 = arith.maximumf %add3A_341, %max3A_343 : vector<16xf32>
        %swap3A_345 = arith.index_cast %scan3A_160 : i32 to index
        %swap3A_346 = arith.constant 80 : index
        %swap3A_347 = tpu.vector_load %arg16[%swap3A_345, %swap3A_346] {strides = array<i32>} : memref<80x128xf32, #tpu.memory_space<vmem>>, vector<1x16xf32>,
        %swap3A_348 = vector.shape_cast %swap3A_347 : vector<1x16xf32> to vector<16xf32>
        %swap3A_349 = vector.shape_cast %max3A_344 : vector<16xf32> to vector<1x16xf32>
        tpu.vector_store %arg16[%swap3A_345, %swap3A_346], %swap3A_349 {strides = array<i32>} : memref<80x128xf32, #tpu.memory_space<vmem>>, vector<1x16xf32>,
        %get3A_350 = arith.index_cast %scan3A_160 : i32 to index
        %get3A_351 = arith.constant 96 : index
        %get3A_352 = tpu.vector_load %arg16[%get3A_350, %get3A_351] {strides = array<i32>} : memref<80x128xf32, #tpu.memory_space<vmem>>, vector<1x16xf32>,
        %get3A_353 = vector.shape_cast %get3A_352 : vector<1x16xf32> to vector<16xf32>
        %get3A_354 = arith.index_cast %scan3A_160 : i32 to index
        %get3A_355 = arith.constant 96 : index
        %get3A_356 = tpu.vector_load %arg17[%get3A_354, %get3A_355] {strides = array<i32>} : memref<80x128xf32, #tpu.memory_space<vmem>>, vector<1x16xf32>,
        %get3A_357 = vector.shape_cast %get3A_356 : vector<1x16xf32> to vector<16xf32>
        %add3A_358 = arith.addf %get3A_353, %get3A_357 : vector<16xf32>
        %get3A_359 = arith.index_cast %scan3A_160 : i32 to index
        %get3A_360 = arith.constant 96 : index
        %get3A_361 = tpu.vector_load %arg18[%get3A_359, %get3A_360] {strides = array<i32>} : memref<80x128xf32, #tpu.memory_space<vmem>>, vector<1x16xf32>,
        %get3A_362 = vector.shape_cast %get3A_361 : vector<1x16xf32> to vector<16xf32>
        %add3A_363 = arith.addf %add3A_358, %get3A_362 : vector<16xf32>
        %get3A_364 = arith.index_cast %scan3A_160 : i32 to index
        %get3A_365 = arith.constant 96 : index
        %get3A_366 = tpu.vector_load %arg19[%get3A_364, %get3A_365] {strides = array<i32>} : memref<80x128xf32, #tpu.memory_space<vmem>>, vector<1x16xf32>,
        %get3A_367 = vector.shape_cast %get3A_366 : vector<1x16xf32> to vector<16xf32>
        %add3A_368 = arith.addf %add3A_363, %get3A_367 : vector<16xf32>
        %get3A_369 = arith.index_cast %scan3A_160 : i32 to index
        %get3A_370 = arith.constant 96 : index
        %get3A_371 = tpu.vector_load %arg20[%get3A_369, %get3A_370] {strides = array<i32>} : memref<80x128xf32, #tpu.memory_space<vmem>>, vector<1x16xf32>,
        %get3A_372 = vector.shape_cast %get3A_371 : vector<1x16xf32> to vector<16xf32>
        %add3A_373 = arith.addf %add3A_368, %get3A_372 : vector<16xf32>
        %max3A_374 = arith.constant 0.000000e+00 : f32
        %max3A_375 = vector.broadcast %max3A_374 : f32 to vector<16xf32>
        %max3A_376 = arith.maximumf %add3A_373, %max3A_375 : vector<16xf32>
        %swap3A_377 = arith.index_cast %scan3A_160 : i32 to index
        %swap3A_378 = arith.constant 96 : index
        %swap3A_379 = tpu.vector_load %arg16[%swap3A_377, %swap3A_378] {strides = array<i32>} : memref<80x128xf32, #tpu.memory_space<vmem>>, vector<1x16xf32>,
        %swap3A_380 = vector.shape_cast %swap3A_379 : vector<1x16xf32> to vector<16xf32>
        %swap3A_381 = vector.shape_cast %max3A_376 : vector<16xf32> to vector<1x16xf32>
        tpu.vector_store %arg16[%swap3A_377, %swap3A_378], %swap3A_381 {strides = array<i32>} : memref<80x128xf32, #tpu.memory_space<vmem>>, vector<1x16xf32>,
        %get3A_382 = arith.index_cast %scan3A_160 : i32 to index
        %get3A_383 = arith.constant 112 : index
        %get3A_384 = tpu.vector_load %arg16[%get3A_382, %get3A_383] {strides = array<i32>} : memref<80x128xf32, #tpu.memory_space<vmem>>, vector<1x16xf32>,
        %get3A_385 = vector.shape_cast %get3A_384 : vector<1x16xf32> to vector<16xf32>
        %get3A_386 = arith.index_cast %scan3A_160 : i32 to index
        %get3A_387 = arith.constant 112 : index
        %get3A_388 = tpu.vector_load %arg17[%get3A_386, %get3A_387] {strides = array<i32>} : memref<80x128xf32, #tpu.memory_space<vmem>>, vector<1x16xf32>,
        %get3A_389 = vector.shape_cast %get3A_388 : vector<1x16xf32> to vector<16xf32>
        %add3A_390 = arith.addf %get3A_385, %get3A_389 : vector<16xf32>
        %get3A_391 = arith.index_cast %scan3A_160 : i32 to index
        %get3A_392 = arith.constant 112 : index
        %get3A_393 = tpu.vector_load %arg18[%get3A_391, %get3A_392] {strides = array<i32>} : memref<80x128xf32, #tpu.memory_space<vmem>>, vector<1x16xf32>,
        %get3A_394 = vector.shape_cast %get3A_393 : vector<1x16xf32> to vector<16xf32>
        %add3A_395 = arith.addf %add3A_390, %get3A_394 : vector<16xf32>
        %get3A_396 = arith.index_cast %scan3A_160 : i32 to index
        %get3A_397 = arith.constant 112 : index
        %get3A_398 = tpu.vector_load %arg19[%get3A_396, %get3A_397] {strides = array<i32>} : memref<80x128xf32, #tpu.memory_space<vmem>>, vector<1x16xf32>,
        %get3A_399 = vector.shape_cast %get3A_398 : vector<1x16xf32> to vector<16xf32>
        %add3A_400 = arith.addf %add3A_395, %get3A_399 : vector<16xf32>
        %get3A_401 = arith.index_cast %scan3A_160 : i32 to index
        %get3A_402 = arith.constant 112 : index
        %get3A_403 = tpu.vector_load %arg20[%get3A_401, %get3A_402] {strides = array<i32>} : memref<80x128xf32, #tpu.memory_space<vmem>>, vector<1x16xf32>,
        %get3A_404 = vector.shape_cast %get3A_403 : vector<1x16xf32> to vector<16xf32>
        %add3A_405 = arith.addf %add3A_400, %get3A_404 : vector<16xf32>
        %max3A_406 = arith.constant 0.000000e+00 : f32
        %max3A_407 = vector.broadcast %max3A_406 : f32 to vector<16xf32>
        %max3A_408 = arith.maximumf %add3A_405, %max3A_407 : vector<16xf32>
        %swap3A_409 = arith.index_cast %scan3A_160 : i32 to index
        %swap3A_410 = arith.constant 112 : index
        %swap3A_411 = tpu.vector_load %arg16[%swap3A_409, %swap3A_410] {strides = array<i32>} : memref<80x128xf32, #tpu.memory_space<vmem>>, vector<1x16xf32>,
        %swap3A_412 = vector.shape_cast %swap3A_411 : vector<1x16xf32> to vector<16xf32>
        %swap3A_413 = vector.shape_cast %max3A_408 : vector<16xf32> to vector<1x16xf32>
        tpu.vector_store %arg16[%swap3A_409, %swap3A_410], %swap3A_413 {strides = array<i32>} : memref<80x128xf32, #tpu.memory_space<vmem>>, vector<1x16xf32>,
      }
      %scan3A_115 = arith.constant 80 : i32
      "tpu.region"() ({
        %run_scoped3A = tpu.sem_alloc : memref<!tpu.dma_semaphore, #tpu.memory_space<semaphore_mem>>
        %dma_start3A_160 = arith.constant 0 : i32
        %dma_start3A_161 = tpu.memref_slice %arg11[%add3A_81, %dma_start3A_160] : memref<102400x128xf32, #tpu.memory_space<hbm>> -> memref<80x128xf32, #tpu.memory_space<hbm>>
        %dma_start3A_162 = arith.constant 0 : i32
        %dma_start3A_163 = tpu.memref_slice %arg11[%add3A_81, %dma_start3A_162] : memref<102400x128xf32, #tpu.memory_space<hbm>> -> memref<80x128xf32, #tpu.memory_space<hbm>>
        tpu.enqueue_dma source(%arg16 : memref<80x128xf32, #tpu.memory_space<vmem>>) target(%dma_start3A_163 : memref<80x128xf32, #tpu.memory_space<hbm>>) target_semaphore(%run_scoped3A : memref<!tpu.dma_semaphore, #tpu.memory_space<semaphore_mem>>)
        %dma_wait3A_164 = arith.constant 0 : i32
        %dma_wait3A_165 = tpu.memref_slice %arg11[%add3A_81, %dma_wait3A_164] : memref<102400x128xf32, #tpu.memory_space<hbm>> -> memref<80x128xf32, #tpu.memory_space<hbm>>
        %dma_wait3A_166 = arith.constant 0 : i32
        %dma_wait3A_167 = tpu.memref_slice %arg11[%add3A_81, %dma_wait3A_166] : memref<102400x128xf32, #tpu.memory_space<hbm>> -> memref<80x128xf32, #tpu.memory_space<hbm>>
        tpu.wait_dma2 semaphore(%run_scoped3A : memref<!tpu.dma_semaphore, #tpu.memory_space<semaphore_mem>>) src(%arg16 : memref<80x128xf32, #tpu.memory_space<vmem>>) dst(%dma_wait3A_167 : memref<80x128xf32, #tpu.memory_space<hbm>>)
        tpu.yield
      }) : () -> ()
      %add3A_116 = arith.constant 2 : i32
      %add3A_117 = arith.addi %mul3A_57, %add3A_116 : i32
      %lt3A = arith.cmpi slt, %add3A_117, %select_n3A : i32
      %convert_element_type3A = arith.extui %lt3A : i1 to i32
      %cond3A = arith.constant 0 : i32
      %cond3A_118 = arith.cmpi ne, %convert_element_type3A, %cond3A : i32
      scf.if %cond3A_118 {
        %add3A_160 = arith.constant 2 : i32
        %add3A_161 = arith.addi %mul3A_57, %add3A_160 : i32
        %mul3A_162 = arith.constant 80 : i32
        %mul3A_163 = arith.muli %add3A_161, %mul3A_162 : i32
        %add3A_164 = arith.addi %mul3A_10, %mul3A_163 : i32
        "tpu.region"() ({
          %run_scoped3A = tpu.sem_alloc : memref<!tpu.dma_semaphore, #tpu.memory_space<semaphore_mem>>
          %dma_start3A_181 = tpu.memref_slice %arg7[%add3A_164] : memref<102400xi32, #tpu.memory_space<hbm>> -> memref<80xi32, #tpu.memory_space<hbm>>
          %dma_start3A_182 = tpu.memref_slice %arg7[%add3A_164] : memref<102400xi32, #tpu.memory_space<hbm>> -> memref<80xi32, #tpu.memory_space<hbm>>
          tpu.enqueue_dma source(%dma_start3A_182 : memref<80xi32, #tpu.memory_space<hbm>>) target(%arg12 : memref<80xi32, #tpu.memory_space<vmem>>) target_semaphore(%run_scoped3A : memref<!tpu.dma_semaphore, #tpu.memory_space<semaphore_mem>>)
          %dma_wait3A_183 = tpu.memref_slice %arg7[%add3A_164] : memref<102400xi32, #tpu.memory_space<hbm>> -> memref<80xi32, #tpu.memory_space<hbm>>
          %dma_wait3A_184 = tpu.memref_slice %arg7[%add3A_164] : memref<102400xi32, #tpu.memory_space<hbm>> -> memref<80xi32, #tpu.memory_space<hbm>>
          tpu.wait_dma2 semaphore(%run_scoped3A : memref<!tpu.dma_semaphore, #tpu.memory_space<semaphore_mem>>) src(%dma_wait3A_184 : memref<80xi32, #tpu.memory_space<hbm>>) dst(%arg12 : memref<80xi32, #tpu.memory_space<vmem>>)
          tpu.yield
        }) : () -> ()
        "tpu.region"() ({
          %run_scoped3A = tpu.sem_alloc : memref<!tpu.dma_semaphore, #tpu.memory_space<semaphore_mem>>
          %dma_start3A_181 = tpu.memref_slice %arg8[%add3A_164] : memref<102400xi32, #tpu.memory_space<hbm>> -> memref<80xi32, #tpu.memory_space<hbm>>
          %dma_start3A_182 = tpu.memref_slice %arg8[%add3A_164] : memref<102400xi32, #tpu.memory_space<hbm>> -> memref<80xi32, #tpu.memory_space<hbm>>
          tpu.enqueue_dma source(%dma_start3A_182 : memref<80xi32, #tpu.memory_space<hbm>>) target(%arg13 : memref<80xi32, #tpu.memory_space<vmem>>) target_semaphore(%run_scoped3A : memref<!tpu.dma_semaphore, #tpu.memory_space<semaphore_mem>>)
          %dma_wait3A_183 = tpu.memref_slice %arg8[%add3A_164] : memref<102400xi32, #tpu.memory_space<hbm>> -> memref<80xi32, #tpu.memory_space<hbm>>
          %dma_wait3A_184 = tpu.memref_slice %arg8[%add3A_164] : memref<102400xi32, #tpu.memory_space<hbm>> -> memref<80xi32, #tpu.memory_space<hbm>>
          tpu.wait_dma2 semaphore(%run_scoped3A : memref<!tpu.dma_semaphore, #tpu.memory_space<semaphore_mem>>) src(%dma_wait3A_184 : memref<80xi32, #tpu.memory_space<hbm>>) dst(%arg13 : memref<80xi32, #tpu.memory_space<vmem>>)
          tpu.yield
        }) : () -> ()
        "tpu.region"() ({
          %run_scoped3A = tpu.sem_alloc : memref<!tpu.dma_semaphore, #tpu.memory_space<semaphore_mem>>
          %dma_start3A_181 = tpu.memref_slice %arg9[%add3A_164] : memref<102400xi32, #tpu.memory_space<hbm>> -> memref<80xi32, #tpu.memory_space<hbm>>
          %dma_start3A_182 = tpu.memref_slice %arg9[%add3A_164] : memref<102400xi32, #tpu.memory_space<hbm>> -> memref<80xi32, #tpu.memory_space<hbm>>
          tpu.enqueue_dma source(%dma_start3A_182 : memref<80xi32, #tpu.memory_space<hbm>>) target(%arg14 : memref<80xi32, #tpu.memory_space<vmem>>) target_semaphore(%run_scoped3A : memref<!tpu.dma_semaphore, #tpu.memory_space<semaphore_mem>>)
          %dma_wait3A_183 = tpu.memref_slice %arg9[%add3A_164] : memref<102400xi32, #tpu.memory_space<hbm>> -> memref<80xi32, #tpu.memory_space<hbm>>
          %dma_wait3A_184 = tpu.memref_slice %arg9[%add3A_164] : memref<102400xi32, #tpu.memory_space<hbm>> -> memref<80xi32, #tpu.memory_space<hbm>>
          tpu.wait_dma2 semaphore(%run_scoped3A : memref<!tpu.dma_semaphore, #tpu.memory_space<semaphore_mem>>) src(%dma_wait3A_184 : memref<80xi32, #tpu.memory_space<hbm>>) dst(%arg14 : memref<80xi32, #tpu.memory_space<vmem>>)
          tpu.yield
        }) : () -> ()
        "tpu.region"() ({
          %run_scoped3A = tpu.sem_alloc : memref<!tpu.dma_semaphore, #tpu.memory_space<semaphore_mem>>
          %dma_start3A_181 = tpu.memref_slice %arg10[%add3A_164] : memref<102400xi32, #tpu.memory_space<hbm>> -> memref<80xi32, #tpu.memory_space<hbm>>
          %dma_start3A_182 = tpu.memref_slice %arg10[%add3A_164] : memref<102400xi32, #tpu.memory_space<hbm>> -> memref<80xi32, #tpu.memory_space<hbm>>
          tpu.enqueue_dma source(%dma_start3A_182 : memref<80xi32, #tpu.memory_space<hbm>>) target(%arg15 : memref<80xi32, #tpu.memory_space<vmem>>) target_semaphore(%run_scoped3A : memref<!tpu.dma_semaphore, #tpu.memory_space<semaphore_mem>>)
          %dma_wait3A_183 = tpu.memref_slice %arg10[%add3A_164] : memref<102400xi32, #tpu.memory_space<hbm>> -> memref<80xi32, #tpu.memory_space<hbm>>
          %dma_wait3A_184 = tpu.memref_slice %arg10[%add3A_164] : memref<102400xi32, #tpu.memory_space<hbm>> -> memref<80xi32, #tpu.memory_space<hbm>>
          tpu.wait_dma2 semaphore(%run_scoped3A : memref<!tpu.dma_semaphore, #tpu.memory_space<semaphore_mem>>) src(%dma_wait3A_184 : memref<80xi32, #tpu.memory_space<hbm>>) dst(%arg15 : memref<80xi32, #tpu.memory_space<vmem>>)
          tpu.yield
        }) : () -> ()
        %dma_start3A_165 = arith.constant 0 : i32
        %dma_start3A_166 = arith.constant 0 : i32
        %dma_start3A_167 = tpu.memref_slice %arg3[%dma_start3A_165, %dma_start3A_166] : memref<102400x128xf32, #tpu.memory_space<hbm>> -> memref<102400x128xf32, #tpu.memory_space<hbm>>
        tpu.enqueue_indirect_dma source(%dma_start3A_167 : memref<102400x128xf32, #tpu.memory_space<hbm>>) target(%arg17 : memref<80x128xf32, #tpu.memory_space<vmem>>) offsets(%arg12 : memref<80xi32, #tpu.memory_space<vmem>>) semaphore(%arg30 : memref<!tpu.dma_semaphore, #tpu.memory_space<semaphore_mem>>)
        %dma_start3A_168 = arith.constant 0 : i32
        %dma_start3A_169 = arith.constant 0 : i32
        %dma_start3A_170 = tpu.memref_slice %arg4[%dma_start3A_168, %dma_start3A_169] : memref<102400x128xf32, #tpu.memory_space<hbm>> -> memref<102400x128xf32, #tpu.memory_space<hbm>>
        tpu.enqueue_indirect_dma source(%dma_start3A_170 : memref<102400x128xf32, #tpu.memory_space<hbm>>) target(%arg18 : memref<80x128xf32, #tpu.memory_space<vmem>>) offsets(%arg13 : memref<80xi32, #tpu.memory_space<vmem>>) semaphore(%arg31 : memref<!tpu.dma_semaphore, #tpu.memory_space<semaphore_mem>>)
        %dma_start3A_171 = arith.constant 0 : i32
        %dma_start3A_172 = arith.constant 0 : i32
        %dma_start3A_173 = tpu.memref_slice %arg5[%dma_start3A_171, %dma_start3A_172] : memref<102400x128xf32, #tpu.memory_space<hbm>> -> memref<102400x128xf32, #tpu.memory_space<hbm>>
        tpu.enqueue_indirect_dma source(%dma_start3A_173 : memref<102400x128xf32, #tpu.memory_space<hbm>>) target(%arg19 : memref<80x128xf32, #tpu.memory_space<vmem>>) offsets(%arg14 : memref<80xi32, #tpu.memory_space<vmem>>) semaphore(%arg32 : memref<!tpu.dma_semaphore, #tpu.memory_space<semaphore_mem>>)
        %dma_start3A_174 = arith.constant 0 : i32
        %dma_start3A_175 = arith.constant 0 : i32
        %dma_start3A_176 = tpu.memref_slice %arg6[%dma_start3A_174, %dma_start3A_175] : memref<102400x128xf32, #tpu.memory_space<hbm>> -> memref<102400x128xf32, #tpu.memory_space<hbm>>
        tpu.enqueue_indirect_dma source(%dma_start3A_176 : memref<102400x128xf32, #tpu.memory_space<hbm>>) target(%arg20 : memref<80x128xf32, #tpu.memory_space<vmem>>) offsets(%arg15 : memref<80xi32, #tpu.memory_space<vmem>>) semaphore(%arg33 : memref<!tpu.dma_semaphore, #tpu.memory_space<semaphore_mem>>)
        %dma_start3A_177 = arith.constant 0 : i32
        %dma_start3A_178 = tpu.memref_slice %arg2[%add3A_164, %dma_start3A_177] : memref<102400x128xf32, #tpu.memory_space<hbm>> -> memref<80x128xf32, #tpu.memory_space<hbm>>
        %dma_start3A_179 = arith.constant 0 : i32
        %dma_start3A_180 = tpu.memref_slice %arg2[%add3A_164, %dma_start3A_179] : memref<102400x128xf32, #tpu.memory_space<hbm>> -> memref<80x128xf32, #tpu.memory_space<hbm>>
        tpu.enqueue_dma source(%dma_start3A_180 : memref<80x128xf32, #tpu.memory_space<hbm>>) target(%arg16 : memref<80x128xf32, #tpu.memory_space<vmem>>) target_semaphore(%arg34 : memref<!tpu.dma_semaphore, #tpu.memory_space<semaphore_mem>>)
      } else {
      }
      %add3A_119 = arith.constant 1 : i32
      %add3A_120 = arith.addi %mul3A_57, %add3A_119 : i32
      %mul3A_121 = arith.constant 80 : i32
      %mul3A_122 = arith.muli %add3A_120, %mul3A_121 : i32
      %add3A_123 = arith.addi %mul3A_10, %mul3A_122 : i32
      %dma_wait3A_124 = arith.constant 0 : i32
      %dma_wait3A_125 = arith.constant 0 : i32
      %dma_wait3A_126 = tpu.memref_slice %arg3[%dma_wait3A_124, %dma_wait3A_125] : memref<102400x128xf32, #tpu.memory_space<hbm>> -> memref<80x128xf32, #tpu.memory_space<hbm>>
      %dma_wait3A_127 = arith.constant 0 : i32
      %dma_wait3A_128 = arith.constant 0 : i32
      %dma_wait3A_129 = tpu.memref_slice %arg3[%dma_wait3A_127, %dma_wait3A_128] : memref<102400x128xf32, #tpu.memory_space<hbm>> -> memref<80x128xf32, #tpu.memory_space<hbm>>
      tpu.wait_dma2 semaphore(%arg35 : memref<!tpu.dma_semaphore, #tpu.memory_space<semaphore_mem>>) src(%dma_wait3A_129 : memref<80x128xf32, #tpu.memory_space<hbm>>) dst(%arg26 : memref<80x128xf32, #tpu.memory_space<vmem>>)
      %dma_wait3A_130 = arith.constant 0 : i32
      %dma_wait3A_131 = arith.constant 0 : i32
      %dma_wait3A_132 = tpu.memref_slice %arg4[%dma_wait3A_130, %dma_wait3A_131] : memref<102400x128xf32, #tpu.memory_space<hbm>> -> memref<80x128xf32, #tpu.memory_space<hbm>>
      %dma_wait3A_133 = arith.constant 0 : i32
      %dma_wait3A_134 = arith.constant 0 : i32
      %dma_wait3A_135 = tpu.memref_slice %arg4[%dma_wait3A_133, %dma_wait3A_134] : memref<102400x128xf32, #tpu.memory_space<hbm>> -> memref<80x128xf32, #tpu.memory_space<hbm>>
      tpu.wait_dma2 semaphore(%arg36 : memref<!tpu.dma_semaphore, #tpu.memory_space<semaphore_mem>>) src(%dma_wait3A_135 : memref<80x128xf32, #tpu.memory_space<hbm>>) dst(%arg27 : memref<80x128xf32, #tpu.memory_space<vmem>>)
      %dma_wait3A_136 = arith.constant 0 : i32
      %dma_wait3A_137 = arith.constant 0 : i32
      %dma_wait3A_138 = tpu.memref_slice %arg5[%dma_wait3A_136, %dma_wait3A_137] : memref<102400x128xf32, #tpu.memory_space<hbm>> -> memref<80x128xf32, #tpu.memory_space<hbm>>
      %dma_wait3A_139 = arith.constant 0 : i32
      %dma_wait3A_140 = arith.constant 0 : i32
      %dma_wait3A_141 = tpu.memref_slice %arg5[%dma_wait3A_139, %dma_wait3A_140] : memref<102400x128xf32, #tpu.memory_space<hbm>> -> memref<80x128xf32, #tpu.memory_space<hbm>>
      tpu.wait_dma2 semaphore(%arg37 : memref<!tpu.dma_semaphore, #tpu.memory_space<semaphore_mem>>) src(%dma_wait3A_141 : memref<80x128xf32, #tpu.memory_space<hbm>>) dst(%arg28 : memref<80x128xf32, #tpu.memory_space<vmem>>)
      %dma_wait3A_142 = arith.constant 0 : i32
      %dma_wait3A_143 = arith.constant 0 : i32
      %dma_wait3A_144 = tpu.memref_slice %arg6[%dma_wait3A_142, %dma_wait3A_143] : memref<102400x128xf32, #tpu.memory_space<hbm>> -> memref<80x128xf32, #tpu.memory_space<hbm>>
      %dma_wait3A_145 = arith.constant 0 : i32
      %dma_wait3A_146 = arith.constant 0 : i32
      %dma_wait3A_147 = tpu.memref_slice %arg6[%dma_wait3A_145, %dma_wait3A_146] : memref<102400x128xf32, #tpu.memory_space<hbm>> -> memref<80x128xf32, #tpu.memory_space<hbm>>
      tpu.wait_dma2 semaphore(%arg38 : memref<!tpu.dma_semaphore, #tpu.memory_space<semaphore_mem>>) src(%dma_wait3A_147 : memref<80x128xf32, #tpu.memory_space<hbm>>) dst(%arg29 : memref<80x128xf32, #tpu.memory_space<vmem>>)
      %dma_wait3A_148 = arith.constant 0 : i32
      %dma_wait3A_149 = arith.constant 0 : i32
      %dma_wait3A_150 = tpu.memref_slice %arg2[%dma_wait3A_148, %dma_wait3A_149] : memref<102400x128xf32, #tpu.memory_space<hbm>> -> memref<80x128xf32, #tpu.memory_space<hbm>>
      %dma_wait3A_151 = arith.constant 0 : i32
      %dma_wait3A_152 = arith.constant 0 : i32
      %dma_wait3A_153 = tpu.memref_slice %arg2[%dma_wait3A_151, %dma_wait3A_152] : memref<102400x128xf32, #tpu.memory_space<hbm>> -> memref<80x128xf32, #tpu.memory_space<hbm>>
      tpu.wait_dma2 semaphore(%arg39 : memref<!tpu.dma_semaphore, #tpu.memory_space<semaphore_mem>>) src(%dma_wait3A_153 : memref<80x128xf32, #tpu.memory_space<hbm>>) dst(%arg25 : memref<80x128xf32, #tpu.memory_space<vmem>>)
      %scan3A_154 = arith.constant 0 : i32
      %scan3A_155 = arith.constant 0 : i32
      %scan3A_156 = arith.constant 80 : i32
      %scan3A_157 = arith.addi %scan3A_155, %scan3A_156 : i32
      %scan3A_158 = arith.constant 1 : i32
      scf.for %scan3A_160 = %scan3A_155 to %scan3A_157 step %scan3A_158  : i32 {
        %get3A = arith.index_cast %scan3A_160 : i32 to index
        %get3A_161 = arith.constant 0 : index
        %get3A_162 = tpu.vector_load %arg25[%get3A, %get3A_161] {strides = array<i32>} : memref<80x128xf32, #tpu.memory_space<vmem>>, vector<1x16xf32>,
        %get3A_163 = vector.shape_cast %get3A_162 : vector<1x16xf32> to vector<16xf32>
        %get3A_164 = arith.index_cast %scan3A_160 : i32 to index
        %get3A_165 = arith.constant 0 : index
        %get3A_166 = tpu.vector_load %arg26[%get3A_164, %get3A_165] {strides = array<i32>} : memref<80x128xf32, #tpu.memory_space<vmem>>, vector<1x16xf32>,
        %get3A_167 = vector.shape_cast %get3A_166 : vector<1x16xf32> to vector<16xf32>
        %add3A_168 = arith.addf %get3A_163, %get3A_167 : vector<16xf32>
        %get3A_169 = arith.index_cast %scan3A_160 : i32 to index
        %get3A_170 = arith.constant 0 : index
        %get3A_171 = tpu.vector_load %arg27[%get3A_169, %get3A_170] {strides = array<i32>} : memref<80x128xf32, #tpu.memory_space<vmem>>, vector<1x16xf32>,
        %get3A_172 = vector.shape_cast %get3A_171 : vector<1x16xf32> to vector<16xf32>
        %add3A_173 = arith.addf %add3A_168, %get3A_172 : vector<16xf32>
        %get3A_174 = arith.index_cast %scan3A_160 : i32 to index
        %get3A_175 = arith.constant 0 : index
        %get3A_176 = tpu.vector_load %arg28[%get3A_174, %get3A_175] {strides = array<i32>} : memref<80x128xf32, #tpu.memory_space<vmem>>, vector<1x16xf32>,
        %get3A_177 = vector.shape_cast %get3A_176 : vector<1x16xf32> to vector<16xf32>
        %add3A_178 = arith.addf %add3A_173, %get3A_177 : vector<16xf32>
        %get3A_179 = arith.index_cast %scan3A_160 : i32 to index
        %get3A_180 = arith.constant 0 : index
        %get3A_181 = tpu.vector_load %arg29[%get3A_179, %get3A_180] {strides = array<i32>} : memref<80x128xf32, #tpu.memory_space<vmem>>, vector<1x16xf32>,
        %get3A_182 = vector.shape_cast %get3A_181 : vector<1x16xf32> to vector<16xf32>
        %add3A_183 = arith.addf %add3A_178, %get3A_182 : vector<16xf32>
        %max3A = arith.constant 0.000000e+00 : f32
        %max3A_184 = vector.broadcast %max3A : f32 to vector<16xf32>
        %max3A_185 = arith.maximumf %add3A_183, %max3A_184 : vector<16xf32>
        %swap3A = arith.index_cast %scan3A_160 : i32 to index
        %swap3A_186 = arith.constant 0 : index
        %swap3A_187 = tpu.vector_load %arg25[%swap3A, %swap3A_186] {strides = array<i32>} : memref<80x128xf32, #tpu.memory_space<vmem>>, vector<1x16xf32>,
        %swap3A_188 = vector.shape_cast %swap3A_187 : vector<1x16xf32> to vector<16xf32>
        %swap3A_189 = vector.shape_cast %max3A_185 : vector<16xf32> to vector<1x16xf32>
        tpu.vector_store %arg25[%swap3A, %swap3A_186], %swap3A_189 {strides = array<i32>} : memref<80x128xf32, #tpu.memory_space<vmem>>, vector<1x16xf32>,
        %get3A_190 = arith.index_cast %scan3A_160 : i32 to index
        %get3A_191 = arith.constant 16 : index
        %get3A_192 = tpu.vector_load %arg25[%get3A_190, %get3A_191] {strides = array<i32>} : memref<80x128xf32, #tpu.memory_space<vmem>>, vector<1x16xf32>,
        %get3A_193 = vector.shape_cast %get3A_192 : vector<1x16xf32> to vector<16xf32>
        %get3A_194 = arith.index_cast %scan3A_160 : i32 to index
        %get3A_195 = arith.constant 16 : index
        %get3A_196 = tpu.vector_load %arg26[%get3A_194, %get3A_195] {strides = array<i32>} : memref<80x128xf32, #tpu.memory_space<vmem>>, vector<1x16xf32>,
        %get3A_197 = vector.shape_cast %get3A_196 : vector<1x16xf32> to vector<16xf32>
        %add3A_198 = arith.addf %get3A_193, %get3A_197 : vector<16xf32>
        %get3A_199 = arith.index_cast %scan3A_160 : i32 to index
        %get3A_200 = arith.constant 16 : index
        %get3A_201 = tpu.vector_load %arg27[%get3A_199, %get3A_200] {strides = array<i32>} : memref<80x128xf32, #tpu.memory_space<vmem>>, vector<1x16xf32>,
        %get3A_202 = vector.shape_cast %get3A_201 : vector<1x16xf32> to vector<16xf32>
        %add3A_203 = arith.addf %add3A_198, %get3A_202 : vector<16xf32>
        %get3A_204 = arith.index_cast %scan3A_160 : i32 to index
        %get3A_205 = arith.constant 16 : index
        %get3A_206 = tpu.vector_load %arg28[%get3A_204, %get3A_205] {strides = array<i32>} : memref<80x128xf32, #tpu.memory_space<vmem>>, vector<1x16xf32>,
        %get3A_207 = vector.shape_cast %get3A_206 : vector<1x16xf32> to vector<16xf32>
        %add3A_208 = arith.addf %add3A_203, %get3A_207 : vector<16xf32>
        %get3A_209 = arith.index_cast %scan3A_160 : i32 to index
        %get3A_210 = arith.constant 16 : index
        %get3A_211 = tpu.vector_load %arg29[%get3A_209, %get3A_210] {strides = array<i32>} : memref<80x128xf32, #tpu.memory_space<vmem>>, vector<1x16xf32>,
        %get3A_212 = vector.shape_cast %get3A_211 : vector<1x16xf32> to vector<16xf32>
        %add3A_213 = arith.addf %add3A_208, %get3A_212 : vector<16xf32>
        %max3A_214 = arith.constant 0.000000e+00 : f32
        %max3A_215 = vector.broadcast %max3A_214 : f32 to vector<16xf32>
        %max3A_216 = arith.maximumf %add3A_213, %max3A_215 : vector<16xf32>
        %swap3A_217 = arith.index_cast %scan3A_160 : i32 to index
        %swap3A_218 = arith.constant 16 : index
        %swap3A_219 = tpu.vector_load %arg25[%swap3A_217, %swap3A_218] {strides = array<i32>} : memref<80x128xf32, #tpu.memory_space<vmem>>, vector<1x16xf32>,
        %swap3A_220 = vector.shape_cast %swap3A_219 : vector<1x16xf32> to vector<16xf32>
        %swap3A_221 = vector.shape_cast %max3A_216 : vector<16xf32> to vector<1x16xf32>
        tpu.vector_store %arg25[%swap3A_217, %swap3A_218], %swap3A_221 {strides = array<i32>} : memref<80x128xf32, #tpu.memory_space<vmem>>, vector<1x16xf32>,
        %get3A_222 = arith.index_cast %scan3A_160 : i32 to index
        %get3A_223 = arith.constant 32 : index
        %get3A_224 = tpu.vector_load %arg25[%get3A_222, %get3A_223] {strides = array<i32>} : memref<80x128xf32, #tpu.memory_space<vmem>>, vector<1x16xf32>,
        %get3A_225 = vector.shape_cast %get3A_224 : vector<1x16xf32> to vector<16xf32>
        %get3A_226 = arith.index_cast %scan3A_160 : i32 to index
        %get3A_227 = arith.constant 32 : index
        %get3A_228 = tpu.vector_load %arg26[%get3A_226, %get3A_227] {strides = array<i32>} : memref<80x128xf32, #tpu.memory_space<vmem>>, vector<1x16xf32>,
        %get3A_229 = vector.shape_cast %get3A_228 : vector<1x16xf32> to vector<16xf32>
        %add3A_230 = arith.addf %get3A_225, %get3A_229 : vector<16xf32>
        %get3A_231 = arith.index_cast %scan3A_160 : i32 to index
        %get3A_232 = arith.constant 32 : index
        %get3A_233 = tpu.vector_load %arg27[%get3A_231, %get3A_232] {strides = array<i32>} : memref<80x128xf32, #tpu.memory_space<vmem>>, vector<1x16xf32>,
        %get3A_234 = vector.shape_cast %get3A_233 : vector<1x16xf32> to vector<16xf32>
        %add3A_235 = arith.addf %add3A_230, %get3A_234 : vector<16xf32>
        %get3A_236 = arith.index_cast %scan3A_160 : i32 to index
        %get3A_237 = arith.constant 32 : index
        %get3A_238 = tpu.vector_load %arg28[%get3A_236, %get3A_237] {strides = array<i32>} : memref<80x128xf32, #tpu.memory_space<vmem>>, vector<1x16xf32>,
        %get3A_239 = vector.shape_cast %get3A_238 : vector<1x16xf32> to vector<16xf32>
        %add3A_240 = arith.addf %add3A_235, %get3A_239 : vector<16xf32>
        %get3A_241 = arith.index_cast %scan3A_160 : i32 to index
        %get3A_242 = arith.constant 32 : index
        %get3A_243 = tpu.vector_load %arg29[%get3A_241, %get3A_242] {strides = array<i32>} : memref<80x128xf32, #tpu.memory_space<vmem>>, vector<1x16xf32>,
        %get3A_244 = vector.shape_cast %get3A_243 : vector<1x16xf32> to vector<16xf32>
        %add3A_245 = arith.addf %add3A_240, %get3A_244 : vector<16xf32>
        %max3A_246 = arith.constant 0.000000e+00 : f32
        %max3A_247 = vector.broadcast %max3A_246 : f32 to vector<16xf32>
        %max3A_248 = arith.maximumf %add3A_245, %max3A_247 : vector<16xf32>
        %swap3A_249 = arith.index_cast %scan3A_160 : i32 to index
        %swap3A_250 = arith.constant 32 : index
        %swap3A_251 = tpu.vector_load %arg25[%swap3A_249, %swap3A_250] {strides = array<i32>} : memref<80x128xf32, #tpu.memory_space<vmem>>, vector<1x16xf32>,
        %swap3A_252 = vector.shape_cast %swap3A_251 : vector<1x16xf32> to vector<16xf32>
        %swap3A_253 = vector.shape_cast %max3A_248 : vector<16xf32> to vector<1x16xf32>
        tpu.vector_store %arg25[%swap3A_249, %swap3A_250], %swap3A_253 {strides = array<i32>} : memref<80x128xf32, #tpu.memory_space<vmem>>, vector<1x16xf32>,
        %get3A_254 = arith.index_cast %scan3A_160 : i32 to index
        %get3A_255 = arith.constant 48 : index
        %get3A_256 = tpu.vector_load %arg25[%get3A_254, %get3A_255] {strides = array<i32>} : memref<80x128xf32, #tpu.memory_space<vmem>>, vector<1x16xf32>,
        %get3A_257 = vector.shape_cast %get3A_256 : vector<1x16xf32> to vector<16xf32>
        %get3A_258 = arith.index_cast %scan3A_160 : i32 to index
        %get3A_259 = arith.constant 48 : index
        %get3A_260 = tpu.vector_load %arg26[%get3A_258, %get3A_259] {strides = array<i32>} : memref<80x128xf32, #tpu.memory_space<vmem>>, vector<1x16xf32>,
        %get3A_261 = vector.shape_cast %get3A_260 : vector<1x16xf32> to vector<16xf32>
        %add3A_262 = arith.addf %get3A_257, %get3A_261 : vector<16xf32>
        %get3A_263 = arith.index_cast %scan3A_160 : i32 to index
        %get3A_264 = arith.constant 48 : index
        %get3A_265 = tpu.vector_load %arg27[%get3A_263, %get3A_264] {strides = array<i32>} : memref<80x128xf32, #tpu.memory_space<vmem>>, vector<1x16xf32>,
        %get3A_266 = vector.shape_cast %get3A_265 : vector<1x16xf32> to vector<16xf32>
        %add3A_267 = arith.addf %add3A_262, %get3A_266 : vector<16xf32>
        %get3A_268 = arith.index_cast %scan3A_160 : i32 to index
        %get3A_269 = arith.constant 48 : index
        %get3A_270 = tpu.vector_load %arg28[%get3A_268, %get3A_269] {strides = array<i32>} : memref<80x128xf32, #tpu.memory_space<vmem>>, vector<1x16xf32>,
        %get3A_271 = vector.shape_cast %get3A_270 : vector<1x16xf32> to vector<16xf32>
        %add3A_272 = arith.addf %add3A_267, %get3A_271 : vector<16xf32>
        %get3A_273 = arith.index_cast %scan3A_160 : i32 to index
        %get3A_274 = arith.constant 48 : index
        %get3A_275 = tpu.vector_load %arg29[%get3A_273, %get3A_274] {strides = array<i32>} : memref<80x128xf32, #tpu.memory_space<vmem>>, vector<1x16xf32>,
        %get3A_276 = vector.shape_cast %get3A_275 : vector<1x16xf32> to vector<16xf32>
        %add3A_277 = arith.addf %add3A_272, %get3A_276 : vector<16xf32>
        %max3A_278 = arith.constant 0.000000e+00 : f32
        %max3A_279 = vector.broadcast %max3A_278 : f32 to vector<16xf32>
        %max3A_280 = arith.maximumf %add3A_277, %max3A_279 : vector<16xf32>
        %swap3A_281 = arith.index_cast %scan3A_160 : i32 to index
        %swap3A_282 = arith.constant 48 : index
        %swap3A_283 = tpu.vector_load %arg25[%swap3A_281, %swap3A_282] {strides = array<i32>} : memref<80x128xf32, #tpu.memory_space<vmem>>, vector<1x16xf32>,
        %swap3A_284 = vector.shape_cast %swap3A_283 : vector<1x16xf32> to vector<16xf32>
        %swap3A_285 = vector.shape_cast %max3A_280 : vector<16xf32> to vector<1x16xf32>
        tpu.vector_store %arg25[%swap3A_281, %swap3A_282], %swap3A_285 {strides = array<i32>} : memref<80x128xf32, #tpu.memory_space<vmem>>, vector<1x16xf32>,
        %get3A_286 = arith.index_cast %scan3A_160 : i32 to index
        %get3A_287 = arith.constant 64 : index
        %get3A_288 = tpu.vector_load %arg25[%get3A_286, %get3A_287] {strides = array<i32>} : memref<80x128xf32, #tpu.memory_space<vmem>>, vector<1x16xf32>,
        %get3A_289 = vector.shape_cast %get3A_288 : vector<1x16xf32> to vector<16xf32>
        %get3A_290 = arith.index_cast %scan3A_160 : i32 to index
        %get3A_291 = arith.constant 64 : index
        %get3A_292 = tpu.vector_load %arg26[%get3A_290, %get3A_291] {strides = array<i32>} : memref<80x128xf32, #tpu.memory_space<vmem>>, vector<1x16xf32>,
        %get3A_293 = vector.shape_cast %get3A_292 : vector<1x16xf32> to vector<16xf32>
        %add3A_294 = arith.addf %get3A_289, %get3A_293 : vector<16xf32>
        %get3A_295 = arith.index_cast %scan3A_160 : i32 to index
        %get3A_296 = arith.constant 64 : index
        %get3A_297 = tpu.vector_load %arg27[%get3A_295, %get3A_296] {strides = array<i32>} : memref<80x128xf32, #tpu.memory_space<vmem>>, vector<1x16xf32>,
        %get3A_298 = vector.shape_cast %get3A_297 : vector<1x16xf32> to vector<16xf32>
        %add3A_299 = arith.addf %add3A_294, %get3A_298 : vector<16xf32>
        %get3A_300 = arith.index_cast %scan3A_160 : i32 to index
        %get3A_301 = arith.constant 64 : index
        %get3A_302 = tpu.vector_load %arg28[%get3A_300, %get3A_301] {strides = array<i32>} : memref<80x128xf32, #tpu.memory_space<vmem>>, vector<1x16xf32>,
        %get3A_303 = vector.shape_cast %get3A_302 : vector<1x16xf32> to vector<16xf32>
        %add3A_304 = arith.addf %add3A_299, %get3A_303 : vector<16xf32>
        %get3A_305 = arith.index_cast %scan3A_160 : i32 to index
        %get3A_306 = arith.constant 64 : index
        %get3A_307 = tpu.vector_load %arg29[%get3A_305, %get3A_306] {strides = array<i32>} : memref<80x128xf32, #tpu.memory_space<vmem>>, vector<1x16xf32>,
        %get3A_308 = vector.shape_cast %get3A_307 : vector<1x16xf32> to vector<16xf32>
        %add3A_309 = arith.addf %add3A_304, %get3A_308 : vector<16xf32>
        %max3A_310 = arith.constant 0.000000e+00 : f32
        %max3A_311 = vector.broadcast %max3A_310 : f32 to vector<16xf32>
        %max3A_312 = arith.maximumf %add3A_309, %max3A_311 : vector<16xf32>
        %swap3A_313 = arith.index_cast %scan3A_160 : i32 to index
        %swap3A_314 = arith.constant 64 : index
        %swap3A_315 = tpu.vector_load %arg25[%swap3A_313, %swap3A_314] {strides = array<i32>} : memref<80x128xf32, #tpu.memory_space<vmem>>, vector<1x16xf32>,
        %swap3A_316 = vector.shape_cast %swap3A_315 : vector<1x16xf32> to vector<16xf32>
        %swap3A_317 = vector.shape_cast %max3A_312 : vector<16xf32> to vector<1x16xf32>
        tpu.vector_store %arg25[%swap3A_313, %swap3A_314], %swap3A_317 {strides = array<i32>} : memref<80x128xf32, #tpu.memory_space<vmem>>, vector<1x16xf32>,
        %get3A_318 = arith.index_cast %scan3A_160 : i32 to index
        %get3A_319 = arith.constant 80 : index
        %get3A_320 = tpu.vector_load %arg25[%get3A_318, %get3A_319] {strides = array<i32>} : memref<80x128xf32, #tpu.memory_space<vmem>>, vector<1x16xf32>,
        %get3A_321 = vector.shape_cast %get3A_320 : vector<1x16xf32> to vector<16xf32>
        %get3A_322 = arith.index_cast %scan3A_160 : i32 to index
        %get3A_323 = arith.constant 80 : index
        %get3A_324 = tpu.vector_load %arg26[%get3A_322, %get3A_323] {strides = array<i32>} : memref<80x128xf32, #tpu.memory_space<vmem>>, vector<1x16xf32>,
        %get3A_325 = vector.shape_cast %get3A_324 : vector<1x16xf32> to vector<16xf32>
        %add3A_326 = arith.addf %get3A_321, %get3A_325 : vector<16xf32>
        %get3A_327 = arith.index_cast %scan3A_160 : i32 to index
        %get3A_328 = arith.constant 80 : index
        %get3A_329 = tpu.vector_load %arg27[%get3A_327, %get3A_328] {strides = array<i32>} : memref<80x128xf32, #tpu.memory_space<vmem>>, vector<1x16xf32>,
        %get3A_330 = vector.shape_cast %get3A_329 : vector<1x16xf32> to vector<16xf32>
        %add3A_331 = arith.addf %add3A_326, %get3A_330 : vector<16xf32>
        %get3A_332 = arith.index_cast %scan3A_160 : i32 to index
        %get3A_333 = arith.constant 80 : index
        %get3A_334 = tpu.vector_load %arg28[%get3A_332, %get3A_333] {strides = array<i32>} : memref<80x128xf32, #tpu.memory_space<vmem>>, vector<1x16xf32>,
        %get3A_335 = vector.shape_cast %get3A_334 : vector<1x16xf32> to vector<16xf32>
        %add3A_336 = arith.addf %add3A_331, %get3A_335 : vector<16xf32>
        %get3A_337 = arith.index_cast %scan3A_160 : i32 to index
        %get3A_338 = arith.constant 80 : index
        %get3A_339 = tpu.vector_load %arg29[%get3A_337, %get3A_338] {strides = array<i32>} : memref<80x128xf32, #tpu.memory_space<vmem>>, vector<1x16xf32>,
        %get3A_340 = vector.shape_cast %get3A_339 : vector<1x16xf32> to vector<16xf32>
        %add3A_341 = arith.addf %add3A_336, %get3A_340 : vector<16xf32>
        %max3A_342 = arith.constant 0.000000e+00 : f32
        %max3A_343 = vector.broadcast %max3A_342 : f32 to vector<16xf32>
        %max3A_344 = arith.maximumf %add3A_341, %max3A_343 : vector<16xf32>
        %swap3A_345 = arith.index_cast %scan3A_160 : i32 to index
        %swap3A_346 = arith.constant 80 : index
        %swap3A_347 = tpu.vector_load %arg25[%swap3A_345, %swap3A_346] {strides = array<i32>} : memref<80x128xf32, #tpu.memory_space<vmem>>, vector<1x16xf32>,
        %swap3A_348 = vector.shape_cast %swap3A_347 : vector<1x16xf32> to vector<16xf32>
        %swap3A_349 = vector.shape_cast %max3A_344 : vector<16xf32> to vector<1x16xf32>
        tpu.vector_store %arg25[%swap3A_345, %swap3A_346], %swap3A_349 {strides = array<i32>} : memref<80x128xf32, #tpu.memory_space<vmem>>, vector<1x16xf32>,
        %get3A_350 = arith.index_cast %scan3A_160 : i32 to index
        %get3A_351 = arith.constant 96 : index
        %get3A_352 = tpu.vector_load %arg25[%get3A_350, %get3A_351] {strides = array<i32>} : memref<80x128xf32, #tpu.memory_space<vmem>>, vector<1x16xf32>,
        %get3A_353 = vector.shape_cast %get3A_352 : vector<1x16xf32> to vector<16xf32>
        %get3A_354 = arith.index_cast %scan3A_160 : i32 to index
        %get3A_355 = arith.constant 96 : index
        %get3A_356 = tpu.vector_load %arg26[%get3A_354, %get3A_355] {strides = array<i32>} : memref<80x128xf32, #tpu.memory_space<vmem>>, vector<1x16xf32>,
        %get3A_357 = vector.shape_cast %get3A_356 : vector<1x16xf32> to vector<16xf32>
        %add3A_358 = arith.addf %get3A_353, %get3A_357 : vector<16xf32>
        %get3A_359 = arith.index_cast %scan3A_160 : i32 to index
        %get3A_360 = arith.constant 96 : index
        %get3A_361 = tpu.vector_load %arg27[%get3A_359, %get3A_360] {strides = array<i32>} : memref<80x128xf32, #tpu.memory_space<vmem>>, vector<1x16xf32>,
        %get3A_362 = vector.shape_cast %get3A_361 : vector<1x16xf32> to vector<16xf32>
        %add3A_363 = arith.addf %add3A_358, %get3A_362 : vector<16xf32>
        %get3A_364 = arith.index_cast %scan3A_160 : i32 to index
        %get3A_365 = arith.constant 96 : index
        %get3A_366 = tpu.vector_load %arg28[%get3A_364, %get3A_365] {strides = array<i32>} : memref<80x128xf32, #tpu.memory_space<vmem>>, vector<1x16xf32>,
        %get3A_367 = vector.shape_cast %get3A_366 : vector<1x16xf32> to vector<16xf32>
        %add3A_368 = arith.addf %add3A_363, %get3A_367 : vector<16xf32>
        %get3A_369 = arith.index_cast %scan3A_160 : i32 to index
        %get3A_370 = arith.constant 96 : index
        %get3A_371 = tpu.vector_load %arg29[%get3A_369, %get3A_370] {strides = array<i32>} : memref<80x128xf32, #tpu.memory_space<vmem>>, vector<1x16xf32>,
        %get3A_372 = vector.shape_cast %get3A_371 : vector<1x16xf32> to vector<16xf32>
        %add3A_373 = arith.addf %add3A_368, %get3A_372 : vector<16xf32>
        %max3A_374 = arith.constant 0.000000e+00 : f32
        %max3A_375 = vector.broadcast %max3A_374 : f32 to vector<16xf32>
        %max3A_376 = arith.maximumf %add3A_373, %max3A_375 : vector<16xf32>
        %swap3A_377 = arith.index_cast %scan3A_160 : i32 to index
        %swap3A_378 = arith.constant 96 : index
        %swap3A_379 = tpu.vector_load %arg25[%swap3A_377, %swap3A_378] {strides = array<i32>} : memref<80x128xf32, #tpu.memory_space<vmem>>, vector<1x16xf32>,
        %swap3A_380 = vector.shape_cast %swap3A_379 : vector<1x16xf32> to vector<16xf32>
        %swap3A_381 = vector.shape_cast %max3A_376 : vector<16xf32> to vector<1x16xf32>
        tpu.vector_store %arg25[%swap3A_377, %swap3A_378], %swap3A_381 {strides = array<i32>} : memref<80x128xf32, #tpu.memory_space<vmem>>, vector<1x16xf32>,
        %get3A_382 = arith.index_cast %scan3A_160 : i32 to index
        %get3A_383 = arith.constant 112 : index
        %get3A_384 = tpu.vector_load %arg25[%get3A_382, %get3A_383] {strides = array<i32>} : memref<80x128xf32, #tpu.memory_space<vmem>>, vector<1x16xf32>,
        %get3A_385 = vector.shape_cast %get3A_384 : vector<1x16xf32> to vector<16xf32>
        %get3A_386 = arith.index_cast %scan3A_160 : i32 to index
        %get3A_387 = arith.constant 112 : index
        %get3A_388 = tpu.vector_load %arg26[%get3A_386, %get3A_387] {strides = array<i32>} : memref<80x128xf32, #tpu.memory_space<vmem>>, vector<1x16xf32>,
        %get3A_389 = vector.shape_cast %get3A_388 : vector<1x16xf32> to vector<16xf32>
        %add3A_390 = arith.addf %get3A_385, %get3A_389 : vector<16xf32>
        %get3A_391 = arith.index_cast %scan3A_160 : i32 to index
        %get3A_392 = arith.constant 112 : index
        %get3A_393 = tpu.vector_load %arg27[%get3A_391, %get3A_392] {strides = array<i32>} : memref<80x128xf32, #tpu.memory_space<vmem>>, vector<1x16xf32>,
        %get3A_394 = vector.shape_cast %get3A_393 : vector<1x16xf32> to vector<16xf32>
        %add3A_395 = arith.addf %add3A_390, %get3A_394 : vector<16xf32>
        %get3A_396 = arith.index_cast %scan3A_160 : i32 to index
        %get3A_397 = arith.constant 112 : index
        %get3A_398 = tpu.vector_load %arg28[%get3A_396, %get3A_397] {strides = array<i32>} : memref<80x128xf32, #tpu.memory_space<vmem>>, vector<1x16xf32>,
        %get3A_399 = vector.shape_cast %get3A_398 : vector<1x16xf32> to vector<16xf32>
        %add3A_400 = arith.addf %add3A_395, %get3A_399 : vector<16xf32>
        %get3A_401 = arith.index_cast %scan3A_160 : i32 to index
        %get3A_402 = arith.constant 112 : index
        %get3A_403 = tpu.vector_load %arg29[%get3A_401, %get3A_402] {strides = array<i32>} : memref<80x128xf32, #tpu.memory_space<vmem>>, vector<1x16xf32>,
        %get3A_404 = vector.shape_cast %get3A_403 : vector<1x16xf32> to vector<16xf32>
        %add3A_405 = arith.addf %add3A_400, %get3A_404 : vector<16xf32>
        %max3A_406 = arith.constant 0.000000e+00 : f32
        %max3A_407 = vector.broadcast %max3A_406 : f32 to vector<16xf32>
        %max3A_408 = arith.maximumf %add3A_405, %max3A_407 : vector<16xf32>
        %swap3A_409 = arith.index_cast %scan3A_160 : i32 to index
        %swap3A_410 = arith.constant 112 : index
        %swap3A_411 = tpu.vector_load %arg25[%swap3A_409, %swap3A_410] {strides = array<i32>} : memref<80x128xf32, #tpu.memory_space<vmem>>, vector<1x16xf32>,
        %swap3A_412 = vector.shape_cast %swap3A_411 : vector<1x16xf32> to vector<16xf32>
        %swap3A_413 = vector.shape_cast %max3A_408 : vector<16xf32> to vector<1x16xf32>
        tpu.vector_store %arg25[%swap3A_409, %swap3A_410], %swap3A_413 {strides = array<i32>} : memref<80x128xf32, #tpu.memory_space<vmem>>, vector<1x16xf32>,
      }
      %scan3A_159 = arith.constant 80 : i32
      "tpu.region"() ({
        %run_scoped3A = tpu.sem_alloc : memref<!tpu.dma_semaphore, #tpu.memory_space<semaphore_mem>>
        %dma_start3A_160 = arith.constant 0 : i32
        %dma_start3A_161 = tpu.memref_slice %arg11[%add3A_123, %dma_start3A_160] : memref<102400x128xf32, #tpu.memory_space<hbm>> -> memref<80x128xf32, #tpu.memory_space<hbm>>
        %dma_start3A_162 = arith.constant 0 : i32
        %dma_start3A_163 = tpu.memref_slice %arg11[%add3A_123, %dma_start3A_162] : memref<102400x128xf32, #tpu.memory_space<hbm>> -> memref<80x128xf32, #tpu.memory_space<hbm>>
        tpu.enqueue_dma source(%arg25 : memref<80x128xf32, #tpu.memory_space<vmem>>) target(%dma_start3A_163 : memref<80x128xf32, #tpu.memory_space<hbm>>) target_semaphore(%run_scoped3A : memref<!tpu.dma_semaphore, #tpu.memory_space<semaphore_mem>>)
        %dma_wait3A_164 = arith.constant 0 : i32
        %dma_wait3A_165 = tpu.memref_slice %arg11[%add3A_123, %dma_wait3A_164] : memref<102400x128xf32, #tpu.memory_space<hbm>> -> memref<80x128xf32, #tpu.memory_space<hbm>>
        %dma_wait3A_166 = arith.constant 0 : i32
        %dma_wait3A_167 = tpu.memref_slice %arg11[%add3A_123, %dma_wait3A_166] : memref<102400x128xf32, #tpu.memory_space<hbm>> -> memref<80x128xf32, #tpu.memory_space<hbm>>
        tpu.wait_dma2 semaphore(%run_scoped3A : memref<!tpu.dma_semaphore, #tpu.memory_space<semaphore_mem>>) src(%arg25 : memref<80x128xf32, #tpu.memory_space<vmem>>) dst(%dma_wait3A_167 : memref<80x128xf32, #tpu.memory_space<hbm>>)
        tpu.yield
      }) : () -> ()
    }
    return
  }
}

#map = affine_map<(d0, d1) -> (0, 0)>
#map1 = affine_map<(d0, d1) -> (0)>
module attributes {stable_mosaic.version = 14 : i64} {
  func.func @_sc_body(%arg0: i32, %arg1: i32, %arg2: memref<102400x128xf32, #tpu.memory_space<hbm>>, %arg3: memref<102400x128xf32, #tpu.memory_space<hbm>>, %arg4: memref<102400x128xf32, #tpu.memory_space<hbm>>, %arg5: memref<102400x128xf32, #tpu.memory_space<hbm>>, %arg6: memref<102400x128xf32, #tpu.memory_space<hbm>>, %arg7: memref<102400xi32, #tpu.memory_space<hbm>>, %arg8: memref<102400xi32, #tpu.memory_space<hbm>>, %arg9: memref<102400xi32, #tpu.memory_space<hbm>>, %arg10: memref<102400xi32, #tpu.memory_space<hbm>>, %arg11: memref<102400x128xf32, #tpu.memory_space<hbm>>, %arg12: memref<80xi32, #tpu.memory_space<vmem>>, %arg13: memref<80xi32, #tpu.memory_space<vmem>>, %arg14: memref<80xi32, #tpu.memory_space<vmem>>, %arg15: memref<80xi32, #tpu.memory_space<vmem>>, %arg16: memref<80x128xf32, #tpu.memory_space<vmem>>, %arg17: memref<80x128xf32, #tpu.memory_space<vmem>>, %arg18: memref<80x128xf32, #tpu.memory_space<vmem>>, %arg19: memref<80x128xf32, #tpu.memory_space<vmem>>, %arg20: memref<80x128xf32, #tpu.memory_space<vmem>>, %arg21: memref<80xi32, #tpu.memory_space<vmem>>, %arg22: memref<80xi32, #tpu.memory_space<vmem>>, %arg23: memref<80xi32, #tpu.memory_space<vmem>>, %arg24: memref<80xi32, #tpu.memory_space<vmem>>, %arg25: memref<80x128xf32, #tpu.memory_space<vmem>>, %arg26: memref<80x128xf32, #tpu.memory_space<vmem>>, %arg27: memref<80x128xf32, #tpu.memory_space<vmem>>, %arg28: memref<80x128xf32, #tpu.memory_space<vmem>>, %arg29: memref<80x128xf32, #tpu.memory_space<vmem>>, %arg30: memref<!tpu.dma_semaphore, #tpu.memory_space<semaphore_mem>>, %arg31: memref<!tpu.dma_semaphore, #tpu.memory_space<semaphore_mem>>, %arg32: memref<!tpu.dma_semaphore, #tpu.memory_space<semaphore_mem>>, %arg33: memref<!tpu.dma_semaphore, #tpu.memory_space<semaphore_mem>>, %arg34: memref<!tpu.dma_semaphore, #tpu.memory_space<semaphore_mem>>, %arg35: memref<!tpu.dma_semaphore, #tpu.memory_space<semaphore_mem>>, %arg36: memref<!tpu.dma_semaphore, #tpu.memory_space<semaphore_mem>>, %arg37: memref<!tpu.dma_semaphore, #tpu.memory_space<semaphore_mem>>, %arg38: memref<!tpu.dma_semaphore, #tpu.memory_space<semaphore_mem>>, %arg39: memref<!tpu.dma_semaphore, #tpu.memory_space<semaphore_mem>>) attributes {dimension_semantics = [#tpu.dimension_semantics<core_parallel>, #tpu.dimension_semantics<subcore_parallel>], iteration_bounds = array<i64: 2, 16>, scalar_prefetch = 0 : i64, scratch_operands = 28 : i64, tpu.core_type = #tpu.core_type<sc_vector_subcore>, window_params = [{transform_indices = #map}, {transform_indices = #map}, {transform_indices = #map}, {transform_indices = #map}, {transform_indices = #map}, {transform_indices = #map1}, {transform_indices = #map1}, {transform_indices = #map1}, {transform_indices = #map1}, {transform_indices = #map}]} {
    %eq3A = arith.constant 0 : i32
    %eq3A_0 = arith.cmpi eq, %arg0, %eq3A : i32
    %jit3A = arith.constant 52 : i32
    %jit3A_1 = arith.constant 28 : i32
    %select_n3A = arith.select %eq3A_0, %jit3A, %jit3A_1 : i32
    %eq3A_2 = arith.constant 0 : i32
    %eq3A_3 = arith.cmpi eq, %arg0, %eq3A_2 : i32
    %mul3A = arith.constant 52 : i32
    %mul3A_4 = arith.muli %arg1, %mul3A : i32
    %mul3A_5 = arith.constant 28 : i32
    %mul3A_6 = arith.muli %arg1, %mul3A_5 : i32
    %add3A = arith.constant 832 : i32
    %add3A_7 = arith.addi %add3A, %mul3A_6 : i32
    %select_n3A_8 = arith.select %eq3A_3, %mul3A_4, %add3A_7 : i32
    %mul3A_9 = arith.constant 80 : i32
    %mul3A_10 = arith.muli %select_n3A_8, %mul3A_9 : i32
    %add3A_11 = arith.constant 0 : i32
    %add3A_12 = arith.addi %mul3A_10, %add3A_11 : i32
    "tpu.region"() ({
      %run_scoped3A = tpu.sem_alloc : memref<!tpu.dma_semaphore, #tpu.memory_space<semaphore_mem>>
      %dma_start3A_55 = tpu.memref_slice %arg7[%add3A_12] : memref<102400xi32, #tpu.memory_space<hbm>> -> memref<80xi32, #tpu.memory_space<hbm>>
      %dma_start3A_56 = tpu.memref_slice %arg7[%add3A_12] : memref<102400xi32, #tpu.memory_space<hbm>> -> memref<80xi32, #tpu.memory_space<hbm>>
      tpu.enqueue_dma source(%dma_start3A_56 : memref<80xi32, #tpu.memory_space<hbm>>) target(%arg12 : memref<80xi32, #tpu.memory_space<vmem>>) target_semaphore(%run_scoped3A : memref<!tpu.dma_semaphore, #tpu.memory_space<semaphore_mem>>)
      %dma_wait3A = tpu.memref_slice %arg7[%add3A_12] : memref<102400xi32, #tpu.memory_space<hbm>> -> memref<80xi32, #tpu.memory_space<hbm>>
      %dma_wait3A_57 = tpu.memref_slice %arg7[%add3A_12] : memref<102400xi32, #tpu.memory_space<hbm>> -> memref<80xi32, #tpu.memory_space<hbm>>
      tpu.wait_dma2 semaphore(%run_scoped3A : memref<!tpu.dma_semaphore, #tpu.memory_space<semaphore_mem>>) src(%dma_wait3A_57 : memref<80xi32, #tpu.memory_space<hbm>>) dst(%arg12 : memref<80xi32, #tpu.memory_space<vmem>>)
      tpu.yield
    }) : () -> ()
    "tpu.region"() ({
      %run_scoped3A = tpu.sem_alloc : memref<!tpu.dma_semaphore, #tpu.memory_space<semaphore_mem>>
      %dma_start3A_55 = tpu.memref_slice %arg8[%add3A_12] : memref<102400xi32, #tpu.memory_space<hbm>> -> memref<80xi32, #tpu.memory_space<hbm>>
      %dma_start3A_56 = tpu.memref_slice %arg8[%add3A_12] : memref<102400xi32, #tpu.memory_space<hbm>> -> memref<80xi32, #tpu.memory_space<hbm>>
      tpu.enqueue_dma source(%dma_start3A_56 : memref<80xi32, #tpu.memory_space<hbm>>) target(%arg13 : memref<80xi32, #tpu.memory_space<vmem>>) target_semaphore(%run_scoped3A : memref<!tpu.dma_semaphore, #tpu.memory_space<semaphore_mem>>)
      %dma_wait3A = tpu.memref_slice %arg8[%add3A_12] : memref<102400xi32, #tpu.memory_space<hbm>> -> memref<80xi32, #tpu.memory_space<hbm>>
      %dma_wait3A_57 = tpu.memref_slice %arg8[%add3A_12] : memref<102400xi32, #tpu.memory_space<hbm>> -> memref<80xi32, #tpu.memory_space<hbm>>
      tpu.wait_dma2 semaphore(%run_scoped3A : memref<!tpu.dma_semaphore, #tpu.memory_space<semaphore_mem>>) src(%dma_wait3A_57 : memref<80xi32, #tpu.memory_space<hbm>>) dst(%arg13 : memref<80xi32, #tpu.memory_space<vmem>>)
      tpu.yield
    }) : () -> ()
    "tpu.region"() ({
      %run_scoped3A = tpu.sem_alloc : memref<!tpu.dma_semaphore, #tpu.memory_space<semaphore_mem>>
      %dma_start3A_55 = tpu.memref_slice %arg9[%add3A_12] : memref<102400xi32, #tpu.memory_space<hbm>> -> memref<80xi32, #tpu.memory_space<hbm>>
      %dma_start3A_56 = tpu.memref_slice %arg9[%add3A_12] : memref<102400xi32, #tpu.memory_space<hbm>> -> memref<80xi32, #tpu.memory_space<hbm>>
      tpu.enqueue_dma source(%dma_start3A_56 : memref<80xi32, #tpu.memory_space<hbm>>) target(%arg14 : memref<80xi32, #tpu.memory_space<vmem>>) target_semaphore(%run_scoped3A : memref<!tpu.dma_semaphore, #tpu.memory_space<semaphore_mem>>)
      %dma_wait3A = tpu.memref_slice %arg9[%add3A_12] : memref<102400xi32, #tpu.memory_space<hbm>> -> memref<80xi32, #tpu.memory_space<hbm>>
      %dma_wait3A_57 = tpu.memref_slice %arg9[%add3A_12] : memref<102400xi32, #tpu.memory_space<hbm>> -> memref<80xi32, #tpu.memory_space<hbm>>
      tpu.wait_dma2 semaphore(%run_scoped3A : memref<!tpu.dma_semaphore, #tpu.memory_space<semaphore_mem>>) src(%dma_wait3A_57 : memref<80xi32, #tpu.memory_space<hbm>>) dst(%arg14 : memref<80xi32, #tpu.memory_space<vmem>>)
      tpu.yield
    }) : () -> ()
    "tpu.region"() ({
      %run_scoped3A = tpu.sem_alloc : memref<!tpu.dma_semaphore, #tpu.memory_space<semaphore_mem>>
      %dma_start3A_55 = tpu.memref_slice %arg10[%add3A_12] : memref<102400xi32, #tpu.memory_space<hbm>> -> memref<80xi32, #tpu.memory_space<hbm>>
      %dma_start3A_56 = tpu.memref_slice %arg10[%add3A_12] : memref<102400xi32, #tpu.memory_space<hbm>> -> memref<80xi32, #tpu.memory_space<hbm>>
      tpu.enqueue_dma source(%dma_start3A_56 : memref<80xi32, #tpu.memory_space<hbm>>) target(%arg15 : memref<80xi32, #tpu.memory_space<vmem>>) target_semaphore(%run_scoped3A : memref<!tpu.dma_semaphore, #tpu.memory_space<semaphore_mem>>)
      %dma_wait3A = tpu.memref_slice %arg10[%add3A_12] : memref<102400xi32, #tpu.memory_space<hbm>> -> memref<80xi32, #tpu.memory_space<hbm>>
      %dma_wait3A_57 = tpu.memref_slice %arg10[%add3A_12] : memref<102400xi32, #tpu.memory_space<hbm>> -> memref<80xi32, #tpu.memory_space<hbm>>
      tpu.wait_dma2 semaphore(%run_scoped3A : memref<!tpu.dma_semaphore, #tpu.memory_space<semaphore_mem>>) src(%dma_wait3A_57 : memref<80xi32, #tpu.memory_space<hbm>>) dst(%arg15 : memref<80xi32, #tpu.memory_space<vmem>>)
      tpu.yield
    }) : () -> ()
    %dma_start3A = arith.constant 0 : i32
    %dma_start3A_13 = arith.constant 0 : i32
    %dma_start3A_14 = tpu.memref_slice %arg3[%dma_start3A, %dma_start3A_13] : memref<102400x128xf32, #tpu.memory_space<hbm>> -> memref<102400x128xf32, #tpu.memory_space<hbm>>
    tpu.enqueue_indirect_dma source(%dma_start3A_14 : memref<102400x128xf32, #tpu.memory_space<hbm>>) target(%arg17 : memref<80x128xf32, #tpu.memory_space<vmem>>) offsets(%arg12 : memref<80xi32, #tpu.memory_space<vmem>>) semaphore(%arg30 : memref<!tpu.dma_semaphore, #tpu.memory_space<semaphore_mem>>)
    %dma_start3A_15 = arith.constant 0 : i32
    %dma_start3A_16 = arith.constant 0 : i32
    %dma_start3A_17 = tpu.memref_slice %arg4[%dma_start3A_15, %dma_start3A_16] : memref<102400x128xf32, #tpu.memory_space<hbm>> -> memref<102400x128xf32, #tpu.memory_space<hbm>>
    tpu.enqueue_indirect_dma source(%dma_start3A_17 : memref<102400x128xf32, #tpu.memory_space<hbm>>) target(%arg18 : memref<80x128xf32, #tpu.memory_space<vmem>>) offsets(%arg13 : memref<80xi32, #tpu.memory_space<vmem>>) semaphore(%arg31 : memref<!tpu.dma_semaphore, #tpu.memory_space<semaphore_mem>>)
    %dma_start3A_18 = arith.constant 0 : i32
    %dma_start3A_19 = arith.constant 0 : i32
    %dma_start3A_20 = tpu.memref_slice %arg5[%dma_start3A_18, %dma_start3A_19] : memref<102400x128xf32, #tpu.memory_space<hbm>> -> memref<102400x128xf32, #tpu.memory_space<hbm>>
    tpu.enqueue_indirect_dma source(%dma_start3A_20 : memref<102400x128xf32, #tpu.memory_space<hbm>>) target(%arg19 : memref<80x128xf32, #tpu.memory_space<vmem>>) offsets(%arg14 : memref<80xi32, #tpu.memory_space<vmem>>) semaphore(%arg32 : memref<!tpu.dma_semaphore, #tpu.memory_space<semaphore_mem>>)
    %dma_start3A_21 = arith.constant 0 : i32
    %dma_start3A_22 = arith.constant 0 : i32
    %dma_start3A_23 = tpu.memref_slice %arg6[%dma_start3A_21, %dma_start3A_22] : memref<102400x128xf32, #tpu.memory_space<hbm>> -> memref<102400x128xf32, #tpu.memory_space<hbm>>
    tpu.enqueue_indirect_dma source(%dma_start3A_23 : memref<102400x128xf32, #tpu.memory_space<hbm>>) target(%arg20 : memref<80x128xf32, #tpu.memory_space<vmem>>) offsets(%arg15 : memref<80xi32, #tpu.memory_space<vmem>>) semaphore(%arg33 : memref<!tpu.dma_semaphore, #tpu.memory_space<semaphore_mem>>)
    %dma_start3A_24 = arith.constant 0 : i32
    %dma_start3A_25 = tpu.memref_slice %arg2[%add3A_12, %dma_start3A_24] : memref<102400x128xf32, #tpu.memory_space<hbm>> -> memref<80x128xf32, #tpu.memory_space<hbm>>
    %dma_start3A_26 = arith.constant 0 : i32
    %dma_start3A_27 = tpu.memref_slice %arg2[%add3A_12, %dma_start3A_26] : memref<102400x128xf32, #tpu.memory_space<hbm>> -> memref<80x128xf32, #tpu.memory_space<hbm>>
    tpu.enqueue_dma source(%dma_start3A_27 : memref<80x128xf32, #tpu.memory_space<hbm>>) target(%arg16 : memref<80x128xf32, #tpu.memory_space<vmem>>) target_semaphore(%arg34 : memref<!tpu.dma_semaphore, #tpu.memory_space<semaphore_mem>>)
    %jit3A_28 = arith.constant 2 : i32
    %div3A = arith.divsi %select_n3A, %jit3A_28 : i32
    %sign3A = arith.constant 0 : i32
    %sign3A_29 = arith.cmpi sgt, %select_n3A, %sign3A : i32
    %sign3A_30 = arith.extui %sign3A_29 : i1 to i32
    %sign3A_31 = arith.constant 0 : i32
    %sign3A_32 = arith.cmpi slt, %select_n3A, %sign3A_31 : i32
    %sign3A_33 = arith.extui %sign3A_32 : i1 to i32
    %sign3A_34 = arith.subi %sign3A_30, %sign3A_33 : i32
    %sign3A_35 = arith.constant 0 : i32
    %sign3A_36 = arith.cmpi sgt, %jit3A_28, %sign3A_35 : i32
    %sign3A_37 = arith.extui %sign3A_36 : i1 to i32
    %sign3A_38 = arith.constant 0 : i32
    %sign3A_39 = arith.cmpi slt, %jit3A_28, %sign3A_38 : i32
    %sign3A_40 = arith.extui %sign3A_39 : i1 to i32
    %sign3A_41 = arith.subi %sign3A_37, %sign3A_40 : i32
    %ne3A = arith.cmpi ne, %sign3A_34, %sign3A_41 : i32
    %rem3A = arith.remsi %select_n3A, %jit3A_28 : i32
    %ne3A_42 = arith.constant 0 : i32
    %ne3A_43 = arith.cmpi ne, %rem3A, %ne3A_42 : i32
    %and3A = arith.andi %ne3A, %ne3A_43 : i1
    %sub3A = arith.constant 1 : i32
    %sub3A_44 = arith.subi %div3A, %sub3A : i32
    %select_n3A_45 = arith.select %and3A, %sub3A_44, %div3A : i32
    %while3A = arith.constant 0 : i32
    %while3A_46 = arith.constant 0 : i32
    %while3A_47 = arith.subi %select_n3A_45, %while3A_46 : i32
    %while3A_48 = arith.addi %while3A_46, %while3A_47 : i32
    %while3A_49 = arith.constant 1 : i32
    %while3A_50 = arith.divsi %while3A_47, %while3A_49 : i32
    %while3A_51 = arith.muli %while3A_50, %while3A_49 : i32
    %while3A_52 = arith.addi %while3A_46, %while3A_51 : i32
    %while3A_53 = arith.constant 1 : i32
    scf.for %while3A_55 = %while3A_46 to %while3A_52 step %while3A_53  : i32 {
      %mul3A_56 = arith.constant 2 : i32
      %mul3A_57 = arith.muli %mul3A_56, %while3A_55 : i32
      %add3A_58 = arith.constant 1 : i32
      %add3A_59 = arith.addi %mul3A_57, %add3A_58 : i32
      %mul3A_60 = arith.constant 80 : i32
      %mul3A_61 = arith.muli %add3A_59, %mul3A_60 : i32
      %add3A_62 = arith.addi %mul3A_10, %mul3A_61 : i32
      "tpu.region"() ({
        %run_scoped3A = tpu.sem_alloc : memref<!tpu.dma_semaphore, #tpu.memory_space<semaphore_mem>>
        %dma_start3A_160 = tpu.memref_slice %arg7[%add3A_62] : memref<102400xi32, #tpu.memory_space<hbm>> -> memref<80xi32, #tpu.memory_space<hbm>>
        %dma_start3A_161 = tpu.memref_slice %arg7[%add3A_62] : memref<102400xi32, #tpu.memory_space<hbm>> -> memref<80xi32, #tpu.memory_space<hbm>>
        tpu.enqueue_dma source(%dma_start3A_161 : memref<80xi32, #tpu.memory_space<hbm>>) target(%arg21 : memref<80xi32, #tpu.memory_space<vmem>>) target_semaphore(%run_scoped3A : memref<!tpu.dma_semaphore, #tpu.memory_space<semaphore_mem>>)
        %dma_wait3A_162 = tpu.memref_slice %arg7[%add3A_62] : memref<102400xi32, #tpu.memory_space<hbm>> -> memref<80xi32, #tpu.memory_space<hbm>>
        %dma_wait3A_163 = tpu.memref_slice %arg7[%add3A_62] : memref<102400xi32, #tpu.memory_space<hbm>> -> memref<80xi32, #tpu.memory_space<hbm>>
        tpu.wait_dma2 semaphore(%run_scoped3A : memref<!tpu.dma_semaphore, #tpu.memory_space<semaphore_mem>>) src(%dma_wait3A_163 : memref<80xi32, #tpu.memory_space<hbm>>) dst(%arg21 : memref<80xi32, #tpu.memory_space<vmem>>)
        tpu.yield
      }) : () -> ()
      "tpu.region"() ({
        %run_scoped3A = tpu.sem_alloc : memref<!tpu.dma_semaphore, #tpu.memory_space<semaphore_mem>>
        %dma_start3A_160 = tpu.memref_slice %arg8[%add3A_62] : memref<102400xi32, #tpu.memory_space<hbm>> -> memref<80xi32, #tpu.memory_space<hbm>>
        %dma_start3A_161 = tpu.memref_slice %arg8[%add3A_62] : memref<102400xi32, #tpu.memory_space<hbm>> -> memref<80xi32, #tpu.memory_space<hbm>>
        tpu.enqueue_dma source(%dma_start3A_161 : memref<80xi32, #tpu.memory_space<hbm>>) target(%arg22 : memref<80xi32, #tpu.memory_space<vmem>>) target_semaphore(%run_scoped3A : memref<!tpu.dma_semaphore, #tpu.memory_space<semaphore_mem>>)
        %dma_wait3A_162 = tpu.memref_slice %arg8[%add3A_62] : memref<102400xi32, #tpu.memory_space<hbm>> -> memref<80xi32, #tpu.memory_space<hbm>>
        %dma_wait3A_163 = tpu.memref_slice %arg8[%add3A_62] : memref<102400xi32, #tpu.memory_space<hbm>> -> memref<80xi32, #tpu.memory_space<hbm>>
        tpu.wait_dma2 semaphore(%run_scoped3A : memref<!tpu.dma_semaphore, #tpu.memory_space<semaphore_mem>>) src(%dma_wait3A_163 : memref<80xi32, #tpu.memory_space<hbm>>) dst(%arg22 : memref<80xi32, #tpu.memory_space<vmem>>)
        tpu.yield
      }) : () -> ()
      "tpu.region"() ({
        %run_scoped3A = tpu.sem_alloc : memref<!tpu.dma_semaphore, #tpu.memory_space<semaphore_mem>>
        %dma_start3A_160 = tpu.memref_slice %arg9[%add3A_62] : memref<102400xi32, #tpu.memory_space<hbm>> -> memref<80xi32, #tpu.memory_space<hbm>>
        %dma_start3A_161 = tpu.memref_slice %arg9[%add3A_62] : memref<102400xi32, #tpu.memory_space<hbm>> -> memref<80xi32, #tpu.memory_space<hbm>>
        tpu.enqueue_dma source(%dma_start3A_161 : memref<80xi32, #tpu.memory_space<hbm>>) target(%arg23 : memref<80xi32, #tpu.memory_space<vmem>>) target_semaphore(%run_scoped3A : memref<!tpu.dma_semaphore, #tpu.memory_space<semaphore_mem>>)
        %dma_wait3A_162 = tpu.memref_slice %arg9[%add3A_62] : memref<102400xi32, #tpu.memory_space<hbm>> -> memref<80xi32, #tpu.memory_space<hbm>>
        %dma_wait3A_163 = tpu.memref_slice %arg9[%add3A_62] : memref<102400xi32, #tpu.memory_space<hbm>> -> memref<80xi32, #tpu.memory_space<hbm>>
        tpu.wait_dma2 semaphore(%run_scoped3A : memref<!tpu.dma_semaphore, #tpu.memory_space<semaphore_mem>>) src(%dma_wait3A_163 : memref<80xi32, #tpu.memory_space<hbm>>) dst(%arg23 : memref<80xi32, #tpu.memory_space<vmem>>)
        tpu.yield
      }) : () -> ()
      "tpu.region"() ({
        %run_scoped3A = tpu.sem_alloc : memref<!tpu.dma_semaphore, #tpu.memory_space<semaphore_mem>>
        %dma_start3A_160 = tpu.memref_slice %arg10[%add3A_62] : memref<102400xi32, #tpu.memory_space<hbm>> -> memref<80xi32, #tpu.memory_space<hbm>>
        %dma_start3A_161 = tpu.memref_slice %arg10[%add3A_62] : memref<102400xi32, #tpu.memory_space<hbm>> -> memref<80xi32, #tpu.memory_space<hbm>>
        tpu.enqueue_dma source(%dma_start3A_161 : memref<80xi32, #tpu.memory_space<hbm>>) target(%arg24 : memref<80xi32, #tpu.memory_space<vmem>>) target_semaphore(%run_scoped3A : memref<!tpu.dma_semaphore, #tpu.memory_space<semaphore_mem>>)
        %dma_wait3A_162 = tpu.memref_slice %arg10[%add3A_62] : memref<102400xi32, #tpu.memory_space<hbm>> -> memref<80xi32, #tpu.memory_space<hbm>>
        %dma_wait3A_163 = tpu.memref_slice %arg10[%add3A_62] : memref<102400xi32, #tpu.memory_space<hbm>> -> memref<80xi32, #tpu.memory_space<hbm>>
        tpu.wait_dma2 semaphore(%run_scoped3A : memref<!tpu.dma_semaphore, #tpu.memory_space<semaphore_mem>>) src(%dma_wait3A_163 : memref<80xi32, #tpu.memory_space<hbm>>) dst(%arg24 : memref<80xi32, #tpu.memory_space<vmem>>)
        tpu.yield
      }) : () -> ()
      %dma_start3A_63 = arith.constant 0 : i32
      %dma_start3A_64 = arith.constant 0 : i32
      %dma_start3A_65 = tpu.memref_slice %arg3[%dma_start3A_63, %dma_start3A_64] : memref<102400x128xf32, #tpu.memory_space<hbm>> -> memref<102400x128xf32, #tpu.memory_space<hbm>>
      tpu.enqueue_indirect_dma source(%dma_start3A_65 : memref<102400x128xf32, #tpu.memory_space<hbm>>) target(%arg26 : memref<80x128xf32, #tpu.memory_space<vmem>>) offsets(%arg21 : memref<80xi32, #tpu.memory_space<vmem>>) semaphore(%arg35 : memref<!tpu.dma_semaphore, #tpu.memory_space<semaphore_mem>>)
      %dma_start3A_66 = arith.constant 0 : i32
      %dma_start3A_67 = arith.constant 0 : i32
      %dma_start3A_68 = tpu.memref_slice %arg4[%dma_start3A_66, %dma_start3A_67] : memref<102400x128xf32, #tpu.memory_space<hbm>> -> memref<102400x128xf32, #tpu.memory_space<hbm>>
      tpu.enqueue_indirect_dma source(%dma_start3A_68 : memref<102400x128xf32, #tpu.memory_space<hbm>>) target(%arg27 : memref<80x128xf32, #tpu.memory_space<vmem>>) offsets(%arg22 : memref<80xi32, #tpu.memory_space<vmem>>) semaphore(%arg36 : memref<!tpu.dma_semaphore, #tpu.memory_space<semaphore_mem>>)
      %dma_start3A_69 = arith.constant 0 : i32
      %dma_start3A_70 = arith.constant 0 : i32
      %dma_start3A_71 = tpu.memref_slice %arg5[%dma_start3A_69, %dma_start3A_70] : memref<102400x128xf32, #tpu.memory_space<hbm>> -> memref<102400x128xf32, #tpu.memory_space<hbm>>
      tpu.enqueue_indirect_dma source(%dma_start3A_71 : memref<102400x128xf32, #tpu.memory_space<hbm>>) target(%arg28 : memref<80x128xf32, #tpu.memory_space<vmem>>) offsets(%arg23 : memref<80xi32, #tpu.memory_space<vmem>>) semaphore(%arg37 : memref<!tpu.dma_semaphore, #tpu.memory_space<semaphore_mem>>)
      %dma_start3A_72 = arith.constant 0 : i32
      %dma_start3A_73 = arith.constant 0 : i32
      %dma_start3A_74 = tpu.memref_slice %arg6[%dma_start3A_72, %dma_start3A_73] : memref<102400x128xf32, #tpu.memory_space<hbm>> -> memref<102400x128xf32, #tpu.memory_space<hbm>>
      tpu.enqueue_indirect_dma source(%dma_start3A_74 : memref<102400x128xf32, #tpu.memory_space<hbm>>) target(%arg29 : memref<80x128xf32, #tpu.memory_space<vmem>>) offsets(%arg24 : memref<80xi32, #tpu.memory_space<vmem>>) semaphore(%arg38 : memref<!tpu.dma_semaphore, #tpu.memory_space<semaphore_mem>>)
      %dma_start3A_75 = arith.constant 0 : i32
      %dma_start3A_76 = tpu.memref_slice %arg2[%add3A_62, %dma_start3A_75] : memref<102400x128xf32, #tpu.memory_space<hbm>> -> memref<80x128xf32, #tpu.memory_space<hbm>>
      %dma_start3A_77 = arith.constant 0 : i32
      %dma_start3A_78 = tpu.memref_slice %arg2[%add3A_62, %dma_start3A_77] : memref<102400x128xf32, #tpu.memory_space<hbm>> -> memref<80x128xf32, #tpu.memory_space<hbm>>
      tpu.enqueue_dma source(%dma_start3A_78 : memref<80x128xf32, #tpu.memory_space<hbm>>) target(%arg25 : memref<80x128xf32, #tpu.memory_space<vmem>>) target_semaphore(%arg39 : memref<!tpu.dma_semaphore, #tpu.memory_space<semaphore_mem>>)
      %mul3A_79 = arith.constant 80 : i32
      %mul3A_80 = arith.muli %mul3A_57, %mul3A_79 : i32
      %add3A_81 = arith.addi %mul3A_10, %mul3A_80 : i32
      %dma_wait3A = arith.constant 0 : i32
      %dma_wait3A_82 = arith.constant 0 : i32
      %dma_wait3A_83 = tpu.memref_slice %arg3[%dma_wait3A, %dma_wait3A_82] : memref<102400x128xf32, #tpu.memory_space<hbm>> -> memref<80x128xf32, #tpu.memory_space<hbm>>
      %dma_wait3A_84 = arith.constant 0 : i32
      %dma_wait3A_85 = arith.constant 0 : i32
      %dma_wait3A_86 = tpu.memref_slice %arg3[%dma_wait3A_84, %dma_wait3A_85] : memref<102400x128xf32, #tpu.memory_space<hbm>> -> memref<80x128xf32, #tpu.memory_space<hbm>>
      tpu.wait_dma2 semaphore(%arg30 : memref<!tpu.dma_semaphore, #tpu.memory_space<semaphore_mem>>) src(%dma_wait3A_86 : memref<80x128xf32, #tpu.memory_space<hbm>>) dst(%arg17 : memref<80x128xf32, #tpu.memory_space<vmem>>)
      %dma_wait3A_87 = arith.constant 0 : i32
      %dma_wait3A_88 = arith.constant 0 : i32
      %dma_wait3A_89 = tpu.memref_slice %arg4[%dma_wait3A_87, %dma_wait3A_88] : memref<102400x128xf32, #tpu.memory_space<hbm>> -> memref<80x128xf32, #tpu.memory_space<hbm>>
      %dma_wait3A_90 = arith.constant 0 : i32
      %dma_wait3A_91 = arith.constant 0 : i32
      %dma_wait3A_92 = tpu.memref_slice %arg4[%dma_wait3A_90, %dma_wait3A_91] : memref<102400x128xf32, #tpu.memory_space<hbm>> -> memref<80x128xf32, #tpu.memory_space<hbm>>
      tpu.wait_dma2 semaphore(%arg31 : memref<!tpu.dma_semaphore, #tpu.memory_space<semaphore_mem>>) src(%dma_wait3A_92 : memref<80x128xf32, #tpu.memory_space<hbm>>) dst(%arg18 : memref<80x128xf32, #tpu.memory_space<vmem>>)
      %dma_wait3A_93 = arith.constant 0 : i32
      %dma_wait3A_94 = arith.constant 0 : i32
      %dma_wait3A_95 = tpu.memref_slice %arg5[%dma_wait3A_93, %dma_wait3A_94] : memref<102400x128xf32, #tpu.memory_space<hbm>> -> memref<80x128xf32, #tpu.memory_space<hbm>>
      %dma_wait3A_96 = arith.constant 0 : i32
      %dma_wait3A_97 = arith.constant 0 : i32
      %dma_wait3A_98 = tpu.memref_slice %arg5[%dma_wait3A_96, %dma_wait3A_97] : memref<102400x128xf32, #tpu.memory_space<hbm>> -> memref<80x128xf32, #tpu.memory_space<hbm>>
      tpu.wait_dma2 semaphore(%arg32 : memref<!tpu.dma_semaphore, #tpu.memory_space<semaphore_mem>>) src(%dma_wait3A_98 : memref<80x128xf32, #tpu.memory_space<hbm>>) dst(%arg19 : memref<80x128xf32, #tpu.memory_space<vmem>>)
      %dma_wait3A_99 = arith.constant 0 : i32
      %dma_wait3A_100 = arith.constant 0 : i32
      %dma_wait3A_101 = tpu.memref_slice %arg6[%dma_wait3A_99, %dma_wait3A_100] : memref<102400x128xf32, #tpu.memory_space<hbm>> -> memref<80x128xf32, #tpu.memory_space<hbm>>
      %dma_wait3A_102 = arith.constant 0 : i32
      %dma_wait3A_103 = arith.constant 0 : i32
      %dma_wait3A_104 = tpu.memref_slice %arg6[%dma_wait3A_102, %dma_wait3A_103] : memref<102400x128xf32, #tpu.memory_space<hbm>> -> memref<80x128xf32, #tpu.memory_space<hbm>>
      tpu.wait_dma2 semaphore(%arg33 : memref<!tpu.dma_semaphore, #tpu.memory_space<semaphore_mem>>) src(%dma_wait3A_104 : memref<80x128xf32, #tpu.memory_space<hbm>>) dst(%arg20 : memref<80x128xf32, #tpu.memory_space<vmem>>)
      %dma_wait3A_105 = arith.constant 0 : i32
      %dma_wait3A_106 = arith.constant 0 : i32
      %dma_wait3A_107 = tpu.memref_slice %arg2[%dma_wait3A_105, %dma_wait3A_106] : memref<102400x128xf32, #tpu.memory_space<hbm>> -> memref<80x128xf32, #tpu.memory_space<hbm>>
      %dma_wait3A_108 = arith.constant 0 : i32
      %dma_wait3A_109 = arith.constant 0 : i32
      %dma_wait3A_110 = tpu.memref_slice %arg2[%dma_wait3A_108, %dma_wait3A_109] : memref<102400x128xf32, #tpu.memory_space<hbm>> -> memref<80x128xf32, #tpu.memory_space<hbm>>
      tpu.wait_dma2 semaphore(%arg34 : memref<!tpu.dma_semaphore, #tpu.memory_space<semaphore_mem>>) src(%dma_wait3A_110 : memref<80x128xf32, #tpu.memory_space<hbm>>) dst(%arg16 : memref<80x128xf32, #tpu.memory_space<vmem>>)
      %scan3A = arith.constant 0 : i32
      %scan3A_111 = arith.constant 0 : i32
      %scan3A_112 = arith.constant 80 : i32
      %scan3A_113 = arith.addi %scan3A_111, %scan3A_112 : i32
      %scan3A_114 = arith.constant 1 : i32
      scf.for %scan3A_160 = %scan3A_111 to %scan3A_113 step %scan3A_114  : i32 {
        %get3A = arith.index_cast %scan3A_160 : i32 to index
        %get3A_161 = arith.constant 0 : index
        %get3A_162 = tpu.vector_load %arg16[%get3A, %get3A_161] {strides = array<i32>} : memref<80x128xf32, #tpu.memory_space<vmem>>, vector<1x16xf32>,
        %get3A_163 = vector.shape_cast %get3A_162 : vector<1x16xf32> to vector<16xf32>
        %get3A_164 = arith.index_cast %scan3A_160 : i32 to index
        %get3A_165 = arith.constant 0 : index
        %get3A_166 = tpu.vector_load %arg17[%get3A_164, %get3A_165] {strides = array<i32>} : memref<80x128xf32, #tpu.memory_space<vmem>>, vector<1x16xf32>,
        %get3A_167 = vector.shape_cast %get3A_166 : vector<1x16xf32> to vector<16xf32>
        %add3A_168 = arith.addf %get3A_163, %get3A_167 : vector<16xf32>
        %get3A_169 = arith.index_cast %scan3A_160 : i32 to index
        %get3A_170 = arith.constant 0 : index
        %get3A_171 = tpu.vector_load %arg18[%get3A_169, %get3A_170] {strides = array<i32>} : memref<80x128xf32, #tpu.memory_space<vmem>>, vector<1x16xf32>,
        %get3A_172 = vector.shape_cast %get3A_171 : vector<1x16xf32> to vector<16xf32>
        %add3A_173 = arith.addf %add3A_168, %get3A_172 : vector<16xf32>
        %get3A_174 = arith.index_cast %scan3A_160 : i32 to index
        %get3A_175 = arith.constant 0 : index
        %get3A_176 = tpu.vector_load %arg19[%get3A_174, %get3A_175] {strides = array<i32>} : memref<80x128xf32, #tpu.memory_space<vmem>>, vector<1x16xf32>,
        %get3A_177 = vector.shape_cast %get3A_176 : vector<1x16xf32> to vector<16xf32>
        %add3A_178 = arith.addf %add3A_173, %get3A_177 : vector<16xf32>
        %get3A_179 = arith.index_cast %scan3A_160 : i32 to index
        %get3A_180 = arith.constant 0 : index
        %get3A_181 = tpu.vector_load %arg20[%get3A_179, %get3A_180] {strides = array<i32>} : memref<80x128xf32, #tpu.memory_space<vmem>>, vector<1x16xf32>,
        %get3A_182 = vector.shape_cast %get3A_181 : vector<1x16xf32> to vector<16xf32>
        %add3A_183 = arith.addf %add3A_178, %get3A_182 : vector<16xf32>
        %max3A = arith.constant 0.000000e+00 : f32
        %max3A_184 = vector.broadcast %max3A : f32 to vector<16xf32>
        %max3A_185 = arith.maximumf %add3A_183, %max3A_184 : vector<16xf32>
        %swap3A = arith.index_cast %scan3A_160 : i32 to index
        %swap3A_186 = arith.constant 0 : index
        %swap3A_187 = tpu.vector_load %arg16[%swap3A, %swap3A_186] {strides = array<i32>} : memref<80x128xf32, #tpu.memory_space<vmem>>, vector<1x16xf32>,
        %swap3A_188 = vector.shape_cast %swap3A_187 : vector<1x16xf32> to vector<16xf32>
        %swap3A_189 = vector.shape_cast %max3A_185 : vector<16xf32> to vector<1x16xf32>
        tpu.vector_store %arg16[%swap3A, %swap3A_186], %swap3A_189 {strides = array<i32>} : memref<80x128xf32, #tpu.memory_space<vmem>>, vector<1x16xf32>,
        %get3A_190 = arith.index_cast %scan3A_160 : i32 to index
        %get3A_191 = arith.constant 16 : index
        %get3A_192 = tpu.vector_load %arg16[%get3A_190, %get3A_191] {strides = array<i32>} : memref<80x128xf32, #tpu.memory_space<vmem>>, vector<1x16xf32>,
        %get3A_193 = vector.shape_cast %get3A_192 : vector<1x16xf32> to vector<16xf32>
        %get3A_194 = arith.index_cast %scan3A_160 : i32 to index
        %get3A_195 = arith.constant 16 : index
        %get3A_196 = tpu.vector_load %arg17[%get3A_194, %get3A_195] {strides = array<i32>} : memref<80x128xf32, #tpu.memory_space<vmem>>, vector<1x16xf32>,
        %get3A_197 = vector.shape_cast %get3A_196 : vector<1x16xf32> to vector<16xf32>
        %add3A_198 = arith.addf %get3A_193, %get3A_197 : vector<16xf32>
        %get3A_199 = arith.index_cast %scan3A_160 : i32 to index
        %get3A_200 = arith.constant 16 : index
        %get3A_201 = tpu.vector_load %arg18[%get3A_199, %get3A_200] {strides = array<i32>} : memref<80x128xf32, #tpu.memory_space<vmem>>, vector<1x16xf32>,
        %get3A_202 = vector.shape_cast %get3A_201 : vector<1x16xf32> to vector<16xf32>
        %add3A_203 = arith.addf %add3A_198, %get3A_202 : vector<16xf32>
        %get3A_204 = arith.index_cast %scan3A_160 : i32 to index
        %get3A_205 = arith.constant 16 : index
        %get3A_206 = tpu.vector_load %arg19[%get3A_204, %get3A_205] {strides = array<i32>} : memref<80x128xf32, #tpu.memory_space<vmem>>, vector<1x16xf32>,
        %get3A_207 = vector.shape_cast %get3A_206 : vector<1x16xf32> to vector<16xf32>
        %add3A_208 = arith.addf %add3A_203, %get3A_207 : vector<16xf32>
        %get3A_209 = arith.index_cast %scan3A_160 : i32 to index
        %get3A_210 = arith.constant 16 : index
        %get3A_211 = tpu.vector_load %arg20[%get3A_209, %get3A_210] {strides = array<i32>} : memref<80x128xf32, #tpu.memory_space<vmem>>, vector<1x16xf32>,
        %get3A_212 = vector.shape_cast %get3A_211 : vector<1x16xf32> to vector<16xf32>
        %add3A_213 = arith.addf %add3A_208, %get3A_212 : vector<16xf32>
        %max3A_214 = arith.constant 0.000000e+00 : f32
        %max3A_215 = vector.broadcast %max3A_214 : f32 to vector<16xf32>
        %max3A_216 = arith.maximumf %add3A_213, %max3A_215 : vector<16xf32>
        %swap3A_217 = arith.index_cast %scan3A_160 : i32 to index
        %swap3A_218 = arith.constant 16 : index
        %swap3A_219 = tpu.vector_load %arg16[%swap3A_217, %swap3A_218] {strides = array<i32>} : memref<80x128xf32, #tpu.memory_space<vmem>>, vector<1x16xf32>,
        %swap3A_220 = vector.shape_cast %swap3A_219 : vector<1x16xf32> to vector<16xf32>
        %swap3A_221 = vector.shape_cast %max3A_216 : vector<16xf32> to vector<1x16xf32>
        tpu.vector_store %arg16[%swap3A_217, %swap3A_218], %swap3A_221 {strides = array<i32>} : memref<80x128xf32, #tpu.memory_space<vmem>>, vector<1x16xf32>,
        %get3A_222 = arith.index_cast %scan3A_160 : i32 to index
        %get3A_223 = arith.constant 32 : index
        %get3A_224 = tpu.vector_load %arg16[%get3A_222, %get3A_223] {strides = array<i32>} : memref<80x128xf32, #tpu.memory_space<vmem>>, vector<1x16xf32>,
        %get3A_225 = vector.shape_cast %get3A_224 : vector<1x16xf32> to vector<16xf32>
        %get3A_226 = arith.index_cast %scan3A_160 : i32 to index
        %get3A_227 = arith.constant 32 : index
        %get3A_228 = tpu.vector_load %arg17[%get3A_226, %get3A_227] {strides = array<i32>} : memref<80x128xf32, #tpu.memory_space<vmem>>, vector<1x16xf32>,
        %get3A_229 = vector.shape_cast %get3A_228 : vector<1x16xf32> to vector<16xf32>
        %add3A_230 = arith.addf %get3A_225, %get3A_229 : vector<16xf32>
        %get3A_231 = arith.index_cast %scan3A_160 : i32 to index
        %get3A_232 = arith.constant 32 : index
        %get3A_233 = tpu.vector_load %arg18[%get3A_231, %get3A_232] {strides = array<i32>} : memref<80x128xf32, #tpu.memory_space<vmem>>, vector<1x16xf32>,
        %get3A_234 = vector.shape_cast %get3A_233 : vector<1x16xf32> to vector<16xf32>
        %add3A_235 = arith.addf %add3A_230, %get3A_234 : vector<16xf32>
        %get3A_236 = arith.index_cast %scan3A_160 : i32 to index
        %get3A_237 = arith.constant 32 : index
        %get3A_238 = tpu.vector_load %arg19[%get3A_236, %get3A_237] {strides = array<i32>} : memref<80x128xf32, #tpu.memory_space<vmem>>, vector<1x16xf32>,
        %get3A_239 = vector.shape_cast %get3A_238 : vector<1x16xf32> to vector<16xf32>
        %add3A_240 = arith.addf %add3A_235, %get3A_239 : vector<16xf32>
        %get3A_241 = arith.index_cast %scan3A_160 : i32 to index
        %get3A_242 = arith.constant 32 : index
        %get3A_243 = tpu.vector_load %arg20[%get3A_241, %get3A_242] {strides = array<i32>} : memref<80x128xf32, #tpu.memory_space<vmem>>, vector<1x16xf32>,
        %get3A_244 = vector.shape_cast %get3A_243 : vector<1x16xf32> to vector<16xf32>
        %add3A_245 = arith.addf %add3A_240, %get3A_244 : vector<16xf32>
        %max3A_246 = arith.constant 0.000000e+00 : f32
        %max3A_247 = vector.broadcast %max3A_246 : f32 to vector<16xf32>
        %max3A_248 = arith.maximumf %add3A_245, %max3A_247 : vector<16xf32>
        %swap3A_249 = arith.index_cast %scan3A_160 : i32 to index
        %swap3A_250 = arith.constant 32 : index
        %swap3A_251 = tpu.vector_load %arg16[%swap3A_249, %swap3A_250] {strides = array<i32>} : memref<80x128xf32, #tpu.memory_space<vmem>>, vector<1x16xf32>,
        %swap3A_252 = vector.shape_cast %swap3A_251 : vector<1x16xf32> to vector<16xf32>
        %swap3A_253 = vector.shape_cast %max3A_248 : vector<16xf32> to vector<1x16xf32>
        tpu.vector_store %arg16[%swap3A_249, %swap3A_250], %swap3A_253 {strides = array<i32>} : memref<80x128xf32, #tpu.memory_space<vmem>>, vector<1x16xf32>,
        %get3A_254 = arith.index_cast %scan3A_160 : i32 to index
        %get3A_255 = arith.constant 48 : index
        %get3A_256 = tpu.vector_load %arg16[%get3A_254, %get3A_255] {strides = array<i32>} : memref<80x128xf32, #tpu.memory_space<vmem>>, vector<1x16xf32>,
        %get3A_257 = vector.shape_cast %get3A_256 : vector<1x16xf32> to vector<16xf32>
        %get3A_258 = arith.index_cast %scan3A_160 : i32 to index
        %get3A_259 = arith.constant 48 : index
        %get3A_260 = tpu.vector_load %arg17[%get3A_258, %get3A_259] {strides = array<i32>} : memref<80x128xf32, #tpu.memory_space<vmem>>, vector<1x16xf32>,
        %get3A_261 = vector.shape_cast %get3A_260 : vector<1x16xf32> to vector<16xf32>
        %add3A_262 = arith.addf %get3A_257, %get3A_261 : vector<16xf32>
        %get3A_263 = arith.index_cast %scan3A_160 : i32 to index
        %get3A_264 = arith.constant 48 : index
        %get3A_265 = tpu.vector_load %arg18[%get3A_263, %get3A_264] {strides = array<i32>} : memref<80x128xf32, #tpu.memory_space<vmem>>, vector<1x16xf32>,
        %get3A_266 = vector.shape_cast %get3A_265 : vector<1x16xf32> to vector<16xf32>
        %add3A_267 = arith.addf %add3A_262, %get3A_266 : vector<16xf32>
        %get3A_268 = arith.index_cast %scan3A_160 : i32 to index
        %get3A_269 = arith.constant 48 : index
        %get3A_270 = tpu.vector_load %arg19[%get3A_268, %get3A_269] {strides = array<i32>} : memref<80x128xf32, #tpu.memory_space<vmem>>, vector<1x16xf32>,
        %get3A_271 = vector.shape_cast %get3A_270 : vector<1x16xf32> to vector<16xf32>
        %add3A_272 = arith.addf %add3A_267, %get3A_271 : vector<16xf32>
        %get3A_273 = arith.index_cast %scan3A_160 : i32 to index
        %get3A_274 = arith.constant 48 : index
        %get3A_275 = tpu.vector_load %arg20[%get3A_273, %get3A_274] {strides = array<i32>} : memref<80x128xf32, #tpu.memory_space<vmem>>, vector<1x16xf32>,
        %get3A_276 = vector.shape_cast %get3A_275 : vector<1x16xf32> to vector<16xf32>
        %add3A_277 = arith.addf %add3A_272, %get3A_276 : vector<16xf32>
        %max3A_278 = arith.constant 0.000000e+00 : f32
        %max3A_279 = vector.broadcast %max3A_278 : f32 to vector<16xf32>
        %max3A_280 = arith.maximumf %add3A_277, %max3A_279 : vector<16xf32>
        %swap3A_281 = arith.index_cast %scan3A_160 : i32 to index
        %swap3A_282 = arith.constant 48 : index
        %swap3A_283 = tpu.vector_load %arg16[%swap3A_281, %swap3A_282] {strides = array<i32>} : memref<80x128xf32, #tpu.memory_space<vmem>>, vector<1x16xf32>,
        %swap3A_284 = vector.shape_cast %swap3A_283 : vector<1x16xf32> to vector<16xf32>
        %swap3A_285 = vector.shape_cast %max3A_280 : vector<16xf32> to vector<1x16xf32>
        tpu.vector_store %arg16[%swap3A_281, %swap3A_282], %swap3A_285 {strides = array<i32>} : memref<80x128xf32, #tpu.memory_space<vmem>>, vector<1x16xf32>,
        %get3A_286 = arith.index_cast %scan3A_160 : i32 to index
        %get3A_287 = arith.constant 64 : index
        %get3A_288 = tpu.vector_load %arg16[%get3A_286, %get3A_287] {strides = array<i32>} : memref<80x128xf32, #tpu.memory_space<vmem>>, vector<1x16xf32>,
        %get3A_289 = vector.shape_cast %get3A_288 : vector<1x16xf32> to vector<16xf32>
        %get3A_290 = arith.index_cast %scan3A_160 : i32 to index
        %get3A_291 = arith.constant 64 : index
        %get3A_292 = tpu.vector_load %arg17[%get3A_290, %get3A_291] {strides = array<i32>} : memref<80x128xf32, #tpu.memory_space<vmem>>, vector<1x16xf32>,
        %get3A_293 = vector.shape_cast %get3A_292 : vector<1x16xf32> to vector<16xf32>
        %add3A_294 = arith.addf %get3A_289, %get3A_293 : vector<16xf32>
        %get3A_295 = arith.index_cast %scan3A_160 : i32 to index
        %get3A_296 = arith.constant 64 : index
        %get3A_297 = tpu.vector_load %arg18[%get3A_295, %get3A_296] {strides = array<i32>} : memref<80x128xf32, #tpu.memory_space<vmem>>, vector<1x16xf32>,
        %get3A_298 = vector.shape_cast %get3A_297 : vector<1x16xf32> to vector<16xf32>
        %add3A_299 = arith.addf %add3A_294, %get3A_298 : vector<16xf32>
        %get3A_300 = arith.index_cast %scan3A_160 : i32 to index
        %get3A_301 = arith.constant 64 : index
        %get3A_302 = tpu.vector_load %arg19[%get3A_300, %get3A_301] {strides = array<i32>} : memref<80x128xf32, #tpu.memory_space<vmem>>, vector<1x16xf32>,
        %get3A_303 = vector.shape_cast %get3A_302 : vector<1x16xf32> to vector<16xf32>
        %add3A_304 = arith.addf %add3A_299, %get3A_303 : vector<16xf32>
        %get3A_305 = arith.index_cast %scan3A_160 : i32 to index
        %get3A_306 = arith.constant 64 : index
        %get3A_307 = tpu.vector_load %arg20[%get3A_305, %get3A_306] {strides = array<i32>} : memref<80x128xf32, #tpu.memory_space<vmem>>, vector<1x16xf32>,
        %get3A_308 = vector.shape_cast %get3A_307 : vector<1x16xf32> to vector<16xf32>
        %add3A_309 = arith.addf %add3A_304, %get3A_308 : vector<16xf32>
        %max3A_310 = arith.constant 0.000000e+00 : f32
        %max3A_311 = vector.broadcast %max3A_310 : f32 to vector<16xf32>
        %max3A_312 = arith.maximumf %add3A_309, %max3A_311 : vector<16xf32>
        %swap3A_313 = arith.index_cast %scan3A_160 : i32 to index
        %swap3A_314 = arith.constant 64 : index
        %swap3A_315 = tpu.vector_load %arg16[%swap3A_313, %swap3A_314] {strides = array<i32>} : memref<80x128xf32, #tpu.memory_space<vmem>>, vector<1x16xf32>,
        %swap3A_316 = vector.shape_cast %swap3A_315 : vector<1x16xf32> to vector<16xf32>
        %swap3A_317 = vector.shape_cast %max3A_312 : vector<16xf32> to vector<1x16xf32>
        tpu.vector_store %arg16[%swap3A_313, %swap3A_314], %swap3A_317 {strides = array<i32>} : memref<80x128xf32, #tpu.memory_space<vmem>>, vector<1x16xf32>,
        %get3A_318 = arith.index_cast %scan3A_160 : i32 to index
        %get3A_319 = arith.constant 80 : index
        %get3A_320 = tpu.vector_load %arg16[%get3A_318, %get3A_319] {strides = array<i32>} : memref<80x128xf32, #tpu.memory_space<vmem>>, vector<1x16xf32>,
        %get3A_321 = vector.shape_cast %get3A_320 : vector<1x16xf32> to vector<16xf32>
        %get3A_322 = arith.index_cast %scan3A_160 : i32 to index
        %get3A_323 = arith.constant 80 : index
        %get3A_324 = tpu.vector_load %arg17[%get3A_322, %get3A_323] {strides = array<i32>} : memref<80x128xf32, #tpu.memory_space<vmem>>, vector<1x16xf32>,
        %get3A_325 = vector.shape_cast %get3A_324 : vector<1x16xf32> to vector<16xf32>
        %add3A_326 = arith.addf %get3A_321, %get3A_325 : vector<16xf32>
        %get3A_327 = arith.index_cast %scan3A_160 : i32 to index
        %get3A_328 = arith.constant 80 : index
        %get3A_329 = tpu.vector_load %arg18[%get3A_327, %get3A_328] {strides = array<i32>} : memref<80x128xf32, #tpu.memory_space<vmem>>, vector<1x16xf32>,
        %get3A_330 = vector.shape_cast %get3A_329 : vector<1x16xf32> to vector<16xf32>
        %add3A_331 = arith.addf %add3A_326, %get3A_330 : vector<16xf32>
        %get3A_332 = arith.index_cast %scan3A_160 : i32 to index
        %get3A_333 = arith.constant 80 : index
        %get3A_334 = tpu.vector_load %arg19[%get3A_332, %get3A_333] {strides = array<i32>} : memref<80x128xf32, #tpu.memory_space<vmem>>, vector<1x16xf32>,
        %get3A_335 = vector.shape_cast %get3A_334 : vector<1x16xf32> to vector<16xf32>
        %add3A_336 = arith.addf %add3A_331, %get3A_335 : vector<16xf32>
        %get3A_337 = arith.index_cast %scan3A_160 : i32 to index
        %get3A_338 = arith.constant 80 : index
        %get3A_339 = tpu.vector_load %arg20[%get3A_337, %get3A_338] {strides = array<i32>} : memref<80x128xf32, #tpu.memory_space<vmem>>, vector<1x16xf32>,
        %get3A_340 = vector.shape_cast %get3A_339 : vector<1x16xf32> to vector<16xf32>
        %add3A_341 = arith.addf %add3A_336, %get3A_340 : vector<16xf32>
        %max3A_342 = arith.constant 0.000000e+00 : f32
        %max3A_343 = vector.broadcast %max3A_342 : f32 to vector<16xf32>
        %max3A_344 = arith.maximumf %add3A_341, %max3A_343 : vector<16xf32>
        %swap3A_345 = arith.index_cast %scan3A_160 : i32 to index
        %swap3A_346 = arith.constant 80 : index
        %swap3A_347 = tpu.vector_load %arg16[%swap3A_345, %swap3A_346] {strides = array<i32>} : memref<80x128xf32, #tpu.memory_space<vmem>>, vector<1x16xf32>,
        %swap3A_348 = vector.shape_cast %swap3A_347 : vector<1x16xf32> to vector<16xf32>
        %swap3A_349 = vector.shape_cast %max3A_344 : vector<16xf32> to vector<1x16xf32>
        tpu.vector_store %arg16[%swap3A_345, %swap3A_346], %swap3A_349 {strides = array<i32>} : memref<80x128xf32, #tpu.memory_space<vmem>>, vector<1x16xf32>,
        %get3A_350 = arith.index_cast %scan3A_160 : i32 to index
        %get3A_351 = arith.constant 96 : index
        %get3A_352 = tpu.vector_load %arg16[%get3A_350, %get3A_351] {strides = array<i32>} : memref<80x128xf32, #tpu.memory_space<vmem>>, vector<1x16xf32>,
        %get3A_353 = vector.shape_cast %get3A_352 : vector<1x16xf32> to vector<16xf32>
        %get3A_354 = arith.index_cast %scan3A_160 : i32 to index
        %get3A_355 = arith.constant 96 : index
        %get3A_356 = tpu.vector_load %arg17[%get3A_354, %get3A_355] {strides = array<i32>} : memref<80x128xf32, #tpu.memory_space<vmem>>, vector<1x16xf32>,
        %get3A_357 = vector.shape_cast %get3A_356 : vector<1x16xf32> to vector<16xf32>
        %add3A_358 = arith.addf %get3A_353, %get3A_357 : vector<16xf32>
        %get3A_359 = arith.index_cast %scan3A_160 : i32 to index
        %get3A_360 = arith.constant 96 : index
        %get3A_361 = tpu.vector_load %arg18[%get3A_359, %get3A_360] {strides = array<i32>} : memref<80x128xf32, #tpu.memory_space<vmem>>, vector<1x16xf32>,
        %get3A_362 = vector.shape_cast %get3A_361 : vector<1x16xf32> to vector<16xf32>
        %add3A_363 = arith.addf %add3A_358, %get3A_362 : vector<16xf32>
        %get3A_364 = arith.index_cast %scan3A_160 : i32 to index
        %get3A_365 = arith.constant 96 : index
        %get3A_366 = tpu.vector_load %arg19[%get3A_364, %get3A_365] {strides = array<i32>} : memref<80x128xf32, #tpu.memory_space<vmem>>, vector<1x16xf32>,
        %get3A_367 = vector.shape_cast %get3A_366 : vector<1x16xf32> to vector<16xf32>
        %add3A_368 = arith.addf %add3A_363, %get3A_367 : vector<16xf32>
        %get3A_369 = arith.index_cast %scan3A_160 : i32 to index
        %get3A_370 = arith.constant 96 : index
        %get3A_371 = tpu.vector_load %arg20[%get3A_369, %get3A_370] {strides = array<i32>} : memref<80x128xf32, #tpu.memory_space<vmem>>, vector<1x16xf32>,
        %get3A_372 = vector.shape_cast %get3A_371 : vector<1x16xf32> to vector<16xf32>
        %add3A_373 = arith.addf %add3A_368, %get3A_372 : vector<16xf32>
        %max3A_374 = arith.constant 0.000000e+00 : f32
        %max3A_375 = vector.broadcast %max3A_374 : f32 to vector<16xf32>
        %max3A_376 = arith.maximumf %add3A_373, %max3A_375 : vector<16xf32>
        %swap3A_377 = arith.index_cast %scan3A_160 : i32 to index
        %swap3A_378 = arith.constant 96 : index
        %swap3A_379 = tpu.vector_load %arg16[%swap3A_377, %swap3A_378] {strides = array<i32>} : memref<80x128xf32, #tpu.memory_space<vmem>>, vector<1x16xf32>,
        %swap3A_380 = vector.shape_cast %swap3A_379 : vector<1x16xf32> to vector<16xf32>
        %swap3A_381 = vector.shape_cast %max3A_376 : vector<16xf32> to vector<1x16xf32>
        tpu.vector_store %arg16[%swap3A_377, %swap3A_378], %swap3A_381 {strides = array<i32>} : memref<80x128xf32, #tpu.memory_space<vmem>>, vector<1x16xf32>,
        %get3A_382 = arith.index_cast %scan3A_160 : i32 to index
        %get3A_383 = arith.constant 112 : index
        %get3A_384 = tpu.vector_load %arg16[%get3A_382, %get3A_383] {strides = array<i32>} : memref<80x128xf32, #tpu.memory_space<vmem>>, vector<1x16xf32>,
        %get3A_385 = vector.shape_cast %get3A_384 : vector<1x16xf32> to vector<16xf32>
        %get3A_386 = arith.index_cast %scan3A_160 : i32 to index
        %get3A_387 = arith.constant 112 : index
        %get3A_388 = tpu.vector_load %arg17[%get3A_386, %get3A_387] {strides = array<i32>} : memref<80x128xf32, #tpu.memory_space<vmem>>, vector<1x16xf32>,
        %get3A_389 = vector.shape_cast %get3A_388 : vector<1x16xf32> to vector<16xf32>
        %add3A_390 = arith.addf %get3A_385, %get3A_389 : vector<16xf32>
        %get3A_391 = arith.index_cast %scan3A_160 : i32 to index
        %get3A_392 = arith.constant 112 : index
        %get3A_393 = tpu.vector_load %arg18[%get3A_391, %get3A_392] {strides = array<i32>} : memref<80x128xf32, #tpu.memory_space<vmem>>, vector<1x16xf32>,
        %get3A_394 = vector.shape_cast %get3A_393 : vector<1x16xf32> to vector<16xf32>
        %add3A_395 = arith.addf %add3A_390, %get3A_394 : vector<16xf32>
        %get3A_396 = arith.index_cast %scan3A_160 : i32 to index
        %get3A_397 = arith.constant 112 : index
        %get3A_398 = tpu.vector_load %arg19[%get3A_396, %get3A_397] {strides = array<i32>} : memref<80x128xf32, #tpu.memory_space<vmem>>, vector<1x16xf32>,
        %get3A_399 = vector.shape_cast %get3A_398 : vector<1x16xf32> to vector<16xf32>
        %add3A_400 = arith.addf %add3A_395, %get3A_399 : vector<16xf32>
        %get3A_401 = arith.index_cast %scan3A_160 : i32 to index
        %get3A_402 = arith.constant 112 : index
        %get3A_403 = tpu.vector_load %arg20[%get3A_401, %get3A_402] {strides = array<i32>} : memref<80x128xf32, #tpu.memory_space<vmem>>, vector<1x16xf32>,
        %get3A_404 = vector.shape_cast %get3A_403 : vector<1x16xf32> to vector<16xf32>
        %add3A_405 = arith.addf %add3A_400, %get3A_404 : vector<16xf32>
        %max3A_406 = arith.constant 0.000000e+00 : f32
        %max3A_407 = vector.broadcast %max3A_406 : f32 to vector<16xf32>
        %max3A_408 = arith.maximumf %add3A_405, %max3A_407 : vector<16xf32>
        %swap3A_409 = arith.index_cast %scan3A_160 : i32 to index
        %swap3A_410 = arith.constant 112 : index
        %swap3A_411 = tpu.vector_load %arg16[%swap3A_409, %swap3A_410] {strides = array<i32>} : memref<80x128xf32, #tpu.memory_space<vmem>>, vector<1x16xf32>,
        %swap3A_412 = vector.shape_cast %swap3A_411 : vector<1x16xf32> to vector<16xf32>
        %swap3A_413 = vector.shape_cast %max3A_408 : vector<16xf32> to vector<1x16xf32>
        tpu.vector_store %arg16[%swap3A_409, %swap3A_410], %swap3A_413 {strides = array<i32>} : memref<80x128xf32, #tpu.memory_space<vmem>>, vector<1x16xf32>,
      }
      %scan3A_115 = arith.constant 80 : i32
      "tpu.region"() ({
        %run_scoped3A = tpu.sem_alloc : memref<!tpu.dma_semaphore, #tpu.memory_space<semaphore_mem>>
        %dma_start3A_160 = arith.constant 0 : i32
        %dma_start3A_161 = tpu.memref_slice %arg11[%add3A_81, %dma_start3A_160] : memref<102400x128xf32, #tpu.memory_space<hbm>> -> memref<80x128xf32, #tpu.memory_space<hbm>>
        %dma_start3A_162 = arith.constant 0 : i32
        %dma_start3A_163 = tpu.memref_slice %arg11[%add3A_81, %dma_start3A_162] : memref<102400x128xf32, #tpu.memory_space<hbm>> -> memref<80x128xf32, #tpu.memory_space<hbm>>
        tpu.enqueue_dma source(%arg16 : memref<80x128xf32, #tpu.memory_space<vmem>>) target(%dma_start3A_163 : memref<80x128xf32, #tpu.memory_space<hbm>>) target_semaphore(%run_scoped3A : memref<!tpu.dma_semaphore, #tpu.memory_space<semaphore_mem>>)
        %dma_wait3A_164 = arith.constant 0 : i32
        %dma_wait3A_165 = tpu.memref_slice %arg11[%add3A_81, %dma_wait3A_164] : memref<102400x128xf32, #tpu.memory_space<hbm>> -> memref<80x128xf32, #tpu.memory_space<hbm>>
        %dma_wait3A_166 = arith.constant 0 : i32
        %dma_wait3A_167 = tpu.memref_slice %arg11[%add3A_81, %dma_wait3A_166] : memref<102400x128xf32, #tpu.memory_space<hbm>> -> memref<80x128xf32, #tpu.memory_space<hbm>>
        tpu.wait_dma2 semaphore(%run_scoped3A : memref<!tpu.dma_semaphore, #tpu.memory_space<semaphore_mem>>) src(%arg16 : memref<80x128xf32, #tpu.memory_space<vmem>>) dst(%dma_wait3A_167 : memref<80x128xf32, #tpu.memory_space<hbm>>)
        tpu.yield
      }) : () -> ()
      %add3A_116 = arith.constant 2 : i32
      %add3A_117 = arith.addi %mul3A_57, %add3A_116 : i32
      %lt3A = arith.cmpi slt, %add3A_117, %select_n3A : i32
      %convert_element_type3A = arith.extui %lt3A : i1 to i32
      %cond3A = arith.constant 0 : i32
      %cond3A_118 = arith.cmpi ne, %convert_element_type3A, %cond3A : i32
      scf.if %cond3A_118 {
        %add3A_160 = arith.constant 2 : i32
        %add3A_161 = arith.addi %mul3A_57, %add3A_160 : i32
        %mul3A_162 = arith.constant 80 : i32
        %mul3A_163 = arith.muli %add3A_161, %mul3A_162 : i32
        %add3A_164 = arith.addi %mul3A_10, %mul3A_163 : i32
        "tpu.region"() ({
          %run_scoped3A = tpu.sem_alloc : memref<!tpu.dma_semaphore, #tpu.memory_space<semaphore_mem>>
          %dma_start3A_181 = tpu.memref_slice %arg7[%add3A_164] : memref<102400xi32, #tpu.memory_space<hbm>> -> memref<80xi32, #tpu.memory_space<hbm>>
          %dma_start3A_182 = tpu.memref_slice %arg7[%add3A_164] : memref<102400xi32, #tpu.memory_space<hbm>> -> memref<80xi32, #tpu.memory_space<hbm>>
          tpu.enqueue_dma source(%dma_start3A_182 : memref<80xi32, #tpu.memory_space<hbm>>) target(%arg12 : memref<80xi32, #tpu.memory_space<vmem>>) target_semaphore(%run_scoped3A : memref<!tpu.dma_semaphore, #tpu.memory_space<semaphore_mem>>)
          %dma_wait3A_183 = tpu.memref_slice %arg7[%add3A_164] : memref<102400xi32, #tpu.memory_space<hbm>> -> memref<80xi32, #tpu.memory_space<hbm>>
          %dma_wait3A_184 = tpu.memref_slice %arg7[%add3A_164] : memref<102400xi32, #tpu.memory_space<hbm>> -> memref<80xi32, #tpu.memory_space<hbm>>
          tpu.wait_dma2 semaphore(%run_scoped3A : memref<!tpu.dma_semaphore, #tpu.memory_space<semaphore_mem>>) src(%dma_wait3A_184 : memref<80xi32, #tpu.memory_space<hbm>>) dst(%arg12 : memref<80xi32, #tpu.memory_space<vmem>>)
          tpu.yield
        }) : () -> ()
        "tpu.region"() ({
          %run_scoped3A = tpu.sem_alloc : memref<!tpu.dma_semaphore, #tpu.memory_space<semaphore_mem>>
          %dma_start3A_181 = tpu.memref_slice %arg8[%add3A_164] : memref<102400xi32, #tpu.memory_space<hbm>> -> memref<80xi32, #tpu.memory_space<hbm>>
          %dma_start3A_182 = tpu.memref_slice %arg8[%add3A_164] : memref<102400xi32, #tpu.memory_space<hbm>> -> memref<80xi32, #tpu.memory_space<hbm>>
          tpu.enqueue_dma source(%dma_start3A_182 : memref<80xi32, #tpu.memory_space<hbm>>) target(%arg13 : memref<80xi32, #tpu.memory_space<vmem>>) target_semaphore(%run_scoped3A : memref<!tpu.dma_semaphore, #tpu.memory_space<semaphore_mem>>)
          %dma_wait3A_183 = tpu.memref_slice %arg8[%add3A_164] : memref<102400xi32, #tpu.memory_space<hbm>> -> memref<80xi32, #tpu.memory_space<hbm>>
          %dma_wait3A_184 = tpu.memref_slice %arg8[%add3A_164] : memref<102400xi32, #tpu.memory_space<hbm>> -> memref<80xi32, #tpu.memory_space<hbm>>
          tpu.wait_dma2 semaphore(%run_scoped3A : memref<!tpu.dma_semaphore, #tpu.memory_space<semaphore_mem>>) src(%dma_wait3A_184 : memref<80xi32, #tpu.memory_space<hbm>>) dst(%arg13 : memref<80xi32, #tpu.memory_space<vmem>>)
          tpu.yield
        }) : () -> ()
        "tpu.region"() ({
          %run_scoped3A = tpu.sem_alloc : memref<!tpu.dma_semaphore, #tpu.memory_space<semaphore_mem>>
          %dma_start3A_181 = tpu.memref_slice %arg9[%add3A_164] : memref<102400xi32, #tpu.memory_space<hbm>> -> memref<80xi32, #tpu.memory_space<hbm>>
          %dma_start3A_182 = tpu.memref_slice %arg9[%add3A_164] : memref<102400xi32, #tpu.memory_space<hbm>> -> memref<80xi32, #tpu.memory_space<hbm>>
          tpu.enqueue_dma source(%dma_start3A_182 : memref<80xi32, #tpu.memory_space<hbm>>) target(%arg14 : memref<80xi32, #tpu.memory_space<vmem>>) target_semaphore(%run_scoped3A : memref<!tpu.dma_semaphore, #tpu.memory_space<semaphore_mem>>)
          %dma_wait3A_183 = tpu.memref_slice %arg9[%add3A_164] : memref<102400xi32, #tpu.memory_space<hbm>> -> memref<80xi32, #tpu.memory_space<hbm>>
          %dma_wait3A_184 = tpu.memref_slice %arg9[%add3A_164] : memref<102400xi32, #tpu.memory_space<hbm>> -> memref<80xi32, #tpu.memory_space<hbm>>
          tpu.wait_dma2 semaphore(%run_scoped3A : memref<!tpu.dma_semaphore, #tpu.memory_space<semaphore_mem>>) src(%dma_wait3A_184 : memref<80xi32, #tpu.memory_space<hbm>>) dst(%arg14 : memref<80xi32, #tpu.memory_space<vmem>>)
          tpu.yield
        }) : () -> ()
        "tpu.region"() ({
          %run_scoped3A = tpu.sem_alloc : memref<!tpu.dma_semaphore, #tpu.memory_space<semaphore_mem>>
          %dma_start3A_181 = tpu.memref_slice %arg10[%add3A_164] : memref<102400xi32, #tpu.memory_space<hbm>> -> memref<80xi32, #tpu.memory_space<hbm>>
          %dma_start3A_182 = tpu.memref_slice %arg10[%add3A_164] : memref<102400xi32, #tpu.memory_space<hbm>> -> memref<80xi32, #tpu.memory_space<hbm>>
          tpu.enqueue_dma source(%dma_start3A_182 : memref<80xi32, #tpu.memory_space<hbm>>) target(%arg15 : memref<80xi32, #tpu.memory_space<vmem>>) target_semaphore(%run_scoped3A : memref<!tpu.dma_semaphore, #tpu.memory_space<semaphore_mem>>)
          %dma_wait3A_183 = tpu.memref_slice %arg10[%add3A_164] : memref<102400xi32, #tpu.memory_space<hbm>> -> memref<80xi32, #tpu.memory_space<hbm>>
          %dma_wait3A_184 = tpu.memref_slice %arg10[%add3A_164] : memref<102400xi32, #tpu.memory_space<hbm>> -> memref<80xi32, #tpu.memory_space<hbm>>
          tpu.wait_dma2 semaphore(%run_scoped3A : memref<!tpu.dma_semaphore, #tpu.memory_space<semaphore_mem>>) src(%dma_wait3A_184 : memref<80xi32, #tpu.memory_space<hbm>>) dst(%arg15 : memref<80xi32, #tpu.memory_space<vmem>>)
          tpu.yield
        }) : () -> ()
        %dma_start3A_165 = arith.constant 0 : i32
        %dma_start3A_166 = arith.constant 0 : i32
        %dma_start3A_167 = tpu.memref_slice %arg3[%dma_start3A_165, %dma_start3A_166] : memref<102400x128xf32, #tpu.memory_space<hbm>> -> memref<102400x128xf32, #tpu.memory_space<hbm>>
        tpu.enqueue_indirect_dma source(%dma_start3A_167 : memref<102400x128xf32, #tpu.memory_space<hbm>>) target(%arg17 : memref<80x128xf32, #tpu.memory_space<vmem>>) offsets(%arg12 : memref<80xi32, #tpu.memory_space<vmem>>) semaphore(%arg30 : memref<!tpu.dma_semaphore, #tpu.memory_space<semaphore_mem>>)
        %dma_start3A_168 = arith.constant 0 : i32
        %dma_start3A_169 = arith.constant 0 : i32
        %dma_start3A_170 = tpu.memref_slice %arg4[%dma_start3A_168, %dma_start3A_169] : memref<102400x128xf32, #tpu.memory_space<hbm>> -> memref<102400x128xf32, #tpu.memory_space<hbm>>
        tpu.enqueue_indirect_dma source(%dma_start3A_170 : memref<102400x128xf32, #tpu.memory_space<hbm>>) target(%arg18 : memref<80x128xf32, #tpu.memory_space<vmem>>) offsets(%arg13 : memref<80xi32, #tpu.memory_space<vmem>>) semaphore(%arg31 : memref<!tpu.dma_semaphore, #tpu.memory_space<semaphore_mem>>)
        %dma_start3A_171 = arith.constant 0 : i32
        %dma_start3A_172 = arith.constant 0 : i32
        %dma_start3A_173 = tpu.memref_slice %arg5[%dma_start3A_171, %dma_start3A_172] : memref<102400x128xf32, #tpu.memory_space<hbm>> -> memref<102400x128xf32, #tpu.memory_space<hbm>>
        tpu.enqueue_indirect_dma source(%dma_start3A_173 : memref<102400x128xf32, #tpu.memory_space<hbm>>) target(%arg19 : memref<80x128xf32, #tpu.memory_space<vmem>>) offsets(%arg14 : memref<80xi32, #tpu.memory_space<vmem>>) semaphore(%arg32 : memref<!tpu.dma_semaphore, #tpu.memory_space<semaphore_mem>>)
        %dma_start3A_174 = arith.constant 0 : i32
        %dma_start3A_175 = arith.constant 0 : i32
        %dma_start3A_176 = tpu.memref_slice %arg6[%dma_start3A_174, %dma_start3A_175] : memref<102400x128xf32, #tpu.memory_space<hbm>> -> memref<102400x128xf32, #tpu.memory_space<hbm>>
        tpu.enqueue_indirect_dma source(%dma_start3A_176 : memref<102400x128xf32, #tpu.memory_space<hbm>>) target(%arg20 : memref<80x128xf32, #tpu.memory_space<vmem>>) offsets(%arg15 : memref<80xi32, #tpu.memory_space<vmem>>) semaphore(%arg33 : memref<!tpu.dma_semaphore, #tpu.memory_space<semaphore_mem>>)
        %dma_start3A_177 = arith.constant 0 : i32
        %dma_start3A_178 = tpu.memref_slice %arg2[%add3A_164, %dma_start3A_177] : memref<102400x128xf32, #tpu.memory_space<hbm>> -> memref<80x128xf32, #tpu.memory_space<hbm>>
        %dma_start3A_179 = arith.constant 0 : i32
        %dma_start3A_180 = tpu.memref_slice %arg2[%add3A_164, %dma_start3A_179] : memref<102400x128xf32, #tpu.memory_space<hbm>> -> memref<80x128xf32, #tpu.memory_space<hbm>>
        tpu.enqueue_dma source(%dma_start3A_180 : memref<80x128xf32, #tpu.memory_space<hbm>>) target(%arg16 : memref<80x128xf32, #tpu.memory_space<vmem>>) target_semaphore(%arg34 : memref<!tpu.dma_semaphore, #tpu.memory_space<semaphore_mem>>)
      } else {
      }
      %add3A_119 = arith.constant 1 : i32
      %add3A_120 = arith.addi %mul3A_57, %add3A_119 : i32
      %mul3A_121 = arith.constant 80 : i32
      %mul3A_122 = arith.muli %add3A_120, %mul3A_121 : i32
      %add3A_123 = arith.addi %mul3A_10, %mul3A_122 : i32
      %dma_wait3A_124 = arith.constant 0 : i32
      %dma_wait3A_125 = arith.constant 0 : i32
      %dma_wait3A_126 = tpu.memref_slice %arg3[%dma_wait3A_124, %dma_wait3A_125] : memref<102400x128xf32, #tpu.memory_space<hbm>> -> memref<80x128xf32, #tpu.memory_space<hbm>>
      %dma_wait3A_127 = arith.constant 0 : i32
      %dma_wait3A_128 = arith.constant 0 : i32
      %dma_wait3A_129 = tpu.memref_slice %arg3[%dma_wait3A_127, %dma_wait3A_128] : memref<102400x128xf32, #tpu.memory_space<hbm>> -> memref<80x128xf32, #tpu.memory_space<hbm>>
      tpu.wait_dma2 semaphore(%arg35 : memref<!tpu.dma_semaphore, #tpu.memory_space<semaphore_mem>>) src(%dma_wait3A_129 : memref<80x128xf32, #tpu.memory_space<hbm>>) dst(%arg26 : memref<80x128xf32, #tpu.memory_space<vmem>>)
      %dma_wait3A_130 = arith.constant 0 : i32
      %dma_wait3A_131 = arith.constant 0 : i32
      %dma_wait3A_132 = tpu.memref_slice %arg4[%dma_wait3A_130, %dma_wait3A_131] : memref<102400x128xf32, #tpu.memory_space<hbm>> -> memref<80x128xf32, #tpu.memory_space<hbm>>
      %dma_wait3A_133 = arith.constant 0 : i32
      %dma_wait3A_134 = arith.constant 0 : i32
      %dma_wait3A_135 = tpu.memref_slice %arg4[%dma_wait3A_133, %dma_wait3A_134] : memref<102400x128xf32, #tpu.memory_space<hbm>> -> memref<80x128xf32, #tpu.memory_space<hbm>>
      tpu.wait_dma2 semaphore(%arg36 : memref<!tpu.dma_semaphore, #tpu.memory_space<semaphore_mem>>) src(%dma_wait3A_135 : memref<80x128xf32, #tpu.memory_space<hbm>>) dst(%arg27 : memref<80x128xf32, #tpu.memory_space<vmem>>)
      %dma_wait3A_136 = arith.constant 0 : i32
      %dma_wait3A_137 = arith.constant 0 : i32
      %dma_wait3A_138 = tpu.memref_slice %arg5[%dma_wait3A_136, %dma_wait3A_137] : memref<102400x128xf32, #tpu.memory_space<hbm>> -> memref<80x128xf32, #tpu.memory_space<hbm>>
      %dma_wait3A_139 = arith.constant 0 : i32
      %dma_wait3A_140 = arith.constant 0 : i32
      %dma_wait3A_141 = tpu.memref_slice %arg5[%dma_wait3A_139, %dma_wait3A_140] : memref<102400x128xf32, #tpu.memory_space<hbm>> -> memref<80x128xf32, #tpu.memory_space<hbm>>
      tpu.wait_dma2 semaphore(%arg37 : memref<!tpu.dma_semaphore, #tpu.memory_space<semaphore_mem>>) src(%dma_wait3A_141 : memref<80x128xf32, #tpu.memory_space<hbm>>) dst(%arg28 : memref<80x128xf32, #tpu.memory_space<vmem>>)
      %dma_wait3A_142 = arith.constant 0 : i32
      %dma_wait3A_143 = arith.constant 0 : i32
      %dma_wait3A_144 = tpu.memref_slice %arg6[%dma_wait3A_142, %dma_wait3A_143] : memref<102400x128xf32, #tpu.memory_space<hbm>> -> memref<80x128xf32, #tpu.memory_space<hbm>>
      %dma_wait3A_145 = arith.constant 0 : i32
      %dma_wait3A_146 = arith.constant 0 : i32
      %dma_wait3A_147 = tpu.memref_slice %arg6[%dma_wait3A_145, %dma_wait3A_146] : memref<102400x128xf32, #tpu.memory_space<hbm>> -> memref<80x128xf32, #tpu.memory_space<hbm>>
      tpu.wait_dma2 semaphore(%arg38 : memref<!tpu.dma_semaphore, #tpu.memory_space<semaphore_mem>>) src(%dma_wait3A_147 : memref<80x128xf32, #tpu.memory_space<hbm>>) dst(%arg29 : memref<80x128xf32, #tpu.memory_space<vmem>>)
      %dma_wait3A_148 = arith.constant 0 : i32
      %dma_wait3A_149 = arith.constant 0 : i32
      %dma_wait3A_150 = tpu.memref_slice %arg2[%dma_wait3A_148, %dma_wait3A_149] : memref<102400x128xf32, #tpu.memory_space<hbm>> -> memref<80x128xf32, #tpu.memory_space<hbm>>
      %dma_wait3A_151 = arith.constant 0 : i32
      %dma_wait3A_152 = arith.constant 0 : i32
      %dma_wait3A_153 = tpu.memref_slice %arg2[%dma_wait3A_151, %dma_wait3A_152] : memref<102400x128xf32, #tpu.memory_space<hbm>> -> memref<80x128xf32, #tpu.memory_space<hbm>>
      tpu.wait_dma2 semaphore(%arg39 : memref<!tpu.dma_semaphore, #tpu.memory_space<semaphore_mem>>) src(%dma_wait3A_153 : memref<80x128xf32, #tpu.memory_space<hbm>>) dst(%arg25 : memref<80x128xf32, #tpu.memory_space<vmem>>)
      %scan3A_154 = arith.constant 0 : i32
      %scan3A_155 = arith.constant 0 : i32
      %scan3A_156 = arith.constant 80 : i32
      %scan3A_157 = arith.addi %scan3A_155, %scan3A_156 : i32
      %scan3A_158 = arith.constant 1 : i32
      scf.for %scan3A_160 = %scan3A_155 to %scan3A_157 step %scan3A_158  : i32 {
        %get3A = arith.index_cast %scan3A_160 : i32 to index
        %get3A_161 = arith.constant 0 : index
        %get3A_162 = tpu.vector_load %arg25[%get3A, %get3A_161] {strides = array<i32>} : memref<80x128xf32, #tpu.memory_space<vmem>>, vector<1x16xf32>,
        %get3A_163 = vector.shape_cast %get3A_162 : vector<1x16xf32> to vector<16xf32>
        %get3A_164 = arith.index_cast %scan3A_160 : i32 to index
        %get3A_165 = arith.constant 0 : index
        %get3A_166 = tpu.vector_load %arg26[%get3A_164, %get3A_165] {strides = array<i32>} : memref<80x128xf32, #tpu.memory_space<vmem>>, vector<1x16xf32>,
        %get3A_167 = vector.shape_cast %get3A_166 : vector<1x16xf32> to vector<16xf32>
        %add3A_168 = arith.addf %get3A_163, %get3A_167 : vector<16xf32>
        %get3A_169 = arith.index_cast %scan3A_160 : i32 to index
        %get3A_170 = arith.constant 0 : index
        %get3A_171 = tpu.vector_load %arg27[%get3A_169, %get3A_170] {strides = array<i32>} : memref<80x128xf32, #tpu.memory_space<vmem>>, vector<1x16xf32>,
        %get3A_172 = vector.shape_cast %get3A_171 : vector<1x16xf32> to vector<16xf32>
        %add3A_173 = arith.addf %add3A_168, %get3A_172 : vector<16xf32>
        %get3A_174 = arith.index_cast %scan3A_160 : i32 to index
        %get3A_175 = arith.constant 0 : index
        %get3A_176 = tpu.vector_load %arg28[%get3A_174, %get3A_175] {strides = array<i32>} : memref<80x128xf32, #tpu.memory_space<vmem>>, vector<1x16xf32>,
        %get3A_177 = vector.shape_cast %get3A_176 : vector<1x16xf32> to vector<16xf32>
        %add3A_178 = arith.addf %add3A_173, %get3A_177 : vector<16xf32>
        %get3A_179 = arith.index_cast %scan3A_160 : i32 to index
        %get3A_180 = arith.constant 0 : index
        %get3A_181 = tpu.vector_load %arg29[%get3A_179, %get3A_180] {strides = array<i32>} : memref<80x128xf32, #tpu.memory_space<vmem>>, vector<1x16xf32>,
        %get3A_182 = vector.shape_cast %get3A_181 : vector<1x16xf32> to vector<16xf32>
        %add3A_183 = arith.addf %add3A_178, %get3A_182 : vector<16xf32>
        %max3A = arith.constant 0.000000e+00 : f32
        %max3A_184 = vector.broadcast %max3A : f32 to vector<16xf32>
        %max3A_185 = arith.maximumf %add3A_183, %max3A_184 : vector<16xf32>
        %swap3A = arith.index_cast %scan3A_160 : i32 to index
        %swap3A_186 = arith.constant 0 : index
        %swap3A_187 = tpu.vector_load %arg25[%swap3A, %swap3A_186] {strides = array<i32>} : memref<80x128xf32, #tpu.memory_space<vmem>>, vector<1x16xf32>,
        %swap3A_188 = vector.shape_cast %swap3A_187 : vector<1x16xf32> to vector<16xf32>
        %swap3A_189 = vector.shape_cast %max3A_185 : vector<16xf32> to vector<1x16xf32>
        tpu.vector_store %arg25[%swap3A, %swap3A_186], %swap3A_189 {strides = array<i32>} : memref<80x128xf32, #tpu.memory_space<vmem>>, vector<1x16xf32>,
        %get3A_190 = arith.index_cast %scan3A_160 : i32 to index
        %get3A_191 = arith.constant 16 : index
        %get3A_192 = tpu.vector_load %arg25[%get3A_190, %get3A_191] {strides = array<i32>} : memref<80x128xf32, #tpu.memory_space<vmem>>, vector<1x16xf32>,
        %get3A_193 = vector.shape_cast %get3A_192 : vector<1x16xf32> to vector<16xf32>
        %get3A_194 = arith.index_cast %scan3A_160 : i32 to index
        %get3A_195 = arith.constant 16 : index
        %get3A_196 = tpu.vector_load %arg26[%get3A_194, %get3A_195] {strides = array<i32>} : memref<80x128xf32, #tpu.memory_space<vmem>>, vector<1x16xf32>,
        %get3A_197 = vector.shape_cast %get3A_196 : vector<1x16xf32> to vector<16xf32>
        %add3A_198 = arith.addf %get3A_193, %get3A_197 : vector<16xf32>
        %get3A_199 = arith.index_cast %scan3A_160 : i32 to index
        %get3A_200 = arith.constant 16 : index
        %get3A_201 = tpu.vector_load %arg27[%get3A_199, %get3A_200] {strides = array<i32>} : memref<80x128xf32, #tpu.memory_space<vmem>>, vector<1x16xf32>,
        %get3A_202 = vector.shape_cast %get3A_201 : vector<1x16xf32> to vector<16xf32>
        %add3A_203 = arith.addf %add3A_198, %get3A_202 : vector<16xf32>
        %get3A_204 = arith.index_cast %scan3A_160 : i32 to index
        %get3A_205 = arith.constant 16 : index
        %get3A_206 = tpu.vector_load %arg28[%get3A_204, %get3A_205] {strides = array<i32>} : memref<80x128xf32, #tpu.memory_space<vmem>>, vector<1x16xf32>,
        %get3A_207 = vector.shape_cast %get3A_206 : vector<1x16xf32> to vector<16xf32>
        %add3A_208 = arith.addf %add3A_203, %get3A_207 : vector<16xf32>
        %get3A_209 = arith.index_cast %scan3A_160 : i32 to index
        %get3A_210 = arith.constant 16 : index
        %get3A_211 = tpu.vector_load %arg29[%get3A_209, %get3A_210] {strides = array<i32>} : memref<80x128xf32, #tpu.memory_space<vmem>>, vector<1x16xf32>,
        %get3A_212 = vector.shape_cast %get3A_211 : vector<1x16xf32> to vector<16xf32>
        %add3A_213 = arith.addf %add3A_208, %get3A_212 : vector<16xf32>
        %max3A_214 = arith.constant 0.000000e+00 : f32
        %max3A_215 = vector.broadcast %max3A_214 : f32 to vector<16xf32>
        %max3A_216 = arith.maximumf %add3A_213, %max3A_215 : vector<16xf32>
        %swap3A_217 = arith.index_cast %scan3A_160 : i32 to index
        %swap3A_218 = arith.constant 16 : index
        %swap3A_219 = tpu.vector_load %arg25[%swap3A_217, %swap3A_218] {strides = array<i32>} : memref<80x128xf32, #tpu.memory_space<vmem>>, vector<1x16xf32>,
        %swap3A_220 = vector.shape_cast %swap3A_219 : vector<1x16xf32> to vector<16xf32>
        %swap3A_221 = vector.shape_cast %max3A_216 : vector<16xf32> to vector<1x16xf32>
        tpu.vector_store %arg25[%swap3A_217, %swap3A_218], %swap3A_221 {strides = array<i32>} : memref<80x128xf32, #tpu.memory_space<vmem>>, vector<1x16xf32>,
        %get3A_222 = arith.index_cast %scan3A_160 : i32 to index
        %get3A_223 = arith.constant 32 : index
        %get3A_224 = tpu.vector_load %arg25[%get3A_222, %get3A_223] {strides = array<i32>} : memref<80x128xf32, #tpu.memory_space<vmem>>, vector<1x16xf32>,
        %get3A_225 = vector.shape_cast %get3A_224 : vector<1x16xf32> to vector<16xf32>
        %get3A_226 = arith.index_cast %scan3A_160 : i32 to index
        %get3A_227 = arith.constant 32 : index
        %get3A_228 = tpu.vector_load %arg26[%get3A_226, %get3A_227] {strides = array<i32>} : memref<80x128xf32, #tpu.memory_space<vmem>>, vector<1x16xf32>,
        %get3A_229 = vector.shape_cast %get3A_228 : vector<1x16xf32> to vector<16xf32>
        %add3A_230 = arith.addf %get3A_225, %get3A_229 : vector<16xf32>
        %get3A_231 = arith.index_cast %scan3A_160 : i32 to index
        %get3A_232 = arith.constant 32 : index
        %get3A_233 = tpu.vector_load %arg27[%get3A_231, %get3A_232] {strides = array<i32>} : memref<80x128xf32, #tpu.memory_space<vmem>>, vector<1x16xf32>,
        %get3A_234 = vector.shape_cast %get3A_233 : vector<1x16xf32> to vector<16xf32>
        %add3A_235 = arith.addf %add3A_230, %get3A_234 : vector<16xf32>
        %get3A_236 = arith.index_cast %scan3A_160 : i32 to index
        %get3A_237 = arith.constant 32 : index
        %get3A_238 = tpu.vector_load %arg28[%get3A_236, %get3A_237] {strides = array<i32>} : memref<80x128xf32, #tpu.memory_space<vmem>>, vector<1x16xf32>,
        %get3A_239 = vector.shape_cast %get3A_238 : vector<1x16xf32> to vector<16xf32>
        %add3A_240 = arith.addf %add3A_235, %get3A_239 : vector<16xf32>
        %get3A_241 = arith.index_cast %scan3A_160 : i32 to index
        %get3A_242 = arith.constant 32 : index
        %get3A_243 = tpu.vector_load %arg29[%get3A_241, %get3A_242] {strides = array<i32>} : memref<80x128xf32, #tpu.memory_space<vmem>>, vector<1x16xf32>,
        %get3A_244 = vector.shape_cast %get3A_243 : vector<1x16xf32> to vector<16xf32>
        %add3A_245 = arith.addf %add3A_240, %get3A_244 : vector<16xf32>
        %max3A_246 = arith.constant 0.000000e+00 : f32
        %max3A_247 = vector.broadcast %max3A_246 : f32 to vector<16xf32>
        %max3A_248 = arith.maximumf %add3A_245, %max3A_247 : vector<16xf32>
        %swap3A_249 = arith.index_cast %scan3A_160 : i32 to index
        %swap3A_250 = arith.constant 32 : index
        %swap3A_251 = tpu.vector_load %arg25[%swap3A_249, %swap3A_250] {strides = array<i32>} : memref<80x128xf32, #tpu.memory_space<vmem>>, vector<1x16xf32>,
        %swap3A_252 = vector.shape_cast %swap3A_251 : vector<1x16xf32> to vector<16xf32>
        %swap3A_253 = vector.shape_cast %max3A_248 : vector<16xf32> to vector<1x16xf32>
        tpu.vector_store %arg25[%swap3A_249, %swap3A_250], %swap3A_253 {strides = array<i32>} : memref<80x128xf32, #tpu.memory_space<vmem>>, vector<1x16xf32>,
        %get3A_254 = arith.index_cast %scan3A_160 : i32 to index
        %get3A_255 = arith.constant 48 : index
        %get3A_256 = tpu.vector_load %arg25[%get3A_254, %get3A_255] {strides = array<i32>} : memref<80x128xf32, #tpu.memory_space<vmem>>, vector<1x16xf32>,
        %get3A_257 = vector.shape_cast %get3A_256 : vector<1x16xf32> to vector<16xf32>
        %get3A_258 = arith.index_cast %scan3A_160 : i32 to index
        %get3A_259 = arith.constant 48 : index
        %get3A_260 = tpu.vector_load %arg26[%get3A_258, %get3A_259] {strides = array<i32>} : memref<80x128xf32, #tpu.memory_space<vmem>>, vector<1x16xf32>,
        %get3A_261 = vector.shape_cast %get3A_260 : vector<1x16xf32> to vector<16xf32>
        %add3A_262 = arith.addf %get3A_257, %get3A_261 : vector<16xf32>
        %get3A_263 = arith.index_cast %scan3A_160 : i32 to index
        %get3A_264 = arith.constant 48 : index
        %get3A_265 = tpu.vector_load %arg27[%get3A_263, %get3A_264] {strides = array<i32>} : memref<80x128xf32, #tpu.memory_space<vmem>>, vector<1x16xf32>,
        %get3A_266 = vector.shape_cast %get3A_265 : vector<1x16xf32> to vector<16xf32>
        %add3A_267 = arith.addf %add3A_262, %get3A_266 : vector<16xf32>
        %get3A_268 = arith.index_cast %scan3A_160 : i32 to index
        %get3A_269 = arith.constant 48 : index
        %get3A_270 = tpu.vector_load %arg28[%get3A_268, %get3A_269] {strides = array<i32>} : memref<80x128xf32, #tpu.memory_space<vmem>>, vector<1x16xf32>,
        %get3A_271 = vector.shape_cast %get3A_270 : vector<1x16xf32> to vector<16xf32>
        %add3A_272 = arith.addf %add3A_267, %get3A_271 : vector<16xf32>
        %get3A_273 = arith.index_cast %scan3A_160 : i32 to index
        %get3A_274 = arith.constant 48 : index
        %get3A_275 = tpu.vector_load %arg29[%get3A_273, %get3A_274] {strides = array<i32>} : memref<80x128xf32, #tpu.memory_space<vmem>>, vector<1x16xf32>,
        %get3A_276 = vector.shape_cast %get3A_275 : vector<1x16xf32> to vector<16xf32>
        %add3A_277 = arith.addf %add3A_272, %get3A_276 : vector<16xf32>
        %max3A_278 = arith.constant 0.000000e+00 : f32
        %max3A_279 = vector.broadcast %max3A_278 : f32 to vector<16xf32>
        %max3A_280 = arith.maximumf %add3A_277, %max3A_279 : vector<16xf32>
        %swap3A_281 = arith.index_cast %scan3A_160 : i32 to index
        %swap3A_282 = arith.constant 48 : index
        %swap3A_283 = tpu.vector_load %arg25[%swap3A_281, %swap3A_282] {strides = array<i32>} : memref<80x128xf32, #tpu.memory_space<vmem>>, vector<1x16xf32>,
        %swap3A_284 = vector.shape_cast %swap3A_283 : vector<1x16xf32> to vector<16xf32>
        %swap3A_285 = vector.shape_cast %max3A_280 : vector<16xf32> to vector<1x16xf32>
        tpu.vector_store %arg25[%swap3A_281, %swap3A_282], %swap3A_285 {strides = array<i32>} : memref<80x128xf32, #tpu.memory_space<vmem>>, vector<1x16xf32>,
        %get3A_286 = arith.index_cast %scan3A_160 : i32 to index
        %get3A_287 = arith.constant 64 : index
        %get3A_288 = tpu.vector_load %arg25[%get3A_286, %get3A_287] {strides = array<i32>} : memref<80x128xf32, #tpu.memory_space<vmem>>, vector<1x16xf32>,
        %get3A_289 = vector.shape_cast %get3A_288 : vector<1x16xf32> to vector<16xf32>
        %get3A_290 = arith.index_cast %scan3A_160 : i32 to index
        %get3A_291 = arith.constant 64 : index
        %get3A_292 = tpu.vector_load %arg26[%get3A_290, %get3A_291] {strides = array<i32>} : memref<80x128xf32, #tpu.memory_space<vmem>>, vector<1x16xf32>,
        %get3A_293 = vector.shape_cast %get3A_292 : vector<1x16xf32> to vector<16xf32>
        %add3A_294 = arith.addf %get3A_289, %get3A_293 : vector<16xf32>
        %get3A_295 = arith.index_cast %scan3A_160 : i32 to index
        %get3A_296 = arith.constant 64 : index
        %get3A_297 = tpu.vector_load %arg27[%get3A_295, %get3A_296] {strides = array<i32>} : memref<80x128xf32, #tpu.memory_space<vmem>>, vector<1x16xf32>,
        %get3A_298 = vector.shape_cast %get3A_297 : vector<1x16xf32> to vector<16xf32>
        %add3A_299 = arith.addf %add3A_294, %get3A_298 : vector<16xf32>
        %get3A_300 = arith.index_cast %scan3A_160 : i32 to index
        %get3A_301 = arith.constant 64 : index
        %get3A_302 = tpu.vector_load %arg28[%get3A_300, %get3A_301] {strides = array<i32>} : memref<80x128xf32, #tpu.memory_space<vmem>>, vector<1x16xf32>,
        %get3A_303 = vector.shape_cast %get3A_302 : vector<1x16xf32> to vector<16xf32>
        %add3A_304 = arith.addf %add3A_299, %get3A_303 : vector<16xf32>
        %get3A_305 = arith.index_cast %scan3A_160 : i32 to index
        %get3A_306 = arith.constant 64 : index
        %get3A_307 = tpu.vector_load %arg29[%get3A_305, %get3A_306] {strides = array<i32>} : memref<80x128xf32, #tpu.memory_space<vmem>>, vector<1x16xf32>,
        %get3A_308 = vector.shape_cast %get3A_307 : vector<1x16xf32> to vector<16xf32>
        %add3A_309 = arith.addf %add3A_304, %get3A_308 : vector<16xf32>
        %max3A_310 = arith.constant 0.000000e+00 : f32
        %max3A_311 = vector.broadcast %max3A_310 : f32 to vector<16xf32>
        %max3A_312 = arith.maximumf %add3A_309, %max3A_311 : vector<16xf32>
        %swap3A_313 = arith.index_cast %scan3A_160 : i32 to index
        %swap3A_314 = arith.constant 64 : index
        %swap3A_315 = tpu.vector_load %arg25[%swap3A_313, %swap3A_314] {strides = array<i32>} : memref<80x128xf32, #tpu.memory_space<vmem>>, vector<1x16xf32>,
        %swap3A_316 = vector.shape_cast %swap3A_315 : vector<1x16xf32> to vector<16xf32>
        %swap3A_317 = vector.shape_cast %max3A_312 : vector<16xf32> to vector<1x16xf32>
        tpu.vector_store %arg25[%swap3A_313, %swap3A_314], %swap3A_317 {strides = array<i32>} : memref<80x128xf32, #tpu.memory_space<vmem>>, vector<1x16xf32>,
        %get3A_318 = arith.index_cast %scan3A_160 : i32 to index
        %get3A_319 = arith.constant 80 : index
        %get3A_320 = tpu.vector_load %arg25[%get3A_318, %get3A_319] {strides = array<i32>} : memref<80x128xf32, #tpu.memory_space<vmem>>, vector<1x16xf32>,
        %get3A_321 = vector.shape_cast %get3A_320 : vector<1x16xf32> to vector<16xf32>
        %get3A_322 = arith.index_cast %scan3A_160 : i32 to index
        %get3A_323 = arith.constant 80 : index
        %get3A_324 = tpu.vector_load %arg26[%get3A_322, %get3A_323] {strides = array<i32>} : memref<80x128xf32, #tpu.memory_space<vmem>>, vector<1x16xf32>,
        %get3A_325 = vector.shape_cast %get3A_324 : vector<1x16xf32> to vector<16xf32>
        %add3A_326 = arith.addf %get3A_321, %get3A_325 : vector<16xf32>
        %get3A_327 = arith.index_cast %scan3A_160 : i32 to index
        %get3A_328 = arith.constant 80 : index
        %get3A_329 = tpu.vector_load %arg27[%get3A_327, %get3A_328] {strides = array<i32>} : memref<80x128xf32, #tpu.memory_space<vmem>>, vector<1x16xf32>,
        %get3A_330 = vector.shape_cast %get3A_329 : vector<1x16xf32> to vector<16xf32>
        %add3A_331 = arith.addf %add3A_326, %get3A_330 : vector<16xf32>
        %get3A_332 = arith.index_cast %scan3A_160 : i32 to index
        %get3A_333 = arith.constant 80 : index
        %get3A_334 = tpu.vector_load %arg28[%get3A_332, %get3A_333] {strides = array<i32>} : memref<80x128xf32, #tpu.memory_space<vmem>>, vector<1x16xf32>,
        %get3A_335 = vector.shape_cast %get3A_334 : vector<1x16xf32> to vector<16xf32>
        %add3A_336 = arith.addf %add3A_331, %get3A_335 : vector<16xf32>
        %get3A_337 = arith.index_cast %scan3A_160 : i32 to index
        %get3A_338 = arith.constant 80 : index
        %get3A_339 = tpu.vector_load %arg29[%get3A_337, %get3A_338] {strides = array<i32>} : memref<80x128xf32, #tpu.memory_space<vmem>>, vector<1x16xf32>,
        %get3A_340 = vector.shape_cast %get3A_339 : vector<1x16xf32> to vector<16xf32>
        %add3A_341 = arith.addf %add3A_336, %get3A_340 : vector<16xf32>
        %max3A_342 = arith.constant 0.000000e+00 : f32
        %max3A_343 = vector.broadcast %max3A_342 : f32 to vector<16xf32>
        %max3A_344 = arith.maximumf %add3A_341, %max3A_343 : vector<16xf32>
        %swap3A_345 = arith.index_cast %scan3A_160 : i32 to index
        %swap3A_346 = arith.constant 80 : index
        %swap3A_347 = tpu.vector_load %arg25[%swap3A_345, %swap3A_346] {strides = array<i32>} : memref<80x128xf32, #tpu.memory_space<vmem>>, vector<1x16xf32>,
        %swap3A_348 = vector.shape_cast %swap3A_347 : vector<1x16xf32> to vector<16xf32>
        %swap3A_349 = vector.shape_cast %max3A_344 : vector<16xf32> to vector<1x16xf32>
        tpu.vector_store %arg25[%swap3A_345, %swap3A_346], %swap3A_349 {strides = array<i32>} : memref<80x128xf32, #tpu.memory_space<vmem>>, vector<1x16xf32>,
        %get3A_350 = arith.index_cast %scan3A_160 : i32 to index
        %get3A_351 = arith.constant 96 : index
        %get3A_352 = tpu.vector_load %arg25[%get3A_350, %get3A_351] {strides = array<i32>} : memref<80x128xf32, #tpu.memory_space<vmem>>, vector<1x16xf32>,
        %get3A_353 = vector.shape_cast %get3A_352 : vector<1x16xf32> to vector<16xf32>
        %get3A_354 = arith.index_cast %scan3A_160 : i32 to index
        %get3A_355 = arith.constant 96 : index
        %get3A_356 = tpu.vector_load %arg26[%get3A_354, %get3A_355] {strides = array<i32>} : memref<80x128xf32, #tpu.memory_space<vmem>>, vector<1x16xf32>,
        %get3A_357 = vector.shape_cast %get3A_356 : vector<1x16xf32> to vector<16xf32>
        %add3A_358 = arith.addf %get3A_353, %get3A_357 : vector<16xf32>
        %get3A_359 = arith.index_cast %scan3A_160 : i32 to index
        %get3A_360 = arith.constant 96 : index
        %get3A_361 = tpu.vector_load %arg27[%get3A_359, %get3A_360] {strides = array<i32>} : memref<80x128xf32, #tpu.memory_space<vmem>>, vector<1x16xf32>,
        %get3A_362 = vector.shape_cast %get3A_361 : vector<1x16xf32> to vector<16xf32>
        %add3A_363 = arith.addf %add3A_358, %get3A_362 : vector<16xf32>
        %get3A_364 = arith.index_cast %scan3A_160 : i32 to index
        %get3A_365 = arith.constant 96 : index
        %get3A_366 = tpu.vector_load %arg28[%get3A_364, %get3A_365] {strides = array<i32>} : memref<80x128xf32, #tpu.memory_space<vmem>>, vector<1x16xf32>,
        %get3A_367 = vector.shape_cast %get3A_366 : vector<1x16xf32> to vector<16xf32>
        %add3A_368 = arith.addf %add3A_363, %get3A_367 : vector<16xf32>
        %get3A_369 = arith.index_cast %scan3A_160 : i32 to index
        %get3A_370 = arith.constant 96 : index
        %get3A_371 = tpu.vector_load %arg29[%get3A_369, %get3A_370] {strides = array<i32>} : memref<80x128xf32, #tpu.memory_space<vmem>>, vector<1x16xf32>,
        %get3A_372 = vector.shape_cast %get3A_371 : vector<1x16xf32> to vector<16xf32>
        %add3A_373 = arith.addf %add3A_368, %get3A_372 : vector<16xf32>
        %max3A_374 = arith.constant 0.000000e+00 : f32
        %max3A_375 = vector.broadcast %max3A_374 : f32 to vector<16xf32>
        %max3A_376 = arith.maximumf %add3A_373, %max3A_375 : vector<16xf32>
        %swap3A_377 = arith.index_cast %scan3A_160 : i32 to index
        %swap3A_378 = arith.constant 96 : index
        %swap3A_379 = tpu.vector_load %arg25[%swap3A_377, %swap3A_378] {strides = array<i32>} : memref<80x128xf32, #tpu.memory_space<vmem>>, vector<1x16xf32>,
        %swap3A_380 = vector.shape_cast %swap3A_379 : vector<1x16xf32> to vector<16xf32>
        %swap3A_381 = vector.shape_cast %max3A_376 : vector<16xf32> to vector<1x16xf32>
        tpu.vector_store %arg25[%swap3A_377, %swap3A_378], %swap3A_381 {strides = array<i32>} : memref<80x128xf32, #tpu.memory_space<vmem>>, vector<1x16xf32>,
        %get3A_382 = arith.index_cast %scan3A_160 : i32 to index
        %get3A_383 = arith.constant 112 : index
        %get3A_384 = tpu.vector_load %arg25[%get3A_382, %get3A_383] {strides = array<i32>} : memref<80x128xf32, #tpu.memory_space<vmem>>, vector<1x16xf32>,
        %get3A_385 = vector.shape_cast %get3A_384 : vector<1x16xf32> to vector<16xf32>
        %get3A_386 = arith.index_cast %scan3A_160 : i32 to index
        %get3A_387 = arith.constant 112 : index
        %get3A_388 = tpu.vector_load %arg26[%get3A_386, %get3A_387] {strides = array<i32>} : memref<80x128xf32, #tpu.memory_space<vmem>>, vector<1x16xf32>,
        %get3A_389 = vector.shape_cast %get3A_388 : vector<1x16xf32> to vector<16xf32>
        %add3A_390 = arith.addf %get3A_385, %get3A_389 : vector<16xf32>
        %get3A_391 = arith.index_cast %scan3A_160 : i32 to index
        %get3A_392 = arith.constant 112 : index
        %get3A_393 = tpu.vector_load %arg27[%get3A_391, %get3A_392] {strides = array<i32>} : memref<80x128xf32, #tpu.memory_space<vmem>>, vector<1x16xf32>,
        %get3A_394 = vector.shape_cast %get3A_393 : vector<1x16xf32> to vector<16xf32>
        %add3A_395 = arith.addf %add3A_390, %get3A_394 : vector<16xf32>
        %get3A_396 = arith.index_cast %scan3A_160 : i32 to index
        %get3A_397 = arith.constant 112 : index
        %get3A_398 = tpu.vector_load %arg28[%get3A_396, %get3A_397] {strides = array<i32>} : memref<80x128xf32, #tpu.memory_space<vmem>>, vector<1x16xf32>,
        %get3A_399 = vector.shape_cast %get3A_398 : vector<1x16xf32> to vector<16xf32>
        %add3A_400 = arith.addf %add3A_395, %get3A_399 : vector<16xf32>
        %get3A_401 = arith.index_cast %scan3A_160 : i32 to index
        %get3A_402 = arith.constant 112 : index
        %get3A_403 = tpu.vector_load %arg29[%get3A_401, %get3A_402] {strides = array<i32>} : memref<80x128xf32, #tpu.memory_space<vmem>>, vector<1x16xf32>,
        %get3A_404 = vector.shape_cast %get3A_403 : vector<1x16xf32> to vector<16xf32>
        %add3A_405 = arith.addf %add3A_400, %get3A_404 : vector<16xf32>
        %max3A_406 = arith.constant 0.000000e+00 : f32
        %max3A_407 = vector.broadcast %max3A_406 : f32 to vector<16xf32>
        %max3A_408 = arith.maximumf %add3A_405, %max3A_407 : vector<16xf32>
        %swap3A_409 = arith.index_cast %scan3A_160 : i32 to index
        %swap3A_410 = arith.constant 112 : index
        %swap3A_411 = tpu.vector_load %arg25[%swap3A_409, %swap3A_410] {strides = array<i32>} : memref<80x128xf32, #tpu.memory_space<vmem>>, vector<1x16xf32>,
        %swap3A_412 = vector.shape_cast %swap3A_411 : vector<1x16xf32> to vector<16xf32>
        %swap3A_413 = vector.shape_cast %max3A_408 : vector<16xf32> to vector<1x16xf32>
        tpu.vector_store %arg25[%swap3A_409, %swap3A_410], %swap3A_413 {strides = array<i32>} : memref<80x128xf32, #tpu.memory_space<vmem>>, vector<1x16xf32>,
      }
      %scan3A_159 = arith.constant 80 : i32
      "tpu.region"() ({
        %run_scoped3A = tpu.sem_alloc : memref<!tpu.dma_semaphore, #tpu.memory_space<semaphore_mem>>
        %dma_start3A_160 = arith.constant 0 : i32
        %dma_start3A_161 = tpu.memref_slice %arg11[%add3A_123, %dma_start3A_160] : memref<102400x128xf32, #tpu.memory_space<hbm>> -> memref<80x128xf32, #tpu.memory_space<hbm>>
        %dma_start3A_162 = arith.constant 0 : i32
        %dma_start3A_163 = tpu.memref_slice %arg11[%add3A_123, %dma_start3A_162] : memref<102400x128xf32, #tpu.memory_space<hbm>> -> memref<80x128xf32, #tpu.memory_space<hbm>>
        tpu.enqueue_dma source(%arg25 : memref<80x128xf32, #tpu.memory_space<vmem>>) target(%dma_start3A_163 : memref<80x128xf32, #tpu.memory_space<hbm>>) target_semaphore(%run_scoped3A : memref<!tpu.dma_semaphore, #tpu.memory_space<semaphore_mem>>)
        %dma_wait3A_164 = arith.constant 0 : i32
        %dma_wait3A_165 = tpu.memref_slice %arg11[%add3A_123, %dma_wait3A_164] : memref<102400x128xf32, #tpu.memory_space<hbm>> -> memref<80x128xf32, #tpu.memory_space<hbm>>
        %dma_wait3A_166 = arith.constant 0 : i32
        %dma_wait3A_167 = tpu.memref_slice %arg11[%add3A_123, %dma_wait3A_166] : memref<102400x128xf32, #tpu.memory_space<hbm>> -> memref<80x128xf32, #tpu.memory_space<hbm>>
        tpu.wait_dma2 semaphore(%run_scoped3A : memref<!tpu.dma_semaphore, #tpu.memory_space<semaphore_mem>>) src(%arg25 : memref<80x128xf32, #tpu.memory_space<vmem>>) dst(%dma_wait3A_167 : memref<80x128xf32, #tpu.memory_space<hbm>>)
        tpu.yield
      }) : () -> ()
    }
    %while3A_54 = arith.constant 1 : i32
    scf.for %while3A_55 = %while3A_52 to %while3A_48 step %while3A_54  : i32 {
      %mul3A_56 = arith.constant 2 : i32
      %mul3A_57 = arith.muli %mul3A_56, %while3A_55 : i32
      %add3A_58 = arith.constant 1 : i32
      %add3A_59 = arith.addi %mul3A_57, %add3A_58 : i32
      %mul3A_60 = arith.constant 80 : i32
      %mul3A_61 = arith.muli %add3A_59, %mul3A_60 : i32
      %add3A_62 = arith.addi %mul3A_10, %mul3A_61 : i32
      "tpu.region"() ({
        %run_scoped3A = tpu.sem_alloc : memref<!tpu.dma_semaphore, #tpu.memory_space<semaphore_mem>>
        %dma_start3A_160 = tpu.memref_slice %arg7[%add3A_62] : memref<102400xi32, #tpu.memory_space<hbm>> -> memref<80xi32, #tpu.memory_space<hbm>>
        %dma_start3A_161 = tpu.memref_slice %arg7[%add3A_62] : memref<102400xi32, #tpu.memory_space<hbm>> -> memref<80xi32, #tpu.memory_space<hbm>>
        tpu.enqueue_dma source(%dma_start3A_161 : memref<80xi32, #tpu.memory_space<hbm>>) target(%arg21 : memref<80xi32, #tpu.memory_space<vmem>>) target_semaphore(%run_scoped3A : memref<!tpu.dma_semaphore, #tpu.memory_space<semaphore_mem>>)
        %dma_wait3A_162 = tpu.memref_slice %arg7[%add3A_62] : memref<102400xi32, #tpu.memory_space<hbm>> -> memref<80xi32, #tpu.memory_space<hbm>>
        %dma_wait3A_163 = tpu.memref_slice %arg7[%add3A_62] : memref<102400xi32, #tpu.memory_space<hbm>> -> memref<80xi32, #tpu.memory_space<hbm>>
        tpu.wait_dma2 semaphore(%run_scoped3A : memref<!tpu.dma_semaphore, #tpu.memory_space<semaphore_mem>>) src(%dma_wait3A_163 : memref<80xi32, #tpu.memory_space<hbm>>) dst(%arg21 : memref<80xi32, #tpu.memory_space<vmem>>)
        tpu.yield
      }) : () -> ()
      "tpu.region"() ({
        %run_scoped3A = tpu.sem_alloc : memref<!tpu.dma_semaphore, #tpu.memory_space<semaphore_mem>>
        %dma_start3A_160 = tpu.memref_slice %arg8[%add3A_62] : memref<102400xi32, #tpu.memory_space<hbm>> -> memref<80xi32, #tpu.memory_space<hbm>>
        %dma_start3A_161 = tpu.memref_slice %arg8[%add3A_62] : memref<102400xi32, #tpu.memory_space<hbm>> -> memref<80xi32, #tpu.memory_space<hbm>>
        tpu.enqueue_dma source(%dma_start3A_161 : memref<80xi32, #tpu.memory_space<hbm>>) target(%arg22 : memref<80xi32, #tpu.memory_space<vmem>>) target_semaphore(%run_scoped3A : memref<!tpu.dma_semaphore, #tpu.memory_space<semaphore_mem>>)
        %dma_wait3A_162 = tpu.memref_slice %arg8[%add3A_62] : memref<102400xi32, #tpu.memory_space<hbm>> -> memref<80xi32, #tpu.memory_space<hbm>>
        %dma_wait3A_163 = tpu.memref_slice %arg8[%add3A_62] : memref<102400xi32, #tpu.memory_space<hbm>> -> memref<80xi32, #tpu.memory_space<hbm>>
        tpu.wait_dma2 semaphore(%run_scoped3A : memref<!tpu.dma_semaphore, #tpu.memory_space<semaphore_mem>>) src(%dma_wait3A_163 : memref<80xi32, #tpu.memory_space<hbm>>) dst(%arg22 : memref<80xi32, #tpu.memory_space<vmem>>)
        tpu.yield
      }) : () -> ()
      "tpu.region"() ({
        %run_scoped3A = tpu.sem_alloc : memref<!tpu.dma_semaphore, #tpu.memory_space<semaphore_mem>>
        %dma_start3A_160 = tpu.memref_slice %arg9[%add3A_62] : memref<102400xi32, #tpu.memory_space<hbm>> -> memref<80xi32, #tpu.memory_space<hbm>>
        %dma_start3A_161 = tpu.memref_slice %arg9[%add3A_62] : memref<102400xi32, #tpu.memory_space<hbm>> -> memref<80xi32, #tpu.memory_space<hbm>>
        tpu.enqueue_dma source(%dma_start3A_161 : memref<80xi32, #tpu.memory_space<hbm>>) target(%arg23 : memref<80xi32, #tpu.memory_space<vmem>>) target_semaphore(%run_scoped3A : memref<!tpu.dma_semaphore, #tpu.memory_space<semaphore_mem>>)
        %dma_wait3A_162 = tpu.memref_slice %arg9[%add3A_62] : memref<102400xi32, #tpu.memory_space<hbm>> -> memref<80xi32, #tpu.memory_space<hbm>>
        %dma_wait3A_163 = tpu.memref_slice %arg9[%add3A_62] : memref<102400xi32, #tpu.memory_space<hbm>> -> memref<80xi32, #tpu.memory_space<hbm>>
        tpu.wait_dma2 semaphore(%run_scoped3A : memref<!tpu.dma_semaphore, #tpu.memory_space<semaphore_mem>>) src(%dma_wait3A_163 : memref<80xi32, #tpu.memory_space<hbm>>) dst(%arg23 : memref<80xi32, #tpu.memory_space<vmem>>)
        tpu.yield
      }) : () -> ()
      "tpu.region"() ({
        %run_scoped3A = tpu.sem_alloc : memref<!tpu.dma_semaphore, #tpu.memory_space<semaphore_mem>>
        %dma_start3A_160 = tpu.memref_slice %arg10[%add3A_62] : memref<102400xi32, #tpu.memory_space<hbm>> -> memref<80xi32, #tpu.memory_space<hbm>>
        %dma_start3A_161 = tpu.memref_slice %arg10[%add3A_62] : memref<102400xi32, #tpu.memory_space<hbm>> -> memref<80xi32, #tpu.memory_space<hbm>>
        tpu.enqueue_dma source(%dma_start3A_161 : memref<80xi32, #tpu.memory_space<hbm>>) target(%arg24 : memref<80xi32, #tpu.memory_space<vmem>>) target_semaphore(%run_scoped3A : memref<!tpu.dma_semaphore, #tpu.memory_space<semaphore_mem>>)
        %dma_wait3A_162 = tpu.memref_slice %arg10[%add3A_62] : memref<102400xi32, #tpu.memory_space<hbm>> -> memref<80xi32, #tpu.memory_space<hbm>>
        %dma_wait3A_163 = tpu.memref_slice %arg10[%add3A_62] : memref<102400xi32, #tpu.memory_space<hbm>> -> memref<80xi32, #tpu.memory_space<hbm>>
        tpu.wait_dma2 semaphore(%run_scoped3A : memref<!tpu.dma_semaphore, #tpu.memory_space<semaphore_mem>>) src(%dma_wait3A_163 : memref<80xi32, #tpu.memory_space<hbm>>) dst(%arg24 : memref<80xi32, #tpu.memory_space<vmem>>)
        tpu.yield
      }) : () -> ()
      %dma_start3A_63 = arith.constant 0 : i32
      %dma_start3A_64 = arith.constant 0 : i32
      %dma_start3A_65 = tpu.memref_slice %arg3[%dma_start3A_63, %dma_start3A_64] : memref<102400x128xf32, #tpu.memory_space<hbm>> -> memref<102400x128xf32, #tpu.memory_space<hbm>>
      tpu.enqueue_indirect_dma source(%dma_start3A_65 : memref<102400x128xf32, #tpu.memory_space<hbm>>) target(%arg26 : memref<80x128xf32, #tpu.memory_space<vmem>>) offsets(%arg21 : memref<80xi32, #tpu.memory_space<vmem>>) semaphore(%arg35 : memref<!tpu.dma_semaphore, #tpu.memory_space<semaphore_mem>>)
      %dma_start3A_66 = arith.constant 0 : i32
      %dma_start3A_67 = arith.constant 0 : i32
      %dma_start3A_68 = tpu.memref_slice %arg4[%dma_start3A_66, %dma_start3A_67] : memref<102400x128xf32, #tpu.memory_space<hbm>> -> memref<102400x128xf32, #tpu.memory_space<hbm>>
      tpu.enqueue_indirect_dma source(%dma_start3A_68 : memref<102400x128xf32, #tpu.memory_space<hbm>>) target(%arg27 : memref<80x128xf32, #tpu.memory_space<vmem>>) offsets(%arg22 : memref<80xi32, #tpu.memory_space<vmem>>) semaphore(%arg36 : memref<!tpu.dma_semaphore, #tpu.memory_space<semaphore_mem>>)
      %dma_start3A_69 = arith.constant 0 : i32
      %dma_start3A_70 = arith.constant 0 : i32
      %dma_start3A_71 = tpu.memref_slice %arg5[%dma_start3A_69, %dma_start3A_70] : memref<102400x128xf32, #tpu.memory_space<hbm>> -> memref<102400x128xf32, #tpu.memory_space<hbm>>
      tpu.enqueue_indirect_dma source(%dma_start3A_71 : memref<102400x128xf32, #tpu.memory_space<hbm>>) target(%arg28 : memref<80x128xf32, #tpu.memory_space<vmem>>) offsets(%arg23 : memref<80xi32, #tpu.memory_space<vmem>>) semaphore(%arg37 : memref<!tpu.dma_semaphore, #tpu.memory_space<semaphore_mem>>)
      %dma_start3A_72 = arith.constant 0 : i32
      %dma_start3A_73 = arith.constant 0 : i32
      %dma_start3A_74 = tpu.memref_slice %arg6[%dma_start3A_72, %dma_start3A_73] : memref<102400x128xf32, #tpu.memory_space<hbm>> -> memref<102400x128xf32, #tpu.memory_space<hbm>>
      tpu.enqueue_indirect_dma source(%dma_start3A_74 : memref<102400x128xf32, #tpu.memory_space<hbm>>) target(%arg29 : memref<80x128xf32, #tpu.memory_space<vmem>>) offsets(%arg24 : memref<80xi32, #tpu.memory_space<vmem>>) semaphore(%arg38 : memref<!tpu.dma_semaphore, #tpu.memory_space<semaphore_mem>>)
      %dma_start3A_75 = arith.constant 0 : i32
      %dma_start3A_76 = tpu.memref_slice %arg2[%add3A_62, %dma_start3A_75] : memref<102400x128xf32, #tpu.memory_space<hbm>> -> memref<80x128xf32, #tpu.memory_space<hbm>>
      %dma_start3A_77 = arith.constant 0 : i32
      %dma_start3A_78 = tpu.memref_slice %arg2[%add3A_62, %dma_start3A_77] : memref<102400x128xf32, #tpu.memory_space<hbm>> -> memref<80x128xf32, #tpu.memory_space<hbm>>
      tpu.enqueue_dma source(%dma_start3A_78 : memref<80x128xf32, #tpu.memory_space<hbm>>) target(%arg25 : memref<80x128xf32, #tpu.memory_space<vmem>>) target_semaphore(%arg39 : memref<!tpu.dma_semaphore, #tpu.memory_space<semaphore_mem>>)
      %mul3A_79 = arith.constant 80 : i32
      %mul3A_80 = arith.muli %mul3A_57, %mul3A_79 : i32
      %add3A_81 = arith.addi %mul3A_10, %mul3A_80 : i32
      %dma_wait3A = arith.constant 0 : i32
      %dma_wait3A_82 = arith.constant 0 : i32
      %dma_wait3A_83 = tpu.memref_slice %arg3[%dma_wait3A, %dma_wait3A_82] : memref<102400x128xf32, #tpu.memory_space<hbm>> -> memref<80x128xf32, #tpu.memory_space<hbm>>
      %dma_wait3A_84 = arith.constant 0 : i32
      %dma_wait3A_85 = arith.constant 0 : i32
      %dma_wait3A_86 = tpu.memref_slice %arg3[%dma_wait3A_84, %dma_wait3A_85] : memref<102400x128xf32, #tpu.memory_space<hbm>> -> memref<80x128xf32, #tpu.memory_space<hbm>>
      tpu.wait_dma2 semaphore(%arg30 : memref<!tpu.dma_semaphore, #tpu.memory_space<semaphore_mem>>) src(%dma_wait3A_86 : memref<80x128xf32, #tpu.memory_space<hbm>>) dst(%arg17 : memref<80x128xf32, #tpu.memory_space<vmem>>)
      %dma_wait3A_87 = arith.constant 0 : i32
      %dma_wait3A_88 = arith.constant 0 : i32
      %dma_wait3A_89 = tpu.memref_slice %arg4[%dma_wait3A_87, %dma_wait3A_88] : memref<102400x128xf32, #tpu.memory_space<hbm>> -> memref<80x128xf32, #tpu.memory_space<hbm>>
      %dma_wait3A_90 = arith.constant 0 : i32
      %dma_wait3A_91 = arith.constant 0 : i32
      %dma_wait3A_92 = tpu.memref_slice %arg4[%dma_wait3A_90, %dma_wait3A_91] : memref<102400x128xf32, #tpu.memory_space<hbm>> -> memref<80x128xf32, #tpu.memory_space<hbm>>
      tpu.wait_dma2 semaphore(%arg31 : memref<!tpu.dma_semaphore, #tpu.memory_space<semaphore_mem>>) src(%dma_wait3A_92 : memref<80x128xf32, #tpu.memory_space<hbm>>) dst(%arg18 : memref<80x128xf32, #tpu.memory_space<vmem>>)
      %dma_wait3A_93 = arith.constant 0 : i32
      %dma_wait3A_94 = arith.constant 0 : i32
      %dma_wait3A_95 = tpu.memref_slice %arg5[%dma_wait3A_93, %dma_wait3A_94] : memref<102400x128xf32, #tpu.memory_space<hbm>> -> memref<80x128xf32, #tpu.memory_space<hbm>>
      %dma_wait3A_96 = arith.constant 0 : i32
      %dma_wait3A_97 = arith.constant 0 : i32
      %dma_wait3A_98 = tpu.memref_slice %arg5[%dma_wait3A_96, %dma_wait3A_97] : memref<102400x128xf32, #tpu.memory_space<hbm>> -> memref<80x128xf32, #tpu.memory_space<hbm>>
      tpu.wait_dma2 semaphore(%arg32 : memref<!tpu.dma_semaphore, #tpu.memory_space<semaphore_mem>>) src(%dma_wait3A_98 : memref<80x128xf32, #tpu.memory_space<hbm>>) dst(%arg19 : memref<80x128xf32, #tpu.memory_space<vmem>>)
      %dma_wait3A_99 = arith.constant 0 : i32
      %dma_wait3A_100 = arith.constant 0 : i32
      %dma_wait3A_101 = tpu.memref_slice %arg6[%dma_wait3A_99, %dma_wait3A_100] : memref<102400x128xf32, #tpu.memory_space<hbm>> -> memref<80x128xf32, #tpu.memory_space<hbm>>
      %dma_wait3A_102 = arith.constant 0 : i32
      %dma_wait3A_103 = arith.constant 0 : i32
      %dma_wait3A_104 = tpu.memref_slice %arg6[%dma_wait3A_102, %dma_wait3A_103] : memref<102400x128xf32, #tpu.memory_space<hbm>> -> memref<80x128xf32, #tpu.memory_space<hbm>>
      tpu.wait_dma2 semaphore(%arg33 : memref<!tpu.dma_semaphore, #tpu.memory_space<semaphore_mem>>) src(%dma_wait3A_104 : memref<80x128xf32, #tpu.memory_space<hbm>>) dst(%arg20 : memref<80x128xf32, #tpu.memory_space<vmem>>)
      %dma_wait3A_105 = arith.constant 0 : i32
      %dma_wait3A_106 = arith.constant 0 : i32
      %dma_wait3A_107 = tpu.memref_slice %arg2[%dma_wait3A_105, %dma_wait3A_106] : memref<102400x128xf32, #tpu.memory_space<hbm>> -> memref<80x128xf32, #tpu.memory_space<hbm>>
      %dma_wait3A_108 = arith.constant 0 : i32
      %dma_wait3A_109 = arith.constant 0 : i32
      %dma_wait3A_110 = tpu.memref_slice %arg2[%dma_wait3A_108, %dma_wait3A_109] : memref<102400x128xf32, #tpu.memory_space<hbm>> -> memref<80x128xf32, #tpu.memory_space<hbm>>
      tpu.wait_dma2 semaphore(%arg34 : memref<!tpu.dma_semaphore, #tpu.memory_space<semaphore_mem>>) src(%dma_wait3A_110 : memref<80x128xf32, #tpu.memory_space<hbm>>) dst(%arg16 : memref<80x128xf32, #tpu.memory_space<vmem>>)
      %scan3A = arith.constant 0 : i32
      %scan3A_111 = arith.constant 0 : i32
      %scan3A_112 = arith.constant 80 : i32
      %scan3A_113 = arith.addi %scan3A_111, %scan3A_112 : i32
      %scan3A_114 = arith.constant 1 : i32
      scf.for %scan3A_160 = %scan3A_111 to %scan3A_113 step %scan3A_114  : i32 {
        %get3A = arith.index_cast %scan3A_160 : i32 to index
        %get3A_161 = arith.constant 0 : index
        %get3A_162 = tpu.vector_load %arg16[%get3A, %get3A_161] {strides = array<i32>} : memref<80x128xf32, #tpu.memory_space<vmem>>, vector<1x16xf32>,
        %get3A_163 = vector.shape_cast %get3A_162 : vector<1x16xf32> to vector<16xf32>
        %get3A_164 = arith.index_cast %scan3A_160 : i32 to index
        %get3A_165 = arith.constant 0 : index
        %get3A_166 = tpu.vector_load %arg17[%get3A_164, %get3A_165] {strides = array<i32>} : memref<80x128xf32, #tpu.memory_space<vmem>>, vector<1x16xf32>,
        %get3A_167 = vector.shape_cast %get3A_166 : vector<1x16xf32> to vector<16xf32>
        %add3A_168 = arith.addf %get3A_163, %get3A_167 : vector<16xf32>
        %get3A_169 = arith.index_cast %scan3A_160 : i32 to index
        %get3A_170 = arith.constant 0 : index
        %get3A_171 = tpu.vector_load %arg18[%get3A_169, %get3A_170] {strides = array<i32>} : memref<80x128xf32, #tpu.memory_space<vmem>>, vector<1x16xf32>,
        %get3A_172 = vector.shape_cast %get3A_171 : vector<1x16xf32> to vector<16xf32>
        %add3A_173 = arith.addf %add3A_168, %get3A_172 : vector<16xf32>
        %get3A_174 = arith.index_cast %scan3A_160 : i32 to index
        %get3A_175 = arith.constant 0 : index
        %get3A_176 = tpu.vector_load %arg19[%get3A_174, %get3A_175] {strides = array<i32>} : memref<80x128xf32, #tpu.memory_space<vmem>>, vector<1x16xf32>,
        %get3A_177 = vector.shape_cast %get3A_176 : vector<1x16xf32> to vector<16xf32>
        %add3A_178 = arith.addf %add3A_173, %get3A_177 : vector<16xf32>
        %get3A_179 = arith.index_cast %scan3A_160 : i32 to index
        %get3A_180 = arith.constant 0 : index
        %get3A_181 = tpu.vector_load %arg20[%get3A_179, %get3A_180] {strides = array<i32>} : memref<80x128xf32, #tpu.memory_space<vmem>>, vector<1x16xf32>,
        %get3A_182 = vector.shape_cast %get3A_181 : vector<1x16xf32> to vector<16xf32>
        %add3A_183 = arith.addf %add3A_178, %get3A_182 : vector<16xf32>
        %max3A = arith.constant 0.000000e+00 : f32
        %max3A_184 = vector.broadcast %max3A : f32 to vector<16xf32>
        %max3A_185 = arith.maximumf %add3A_183, %max3A_184 : vector<16xf32>
        %swap3A = arith.index_cast %scan3A_160 : i32 to index
        %swap3A_186 = arith.constant 0 : index
        %swap3A_187 = tpu.vector_load %arg16[%swap3A, %swap3A_186] {strides = array<i32>} : memref<80x128xf32, #tpu.memory_space<vmem>>, vector<1x16xf32>,
        %swap3A_188 = vector.shape_cast %swap3A_187 : vector<1x16xf32> to vector<16xf32>
        %swap3A_189 = vector.shape_cast %max3A_185 : vector<16xf32> to vector<1x16xf32>
        tpu.vector_store %arg16[%swap3A, %swap3A_186], %swap3A_189 {strides = array<i32>} : memref<80x128xf32, #tpu.memory_space<vmem>>, vector<1x16xf32>,
        %get3A_190 = arith.index_cast %scan3A_160 : i32 to index
        %get3A_191 = arith.constant 16 : index
        %get3A_192 = tpu.vector_load %arg16[%get3A_190, %get3A_191] {strides = array<i32>} : memref<80x128xf32, #tpu.memory_space<vmem>>, vector<1x16xf32>,
        %get3A_193 = vector.shape_cast %get3A_192 : vector<1x16xf32> to vector<16xf32>
        %get3A_194 = arith.index_cast %scan3A_160 : i32 to index
        %get3A_195 = arith.constant 16 : index
        %get3A_196 = tpu.vector_load %arg17[%get3A_194, %get3A_195] {strides = array<i32>} : memref<80x128xf32, #tpu.memory_space<vmem>>, vector<1x16xf32>,
        %get3A_197 = vector.shape_cast %get3A_196 : vector<1x16xf32> to vector<16xf32>
        %add3A_198 = arith.addf %get3A_193, %get3A_197 : vector<16xf32>
        %get3A_199 = arith.index_cast %scan3A_160 : i32 to index
        %get3A_200 = arith.constant 16 : index
        %get3A_201 = tpu.vector_load %arg18[%get3A_199, %get3A_200] {strides = array<i32>} : memref<80x128xf32, #tpu.memory_space<vmem>>, vector<1x16xf32>,
        %get3A_202 = vector.shape_cast %get3A_201 : vector<1x16xf32> to vector<16xf32>
        %add3A_203 = arith.addf %add3A_198, %get3A_202 : vector<16xf32>
        %get3A_204 = arith.index_cast %scan3A_160 : i32 to index
        %get3A_205 = arith.constant 16 : index
        %get3A_206 = tpu.vector_load %arg19[%get3A_204, %get3A_205] {strides = array<i32>} : memref<80x128xf32, #tpu.memory_space<vmem>>, vector<1x16xf32>,
        %get3A_207 = vector.shape_cast %get3A_206 : vector<1x16xf32> to vector<16xf32>
        %add3A_208 = arith.addf %add3A_203, %get3A_207 : vector<16xf32>
        %get3A_209 = arith.index_cast %scan3A_160 : i32 to index
        %get3A_210 = arith.constant 16 : index
        %get3A_211 = tpu.vector_load %arg20[%get3A_209, %get3A_210] {strides = array<i32>} : memref<80x128xf32, #tpu.memory_space<vmem>>, vector<1x16xf32>,
        %get3A_212 = vector.shape_cast %get3A_211 : vector<1x16xf32> to vector<16xf32>
        %add3A_213 = arith.addf %add3A_208, %get3A_212 : vector<16xf32>
        %max3A_214 = arith.constant 0.000000e+00 : f32
        %max3A_215 = vector.broadcast %max3A_214 : f32 to vector<16xf32>
        %max3A_216 = arith.maximumf %add3A_213, %max3A_215 : vector<16xf32>
        %swap3A_217 = arith.index_cast %scan3A_160 : i32 to index
        %swap3A_218 = arith.constant 16 : index
        %swap3A_219 = tpu.vector_load %arg16[%swap3A_217, %swap3A_218] {strides = array<i32>} : memref<80x128xf32, #tpu.memory_space<vmem>>, vector<1x16xf32>,
        %swap3A_220 = vector.shape_cast %swap3A_219 : vector<1x16xf32> to vector<16xf32>
        %swap3A_221 = vector.shape_cast %max3A_216 : vector<16xf32> to vector<1x16xf32>
        tpu.vector_store %arg16[%swap3A_217, %swap3A_218], %swap3A_221 {strides = array<i32>} : memref<80x128xf32, #tpu.memory_space<vmem>>, vector<1x16xf32>,
        %get3A_222 = arith.index_cast %scan3A_160 : i32 to index
        %get3A_223 = arith.constant 32 : index
        %get3A_224 = tpu.vector_load %arg16[%get3A_222, %get3A_223] {strides = array<i32>} : memref<80x128xf32, #tpu.memory_space<vmem>>, vector<1x16xf32>,
        %get3A_225 = vector.shape_cast %get3A_224 : vector<1x16xf32> to vector<16xf32>
        %get3A_226 = arith.index_cast %scan3A_160 : i32 to index
        %get3A_227 = arith.constant 32 : index
        %get3A_228 = tpu.vector_load %arg17[%get3A_226, %get3A_227] {strides = array<i32>} : memref<80x128xf32, #tpu.memory_space<vmem>>, vector<1x16xf32>,
        %get3A_229 = vector.shape_cast %get3A_228 : vector<1x16xf32> to vector<16xf32>
        %add3A_230 = arith.addf %get3A_225, %get3A_229 : vector<16xf32>
        %get3A_231 = arith.index_cast %scan3A_160 : i32 to index
        %get3A_232 = arith.constant 32 : index
        %get3A_233 = tpu.vector_load %arg18[%get3A_231, %get3A_232] {strides = array<i32>} : memref<80x128xf32, #tpu.memory_space<vmem>>, vector<1x16xf32>,
        %get3A_234 = vector.shape_cast %get3A_233 : vector<1x16xf32> to vector<16xf32>
        %add3A_235 = arith.addf %add3A_230, %get3A_234 : vector<16xf32>
        %get3A_236 = arith.index_cast %scan3A_160 : i32 to index
        %get3A_237 = arith.constant 32 : index
        %get3A_238 = tpu.vector_load %arg19[%get3A_236, %get3A_237] {strides = array<i32>} : memref<80x128xf32, #tpu.memory_space<vmem>>, vector<1x16xf32>,
        %get3A_239 = vector.shape_cast %get3A_238 : vector<1x16xf32> to vector<16xf32>
        %add3A_240 = arith.addf %add3A_235, %get3A_239 : vector<16xf32>
        %get3A_241 = arith.index_cast %scan3A_160 : i32 to index
        %get3A_242 = arith.constant 32 : index
        %get3A_243 = tpu.vector_load %arg20[%get3A_241, %get3A_242] {strides = array<i32>} : memref<80x128xf32, #tpu.memory_space<vmem>>, vector<1x16xf32>,
        %get3A_244 = vector.shape_cast %get3A_243 : vector<1x16xf32> to vector<16xf32>
        %add3A_245 = arith.addf %add3A_240, %get3A_244 : vector<16xf32>
        %max3A_246 = arith.constant 0.000000e+00 : f32
        %max3A_247 = vector.broadcast %max3A_246 : f32 to vector<16xf32>
        %max3A_248 = arith.maximumf %add3A_245, %max3A_247 : vector<16xf32>
        %swap3A_249 = arith.index_cast %scan3A_160 : i32 to index
        %swap3A_250 = arith.constant 32 : index
        %swap3A_251 = tpu.vector_load %arg16[%swap3A_249, %swap3A_250] {strides = array<i32>} : memref<80x128xf32, #tpu.memory_space<vmem>>, vector<1x16xf32>,
        %swap3A_252 = vector.shape_cast %swap3A_251 : vector<1x16xf32> to vector<16xf32>
        %swap3A_253 = vector.shape_cast %max3A_248 : vector<16xf32> to vector<1x16xf32>
        tpu.vector_store %arg16[%swap3A_249, %swap3A_250], %swap3A_253 {strides = array<i32>} : memref<80x128xf32, #tpu.memory_space<vmem>>, vector<1x16xf32>,
        %get3A_254 = arith.index_cast %scan3A_160 : i32 to index
        %get3A_255 = arith.constant 48 : index
        %get3A_256 = tpu.vector_load %arg16[%get3A_254, %get3A_255] {strides = array<i32>} : memref<80x128xf32, #tpu.memory_space<vmem>>, vector<1x16xf32>,
        %get3A_257 = vector.shape_cast %get3A_256 : vector<1x16xf32> to vector<16xf32>
        %get3A_258 = arith.index_cast %scan3A_160 : i32 to index
        %get3A_259 = arith.constant 48 : index
        %get3A_260 = tpu.vector_load %arg17[%get3A_258, %get3A_259] {strides = array<i32>} : memref<80x128xf32, #tpu.memory_space<vmem>>, vector<1x16xf32>,
        %get3A_261 = vector.shape_cast %get3A_260 : vector<1x16xf32> to vector<16xf32>
        %add3A_262 = arith.addf %get3A_257, %get3A_261 : vector<16xf32>
        %get3A_263 = arith.index_cast %scan3A_160 : i32 to index
        %get3A_264 = arith.constant 48 : index
        %get3A_265 = tpu.vector_load %arg18[%get3A_263, %get3A_264] {strides = array<i32>} : memref<80x128xf32, #tpu.memory_space<vmem>>, vector<1x16xf32>,
        %get3A_266 = vector.shape_cast %get3A_265 : vector<1x16xf32> to vector<16xf32>
        %add3A_267 = arith.addf %add3A_262, %get3A_266 : vector<16xf32>
        %get3A_268 = arith.index_cast %scan3A_160 : i32 to index
        %get3A_269 = arith.constant 48 : index
        %get3A_270 = tpu.vector_load %arg19[%get3A_268, %get3A_269] {strides = array<i32>} : memref<80x128xf32, #tpu.memory_space<vmem>>, vector<1x16xf32>,
        %get3A_271 = vector.shape_cast %get3A_270 : vector<1x16xf32> to vector<16xf32>
        %add3A_272 = arith.addf %add3A_267, %get3A_271 : vector<16xf32>
        %get3A_273 = arith.index_cast %scan3A_160 : i32 to index
        %get3A_274 = arith.constant 48 : index
        %get3A_275 = tpu.vector_load %arg20[%get3A_273, %get3A_274] {strides = array<i32>} : memref<80x128xf32, #tpu.memory_space<vmem>>, vector<1x16xf32>,
        %get3A_276 = vector.shape_cast %get3A_275 : vector<1x16xf32> to vector<16xf32>
        %add3A_277 = arith.addf %add3A_272, %get3A_276 : vector<16xf32>
        %max3A_278 = arith.constant 0.000000e+00 : f32
        %max3A_279 = vector.broadcast %max3A_278 : f32 to vector<16xf32>
        %max3A_280 = arith.maximumf %add3A_277, %max3A_279 : vector<16xf32>
        %swap3A_281 = arith.index_cast %scan3A_160 : i32 to index
        %swap3A_282 = arith.constant 48 : index
        %swap3A_283 = tpu.vector_load %arg16[%swap3A_281, %swap3A_282] {strides = array<i32>} : memref<80x128xf32, #tpu.memory_space<vmem>>, vector<1x16xf32>,
        %swap3A_284 = vector.shape_cast %swap3A_283 : vector<1x16xf32> to vector<16xf32>
        %swap3A_285 = vector.shape_cast %max3A_280 : vector<16xf32> to vector<1x16xf32>
        tpu.vector_store %arg16[%swap3A_281, %swap3A_282], %swap3A_285 {strides = array<i32>} : memref<80x128xf32, #tpu.memory_space<vmem>>, vector<1x16xf32>,
        %get3A_286 = arith.index_cast %scan3A_160 : i32 to index
        %get3A_287 = arith.constant 64 : index
        %get3A_288 = tpu.vector_load %arg16[%get3A_286, %get3A_287] {strides = array<i32>} : memref<80x128xf32, #tpu.memory_space<vmem>>, vector<1x16xf32>,
        %get3A_289 = vector.shape_cast %get3A_288 : vector<1x16xf32> to vector<16xf32>
        %get3A_290 = arith.index_cast %scan3A_160 : i32 to index
        %get3A_291 = arith.constant 64 : index
        %get3A_292 = tpu.vector_load %arg17[%get3A_290, %get3A_291] {strides = array<i32>} : memref<80x128xf32, #tpu.memory_space<vmem>>, vector<1x16xf32>,
        %get3A_293 = vector.shape_cast %get3A_292 : vector<1x16xf32> to vector<16xf32>
        %add3A_294 = arith.addf %get3A_289, %get3A_293 : vector<16xf32>
        %get3A_295 = arith.index_cast %scan3A_160 : i32 to index
        %get3A_296 = arith.constant 64 : index
        %get3A_297 = tpu.vector_load %arg18[%get3A_295, %get3A_296] {strides = array<i32>} : memref<80x128xf32, #tpu.memory_space<vmem>>, vector<1x16xf32>,
        %get3A_298 = vector.shape_cast %get3A_297 : vector<1x16xf32> to vector<16xf32>
        %add3A_299 = arith.addf %add3A_294, %get3A_298 : vector<16xf32>
        %get3A_300 = arith.index_cast %scan3A_160 : i32 to index
        %get3A_301 = arith.constant 64 : index
        %get3A_302 = tpu.vector_load %arg19[%get3A_300, %get3A_301] {strides = array<i32>} : memref<80x128xf32, #tpu.memory_space<vmem>>, vector<1x16xf32>,
        %get3A_303 = vector.shape_cast %get3A_302 : vector<1x16xf32> to vector<16xf32>
        %add3A_304 = arith.addf %add3A_299, %get3A_303 : vector<16xf32>
        %get3A_305 = arith.index_cast %scan3A_160 : i32 to index
        %get3A_306 = arith.constant 64 : index
        %get3A_307 = tpu.vector_load %arg20[%get3A_305, %get3A_306] {strides = array<i32>} : memref<80x128xf32, #tpu.memory_space<vmem>>, vector<1x16xf32>,
        %get3A_308 = vector.shape_cast %get3A_307 : vector<1x16xf32> to vector<16xf32>
        %add3A_309 = arith.addf %add3A_304, %get3A_308 : vector<16xf32>
        %max3A_310 = arith.constant 0.000000e+00 : f32
        %max3A_311 = vector.broadcast %max3A_310 : f32 to vector<16xf32>
        %max3A_312 = arith.maximumf %add3A_309, %max3A_311 : vector<16xf32>
        %swap3A_313 = arith.index_cast %scan3A_160 : i32 to index
        %swap3A_314 = arith.constant 64 : index
        %swap3A_315 = tpu.vector_load %arg16[%swap3A_313, %swap3A_314] {strides = array<i32>} : memref<80x128xf32, #tpu.memory_space<vmem>>, vector<1x16xf32>,
        %swap3A_316 = vector.shape_cast %swap3A_315 : vector<1x16xf32> to vector<16xf32>
        %swap3A_317 = vector.shape_cast %max3A_312 : vector<16xf32> to vector<1x16xf32>
        tpu.vector_store %arg16[%swap3A_313, %swap3A_314], %swap3A_317 {strides = array<i32>} : memref<80x128xf32, #tpu.memory_space<vmem>>, vector<1x16xf32>,
        %get3A_318 = arith.index_cast %scan3A_160 : i32 to index
        %get3A_319 = arith.constant 80 : index
        %get3A_320 = tpu.vector_load %arg16[%get3A_318, %get3A_319] {strides = array<i32>} : memref<80x128xf32, #tpu.memory_space<vmem>>, vector<1x16xf32>,
        %get3A_321 = vector.shape_cast %get3A_320 : vector<1x16xf32> to vector<16xf32>
        %get3A_322 = arith.index_cast %scan3A_160 : i32 to index
        %get3A_323 = arith.constant 80 : index
        %get3A_324 = tpu.vector_load %arg17[%get3A_322, %get3A_323] {strides = array<i32>} : memref<80x128xf32, #tpu.memory_space<vmem>>, vector<1x16xf32>,
        %get3A_325 = vector.shape_cast %get3A_324 : vector<1x16xf32> to vector<16xf32>
        %add3A_326 = arith.addf %get3A_321, %get3A_325 : vector<16xf32>
        %get3A_327 = arith.index_cast %scan3A_160 : i32 to index
        %get3A_328 = arith.constant 80 : index
        %get3A_329 = tpu.vector_load %arg18[%get3A_327, %get3A_328] {strides = array<i32>} : memref<80x128xf32, #tpu.memory_space<vmem>>, vector<1x16xf32>,
        %get3A_330 = vector.shape_cast %get3A_329 : vector<1x16xf32> to vector<16xf32>
        %add3A_331 = arith.addf %add3A_326, %get3A_330 : vector<16xf32>
        %get3A_332 = arith.index_cast %scan3A_160 : i32 to index
        %get3A_333 = arith.constant 80 : index
        %get3A_334 = tpu.vector_load %arg19[%get3A_332, %get3A_333] {strides = array<i32>} : memref<80x128xf32, #tpu.memory_space<vmem>>, vector<1x16xf32>,
        %get3A_335 = vector.shape_cast %get3A_334 : vector<1x16xf32> to vector<16xf32>
        %add3A_336 = arith.addf %add3A_331, %get3A_335 : vector<16xf32>
        %get3A_337 = arith.index_cast %scan3A_160 : i32 to index
        %get3A_338 = arith.constant 80 : index
        %get3A_339 = tpu.vector_load %arg20[%get3A_337, %get3A_338] {strides = array<i32>} : memref<80x128xf32, #tpu.memory_space<vmem>>, vector<1x16xf32>,
        %get3A_340 = vector.shape_cast %get3A_339 : vector<1x16xf32> to vector<16xf32>
        %add3A_341 = arith.addf %add3A_336, %get3A_340 : vector<16xf32>
        %max3A_342 = arith.constant 0.000000e+00 : f32
        %max3A_343 = vector.broadcast %max3A_342 : f32 to vector<16xf32>
        %max3A_344 = arith.maximumf %add3A_341, %max3A_343 : vector<16xf32>
        %swap3A_345 = arith.index_cast %scan3A_160 : i32 to index
        %swap3A_346 = arith.constant 80 : index
        %swap3A_347 = tpu.vector_load %arg16[%swap3A_345, %swap3A_346] {strides = array<i32>} : memref<80x128xf32, #tpu.memory_space<vmem>>, vector<1x16xf32>,
        %swap3A_348 = vector.shape_cast %swap3A_347 : vector<1x16xf32> to vector<16xf32>
        %swap3A_349 = vector.shape_cast %max3A_344 : vector<16xf32> to vector<1x16xf32>
        tpu.vector_store %arg16[%swap3A_345, %swap3A_346], %swap3A_349 {strides = array<i32>} : memref<80x128xf32, #tpu.memory_space<vmem>>, vector<1x16xf32>,
        %get3A_350 = arith.index_cast %scan3A_160 : i32 to index
        %get3A_351 = arith.constant 96 : index
        %get3A_352 = tpu.vector_load %arg16[%get3A_350, %get3A_351] {strides = array<i32>} : memref<80x128xf32, #tpu.memory_space<vmem>>, vector<1x16xf32>,
        %get3A_353 = vector.shape_cast %get3A_352 : vector<1x16xf32> to vector<16xf32>
        %get3A_354 = arith.index_cast %scan3A_160 : i32 to index
        %get3A_355 = arith.constant 96 : index
        %get3A_356 = tpu.vector_load %arg17[%get3A_354, %get3A_355] {strides = array<i32>} : memref<80x128xf32, #tpu.memory_space<vmem>>, vector<1x16xf32>,
        %get3A_357 = vector.shape_cast %get3A_356 : vector<1x16xf32> to vector<16xf32>
        %add3A_358 = arith.addf %get3A_353, %get3A_357 : vector<16xf32>
        %get3A_359 = arith.index_cast %scan3A_160 : i32 to index
        %get3A_360 = arith.constant 96 : index
        %get3A_361 = tpu.vector_load %arg18[%get3A_359, %get3A_360] {strides = array<i32>} : memref<80x128xf32, #tpu.memory_space<vmem>>, vector<1x16xf32>,
        %get3A_362 = vector.shape_cast %get3A_361 : vector<1x16xf32> to vector<16xf32>
        %add3A_363 = arith.addf %add3A_358, %get3A_362 : vector<16xf32>
        %get3A_364 = arith.index_cast %scan3A_160 : i32 to index
        %get3A_365 = arith.constant 96 : index
        %get3A_366 = tpu.vector_load %arg19[%get3A_364, %get3A_365] {strides = array<i32>} : memref<80x128xf32, #tpu.memory_space<vmem>>, vector<1x16xf32>,
        %get3A_367 = vector.shape_cast %get3A_366 : vector<1x16xf32> to vector<16xf32>
        %add3A_368 = arith.addf %add3A_363, %get3A_367 : vector<16xf32>
        %get3A_369 = arith.index_cast %scan3A_160 : i32 to index
        %get3A_370 = arith.constant 96 : index
        %get3A_371 = tpu.vector_load %arg20[%get3A_369, %get3A_370] {strides = array<i32>} : memref<80x128xf32, #tpu.memory_space<vmem>>, vector<1x16xf32>,
        %get3A_372 = vector.shape_cast %get3A_371 : vector<1x16xf32> to vector<16xf32>
        %add3A_373 = arith.addf %add3A_368, %get3A_372 : vector<16xf32>
        %max3A_374 = arith.constant 0.000000e+00 : f32
        %max3A_375 = vector.broadcast %max3A_374 : f32 to vector<16xf32>
        %max3A_376 = arith.maximumf %add3A_373, %max3A_375 : vector<16xf32>
        %swap3A_377 = arith.index_cast %scan3A_160 : i32 to index
        %swap3A_378 = arith.constant 96 : index
        %swap3A_379 = tpu.vector_load %arg16[%swap3A_377, %swap3A_378] {strides = array<i32>} : memref<80x128xf32, #tpu.memory_space<vmem>>, vector<1x16xf32>,
        %swap3A_380 = vector.shape_cast %swap3A_379 : vector<1x16xf32> to vector<16xf32>
        %swap3A_381 = vector.shape_cast %max3A_376 : vector<16xf32> to vector<1x16xf32>
        tpu.vector_store %arg16[%swap3A_377, %swap3A_378], %swap3A_381 {strides = array<i32>} : memref<80x128xf32, #tpu.memory_space<vmem>>, vector<1x16xf32>,
        %get3A_382 = arith.index_cast %scan3A_160 : i32 to index
        %get3A_383 = arith.constant 112 : index
        %get3A_384 = tpu.vector_load %arg16[%get3A_382, %get3A_383] {strides = array<i32>} : memref<80x128xf32, #tpu.memory_space<vmem>>, vector<1x16xf32>,
        %get3A_385 = vector.shape_cast %get3A_384 : vector<1x16xf32> to vector<16xf32>
        %get3A_386 = arith.index_cast %scan3A_160 : i32 to index
        %get3A_387 = arith.constant 112 : index
        %get3A_388 = tpu.vector_load %arg17[%get3A_386, %get3A_387] {strides = array<i32>} : memref<80x128xf32, #tpu.memory_space<vmem>>, vector<1x16xf32>,
        %get3A_389 = vector.shape_cast %get3A_388 : vector<1x16xf32> to vector<16xf32>
        %add3A_390 = arith.addf %get3A_385, %get3A_389 : vector<16xf32>
        %get3A_391 = arith.index_cast %scan3A_160 : i32 to index
        %get3A_392 = arith.constant 112 : index
        %get3A_393 = tpu.vector_load %arg18[%get3A_391, %get3A_392] {strides = array<i32>} : memref<80x128xf32, #tpu.memory_space<vmem>>, vector<1x16xf32>,
        %get3A_394 = vector.shape_cast %get3A_393 : vector<1x16xf32> to vector<16xf32>
        %add3A_395 = arith.addf %add3A_390, %get3A_394 : vector<16xf32>
        %get3A_396 = arith.index_cast %scan3A_160 : i32 to index
        %get3A_397 = arith.constant 112 : index
        %get3A_398 = tpu.vector_load %arg19[%get3A_396, %get3A_397] {strides = array<i32>} : memref<80x128xf32, #tpu.memory_space<vmem>>, vector<1x16xf32>,
        %get3A_399 = vector.shape_cast %get3A_398 : vector<1x16xf32> to vector<16xf32>
        %add3A_400 = arith.addf %add3A_395, %get3A_399 : vector<16xf32>
        %get3A_401 = arith.index_cast %scan3A_160 : i32 to index
        %get3A_402 = arith.constant 112 : index
        %get3A_403 = tpu.vector_load %arg20[%get3A_401, %get3A_402] {strides = array<i32>} : memref<80x128xf32, #tpu.memory_space<vmem>>, vector<1x16xf32>,
        %get3A_404 = vector.shape_cast %get3A_403 : vector<1x16xf32> to vector<16xf32>
        %add3A_405 = arith.addf %add3A_400, %get3A_404 : vector<16xf32>
        %max3A_406 = arith.constant 0.000000e+00 : f32
        %max3A_407 = vector.broadcast %max3A_406 : f32 to vector<16xf32>
        %max3A_408 = arith.maximumf %add3A_405, %max3A_407 : vector<16xf32>
        %swap3A_409 = arith.index_cast %scan3A_160 : i32 to index
        %swap3A_410 = arith.constant 112 : index
        %swap3A_411 = tpu.vector_load %arg16[%swap3A_409, %swap3A_410] {strides = array<i32>} : memref<80x128xf32, #tpu.memory_space<vmem>>, vector<1x16xf32>,
        %swap3A_412 = vector.shape_cast %swap3A_411 : vector<1x16xf32> to vector<16xf32>
        %swap3A_413 = vector.shape_cast %max3A_408 : vector<16xf32> to vector<1x16xf32>
        tpu.vector_store %arg16[%swap3A_409, %swap3A_410], %swap3A_413 {strides = array<i32>} : memref<80x128xf32, #tpu.memory_space<vmem>>, vector<1x16xf32>,
      }
      %scan3A_115 = arith.constant 80 : i32
      "tpu.region"() ({
        %run_scoped3A = tpu.sem_alloc : memref<!tpu.dma_semaphore, #tpu.memory_space<semaphore_mem>>
        %dma_start3A_160 = arith.constant 0 : i32
        %dma_start3A_161 = tpu.memref_slice %arg11[%add3A_81, %dma_start3A_160] : memref<102400x128xf32, #tpu.memory_space<hbm>> -> memref<80x128xf32, #tpu.memory_space<hbm>>
        %dma_start3A_162 = arith.constant 0 : i32
        %dma_start3A_163 = tpu.memref_slice %arg11[%add3A_81, %dma_start3A_162] : memref<102400x128xf32, #tpu.memory_space<hbm>> -> memref<80x128xf32, #tpu.memory_space<hbm>>
        tpu.enqueue_dma source(%arg16 : memref<80x128xf32, #tpu.memory_space<vmem>>) target(%dma_start3A_163 : memref<80x128xf32, #tpu.memory_space<hbm>>) target_semaphore(%run_scoped3A : memref<!tpu.dma_semaphore, #tpu.memory_space<semaphore_mem>>)
        %dma_wait3A_164 = arith.constant 0 : i32
        %dma_wait3A_165 = tpu.memref_slice %arg11[%add3A_81, %dma_wait3A_164] : memref<102400x128xf32, #tpu.memory_space<hbm>> -> memref<80x128xf32, #tpu.memory_space<hbm>>
        %dma_wait3A_166 = arith.constant 0 : i32
        %dma_wait3A_167 = tpu.memref_slice %arg11[%add3A_81, %dma_wait3A_166] : memref<102400x128xf32, #tpu.memory_space<hbm>> -> memref<80x128xf32, #tpu.memory_space<hbm>>
        tpu.wait_dma2 semaphore(%run_scoped3A : memref<!tpu.dma_semaphore, #tpu.memory_space<semaphore_mem>>) src(%arg16 : memref<80x128xf32, #tpu.memory_space<vmem>>) dst(%dma_wait3A_167 : memref<80x128xf32, #tpu.memory_space<hbm>>)
        tpu.yield
      }) : () -> ()
      %add3A_116 = arith.constant 2 : i32
      %add3A_117 = arith.addi %mul3A_57, %add3A_116 : i32
      %lt3A = arith.cmpi slt, %add3A_117, %select_n3A : i32
      %convert_element_type3A = arith.extui %lt3A : i1 to i32
      %cond3A = arith.constant 0 : i32
      %cond3A_118 = arith.cmpi ne, %convert_element_type3A, %cond3A : i32
      scf.if %cond3A_118 {
        %add3A_160 = arith.constant 2 : i32
        %add3A_161 = arith.addi %mul3A_57, %add3A_160 : i32
        %mul3A_162 = arith.constant 80 : i32
        %mul3A_163 = arith.muli %add3A_161, %mul3A_162 : i32
        %add3A_164 = arith.addi %mul3A_10, %mul3A_163 : i32
        "tpu.region"() ({
          %run_scoped3A = tpu.sem_alloc : memref<!tpu.dma_semaphore, #tpu.memory_space<semaphore_mem>>
          %dma_start3A_181 = tpu.memref_slice %arg7[%add3A_164] : memref<102400xi32, #tpu.memory_space<hbm>> -> memref<80xi32, #tpu.memory_space<hbm>>
          %dma_start3A_182 = tpu.memref_slice %arg7[%add3A_164] : memref<102400xi32, #tpu.memory_space<hbm>> -> memref<80xi32, #tpu.memory_space<hbm>>
          tpu.enqueue_dma source(%dma_start3A_182 : memref<80xi32, #tpu.memory_space<hbm>>) target(%arg12 : memref<80xi32, #tpu.memory_space<vmem>>) target_semaphore(%run_scoped3A : memref<!tpu.dma_semaphore, #tpu.memory_space<semaphore_mem>>)
          %dma_wait3A_183 = tpu.memref_slice %arg7[%add3A_164] : memref<102400xi32, #tpu.memory_space<hbm>> -> memref<80xi32, #tpu.memory_space<hbm>>
          %dma_wait3A_184 = tpu.memref_slice %arg7[%add3A_164] : memref<102400xi32, #tpu.memory_space<hbm>> -> memref<80xi32, #tpu.memory_space<hbm>>
          tpu.wait_dma2 semaphore(%run_scoped3A : memref<!tpu.dma_semaphore, #tpu.memory_space<semaphore_mem>>) src(%dma_wait3A_184 : memref<80xi32, #tpu.memory_space<hbm>>) dst(%arg12 : memref<80xi32, #tpu.memory_space<vmem>>)
          tpu.yield
        }) : () -> ()
        "tpu.region"() ({
          %run_scoped3A = tpu.sem_alloc : memref<!tpu.dma_semaphore, #tpu.memory_space<semaphore_mem>>
          %dma_start3A_181 = tpu.memref_slice %arg8[%add3A_164] : memref<102400xi32, #tpu.memory_space<hbm>> -> memref<80xi32, #tpu.memory_space<hbm>>
          %dma_start3A_182 = tpu.memref_slice %arg8[%add3A_164] : memref<102400xi32, #tpu.memory_space<hbm>> -> memref<80xi32, #tpu.memory_space<hbm>>
          tpu.enqueue_dma source(%dma_start3A_182 : memref<80xi32, #tpu.memory_space<hbm>>) target(%arg13 : memref<80xi32, #tpu.memory_space<vmem>>) target_semaphore(%run_scoped3A : memref<!tpu.dma_semaphore, #tpu.memory_space<semaphore_mem>>)
          %dma_wait3A_183 = tpu.memref_slice %arg8[%add3A_164] : memref<102400xi32, #tpu.memory_space<hbm>> -> memref<80xi32, #tpu.memory_space<hbm>>
          %dma_wait3A_184 = tpu.memref_slice %arg8[%add3A_164] : memref<102400xi32, #tpu.memory_space<hbm>> -> memref<80xi32, #tpu.memory_space<hbm>>
          tpu.wait_dma2 semaphore(%run_scoped3A : memref<!tpu.dma_semaphore, #tpu.memory_space<semaphore_mem>>) src(%dma_wait3A_184 : memref<80xi32, #tpu.memory_space<hbm>>) dst(%arg13 : memref<80xi32, #tpu.memory_space<vmem>>)
          tpu.yield
        }) : () -> ()
        "tpu.region"() ({
          %run_scoped3A = tpu.sem_alloc : memref<!tpu.dma_semaphore, #tpu.memory_space<semaphore_mem>>
          %dma_start3A_181 = tpu.memref_slice %arg9[%add3A_164] : memref<102400xi32, #tpu.memory_space<hbm>> -> memref<80xi32, #tpu.memory_space<hbm>>
          %dma_start3A_182 = tpu.memref_slice %arg9[%add3A_164] : memref<102400xi32, #tpu.memory_space<hbm>> -> memref<80xi32, #tpu.memory_space<hbm>>
          tpu.enqueue_dma source(%dma_start3A_182 : memref<80xi32, #tpu.memory_space<hbm>>) target(%arg14 : memref<80xi32, #tpu.memory_space<vmem>>) target_semaphore(%run_scoped3A : memref<!tpu.dma_semaphore, #tpu.memory_space<semaphore_mem>>)
          %dma_wait3A_183 = tpu.memref_slice %arg9[%add3A_164] : memref<102400xi32, #tpu.memory_space<hbm>> -> memref<80xi32, #tpu.memory_space<hbm>>
          %dma_wait3A_184 = tpu.memref_slice %arg9[%add3A_164] : memref<102400xi32, #tpu.memory_space<hbm>> -> memref<80xi32, #tpu.memory_space<hbm>>
          tpu.wait_dma2 semaphore(%run_scoped3A : memref<!tpu.dma_semaphore, #tpu.memory_space<semaphore_mem>>) src(%dma_wait3A_184 : memref<80xi32, #tpu.memory_space<hbm>>) dst(%arg14 : memref<80xi32, #tpu.memory_space<vmem>>)
          tpu.yield
        }) : () -> ()
        "tpu.region"() ({
          %run_scoped3A = tpu.sem_alloc : memref<!tpu.dma_semaphore, #tpu.memory_space<semaphore_mem>>
          %dma_start3A_181 = tpu.memref_slice %arg10[%add3A_164] : memref<102400xi32, #tpu.memory_space<hbm>> -> memref<80xi32, #tpu.memory_space<hbm>>
          %dma_start3A_182 = tpu.memref_slice %arg10[%add3A_164] : memref<102400xi32, #tpu.memory_space<hbm>> -> memref<80xi32, #tpu.memory_space<hbm>>
          tpu.enqueue_dma source(%dma_start3A_182 : memref<80xi32, #tpu.memory_space<hbm>>) target(%arg15 : memref<80xi32, #tpu.memory_space<vmem>>) target_semaphore(%run_scoped3A : memref<!tpu.dma_semaphore, #tpu.memory_space<semaphore_mem>>)
          %dma_wait3A_183 = tpu.memref_slice %arg10[%add3A_164] : memref<102400xi32, #tpu.memory_space<hbm>> -> memref<80xi32, #tpu.memory_space<hbm>>
          %dma_wait3A_184 = tpu.memref_slice %arg10[%add3A_164] : memref<102400xi32, #tpu.memory_space<hbm>> -> memref<80xi32, #tpu.memory_space<hbm>>
          tpu.wait_dma2 semaphore(%run_scoped3A : memref<!tpu.dma_semaphore, #tpu.memory_space<semaphore_mem>>) src(%dma_wait3A_184 : memref<80xi32, #tpu.memory_space<hbm>>) dst(%arg15 : memref<80xi32, #tpu.memory_space<vmem>>)
          tpu.yield
        }) : () -> ()
        %dma_start3A_165 = arith.constant 0 : i32
        %dma_start3A_166 = arith.constant 0 : i32
        %dma_start3A_167 = tpu.memref_slice %arg3[%dma_start3A_165, %dma_start3A_166] : memref<102400x128xf32, #tpu.memory_space<hbm>> -> memref<102400x128xf32, #tpu.memory_space<hbm>>
        tpu.enqueue_indirect_dma source(%dma_start3A_167 : memref<102400x128xf32, #tpu.memory_space<hbm>>) target(%arg17 : memref<80x128xf32, #tpu.memory_space<vmem>>) offsets(%arg12 : memref<80xi32, #tpu.memory_space<vmem>>) semaphore(%arg30 : memref<!tpu.dma_semaphore, #tpu.memory_space<semaphore_mem>>)
        %dma_start3A_168 = arith.constant 0 : i32
        %dma_start3A_169 = arith.constant 0 : i32
        %dma_start3A_170 = tpu.memref_slice %arg4[%dma_start3A_168, %dma_start3A_169] : memref<102400x128xf32, #tpu.memory_space<hbm>> -> memref<102400x128xf32, #tpu.memory_space<hbm>>
        tpu.enqueue_indirect_dma source(%dma_start3A_170 : memref<102400x128xf32, #tpu.memory_space<hbm>>) target(%arg18 : memref<80x128xf32, #tpu.memory_space<vmem>>) offsets(%arg13 : memref<80xi32, #tpu.memory_space<vmem>>) semaphore(%arg31 : memref<!tpu.dma_semaphore, #tpu.memory_space<semaphore_mem>>)
        %dma_start3A_171 = arith.constant 0 : i32
        %dma_start3A_172 = arith.constant 0 : i32
        %dma_start3A_173 = tpu.memref_slice %arg5[%dma_start3A_171, %dma_start3A_172] : memref<102400x128xf32, #tpu.memory_space<hbm>> -> memref<102400x128xf32, #tpu.memory_space<hbm>>
        tpu.enqueue_indirect_dma source(%dma_start3A_173 : memref<102400x128xf32, #tpu.memory_space<hbm>>) target(%arg19 : memref<80x128xf32, #tpu.memory_space<vmem>>) offsets(%arg14 : memref<80xi32, #tpu.memory_space<vmem>>) semaphore(%arg32 : memref<!tpu.dma_semaphore, #tpu.memory_space<semaphore_mem>>)
        %dma_start3A_174 = arith.constant 0 : i32
        %dma_start3A_175 = arith.constant 0 : i32
        %dma_start3A_176 = tpu.memref_slice %arg6[%dma_start3A_174, %dma_start3A_175] : memref<102400x128xf32, #tpu.memory_space<hbm>> -> memref<102400x128xf32, #tpu.memory_space<hbm>>
        tpu.enqueue_indirect_dma source(%dma_start3A_176 : memref<102400x128xf32, #tpu.memory_space<hbm>>) target(%arg20 : memref<80x128xf32, #tpu.memory_space<vmem>>) offsets(%arg15 : memref<80xi32, #tpu.memory_space<vmem>>) semaphore(%arg33 : memref<!tpu.dma_semaphore, #tpu.memory_space<semaphore_mem>>)
        %dma_start3A_177 = arith.constant 0 : i32
        %dma_start3A_178 = tpu.memref_slice %arg2[%add3A_164, %dma_start3A_177] : memref<102400x128xf32, #tpu.memory_space<hbm>> -> memref<80x128xf32, #tpu.memory_space<hbm>>
        %dma_start3A_179 = arith.constant 0 : i32
        %dma_start3A_180 = tpu.memref_slice %arg2[%add3A_164, %dma_start3A_179] : memref<102400x128xf32, #tpu.memory_space<hbm>> -> memref<80x128xf32, #tpu.memory_space<hbm>>
        tpu.enqueue_dma source(%dma_start3A_180 : memref<80x128xf32, #tpu.memory_space<hbm>>) target(%arg16 : memref<80x128xf32, #tpu.memory_space<vmem>>) target_semaphore(%arg34 : memref<!tpu.dma_semaphore, #tpu.memory_space<semaphore_mem>>)
      } else {
      }
      %add3A_119 = arith.constant 1 : i32
      %add3A_120 = arith.addi %mul3A_57, %add3A_119 : i32
      %mul3A_121 = arith.constant 80 : i32
      %mul3A_122 = arith.muli %add3A_120, %mul3A_121 : i32
      %add3A_123 = arith.addi %mul3A_10, %mul3A_122 : i32
      %dma_wait3A_124 = arith.constant 0 : i32
      %dma_wait3A_125 = arith.constant 0 : i32
      %dma_wait3A_126 = tpu.memref_slice %arg3[%dma_wait3A_124, %dma_wait3A_125] : memref<102400x128xf32, #tpu.memory_space<hbm>> -> memref<80x128xf32, #tpu.memory_space<hbm>>
      %dma_wait3A_127 = arith.constant 0 : i32
      %dma_wait3A_128 = arith.constant 0 : i32
      %dma_wait3A_129 = tpu.memref_slice %arg3[%dma_wait3A_127, %dma_wait3A_128] : memref<102400x128xf32, #tpu.memory_space<hbm>> -> memref<80x128xf32, #tpu.memory_space<hbm>>
      tpu.wait_dma2 semaphore(%arg35 : memref<!tpu.dma_semaphore, #tpu.memory_space<semaphore_mem>>) src(%dma_wait3A_129 : memref<80x128xf32, #tpu.memory_space<hbm>>) dst(%arg26 : memref<80x128xf32, #tpu.memory_space<vmem>>)
      %dma_wait3A_130 = arith.constant 0 : i32
      %dma_wait3A_131 = arith.constant 0 : i32
      %dma_wait3A_132 = tpu.memref_slice %arg4[%dma_wait3A_130, %dma_wait3A_131] : memref<102400x128xf32, #tpu.memory_space<hbm>> -> memref<80x128xf32, #tpu.memory_space<hbm>>
      %dma_wait3A_133 = arith.constant 0 : i32
      %dma_wait3A_134 = arith.constant 0 : i32
      %dma_wait3A_135 = tpu.memref_slice %arg4[%dma_wait3A_133, %dma_wait3A_134] : memref<102400x128xf32, #tpu.memory_space<hbm>> -> memref<80x128xf32, #tpu.memory_space<hbm>>
      tpu.wait_dma2 semaphore(%arg36 : memref<!tpu.dma_semaphore, #tpu.memory_space<semaphore_mem>>) src(%dma_wait3A_135 : memref<80x128xf32, #tpu.memory_space<hbm>>) dst(%arg27 : memref<80x128xf32, #tpu.memory_space<vmem>>)
      %dma_wait3A_136 = arith.constant 0 : i32
      %dma_wait3A_137 = arith.constant 0 : i32
      %dma_wait3A_138 = tpu.memref_slice %arg5[%dma_wait3A_136, %dma_wait3A_137] : memref<102400x128xf32, #tpu.memory_space<hbm>> -> memref<80x128xf32, #tpu.memory_space<hbm>>
      %dma_wait3A_139 = arith.constant 0 : i32
      %dma_wait3A_140 = arith.constant 0 : i32
      %dma_wait3A_141 = tpu.memref_slice %arg5[%dma_wait3A_139, %dma_wait3A_140] : memref<102400x128xf32, #tpu.memory_space<hbm>> -> memref<80x128xf32, #tpu.memory_space<hbm>>
      tpu.wait_dma2 semaphore(%arg37 : memref<!tpu.dma_semaphore, #tpu.memory_space<semaphore_mem>>) src(%dma_wait3A_141 : memref<80x128xf32, #tpu.memory_space<hbm>>) dst(%arg28 : memref<80x128xf32, #tpu.memory_space<vmem>>)
      %dma_wait3A_142 = arith.constant 0 : i32
      %dma_wait3A_143 = arith.constant 0 : i32
      %dma_wait3A_144 = tpu.memref_slice %arg6[%dma_wait3A_142, %dma_wait3A_143] : memref<102400x128xf32, #tpu.memory_space<hbm>> -> memref<80x128xf32, #tpu.memory_space<hbm>>
      %dma_wait3A_145 = arith.constant 0 : i32
      %dma_wait3A_146 = arith.constant 0 : i32
      %dma_wait3A_147 = tpu.memref_slice %arg6[%dma_wait3A_145, %dma_wait3A_146] : memref<102400x128xf32, #tpu.memory_space<hbm>> -> memref<80x128xf32, #tpu.memory_space<hbm>>
      tpu.wait_dma2 semaphore(%arg38 : memref<!tpu.dma_semaphore, #tpu.memory_space<semaphore_mem>>) src(%dma_wait3A_147 : memref<80x128xf32, #tpu.memory_space<hbm>>) dst(%arg29 : memref<80x128xf32, #tpu.memory_space<vmem>>)
      %dma_wait3A_148 = arith.constant 0 : i32
      %dma_wait3A_149 = arith.constant 0 : i32
      %dma_wait3A_150 = tpu.memref_slice %arg2[%dma_wait3A_148, %dma_wait3A_149] : memref<102400x128xf32, #tpu.memory_space<hbm>> -> memref<80x128xf32, #tpu.memory_space<hbm>>
      %dma_wait3A_151 = arith.constant 0 : i32
      %dma_wait3A_152 = arith.constant 0 : i32
      %dma_wait3A_153 = tpu.memref_slice %arg2[%dma_wait3A_151, %dma_wait3A_152] : memref<102400x128xf32, #tpu.memory_space<hbm>> -> memref<80x128xf32, #tpu.memory_space<hbm>>
      tpu.wait_dma2 semaphore(%arg39 : memref<!tpu.dma_semaphore, #tpu.memory_space<semaphore_mem>>) src(%dma_wait3A_153 : memref<80x128xf32, #tpu.memory_space<hbm>>) dst(%arg25 : memref<80x128xf32, #tpu.memory_space<vmem>>)
      %scan3A_154 = arith.constant 0 : i32
      %scan3A_155 = arith.constant 0 : i32
      %scan3A_156 = arith.constant 80 : i32
      %scan3A_157 = arith.addi %scan3A_155, %scan3A_156 : i32
      %scan3A_158 = arith.constant 1 : i32
      scf.for %scan3A_160 = %scan3A_155 to %scan3A_157 step %scan3A_158  : i32 {
        %get3A = arith.index_cast %scan3A_160 : i32 to index
        %get3A_161 = arith.constant 0 : index
        %get3A_162 = tpu.vector_load %arg25[%get3A, %get3A_161] {strides = array<i32>} : memref<80x128xf32, #tpu.memory_space<vmem>>, vector<1x16xf32>,
        %get3A_163 = vector.shape_cast %get3A_162 : vector<1x16xf32> to vector<16xf32>
        %get3A_164 = arith.index_cast %scan3A_160 : i32 to index
        %get3A_165 = arith.constant 0 : index
        %get3A_166 = tpu.vector_load %arg26[%get3A_164, %get3A_165] {strides = array<i32>} : memref<80x128xf32, #tpu.memory_space<vmem>>, vector<1x16xf32>,
        %get3A_167 = vector.shape_cast %get3A_166 : vector<1x16xf32> to vector<16xf32>
        %add3A_168 = arith.addf %get3A_163, %get3A_167 : vector<16xf32>
        %get3A_169 = arith.index_cast %scan3A_160 : i32 to index
        %get3A_170 = arith.constant 0 : index
        %get3A_171 = tpu.vector_load %arg27[%get3A_169, %get3A_170] {strides = array<i32>} : memref<80x128xf32, #tpu.memory_space<vmem>>, vector<1x16xf32>,
        %get3A_172 = vector.shape_cast %get3A_171 : vector<1x16xf32> to vector<16xf32>
        %add3A_173 = arith.addf %add3A_168, %get3A_172 : vector<16xf32>
        %get3A_174 = arith.index_cast %scan3A_160 : i32 to index
        %get3A_175 = arith.constant 0 : index
        %get3A_176 = tpu.vector_load %arg28[%get3A_174, %get3A_175] {strides = array<i32>} : memref<80x128xf32, #tpu.memory_space<vmem>>, vector<1x16xf32>,
        %get3A_177 = vector.shape_cast %get3A_176 : vector<1x16xf32> to vector<16xf32>
        %add3A_178 = arith.addf %add3A_173, %get3A_177 : vector<16xf32>
        %get3A_179 = arith.index_cast %scan3A_160 : i32 to index
        %get3A_180 = arith.constant 0 : index
        %get3A_181 = tpu.vector_load %arg29[%get3A_179, %get3A_180] {strides = array<i32>} : memref<80x128xf32, #tpu.memory_space<vmem>>, vector<1x16xf32>,
        %get3A_182 = vector.shape_cast %get3A_181 : vector<1x16xf32> to vector<16xf32>
        %add3A_183 = arith.addf %add3A_178, %get3A_182 : vector<16xf32>
        %max3A = arith.constant 0.000000e+00 : f32
        %max3A_184 = vector.broadcast %max3A : f32 to vector<16xf32>
        %max3A_185 = arith.maximumf %add3A_183, %max3A_184 : vector<16xf32>
        %swap3A = arith.index_cast %scan3A_160 : i32 to index
        %swap3A_186 = arith.constant 0 : index
        %swap3A_187 = tpu.vector_load %arg25[%swap3A, %swap3A_186] {strides = array<i32>} : memref<80x128xf32, #tpu.memory_space<vmem>>, vector<1x16xf32>,
        %swap3A_188 = vector.shape_cast %swap3A_187 : vector<1x16xf32> to vector<16xf32>
        %swap3A_189 = vector.shape_cast %max3A_185 : vector<16xf32> to vector<1x16xf32>
        tpu.vector_store %arg25[%swap3A, %swap3A_186], %swap3A_189 {strides = array<i32>} : memref<80x128xf32, #tpu.memory_space<vmem>>, vector<1x16xf32>,
        %get3A_190 = arith.index_cast %scan3A_160 : i32 to index
        %get3A_191 = arith.constant 16 : index
        %get3A_192 = tpu.vector_load %arg25[%get3A_190, %get3A_191] {strides = array<i32>} : memref<80x128xf32, #tpu.memory_space<vmem>>, vector<1x16xf32>,
        %get3A_193 = vector.shape_cast %get3A_192 : vector<1x16xf32> to vector<16xf32>
        %get3A_194 = arith.index_cast %scan3A_160 : i32 to index
        %get3A_195 = arith.constant 16 : index
        %get3A_196 = tpu.vector_load %arg26[%get3A_194, %get3A_195] {strides = array<i32>} : memref<80x128xf32, #tpu.memory_space<vmem>>, vector<1x16xf32>,
        %get3A_197 = vector.shape_cast %get3A_196 : vector<1x16xf32> to vector<16xf32>
        %add3A_198 = arith.addf %get3A_193, %get3A_197 : vector<16xf32>
        %get3A_199 = arith.index_cast %scan3A_160 : i32 to index
        %get3A_200 = arith.constant 16 : index
        %get3A_201 = tpu.vector_load %arg27[%get3A_199, %get3A_200] {strides = array<i32>} : memref<80x128xf32, #tpu.memory_space<vmem>>, vector<1x16xf32>,
        %get3A_202 = vector.shape_cast %get3A_201 : vector<1x16xf32> to vector<16xf32>
        %add3A_203 = arith.addf %add3A_198, %get3A_202 : vector<16xf32>
        %get3A_204 = arith.index_cast %scan3A_160 : i32 to index
        %get3A_205 = arith.constant 16 : index
        %get3A_206 = tpu.vector_load %arg28[%get3A_204, %get3A_205] {strides = array<i32>} : memref<80x128xf32, #tpu.memory_space<vmem>>, vector<1x16xf32>,
        %get3A_207 = vector.shape_cast %get3A_206 : vector<1x16xf32> to vector<16xf32>
        %add3A_208 = arith.addf %add3A_203, %get3A_207 : vector<16xf32>
        %get3A_209 = arith.index_cast %scan3A_160 : i32 to index
        %get3A_210 = arith.constant 16 : index
        %get3A_211 = tpu.vector_load %arg29[%get3A_209, %get3A_210] {strides = array<i32>} : memref<80x128xf32, #tpu.memory_space<vmem>>, vector<1x16xf32>,
        %get3A_212 = vector.shape_cast %get3A_211 : vector<1x16xf32> to vector<16xf32>
        %add3A_213 = arith.addf %add3A_208, %get3A_212 : vector<16xf32>
        %max3A_214 = arith.constant 0.000000e+00 : f32
        %max3A_215 = vector.broadcast %max3A_214 : f32 to vector<16xf32>
        %max3A_216 = arith.maximumf %add3A_213, %max3A_215 : vector<16xf32>
        %swap3A_217 = arith.index_cast %scan3A_160 : i32 to index
        %swap3A_218 = arith.constant 16 : index
        %swap3A_219 = tpu.vector_load %arg25[%swap3A_217, %swap3A_218] {strides = array<i32>} : memref<80x128xf32, #tpu.memory_space<vmem>>, vector<1x16xf32>,
        %swap3A_220 = vector.shape_cast %swap3A_219 : vector<1x16xf32> to vector<16xf32>
        %swap3A_221 = vector.shape_cast %max3A_216 : vector<16xf32> to vector<1x16xf32>
        tpu.vector_store %arg25[%swap3A_217, %swap3A_218], %swap3A_221 {strides = array<i32>} : memref<80x128xf32, #tpu.memory_space<vmem>>, vector<1x16xf32>,
        %get3A_222 = arith.index_cast %scan3A_160 : i32 to index
        %get3A_223 = arith.constant 32 : index
        %get3A_224 = tpu.vector_load %arg25[%get3A_222, %get3A_223] {strides = array<i32>} : memref<80x128xf32, #tpu.memory_space<vmem>>, vector<1x16xf32>,
        %get3A_225 = vector.shape_cast %get3A_224 : vector<1x16xf32> to vector<16xf32>
        %get3A_226 = arith.index_cast %scan3A_160 : i32 to index
        %get3A_227 = arith.constant 32 : index
        %get3A_228 = tpu.vector_load %arg26[%get3A_226, %get3A_227] {strides = array<i32>} : memref<80x128xf32, #tpu.memory_space<vmem>>, vector<1x16xf32>,
        %get3A_229 = vector.shape_cast %get3A_228 : vector<1x16xf32> to vector<16xf32>
        %add3A_230 = arith.addf %get3A_225, %get3A_229 : vector<16xf32>
        %get3A_231 = arith.index_cast %scan3A_160 : i32 to index
        %get3A_232 = arith.constant 32 : index
        %get3A_233 = tpu.vector_load %arg27[%get3A_231, %get3A_232] {strides = array<i32>} : memref<80x128xf32, #tpu.memory_space<vmem>>, vector<1x16xf32>,
        %get3A_234 = vector.shape_cast %get3A_233 : vector<1x16xf32> to vector<16xf32>
        %add3A_235 = arith.addf %add3A_230, %get3A_234 : vector<16xf32>
        %get3A_236 = arith.index_cast %scan3A_160 : i32 to index
        %get3A_237 = arith.constant 32 : index
        %get3A_238 = tpu.vector_load %arg28[%get3A_236, %get3A_237] {strides = array<i32>} : memref<80x128xf32, #tpu.memory_space<vmem>>, vector<1x16xf32>,
        %get3A_239 = vector.shape_cast %get3A_238 : vector<1x16xf32> to vector<16xf32>
        %add3A_240 = arith.addf %add3A_235, %get3A_239 : vector<16xf32>
        %get3A_241 = arith.index_cast %scan3A_160 : i32 to index
        %get3A_242 = arith.constant 32 : index
        %get3A_243 = tpu.vector_load %arg29[%get3A_241, %get3A_242] {strides = array<i32>} : memref<80x128xf32, #tpu.memory_space<vmem>>, vector<1x16xf32>,
        %get3A_244 = vector.shape_cast %get3A_243 : vector<1x16xf32> to vector<16xf32>
        %add3A_245 = arith.addf %add3A_240, %get3A_244 : vector<16xf32>
        %max3A_246 = arith.constant 0.000000e+00 : f32
        %max3A_247 = vector.broadcast %max3A_246 : f32 to vector<16xf32>
        %max3A_248 = arith.maximumf %add3A_245, %max3A_247 : vector<16xf32>
        %swap3A_249 = arith.index_cast %scan3A_160 : i32 to index
        %swap3A_250 = arith.constant 32 : index
        %swap3A_251 = tpu.vector_load %arg25[%swap3A_249, %swap3A_250] {strides = array<i32>} : memref<80x128xf32, #tpu.memory_space<vmem>>, vector<1x16xf32>,
        %swap3A_252 = vector.shape_cast %swap3A_251 : vector<1x16xf32> to vector<16xf32>
        %swap3A_253 = vector.shape_cast %max3A_248 : vector<16xf32> to vector<1x16xf32>
        tpu.vector_store %arg25[%swap3A_249, %swap3A_250], %swap3A_253 {strides = array<i32>} : memref<80x128xf32, #tpu.memory_space<vmem>>, vector<1x16xf32>,
        %get3A_254 = arith.index_cast %scan3A_160 : i32 to index
        %get3A_255 = arith.constant 48 : index
        %get3A_256 = tpu.vector_load %arg25[%get3A_254, %get3A_255] {strides = array<i32>} : memref<80x128xf32, #tpu.memory_space<vmem>>, vector<1x16xf32>,
        %get3A_257 = vector.shape_cast %get3A_256 : vector<1x16xf32> to vector<16xf32>
        %get3A_258 = arith.index_cast %scan3A_160 : i32 to index
        %get3A_259 = arith.constant 48 : index
        %get3A_260 = tpu.vector_load %arg26[%get3A_258, %get3A_259] {strides = array<i32>} : memref<80x128xf32, #tpu.memory_space<vmem>>, vector<1x16xf32>,
        %get3A_261 = vector.shape_cast %get3A_260 : vector<1x16xf32> to vector<16xf32>
        %add3A_262 = arith.addf %get3A_257, %get3A_261 : vector<16xf32>
        %get3A_263 = arith.index_cast %scan3A_160 : i32 to index
        %get3A_264 = arith.constant 48 : index
        %get3A_265 = tpu.vector_load %arg27[%get3A_263, %get3A_264] {strides = array<i32>} : memref<80x128xf32, #tpu.memory_space<vmem>>, vector<1x16xf32>,
        %get3A_266 = vector.shape_cast %get3A_265 : vector<1x16xf32> to vector<16xf32>
        %add3A_267 = arith.addf %add3A_262, %get3A_266 : vector<16xf32>
        %get3A_268 = arith.index_cast %scan3A_160 : i32 to index
        %get3A_269 = arith.constant 48 : index
        %get3A_270 = tpu.vector_load %arg28[%get3A_268, %get3A_269] {strides = array<i32>} : memref<80x128xf32, #tpu.memory_space<vmem>>, vector<1x16xf32>,
        %get3A_271 = vector.shape_cast %get3A_270 : vector<1x16xf32> to vector<16xf32>
        %add3A_272 = arith.addf %add3A_267, %get3A_271 : vector<16xf32>
        %get3A_273 = arith.index_cast %scan3A_160 : i32 to index
        %get3A_274 = arith.constant 48 : index
        %get3A_275 = tpu.vector_load %arg29[%get3A_273, %get3A_274] {strides = array<i32>} : memref<80x128xf32, #tpu.memory_space<vmem>>, vector<1x16xf32>,
        %get3A_276 = vector.shape_cast %get3A_275 : vector<1x16xf32> to vector<16xf32>
        %add3A_277 = arith.addf %add3A_272, %get3A_276 : vector<16xf32>
        %max3A_278 = arith.constant 0.000000e+00 : f32
        %max3A_279 = vector.broadcast %max3A_278 : f32 to vector<16xf32>
        %max3A_280 = arith.maximumf %add3A_277, %max3A_279 : vector<16xf32>
        %swap3A_281 = arith.index_cast %scan3A_160 : i32 to index
        %swap3A_282 = arith.constant 48 : index
        %swap3A_283 = tpu.vector_load %arg25[%swap3A_281, %swap3A_282] {strides = array<i32>} : memref<80x128xf32, #tpu.memory_space<vmem>>, vector<1x16xf32>,
        %swap3A_284 = vector.shape_cast %swap3A_283 : vector<1x16xf32> to vector<16xf32>
        %swap3A_285 = vector.shape_cast %max3A_280 : vector<16xf32> to vector<1x16xf32>
        tpu.vector_store %arg25[%swap3A_281, %swap3A_282], %swap3A_285 {strides = array<i32>} : memref<80x128xf32, #tpu.memory_space<vmem>>, vector<1x16xf32>,
        %get3A_286 = arith.index_cast %scan3A_160 : i32 to index
        %get3A_287 = arith.constant 64 : index
        %get3A_288 = tpu.vector_load %arg25[%get3A_286, %get3A_287] {strides = array<i32>} : memref<80x128xf32, #tpu.memory_space<vmem>>, vector<1x16xf32>,
        %get3A_289 = vector.shape_cast %get3A_288 : vector<1x16xf32> to vector<16xf32>
        %get3A_290 = arith.index_cast %scan3A_160 : i32 to index
        %get3A_291 = arith.constant 64 : index
        %get3A_292 = tpu.vector_load %arg26[%get3A_290, %get3A_291] {strides = array<i32>} : memref<80x128xf32, #tpu.memory_space<vmem>>, vector<1x16xf32>,
        %get3A_293 = vector.shape_cast %get3A_292 : vector<1x16xf32> to vector<16xf32>
        %add3A_294 = arith.addf %get3A_289, %get3A_293 : vector<16xf32>
        %get3A_295 = arith.index_cast %scan3A_160 : i32 to index
        %get3A_296 = arith.constant 64 : index
        %get3A_297 = tpu.vector_load %arg27[%get3A_295, %get3A_296] {strides = array<i32>} : memref<80x128xf32, #tpu.memory_space<vmem>>, vector<1x16xf32>,
        %get3A_298 = vector.shape_cast %get3A_297 : vector<1x16xf32> to vector<16xf32>
        %add3A_299 = arith.addf %add3A_294, %get3A_298 : vector<16xf32>
        %get3A_300 = arith.index_cast %scan3A_160 : i32 to index
        %get3A_301 = arith.constant 64 : index
        %get3A_302 = tpu.vector_load %arg28[%get3A_300, %get3A_301] {strides = array<i32>} : memref<80x128xf32, #tpu.memory_space<vmem>>, vector<1x16xf32>,
        %get3A_303 = vector.shape_cast %get3A_302 : vector<1x16xf32> to vector<16xf32>
        %add3A_304 = arith.addf %add3A_299, %get3A_303 : vector<16xf32>
        %get3A_305 = arith.index_cast %scan3A_160 : i32 to index
        %get3A_306 = arith.constant 64 : index
        %get3A_307 = tpu.vector_load %arg29[%get3A_305, %get3A_306] {strides = array<i32>} : memref<80x128xf32, #tpu.memory_space<vmem>>, vector<1x16xf32>,
        %get3A_308 = vector.shape_cast %get3A_307 : vector<1x16xf32> to vector<16xf32>
        %add3A_309 = arith.addf %add3A_304, %get3A_308 : vector<16xf32>
        %max3A_310 = arith.constant 0.000000e+00 : f32
        %max3A_311 = vector.broadcast %max3A_310 : f32 to vector<16xf32>
        %max3A_312 = arith.maximumf %add3A_309, %max3A_311 : vector<16xf32>
        %swap3A_313 = arith.index_cast %scan3A_160 : i32 to index
        %swap3A_314 = arith.constant 64 : index
        %swap3A_315 = tpu.vector_load %arg25[%swap3A_313, %swap3A_314] {strides = array<i32>} : memref<80x128xf32, #tpu.memory_space<vmem>>, vector<1x16xf32>,
        %swap3A_316 = vector.shape_cast %swap3A_315 : vector<1x16xf32> to vector<16xf32>
        %swap3A_317 = vector.shape_cast %max3A_312 : vector<16xf32> to vector<1x16xf32>
        tpu.vector_store %arg25[%swap3A_313, %swap3A_314], %swap3A_317 {strides = array<i32>} : memref<80x128xf32, #tpu.memory_space<vmem>>, vector<1x16xf32>,
        %get3A_318 = arith.index_cast %scan3A_160 : i32 to index
        %get3A_319 = arith.constant 80 : index
        %get3A_320 = tpu.vector_load %arg25[%get3A_318, %get3A_319] {strides = array<i32>} : memref<80x128xf32, #tpu.memory_space<vmem>>, vector<1x16xf32>,
        %get3A_321 = vector.shape_cast %get3A_320 : vector<1x16xf32> to vector<16xf32>
        %get3A_322 = arith.index_cast %scan3A_160 : i32 to index
        %get3A_323 = arith.constant 80 : index
        %get3A_324 = tpu.vector_load %arg26[%get3A_322, %get3A_323] {strides = array<i32>} : memref<80x128xf32, #tpu.memory_space<vmem>>, vector<1x16xf32>,
        %get3A_325 = vector.shape_cast %get3A_324 : vector<1x16xf32> to vector<16xf32>
        %add3A_326 = arith.addf %get3A_321, %get3A_325 : vector<16xf32>
        %get3A_327 = arith.index_cast %scan3A_160 : i32 to index
        %get3A_328 = arith.constant 80 : index
        %get3A_329 = tpu.vector_load %arg27[%get3A_327, %get3A_328] {strides = array<i32>} : memref<80x128xf32, #tpu.memory_space<vmem>>, vector<1x16xf32>,
        %get3A_330 = vector.shape_cast %get3A_329 : vector<1x16xf32> to vector<16xf32>
        %add3A_331 = arith.addf %add3A_326, %get3A_330 : vector<16xf32>
        %get3A_332 = arith.index_cast %scan3A_160 : i32 to index
        %get3A_333 = arith.constant 80 : index
        %get3A_334 = tpu.vector_load %arg28[%get3A_332, %get3A_333] {strides = array<i32>} : memref<80x128xf32, #tpu.memory_space<vmem>>, vector<1x16xf32>,
        %get3A_335 = vector.shape_cast %get3A_334 : vector<1x16xf32> to vector<16xf32>
        %add3A_336 = arith.addf %add3A_331, %get3A_335 : vector<16xf32>
        %get3A_337 = arith.index_cast %scan3A_160 : i32 to index
        %get3A_338 = arith.constant 80 : index
        %get3A_339 = tpu.vector_load %arg29[%get3A_337, %get3A_338] {strides = array<i32>} : memref<80x128xf32, #tpu.memory_space<vmem>>, vector<1x16xf32>,
        %get3A_340 = vector.shape_cast %get3A_339 : vector<1x16xf32> to vector<16xf32>
        %add3A_341 = arith.addf %add3A_336, %get3A_340 : vector<16xf32>
        %max3A_342 = arith.constant 0.000000e+00 : f32
        %max3A_343 = vector.broadcast %max3A_342 : f32 to vector<16xf32>
        %max3A_344 = arith.maximumf %add3A_341, %max3A_343 : vector<16xf32>
        %swap3A_345 = arith.index_cast %scan3A_160 : i32 to index
        %swap3A_346 = arith.constant 80 : index
        %swap3A_347 = tpu.vector_load %arg25[%swap3A_345, %swap3A_346] {strides = array<i32>} : memref<80x128xf32, #tpu.memory_space<vmem>>, vector<1x16xf32>,
        %swap3A_348 = vector.shape_cast %swap3A_347 : vector<1x16xf32> to vector<16xf32>
        %swap3A_349 = vector.shape_cast %max3A_344 : vector<16xf32> to vector<1x16xf32>
        tpu.vector_store %arg25[%swap3A_345, %swap3A_346], %swap3A_349 {strides = array<i32>} : memref<80x128xf32, #tpu.memory_space<vmem>>, vector<1x16xf32>,
        %get3A_350 = arith.index_cast %scan3A_160 : i32 to index
        %get3A_351 = arith.constant 96 : index
        %get3A_352 = tpu.vector_load %arg25[%get3A_350, %get3A_351] {strides = array<i32>} : memref<80x128xf32, #tpu.memory_space<vmem>>, vector<1x16xf32>,
        %get3A_353 = vector.shape_cast %get3A_352 : vector<1x16xf32> to vector<16xf32>
        %get3A_354 = arith.index_cast %scan3A_160 : i32 to index
        %get3A_355 = arith.constant 96 : index
        %get3A_356 = tpu.vector_load %arg26[%get3A_354, %get3A_355] {strides = array<i32>} : memref<80x128xf32, #tpu.memory_space<vmem>>, vector<1x16xf32>,
        %get3A_357 = vector.shape_cast %get3A_356 : vector<1x16xf32> to vector<16xf32>
        %add3A_358 = arith.addf %get3A_353, %get3A_357 : vector<16xf32>
        %get3A_359 = arith.index_cast %scan3A_160 : i32 to index
        %get3A_360 = arith.constant 96 : index
        %get3A_361 = tpu.vector_load %arg27[%get3A_359, %get3A_360] {strides = array<i32>} : memref<80x128xf32, #tpu.memory_space<vmem>>, vector<1x16xf32>,
        %get3A_362 = vector.shape_cast %get3A_361 : vector<1x16xf32> to vector<16xf32>
        %add3A_363 = arith.addf %add3A_358, %get3A_362 : vector<16xf32>
        %get3A_364 = arith.index_cast %scan3A_160 : i32 to index
        %get3A_365 = arith.constant 96 : index
        %get3A_366 = tpu.vector_load %arg28[%get3A_364, %get3A_365] {strides = array<i32>} : memref<80x128xf32, #tpu.memory_space<vmem>>, vector<1x16xf32>,
        %get3A_367 = vector.shape_cast %get3A_366 : vector<1x16xf32> to vector<16xf32>
        %add3A_368 = arith.addf %add3A_363, %get3A_367 : vector<16xf32>
        %get3A_369 = arith.index_cast %scan3A_160 : i32 to index
        %get3A_370 = arith.constant 96 : index
        %get3A_371 = tpu.vector_load %arg29[%get3A_369, %get3A_370] {strides = array<i32>} : memref<80x128xf32, #tpu.memory_space<vmem>>, vector<1x16xf32>,
        %get3A_372 = vector.shape_cast %get3A_371 : vector<1x16xf32> to vector<16xf32>
        %add3A_373 = arith.addf %add3A_368, %get3A_372 : vector<16xf32>
        %max3A_374 = arith.constant 0.000000e+00 : f32
        %max3A_375 = vector.broadcast %max3A_374 : f32 to vector<16xf32>
        %max3A_376 = arith.maximumf %add3A_373, %max3A_375 : vector<16xf32>
        %swap3A_377 = arith.index_cast %scan3A_160 : i32 to index
        %swap3A_378 = arith.constant 96 : index
        %swap3A_379 = tpu.vector_load %arg25[%swap3A_377, %swap3A_378] {strides = array<i32>} : memref<80x128xf32, #tpu.memory_space<vmem>>, vector<1x16xf32>,
        %swap3A_380 = vector.shape_cast %swap3A_379 : vector<1x16xf32> to vector<16xf32>
        %swap3A_381 = vector.shape_cast %max3A_376 : vector<16xf32> to vector<1x16xf32>
        tpu.vector_store %arg25[%swap3A_377, %swap3A_378], %swap3A_381 {strides = array<i32>} : memref<80x128xf32, #tpu.memory_space<vmem>>, vector<1x16xf32>,
        %get3A_382 = arith.index_cast %scan3A_160 : i32 to index
        %get3A_383 = arith.constant 112 : index
        %get3A_384 = tpu.vector_load %arg25[%get3A_382, %get3A_383] {strides = array<i32>} : memref<80x128xf32, #tpu.memory_space<vmem>>, vector<1x16xf32>,
        %get3A_385 = vector.shape_cast %get3A_384 : vector<1x16xf32> to vector<16xf32>
        %get3A_386 = arith.index_cast %scan3A_160 : i32 to index
        %get3A_387 = arith.constant 112 : index
        %get3A_388 = tpu.vector_load %arg26[%get3A_386, %get3A_387] {strides = array<i32>} : memref<80x128xf32, #tpu.memory_space<vmem>>, vector<1x16xf32>,
        %get3A_389 = vector.shape_cast %get3A_388 : vector<1x16xf32> to vector<16xf32>
        %add3A_390 = arith.addf %get3A_385, %get3A_389 : vector<16xf32>
        %get3A_391 = arith.index_cast %scan3A_160 : i32 to index
        %get3A_392 = arith.constant 112 : index
        %get3A_393 = tpu.vector_load %arg27[%get3A_391, %get3A_392] {strides = array<i32>} : memref<80x128xf32, #tpu.memory_space<vmem>>, vector<1x16xf32>,
        %get3A_394 = vector.shape_cast %get3A_393 : vector<1x16xf32> to vector<16xf32>
        %add3A_395 = arith.addf %add3A_390, %get3A_394 : vector<16xf32>
        %get3A_396 = arith.index_cast %scan3A_160 : i32 to index
        %get3A_397 = arith.constant 112 : index
        %get3A_398 = tpu.vector_load %arg28[%get3A_396, %get3A_397] {strides = array<i32>} : memref<80x128xf32, #tpu.memory_space<vmem>>, vector<1x16xf32>,
        %get3A_399 = vector.shape_cast %get3A_398 : vector<1x16xf32> to vector<16xf32>
        %add3A_400 = arith.addf %add3A_395, %get3A_399 : vector<16xf32>
        %get3A_401 = arith.index_cast %scan3A_160 : i32 to index
        %get3A_402 = arith.constant 112 : index
        %get3A_403 = tpu.vector_load %arg29[%get3A_401, %get3A_402] {strides = array<i32>} : memref<80x128xf32, #tpu.memory_space<vmem>>, vector<1x16xf32>,
        %get3A_404 = vector.shape_cast %get3A_403 : vector<1x16xf32> to vector<16xf32>
        %add3A_405 = arith.addf %add3A_400, %get3A_404 : vector<16xf32>
        %max3A_406 = arith.constant 0.000000e+00 : f32
        %max3A_407 = vector.broadcast %max3A_406 : f32 to vector<16xf32>
        %max3A_408 = arith.maximumf %add3A_405, %max3A_407 : vector<16xf32>
        %swap3A_409 = arith.index_cast %scan3A_160 : i32 to index
        %swap3A_410 = arith.constant 112 : index
        %swap3A_411 = tpu.vector_load %arg25[%swap3A_409, %swap3A_410] {strides = array<i32>} : memref<80x128xf32, #tpu.memory_space<vmem>>, vector<1x16xf32>,
        %swap3A_412 = vector.shape_cast %swap3A_411 : vector<1x16xf32> to vector<16xf32>
        %swap3A_413 = vector.shape_cast %max3A_408 : vector<16xf32> to vector<1x16xf32>
        tpu.vector_store %arg25[%swap3A_409, %swap3A_410], %swap3A_413 {strides = array<i32>} : memref<80x128xf32, #tpu.memory_space<vmem>>, vector<1x16xf32>,
      }
      %scan3A_159 = arith.constant 80 : i32
      "tpu.region"() ({
        %run_scoped3A = tpu.sem_alloc : memref<!tpu.dma_semaphore, #tpu.memory_space<semaphore_mem>>
        %dma_start3A_160 = arith.constant 0 : i32
        %dma_start3A_161 = tpu.memref_slice %arg11[%add3A_123, %dma_start3A_160] : memref<102400x128xf32, #tpu.memory_space<hbm>> -> memref<80x128xf32, #tpu.memory_space<hbm>>
        %dma_start3A_162 = arith.constant 0 : i32
        %dma_start3A_163 = tpu.memref_slice %arg11[%add3A_123, %dma_start3A_162] : memref<102400x128xf32, #tpu.memory_space<hbm>> -> memref<80x128xf32, #tpu.memory_space<hbm>>
        tpu.enqueue_dma source(%arg25 : memref<80x128xf32, #tpu.memory_space<vmem>>) target(%dma_start3A_163 : memref<80x128xf32, #tpu.memory_space<hbm>>) target_semaphore(%run_scoped3A : memref<!tpu.dma_semaphore, #tpu.memory_space<semaphore_mem>>)
        %dma_wait3A_164 = arith.constant 0 : i32
        %dma_wait3A_165 = tpu.memref_slice %arg11[%add3A_123, %dma_wait3A_164] : memref<102400x128xf32, #tpu.memory_space<hbm>> -> memref<80x128xf32, #tpu.memory_space<hbm>>
        %dma_wait3A_166 = arith.constant 0 : i32
        %dma_wait3A_167 = tpu.memref_slice %arg11[%add3A_123, %dma_wait3A_166] : memref<102400x128xf32, #tpu.memory_space<hbm>> -> memref<80x128xf32, #tpu.memory_space<hbm>>
        tpu.wait_dma2 semaphore(%run_scoped3A : memref<!tpu.dma_semaphore, #tpu.memory_space<semaphore_mem>>) src(%arg25 : memref<80x128xf32, #tpu.memory_space<vmem>>) dst(%dma_wait3A_167 : memref<80x128xf32, #tpu.memory_space<hbm>>)
        tpu.yield
      }) : () -> ()
    }
    return
  }
}

module attributes {stable_mosaic.version = 14 : i64} {
  func.func @_mm_body(%arg0: i32, %arg1: memref<1024x128xf32, #tpu.memory_space<vmem>>, %arg2: memref<128x640xf32, #tpu.memory_space<vmem>>, %arg3: memref<1x128xf32, #tpu.memory_space<vmem>>, %arg4: memref<1024x128xf32, #tpu.memory_space<vmem>>, %arg5: memref<1024x128xf32, #tpu.memory_space<vmem>>, %arg6: memref<1024x128xf32, #tpu.memory_space<vmem>>, %arg7: memref<1024x128xf32, #tpu.memory_space<vmem>>, %arg8: memref<1024x128xf32, #tpu.memory_space<vmem>>) attributes {dimension_semantics = [#tpu.dimension_semantics<arbitrary>], iteration_bounds = array<i64: 100>, scalar_prefetch = 0 : i64, scratch_operands = 0 : i64, tpu.core_type = #tpu.core_type<tc>, window_params = [{transform_indices = @transform_0, window_bounds = array<i64: 1024, 128>}, {pipeline_mode = #tpu.pipeline_mode<synchronous>, transform_indices = @transform_1, window_bounds = array<i64: 128, 640>}, {pipeline_mode = #tpu.pipeline_mode<synchronous>, transform_indices = @transform_2, window_bounds = array<i64: 1, 128>}, {transform_indices = @transform_3, window_bounds = array<i64: 1024, 128>}, {transform_indices = @transform_4, window_bounds = array<i64: 1024, 128>}, {transform_indices = @transform_5, window_bounds = array<i64: 1024, 128>}, {transform_indices = @transform_6, window_bounds = array<i64: 1024, 128>}, {transform_indices = @transform_7, window_bounds = array<i64: 1024, 128>}]} {
    %get3A = arith.constant 0 : index
    %get3A_0 = arith.constant 0 : index
    %get3A_1 = vector.load %arg1[%get3A, %get3A_0] : memref<1024x128xf32, #tpu.memory_space<vmem>>, vector<1024x128xf32>
    %get3A_2 = arith.constant 0 : index
    %get3A_3 = arith.constant 0 : index
    %get3A_4 = vector.load %arg2[%get3A_2, %get3A_3] : memref<128x640xf32, #tpu.memory_space<vmem>>, vector<128x640xf32>
    %dot_general3A = arith.constant dense<0.000000e+00> : vector<1024x640xf32>
    %dot_general3A_5 = tpu.matmul %get3A_1, %get3A_4, %dot_general3A {dimension_numbers = #tpu.dot_dimension_numbers<[1], [0], [0], [1], [0, 0, 1, 1], [], []>, transpose_lhs_hint = false} : vector<1024x128xf32>, vector<128x640xf32>, vector<1024x640xf32> -> vector<1024x640xf32>
    %slice3A = vector.extract_strided_slice %dot_general3A_5 {offsets = [0, 0], sizes = [1024, 128], strides = [1, 1]} : vector<1024x640xf32> to vector<1024x128xf32>
    %get3A_6 = arith.constant 0 : index
    %get3A_7 = arith.constant 0 : index
    %get3A_8 = vector.load %arg3[%get3A_6, %get3A_7] : memref<1x128xf32, #tpu.memory_space<vmem>>, vector<1x128xf32>
    %add3A = vector.broadcast %get3A_8 : vector<1x128xf32> to vector<1024x128xf32>
    %add3A_9 = arith.addf %slice3A, %add3A : vector<1024x128xf32>
    %swap3A = arith.constant 0 : index
    %swap3A_10 = arith.constant 0 : index
    %swap3A_11 = vector.load %arg4[%swap3A, %swap3A_10] : memref<1024x128xf32, #tpu.memory_space<vmem>>, vector<1024x128xf32>
    tpu.vector_store %arg4[%swap3A, %swap3A_10], %add3A_9 {strides = array<i32>} : memref<1024x128xf32, #tpu.memory_space<vmem>>, vector<1024x128xf32>,
    %slice3A_12 = vector.extract_strided_slice %dot_general3A_5 {offsets = [0, 128], sizes = [1024, 128], strides = [1, 1]} : vector<1024x640xf32> to vector<1024x128xf32>
    %swap3A_13 = arith.constant 0 : index
    %swap3A_14 = arith.constant 0 : index
    %swap3A_15 = vector.load %arg5[%swap3A_13, %swap3A_14] : memref<1024x128xf32, #tpu.memory_space<vmem>>, vector<1024x128xf32>
    tpu.vector_store %arg5[%swap3A_13, %swap3A_14], %slice3A_12 {strides = array<i32>} : memref<1024x128xf32, #tpu.memory_space<vmem>>, vector<1024x128xf32>,
    %slice3A_16 = vector.extract_strided_slice %dot_general3A_5 {offsets = [0, 256], sizes = [1024, 128], strides = [1, 1]} : vector<1024x640xf32> to vector<1024x128xf32>
    %swap3A_17 = arith.constant 0 : index
    %swap3A_18 = arith.constant 0 : index
    %swap3A_19 = vector.load %arg6[%swap3A_17, %swap3A_18] : memref<1024x128xf32, #tpu.memory_space<vmem>>, vector<1024x128xf32>
    tpu.vector_store %arg6[%swap3A_17, %swap3A_18], %slice3A_16 {strides = array<i32>} : memref<1024x128xf32, #tpu.memory_space<vmem>>, vector<1024x128xf32>,
    %slice3A_20 = vector.extract_strided_slice %dot_general3A_5 {offsets = [0, 384], sizes = [1024, 128], strides = [1, 1]} : vector<1024x640xf32> to vector<1024x128xf32>
    %swap3A_21 = arith.constant 0 : index
    %swap3A_22 = arith.constant 0 : index
    %swap3A_23 = vector.load %arg7[%swap3A_21, %swap3A_22] : memref<1024x128xf32, #tpu.memory_space<vmem>>, vector<1024x128xf32>
    tpu.vector_store %arg7[%swap3A_21, %swap3A_22], %slice3A_20 {strides = array<i32>} : memref<1024x128xf32, #tpu.memory_space<vmem>>, vector<1024x128xf32>,
    %slice3A_24 = vector.extract_strided_slice %dot_general3A_5 {offsets = [0, 512], sizes = [1024, 128], strides = [1, 1]} : vector<1024x640xf32> to vector<1024x128xf32>
    %swap3A_25 = arith.constant 0 : index
    %swap3A_26 = arith.constant 0 : index
    %swap3A_27 = vector.load %arg8[%swap3A_25, %swap3A_26] : memref<1024x128xf32, #tpu.memory_space<vmem>>, vector<1024x128xf32>
    tpu.vector_store %arg8[%swap3A_25, %swap3A_26], %slice3A_24 {strides = array<i32>} : memref<1024x128xf32, #tpu.memory_space<vmem>>, vector<1024x128xf32>,
    return
  }
  func.func @transform_0(%arg0: i32) -> (i32, i32) {
    %c0_i32 = arith.constant 0 : i32
    %c0_i32_0 = arith.constant 0 : i32
    return %arg0, %c0_i32 : i32, i32
  }
  func.func @transform_1(%arg0: i32) -> (i32, i32) {
    %c0_i32 = arith.constant 0 : i32
    %c0_i32_0 = arith.constant 0 : i32
    %c0_i32_1 = arith.constant 0 : i32
    return %c0_i32, %c0_i32_0 : i32, i32
  }
  func.func @transform_2(%arg0: i32) -> (i32, i32) {
    %c0_i32 = arith.constant 0 : i32
    %c0_i32_0 = arith.constant 0 : i32
    %c0_i32_1 = arith.constant 0 : i32
    return %c0_i32, %c0_i32_0 : i32, i32
  }
  func.func @transform_3(%arg0: i32) -> (i32, i32) {
    %c0_i32 = arith.constant 0 : i32
    %c0_i32_0 = arith.constant 0 : i32
    return %arg0, %c0_i32 : i32, i32
  }
  func.func @transform_4(%arg0: i32) -> (i32, i32) {
    %c0_i32 = arith.constant 0 : i32
    %c0_i32_0 = arith.constant 0 : i32
    return %arg0, %c0_i32 : i32, i32
  }
  func.func @transform_5(%arg0: i32) -> (i32, i32) {
    %c0_i32 = arith.constant 0 : i32
    %c0_i32_0 = arith.constant 0 : i32
    return %arg0, %c0_i32 : i32, i32
  }
  func.func @transform_6(%arg0: i32) -> (i32, i32) {
    %c0_i32 = arith.constant 0 : i32
    %c0_i32_0 = arith.constant 0 : i32
    return %arg0, %c0_i32 : i32, i32
  }
  func.func @transform_7(%arg0: i32) -> (i32, i32) {
    %c0_i32 = arith.constant 0 : i32
    %c0_i32_0 = arith.constant 0 : i32
    return %arg0, %c0_i32 : i32, i32
  }
}

</mosaic_0001>

<sc_bundles>
// kernel: kernel.6.cloned.1.call-start
scs
__scs_entry_jumppad:
0x0: {  	(pc) =	sbr.rel $0x88, $3  }
0x1: {  	(tag) =	ssettag $0x0;
	lr =	simm.s32 $0x1  }
0x2: {  	[smem:$0x3F9B] =	sst lr;
	_ =	strace $0xD0000000  }
0x3: {  	_ = 	snop  }
0x4: {  	_ = 	snop  }
0x5: {  	_ = 	snop  }
0x6: {  	_ = 	snop  }
0x7: {  	_ = 	snop  }
__scs_overlays_trampoline_lowered:
0x8: {  	[smem:$0x3FAA] =	sst s0  }
0x9: {  	[smem:$0x3FAB] =	sst s1  }
0xa: {  	[smem:$0x3FAC] =	sst s2  }
0xb: {  	[smem:$0x3FAD] =	sst s3  }
0xc: {  	[smem:$0x3FAE] =	sst s4  }
0xd: {  	[smem:$0x3FAF] =	sst s5  }
0xe: {  	[smem:$0x3FB0] =	sst s6  }
0xf: {  	[smem:$0x3FB1] =	sst s7  }
0x10: {  	[smem:$0x3FB2] =	sst s8  }
0x11: {  	[smem:$0x3FB3] =	sst s9;
	s0 =	simm.s32 @!p0 $0x0  }
0x12: {  	s1 =	sld [smem:$0x3F99];
	s0 =	simm.s32 @p0 $0x1  }
0x13: {  	[smem:$0x3FB4] =	sst s0;
	s0 =	simm.s32 @!p1 $0x0  }
0x14: {  	s2 =	sld [smem:$0x3F98];
	s0 =	simm.s32 @p1 $0x1  }
0x15: {  	[smem:$0x3FB5] =	sst s0;
	s0 =	simm.s32 @!p2 $0x0  }
0x16: {  	s3 =	sld [smem:$0x3FDB];
	s0 =	simm.s32 @p2 $0x1  }
0x17: {  	s4 =	simm.s32 $0x1BF5;
	[smem:$0x3FB7] =	sst s0  }
0x18: {  	s0 =	sld [smem:$0x3F9A];
	_ =	swait.ge [sflag:s4], $0x0  }
0x19: {  	s7 =	sld [smem:$0x3F9B]  }
0x1a: {  	s8 =	sadd.s32 $0xFFFFE003, lr  }
0x1b: {  	s9 =	sadd.s32 $0xFFFFFEF7, lr;
	s5 =	simm.s32 $0xFFFFFFFF;
	p2 =	slt.u32 s8, $0xFFFFF086  }
0x1c: {  	p1 =	slt.u32 s9, $0xF7A;
	s5 =	simm.s32 @!p2 $0x0  }
0x1d: {  	s5 =	simm.s32 @p1 $0x1;
	p0 =	seq.s32 s7, s2  }
0x1e: {  	s7 =	smul.u32 @!p0 $0xF7A, s2;
	p2 =	seq.s32 @!p0 s5, $0x0  }
0x1f: {  	s9 =	smul.u32 $0xF7A, s1;
	s8 =	simm.s32 @!p0 $0x1BF5;
	p2 =	por !p2, p0  }
0x20: {  	[sflag:s8] =	ssyncset.s32 @!p0 $0xFFFFF086;
	s6 =	sadd.s32 @!p0 s3, s7;
	s7 =	simm.s32 @!p0 $0x108  }
0x21: {  	s3 =	sadd.s32 s3, s9;
	s6 =	sadd.s32 @!p0 $0x88, s6;
	s7 =	simm.s32 @p2 $0x1082  }
0x22: {  	[simem:s7], [sflag:s8] =	dma.local @!p0 [hbm:s6], $0xF7A  }
0x23: {  	s9 =	sor.u32 $0xD0000000, s2;
	s6 =	simm.s32 $0x108;
	_ =	swait.ge @!p0 [sflag:s8], $0x0  }
0x24: {  	s3 =	sadd.s32 $0x88, s3;
	s6 =	simm.s32 @!p1 $0x1082;
	[sflag:s4] =	ssyncset.s32 $0xFFFFF086  }
0x25: {  	[simem:s6], [sflag:s4] =	dma.local [hbm:s3], $0xF7A  }
0x26: {  	[smem:$0x3F9B] =	sst s1;
	(tag) =	ssettag s2;
	_ =	strace s9  }
0x27: {  	s1 =	sld [smem:$0x3FAB]  }
0x28: {  	s2 =	sld [smem:$0x3FAC]  }
0x29: {  	s4 =	sld [smem:$0x3FAE]  }
0x2a: {  	p0 =	seq.s32 s5, $0x0;
	s5 =	sld [smem:$0x3FAF]  }
0x2b: {  	s6 =	sld [smem:$0x3FB0]  }
0x2c: {  	s7 =	sld [smem:$0x3FB1]  }
0x2d: {  	s3 =	simm.s32 $0x108;
	s8 =	sld [smem:$0x3FB2]  }
0x2e: {  	s3 =	simm.s32 @!p0 $0x1082;
	s9 =	sld [smem:$0x3FB3]  }
0x2f: {  	lr =	sadd.s32 s0, s3;
	s0 =	sld [smem:$0x3FAA]  }
0x30: {  	s3 =	sld [smem:$0x3FAD]  }
0x31: {  	[smem:$0x3FB6] =	sst s10  }
0x32: {  	s10 =	sld [smem:$0x3FB4];
	_ =	sdelay $0x3  }
0x33: {  	p0 =	seq.s32 s10, $0x1;
	s10 =	sld [smem:$0x3FB6];
	_ =	sdelay $0x3  }
0x34: {  	[smem:$0x3FB6] =	sst s10  }
0x35: {  	s10 =	sld [smem:$0x3FB5];
	_ =	sdelay $0x3  }
0x36: {  	p1 =	seq.s32 s10, $0x1;
	s10 =	sld [smem:$0x3FB6];
	_ =	sdelay $0x3  }
0x37: {  	[smem:$0x3FB6] =	sst s10  }
0x38: {  	s10 =	sld [smem:$0x3FB7]  }
0x39: {  	_ = 	snop;
	(pc) =	sbr.ind lr, $3  }
0x3a: {  	_ = 	snop  }
0x3b: {  	_ = 	snop  }
0x3c: {  	p2 =	seq.s32 s10, $0x1;
	s10 =	sld [smem:$0x3FB6]  }
0x3d: {  	_ =	shalt  }
0x3e: {  	_ =	shalt  }
0x3f: {  	_ =	shalt  }
0x40: {  	_ =	shalt  }
0x41: {  	_ =	shalt  }
0x42: {  	_ =	shalt  }
0x43: {  	_ =	shalt  }
0x44: {  	_ =	shalt  }
0x45: {  	_ =	shalt  }
0x46: {  	_ =	shalt  }
0x47: {  	_ =	shalt  }
0x48: {  	_ =	shalt  }
0x49: {  	_ =	shalt  }
0x4a: {  	_ =	shalt  }
0x4b: {  	_ =	shalt  }
0x4c: {  	_ =	shalt  }
0x4d: {  	_ =	shalt  }
0x4e: {  	_ =	shalt  }
0x4f: {  	_ =	shalt  }
0x50: {  	_ =	shalt  }
0x51: {  	_ =	shalt  }
0x52: {  	_ =	shalt  }
0x53: {  	_ =	shalt  }
0x54: {  	_ =	shalt  }
0x55: {  	_ =	shalt  }
0x56: {  	_ =	shalt  }
0x57: {  	_ =	shalt  }
0x58: {  	_ =	shalt  }
0x59: {  	_ =	shalt  }
0x5a: {  	_ =	shalt  }
0x5b: {  	_ =	shalt  }
0x5c: {  	_ =	shalt  }
0x5d: {  	_ =	shalt  }
0x5e: {  	_ =	shalt  }
0x5f: {  	_ =	shalt  }
0x60: {  	_ =	shalt  }
0x61: {  	_ =	shalt  }
0x62: {  	_ =	shalt  }
0x63: {  	_ =	shalt  }
0x64: {  	_ =	shalt  }
0x65: {  	_ =	shalt  }
0x66: {  	_ =	shalt  }
0x67: {  	_ =	shalt  }
0x68: {  	_ =	shalt  }
0x69: {  	_ =	shalt  }
0x6a: {  	_ =	shalt  }
0x6b: {  	_ =	shalt  }
0x6c: {  	_ =	shalt  }
0x6d: {  	_ =	shalt  }
0x6e: {  	_ =	shalt  }
0x6f: {  	_ =	shalt  }
0x70: {  	_ =	shalt  }
0x71: {  	_ =	shalt  }
0x72: {  	_ =	shalt  }
0x73: {  	_ =	shalt  }
0x74: {  	_ =	shalt  }
0x75: {  	_ =	shalt  }
0x76: {  	_ =	shalt  }
0x77: {  	_ =	shalt  }
0x78: {  	_ =	shalt  }
0x79: {  	_ =	shalt  }
0x7a: {  	_ =	shalt  }
0x7b: {  	_ =	shalt  }
0x7c: {  	_ =	shalt  }
0x7d: {  	_ =	shalt  }
0x7e: {  	_ =	shalt  }
0x7f: {  	_ =	shalt  }
0x80: {  	_ =	shalt  }
0x81: {  	_ =	shalt  }
0x82: {  	_ =	shalt  }
0x83: {  	_ =	shalt  }
0x84: {  	_ =	shalt  }
0x85: {  	_ =	shalt  }
0x86: {  	_ =	shalt  }
0x87: {  	_ =	shalt  }
.Lfunc_end0:
.L_simem_size_0:
called_computation_lowered:
.L_overlay_start_0:
0x88: {  	s2 =	sld [smem:$0x3FD9]  }
0x89: {  	s3 =	sld [smem:$0x3FFE];
	_ =	sdelay $0x1  }
0x8a: {  	s1 =	srdreg.scid  }
0x8b: {  	s0 =	sand.u32 $0x1, s1  }
0x8c: {  	s17 =	sshll.u32 s0, $0xA;
	s2 =	sadd.s32 s3, s2  }
0x8d: {  	s2 =	sadd.s32 s2, s17  }
0x8e: {  	[smem:$0x3FC2] =	sst s2  }
0x8f: {  	_ = 	snop  }
0x90: {  	s2 =	sld [smem:$0x3FD0];
	(tm) =	ssettm $0x1  }
0x91: {  	s18 =	sld [smem:$0x3FFB];
	_ =	sdelay $0x3  }
0x92: {  	_ =	strace s18  }
0x93: {  	s3 =	sld [smem:$0x3FFC];
	_ =	sdelay $0x3  }
0x94: {  	_ =	strace s3  }
0x95: {  	s3 =	sld [smem:$0x3FFD];
	_ =	sdelay $0x3  }
0x96: {  	_ =	strace s3  }
0x97: {  	_ =	strace $0x8FFFFFFF  }
0x98: {  	s19 =	sld [smem:$0x3FDB];
	_ =	sdelay $0x1  }
0x99: {  	s4 =	simm.s32 $_scs_section_size  }
0x9a: {  	s5 =	simm.s32 $_size__tile_overlayer_lowered;
	s6 =	simm.s32 $_tile_overlayer_lowered  }
0x9b: {  	s22 =	simm.s32 $0x1BFF;
	s21 =	sshll.u32 s6, $0x1;
	s3 =	sadd.s32 s4, s19  }
0x9c: {  	s7 =	simm.s32 $0x0;
	s20 =	sshll.u32 s5, $0x1;
	s5 =	sadd.s32 s21, s3  }
0x9d: {  	[timem:s7], [sflag:s22] =	dma.local [hbm:s5], s20  }
0x9e: {  	_ =	swait.ge [sflag:s22], s20  }
0x9f: {  	s4 =	ssub.s32 $0x0, s20;
	[sflag:s22] =	ssyncset.done $0x0  }
0xa0: {  	[sflag:s22] =	ssyncadd.s32 s4;
	_ =	sdelay $0x1  }
0xa1: {  	s23 =	simm.s32 $0x1B8B  }
0xa2: {  	_ =	swait.ge [sflag:s23], $0x1  }
0xa3: {  	[sflag:s23] =	ssyncset.done $0x0  }
0xa4: {  	s25 =	simm.s32 $0x1B8E;
	s24 =	sld [smem:$0x3FFE];
	[sflag:s23] =	ssyncadd.s32 $0xFFFFFFFF  }
0xa5: {  	s26 =	simm.s32 $execute0_lowered;
	[smem:$0x3FD2] =	sst s25  }
0xa6: {  	s5 =	sshll.u32 s26, $0x1;
	_ =	strace $0x80000046;
	[dreg:$0x1] =	wrdreg $0xFFFFFFFF  }
0xa7: {  	s28 =	simm.s32 $_size_execute0_lowered;
	s3 =	sadd.s32 s3, s5;
	[dreg:$0x0] =	wrdreg $0x0  }
0xa8: {  	s5 =	sshll.u32 s28, $0x1;
	[dreg:$0x2] =	wrdreg s3  }
0xa9: {  	[dreg:$0x3] =	wrdreg s5  }
0xaa: {  	[dreg:$0x4] =	wrdreg $0xC0  }
0xab: {  	_ =	task [dreg:s7], $0x5FFFF  }
0xac: {  	[dreg:$0x1] =	wrdreg $0xFFFFFFFF  }
0xad: {  	[dreg:$0x0] =	wrdreg $0x60  }
0xae: {  	[dreg:$0x2] =	wrdreg s24  }
0xaf: {  	[dreg:$0x3] =	wrdreg s2  }
0xb0: {  	[dreg:$0x4] =	wrdreg $0x9  }
0xb1: {  	_ =	task.clear_ibuf [dreg:s7], $0x5FFFF;
	_ =	strace $0x90000046  }
0xb2: {  	s29 =	simm.s32 $0x9;
	_ =	strace $0x80000048  }
0xb3: {  	_ =	swait.ge [sflag:s29], $0x1  }
0xb4: {  	[sflag:s29] =	ssyncadd.s32 $0xFFFFFFFF  }
0xb5: {  	_ =	strace $0x90000048  }
0xb6: {  	_ =	sfence  }
0xb7: {  	s30 =	sld [smem:$0x0];
	_ =	sdelay $0x2  }
0xb8: {  	s31 =	sshll.u32 s1, $0xD;
	s1 =	sshrl.u32 s1, $0x2  }
0xb9: {  	s3 =	sand.u32 $0x4000, s31;
	s1 =	sadd.s32 s1, s30  }
0xba: {  	s0 =	sor.u32 s3, s0;
	s1 =	sshll.u32 s1, $0x11  }
0xbb: {  	s0 =	sor.u32 s1, s0  }
0xbc: {  	s0 =	sadd.s32 $0x8F2B, s0  }
0xbd: {  	[sflag:s0] =	ssyncadd.remote.s32 $0x1  }
0xbe: {  	_ =	sfence.sel $0xFFFF  }
0xbf: {  	[dreg:$0x0] =	wrdreg $0xFFFFFFFF;
	(pc) =	sbr.abs _section_cstart, $3  }
0xc0: {  	[dreg:$0x1] =	wrdreg $0xFFFFFFFF  }
0xc1: {  	_ =	task.clear_ibuf [dreg:s7], $0x2FFFF;
	_ =	strace $0x9FFFFFFF  }
0xc2: {  	(tm) =	ssettm $0x7FFFFFFF  }
0xc3: {  	_ =	shalt  }
tec
execute0_lowered:
.L_overlay_start_1:
0x0: {  	(tag) =	ssettag $0x1  }
0x1: {  	s0 =	rddreg [dreg:$0x0]  }
0x2: {  	s12 =	rddreg [dreg:$0x1]  }
0x3: {  	s2 =	simm.s32 $0x0;
	s8 =	stileid.u32;
	s16 =	simm.s32 $0x34  }
0x4: {  	s29 =	simm.s32 $0x50;
	[smem:$0x7FF] =	sst s2;
	s4 =	sadd.s32 $0x19AA00, s0  }
0x5: {  	s1 =	srdreg.scid;
	s5 =	sadd.s32 $0x32AA00, s0;
	s6 =	sadd.s32 $0x4BAA00, s0  }
0x6: {  	s3 =	smul.u32 $0x1C, s8;
	s7 =	sadd.s32 $0x64AA00, s0;
	s1 =	sand.u32 $0x1, s1  }
0x7: {  	s9 =	smul.u32 $0x34, s8;
	s8 =	sadd.s32 $0x7DAA00, s0;
	s10 =	sadd.s32 $0x7800, s0  }
0x8: {  	s11 =	sadd.s32 $0x1400, s0;
	s13 =	sadd.s32 $0x4600, s0;
	s14 =	sadd.s32 $0xAA00, s0  }
0x9: {  	_ =	strace $0x80000047;
	p0 =	seq.s32 s1, $0x0;
	s1 =	ssub.s32 $0x2, s1  }
0xa: {  	s15 =	sadd.s32 $0x340, s3;
	s18 =	sshrl.u32 s1, $0x1;
	s16 =	simm.s32 @!p0 $0x1C  }
0xb: {  	s15 =	smov.u32 @p0 s9;
	s19 =	ssub.s32 s1, s18;
	[dreg:$0x5] =	wrdreg s16  }
0xc: {  	s26 =	sshrl.u32 s16, $0x1;
	s9 =	smul.u32 $0x50, s15;
	[dreg:$0x3] =	wrdreg s15  }
0xd: {  	s21 =	smul.u32 $0x500, s15;
	[dreg:$0xb] =	wrdreg s26;
	s0 =	smax.u32 s19, $0x1  }
0xe: {  	s28 =	simm.s32 $0x6;
	s17 =	simm.s32 $0x7;
	[dreg:$0xd] =	wrdreg s0  }
0xf: {  	s30 =	simm.s32 $0x8;
	s25 =	sadd.s32 s4, s21;
	[dreg:$0x4] =	wrdreg s9  }
0x10: {  	s20 =	sshrl.u32 s9, $0x3;
	s31 =	sadd.s32 $0x50, s9;
	[dreg:$0xa] =	wrdreg s25  }
0x11: {  	s3 =	simm.s32 $0x0;
	s22 =	sadd.s32 s10, s20;
	[dreg:$0xc] =	wrdreg s31  }
0x12: {  	s16 =	simm.s32 $0x5;
	s23 =	sadd.s32 s11, s20;
	[dreg:$0x6] =	wrdreg s22  }
0x13: {  	s26 =	simm.s32 $0x4;
	s24 =	sadd.s32 s13, s20;
	[dreg:$0x7] =	wrdreg s23  }
0x14: {  	s19 =	simm.s32 $0xCC00;
	s1 =	sadd.s32 s12, s20;
	[dreg:$0x8] =	wrdreg s24  }
0x15: {  	s9 =	simm.s32 $0xA;
	s20 =	simm.s32 $0x2;
	[dreg:$0x9] =	wrdreg s1  }
0x16: {  	s24 =	simm.s32 $0xB;
	s23 =	simm.s32 $0x3;
	s1 =	simm.s32 $0x9  }
.LBB2_1:
0x17: {  	[dreg:$0xe] =	wrdreg s3  }
0x18: {  	s0 =	rddreg [dreg:$0x6]  }
0x19: {  	[tilespmem:s2], [sflag:$0xB] =	stream.linear.gather [hbm4b:s0+s2], $0x50, $0x38;
	[tilespmem:$0x19400] =	vst v63  }
0x1a: {  	_ =	swait.ge [sflag:s24], $0x50  }
0x1b: {  	[sflag:s24] =	ssyncset.done $0x0  }
0x1c: {  	s21 =	simm.s32 $0x80;
	s18 =	rddreg [dreg:$0x7];
	[sflag:s24] =	ssyncadd.s32 $0xFFFFFFB0  }
0x1d: {  	[tilespmem:s21], [sflag:$0xB] =	stream.linear.gather [hbm4b:s18+s2], $0x50, $0x38;
	[tilespmem:$0x19400] =	vst v63  }
0x1e: {  	_ =	swait.ge [sflag:s24], $0x50  }
0x1f: {  	[sflag:s24] =	ssyncset.done $0x0  }
0x20: {  	s12 =	simm.s32 $0x100;
	s22 =	rddreg [dreg:$0x8];
	[sflag:s24] =	ssyncadd.s32 $0xFFFFFFB0  }
0x21: {  	[tilespmem:s12], [sflag:$0xB] =	stream.linear.gather [hbm4b:s22+s2], $0x50, $0x38;
	[tilespmem:$0x19400] =	vst v63  }
0x22: {  	_ =	swait.ge [sflag:s24], $0x50  }
0x23: {  	[sflag:s24] =	ssyncset.done $0x0  }
0x24: {  	s15 =	simm.s32 $0x180;
	s25 =	rddreg [dreg:$0x9];
	[sflag:s24] =	ssyncadd.s32 $0xFFFFFFB0  }
0x25: {  	[tilespmem:s15], [sflag:$0xB] =	stream.linear.gather [hbm4b:s25+s2], $0x50, $0x38;
	[tilespmem:$0x19400] =	vst v63  }
0x26: {  	_ =	swait.ge [sflag:s24], $0x50  }
0x27: {  	[sflag:s24] =	ssyncset.done $0x0  }
0x28: {  	s31 =	simm.s32 $0x2A00;
	[sflag:s24] =	ssyncadd.s32 $0xFFFFFFB0  }
0x29: {  	[tilespmem:s31], [sflag:$0x1] =	stream.indirect.gather [hbm4b:s5+s29], $0x80, s2, s29, $0xb8;
	[tilespmem:$0x19400] =	vst v63  }
0x2a: {  	s18 =	simm.s32 $0x5200  }
0x2b: {  	[tilespmem:s18], [sflag:$0x2] =	stream.indirect.gather [hbm4b:s6+s29], $0x80, s21, s29, $0xb8;
	[tilespmem:$0x19400] =	vst v63  }
0x2c: {  	s21 =	simm.s32 $0x7A00  }
0x2d: {  	[tilespmem:s21], [sflag:$0x3] =	stream.indirect.gather [hbm4b:s7+s29], $0x80, s12, s29, $0xb8;
	[tilespmem:$0x19400] =	vst v63  }
0x2e: {  	s22 =	simm.s32 $0xA200  }
0x2f: {  	[tilespmem:s22], [sflag:$0x4] =	stream.indirect.gather [hbm4b:s8+s29], $0x80, s15, s29, $0xb8;
	[tilespmem:$0x19400] =	vst v63  }
0x30: {  	s25 =	rddreg [dreg:$0xa];
	s31 =	simm.s32 $0x200;
	s12 =	simm.s32 $0x0  }
0x31: {  	[tilespmem:s31], [sflag:$0x5] =	stream.linear.gather [hbm4b:s25+s2], $0x2800, $0x38;
	[tilespmem:$0x19400] =	vst v63  }
.LBB2_2:
0x32: {  	s21 =	smul.u32 $0xA0, s12  }
0x33: {  	s0 =	rddreg [dreg:$0xc]  }
0x34: {  	s15 =	sadd.s32 s21, s0  }
0x35: {  	s22 =	sshrl.u32 s15, $0x3  }
0x36: {  	s18 =	simm.s32 $0xCA00;
	s0 =	simm.s32 $0x0;
	s31 =	sadd.s32 s10, s22  }
0x37: {  	[tilespmem:s18], [sflag:$0xB] =	stream.linear.gather [hbm4b:s31+s0], $0x50, $0x38;
	[tilespmem:$0x19400] =	vst v63  }
0x38: {  	_ =	swait.ge [sflag:s24], $0x50  }
0x39: {  	[sflag:s24] =	ssyncset.done $0x0  }
0x3a: {  	s25 =	simm.s32 $0xCA80;
	s31 =	sadd.s32 s11, s22;
	[sflag:s24] =	ssyncadd.s32 $0xFFFFFFB0  }
0x3b: {  	[tilespmem:s25], [sflag:$0xB] =	stream.linear.gather [hbm4b:s31+s0], $0x50, $0x38;
	[tilespmem:$0x19400] =	vst v63  }
0x3c: {  	_ =	swait.ge [sflag:s24], $0x50  }
0x3d: {  	[sflag:s24] =	ssyncset.done $0x0  }
0x3e: {  	s2 =	simm.s32 $0xCB00;
	s31 =	sadd.s32 s13, s22;
	[sflag:s24] =	ssyncadd.s32 $0xFFFFFFB0  }
0x3f: {  	[tilespmem:s2], [sflag:$0xB] =	stream.linear.gather [hbm4b:s31+s0], $0x50, $0x38;
	[tilespmem:$0x19400] =	vst v63  }
0x40: {  	_ =	swait.ge [sflag:s24], $0x50  }
0x41: {  	[sflag:s24] =	ssyncset.done $0x0  }
0x42: {  	[sflag:s24] =	ssyncadd.s32 $0xFFFFFFB0  }
0x43: {  	s3 =	rddreg [dreg:$0x1]  }
0x44: {  	s22 =	sadd.s32 s3, s22;
	s3 =	simm.s32 $0xCB80  }
0x45: {  	[tilespmem:s3], [sflag:$0xB] =	stream.linear.gather [hbm4b:s22+s0], $0x50, $0x38;
	[tilespmem:$0x19400] =	vst v63  }
0x46: {  	_ =	swait.ge [sflag:s24], $0x50  }
0x47: {  	[sflag:s24] =	ssyncset.done $0x0  }
0x48: {  	s22 =	simm.s32 $0xF400;
	[sflag:s24] =	ssyncadd.s32 $0xFFFFFFB0  }
0x49: {  	[tilespmem:s22], [sflag:$0x6] =	stream.indirect.gather [hbm4b:s5+s29], $0x80, s18, s29, $0xb8;
	[tilespmem:$0x19400] =	vst v63  }
0x4a: {  	s22 =	simm.s32 $0x11C00  }
0x4b: {  	[tilespmem:s22], [sflag:$0x7] =	stream.indirect.gather [hbm4b:s6+s29], $0x80, s25, s29, $0xb8;
	[tilespmem:$0x19400] =	vst v63  }
0x4c: {  	s22 =	simm.s32 $0x14400  }
0x4d: {  	[tilespmem:s22], [sflag:$0x8] =	stream.indirect.gather [hbm4b:s7+s29], $0x80, s2, s29, $0xb8;
	[tilespmem:$0x19400] =	vst v63  }
0x4e: {  	s15 =	sshll.u32 s15, $0x4;
	s25 =	simm.s32 $0x16C00  }
0x4f: {  	[tilespmem:s25], [sflag:$0x9] =	stream.indirect.gather [hbm4b:s8+s29], $0x80, s3, s29, $0xb8;
	[tilespmem:$0x19400] =	vst v63  }
0x50: {  	s18 =	sadd.s32 s4, s15;
	s25 =	simm.s32 $0x1  }
0x51: {  	[tilespmem:s19], [sflag:$0xA] =	stream.linear.gather [hbm4b:s18+s0], $0x2800, $0x38;
	[tilespmem:$0x19400] =	vst v63  }
0x52: {  	_ =	swait.ge [sflag:s25], $0x2800  }
0x53: {  	[sflag:s25] =	ssyncset.done $0x0  }
0x54: {  	[sflag:s25] =	ssyncadd.s32 $0xFFFFD800  }
0x55: {  	_ =	swait.ge [sflag:s20], $0x2800  }
0x56: {  	[sflag:s20] =	ssyncset.done $0x0  }
0x57: {  	[sflag:s20] =	ssyncadd.s32 $0xFFFFD800  }
0x58: {  	_ =	swait.ge [sflag:s23], $0x2800  }
0x59: {  	[sflag:s23] =	ssyncset.done $0x0  }
0x5a: {  	[sflag:s23] =	ssyncadd.s32 $0xFFFFD800  }
0x5b: {  	_ =	swait.ge [sflag:s26], $0x2800  }
0x5c: {  	[sflag:s26] =	ssyncset.done $0x0  }
0x5d: {  	[sflag:s26] =	ssyncadd.s32 $0xFFFFD800  }
0x5e: {  	_ =	swait.ge [sflag:s16], $0x2800  }
0x5f: {  	[sflag:s16] =	ssyncset.done $0x0  }
0x60: {  	s22 =	simm.s32 $0x0;
	[sflag:s16] =	ssyncadd.s32 $0xFFFFD800  }
0x61: {  	v2 =	vld [tilespmem:s22+$0xA200]  }
0x62: {  	v3 =	vld [tilespmem:s22+$0xA210]  }
0x63: {  	v4 =	vld [tilespmem:s22+$0xA220]  }
0x64: {  	v5 =	vld [tilespmem:s22+$0xA230]  }
0x65: {  	v1 =	vld [tilespmem:s22+$0xA240]  }
0x66: {  	v0 =	vld [tilespmem:s22+$0xA250]  }
0x67: {  	v17 =	vld [tilespmem:s22+$0x7A00]  }
0x68: {  	v18 =	vld [tilespmem:s22+$0x7A10]  }
0x69: {  	v11 =	vld [tilespmem:s22+$0x7A20]  }
0x6a: {  	v9 =	vld [tilespmem:s22+$0x7A30]  }
0x6b: {  	v7 =	vld [tilespmem:s22+$0x7A40]  }
0x6c: {  	v6 =	vld [tilespmem:s22+$0x7A50]  }
0x6d: {  	v12 =	vld [tilespmem:s22+$0x5200]  }
0x6e: {  	v16 =	vld [tilespmem:s22+$0x5210]  }
0x6f: {  	v20 =	vld [tilespmem:s22+$0x5220]  }
0x70: {  	v22 =	vld [tilespmem:s22+$0x5230]  }
0x71: {  	v10 =	vld [tilespmem:s22+$0x5240]  }
0x72: {  	v8 =	vld [tilespmem:s22+$0x5250]  }
0x73: {  	v13 =	vld [tilespmem:s22+$0x2A00]  }
0x74: {  	v19 =	vld [tilespmem:s22+$0x2A10]  }
0x75: {  	v21 =	vld [tilespmem:s22+$0x2A20]  }
0x76: {  	v23 =	vld [tilespmem:s22+$0x2A30]  }
0x77: {  	v14 =	vld [tilespmem:s22+$0x200]  }
0x78: {  	v24 =	vld [tilespmem:s22+$0x210]  }
0x79: {  	v25 =	vld [tilespmem:s22+$0x220]  }
0x7a: {  	v26 =	vld [tilespmem:s22+$0x230]  }
0x7b: {  	v15 =	vld [tilespmem:s22+$0x2A40]  }
0x7c: {  	v27 =	vadd.f32 v13, v14;
	v14 =	vld [tilespmem:s22+$0x2A50]  }
0x7d: {  	v19 =	vadd.f32 v19, v24;
	v13 =	vld [tilespmem:s22+$0x2A60]  }
0x7e: {  	v21 =	vadd.f32 v21, v25;
	v62 =	vadd.f32 v12, v27;
	v12 =	vld [tilespmem:s22+$0x2A70]  }
0x7f: {  	v23 =	vadd.f32 v23, v26;
	v63 =	vadd.f32 v16, v19;
	v16 =	vld [tilespmem:s22+$0x240]  }
0x80: {  	v20 =	vadd.f32 v20, v21;
	v19 =	vadd.f32 v17, v62;
	v17 =	vld [tilespmem:s22+$0x250]  }
0x81: {  	s31 =	simm.s32 $0x200;
	v22 =	vadd.f32 v22, v23;
	v21 =	vadd.f32 v18, v63;
	v18 =	vld [tilespmem:s22+$0x260]  }
.LBB2_3:
0x82: {  	p0 =	sne.s32 s31, $0x9E00;
	v2 =	vadd.f32 v2, v19;
	v11 =	vadd.f32 v11, v20;
	v19 =	vld [tilespmem:s22+$0x270]  }
0x83: {  	v3 =	vadd.f32 v3, v21;
	v9 =	vadd.f32 v9, v22;
	v20 =	vld [tilespmem:s22+$0x5260]  }
0x84: {  	v4 =	vadd.f32 v4, v11;
	v11 =	vadd.f32 v15, v16;
	v15 =	vld [tilespmem:s22+$0x5270]  }
0x85: {  	v5 =	vadd.f32 v5, v9;
	v9 =	vadd.f32 v14, v17;
	v14 =	vld [tilespmem:s22+$0x7A60]  }
0x86: {  	v10 =	vadd.f32 v10, v11;
	v11 =	vadd.f32 v13, v18;
	v13 =	vld [tilespmem:s22+$0x7A70]  }
0x87: {  	v8 =	vadd.f32 v8, v9;
	v9 =	vld [tilespmem:s22+$0xA260];
	v12 =	vadd.f32 v12, v19  }
0x88: {  	s0 =	sshra.s32 s31, $0x2;
	v16 =	vmax.f32 v2, $0.0e+00;
	v7 =	vadd.f32 v7, v10;
	v10 =	vadd.f32 v20, v11;
	v11 =	vld [tilespmem:s22+$0xA270]  }
0x89: {  	v2 =	vld [tilespmem:s0+$0xA200];
	[tilespmem:s22+$0x200] =	vst v16;
	v16 =	vmax.f32 v3, $0.0e+00;
	v6 =	vadd.f32 v6, v8;
	v8 =	vadd.f32 v15, v12  }
0x8a: {  	v12 =	vmax.f32 v4, $0.0e+00;
	v3 =	vld [tilespmem:s0+$0xA210];
	[tilespmem:s22+$0x210] =	vst v16;
	v1 =	vadd.f32 v1, v7;
	v7 =	vadd.f32 v14, v10  }
0x8b: {  	v10 =	vmax.f32 v5, $0.0e+00;
	v4 =	vld [tilespmem:s0+$0xA220];
	[tilespmem:s22+$0x220] =	vst v12;
	v0 =	vadd.f32 v0, v6;
	v6 =	vadd.f32 v13, v8  }
0x8c: {  	v5 =	vld [tilespmem:s0+$0xA230];
	[tilespmem:s22+$0x230] =	vst v10;
	v8 =	vmax.f32 v1, $0.0e+00;
	v7 =	vadd.f32 v9, v7  }
0x8d: {  	v1 =	vld [tilespmem:s0+$0xA240];
	[tilespmem:s22+$0x240] =	vst v8;
	v8 =	vmax.f32 v0, $0.0e+00;
	v6 =	vadd.f32 v11, v6  }
0x8e: {  	v0 =	vld [tilespmem:s0+$0xA250];
	[tilespmem:s22+$0x250] =	vst v8;
	v7 =	vmax.f32 v7, $0.0e+00  }
0x8f: {  	v17 =	vld [tilespmem:s0+$0x7A00];
	[tilespmem:s22+$0x260] =	vst v7;
	v6 =	vmax.f32 v6, $0.0e+00  }
0x90: {  	v18 =	vld [tilespmem:s0+$0x7A10];
	[tilespmem:s22+$0x270] =	vst v6;
	s22 =	smov.u32 s0  }
0x91: {  	v11 =	vld [tilespmem:s22+$0x7A20]  }
0x92: {  	v9 =	vld [tilespmem:s22+$0x7A30]  }
0x93: {  	v7 =	vld [tilespmem:s22+$0x7A40]  }
0x94: {  	v6 =	vld [tilespmem:s22+$0x7A50]  }
0x95: {  	v12 =	vld [tilespmem:s22+$0x5200]  }
0x96: {  	v16 =	vld [tilespmem:s22+$0x5210]  }
0x97: {  	v20 =	vld [tilespmem:s22+$0x5220]  }
0x98: {  	v22 =	vld [tilespmem:s22+$0x5230]  }
0x99: {  	v10 =	vld [tilespmem:s22+$0x5240]  }
0x9a: {  	v8 =	vld [tilespmem:s22+$0x5250]  }
0x9b: {  	v13 =	vld [tilespmem:s22+$0x2A00]  }
0x9c: {  	v19 =	vld [tilespmem:s22+$0x2A10]  }
0x9d: {  	v21 =	vld [tilespmem:s22+$0x2A20]  }
0x9e: {  	v23 =	vld [tilespmem:s22+$0x2A30]  }
0x9f: {  	v14 =	vld [tilespmem:s22+$0x200]  }
0xa0: {  	v24 =	vld [tilespmem:s22+$0x210]  }
0xa1: {  	v25 =	vld [tilespmem:s22+$0x220]  }
0xa2: {  	v26 =	vld [tilespmem:s22+$0x230]  }
0xa3: {  	v15 =	vld [tilespmem:s22+$0x2A40]  }
0xa4: {  	v27 =	vadd.f32 v13, v14;
	v14 =	vld [tilespmem:s22+$0x2A50]  }
.Ltmp0:
0xa5: {  	v19 =	vadd.f32 v19, v24;
	v13 =	vld [tilespmem:s22+$0x2A60];
	(pc) =	sbr.rel @p0 .LBB2_3-.Ltmp0, $4  }
0xa6: {  	v24 =	vadd.f32 v12, v27;
	v21 =	vadd.f32 v21, v25;
	v12 =	vld [tilespmem:s22+$0x2A70]  }
0xa7: {  	v25 =	vadd.f32 v16, v19;
	v23 =	vadd.f32 v23, v26;
	v16 =	vld [tilespmem:s22+$0x240]  }
0xa8: {  	v19 =	vadd.f32 v17, v24;
	v20 =	vadd.f32 v20, v21;
	v17 =	vld [tilespmem:s22+$0x250]  }
0xa9: {  	s31 =	sadd.s32 $0x200, s31;
	v21 =	vadd.f32 v18, v25;
	v22 =	vadd.f32 v22, v23;
	v18 =	vld [tilespmem:s22+$0x260]  }
0xaa: {  	v2 =	vadd.f32 v2, v19;
	v11 =	vadd.f32 v11, v20;
	v19 =	vld [tilespmem:s22+$0x270]  }
0xab: {  	v20 =	vld [tilespmem:s22+$0x5260];
	v3 =	vadd.f32 v3, v21;
	v9 =	vadd.f32 v9, v22  }
0xac: {  	v4 =	vadd.f32 v4, v11;
	v11 =	vadd.f32 v15, v16;
	v15 =	vld [tilespmem:s22+$0x5270]  }
0xad: {  	v5 =	vadd.f32 v5, v9;
	v9 =	vadd.f32 v14, v17;
	v14 =	vld [tilespmem:s22+$0x7A60]  }
0xae: {  	v10 =	vadd.f32 v10, v11;
	v11 =	vadd.f32 v13, v18;
	v13 =	vld [tilespmem:s22+$0x7A70]  }
0xaf: {  	v8 =	vadd.f32 v8, v9;
	v9 =	vld [tilespmem:s22+$0xA260];
	v12 =	vadd.f32 v12, v19  }
0xb0: {  	v2 =	vmax.f32 v2, $0.0e+00;
	v7 =	vadd.f32 v7, v10;
	v10 =	vadd.f32 v20, v11;
	v11 =	vld [tilespmem:s22+$0xA270]  }
0xb1: {  	[tilespmem:s22+$0x200] =	vst v2;
	v2 =	vmax.f32 v3, $0.0e+00;
	v3 =	vadd.f32 v6, v8;
	v6 =	vadd.f32 v15, v12  }
0xb2: {  	[tilespmem:s22+$0x210] =	vst v2;
	v2 =	vmax.f32 v4, $0.0e+00;
	v1 =	vadd.f32 v1, v7;
	v4 =	vadd.f32 v14, v10  }
0xb3: {  	[tilespmem:s22+$0x220] =	vst v2;
	v2 =	vmax.f32 v5, $0.0e+00;
	v0 =	vadd.f32 v0, v3;
	v3 =	vadd.f32 v13, v6  }
0xb4: {  	[tilespmem:s22+$0x230] =	vst v2;
	v1 =	vmax.f32 v1, $0.0e+00;
	v2 =	vadd.f32 v9, v4  }
0xb5: {  	s0 =	rddreg [dreg:$0x4];
	[tilespmem:s22+$0x240] =	vst v1;
	v0 =	vmax.f32 v0, $0.0e+00;
	v1 =	vadd.f32 v11, v3  }
0xb6: {  	s0 =	sadd.s32 s0, s21;
	[tilespmem:s22+$0x250] =	vst v0;
	v0 =	vmax.f32 v2, $0.0e+00  }
0xb7: {  	s25 =	sshll.u32 s12, $0x1;
	s0 =	sshll.u32 s0, $0x4;
	[tilespmem:s22+$0x260] =	vst v0;
	v0 =	vmax.f32 v1, $0.0e+00  }
0xb8: {  	s3 =	simm.s32 $0x200;
	s2 =	simm.s32 $0x0;
	s0 =	sadd.s32 s14, s0;
	[tilespmem:s22+$0x270] =	vst v0  }
0xb9: {  	[hbm4b:s0+s2] =	stream.linear.scatter [tilespmem:s3], [sflag:$0xB], $0x2800, $0x38;
	[tilespmem:$0x19400] =	vst v63  }
0xba: {  	s31 =	rddreg [dreg:$0x5];
	s0 =	sadd.s32 $0x2, s25  }
0xbb: {  	s3 =	rddreg [dreg:$0x3];
	p0 =	sge.u32 s0, s31  }
0xbc: {  	s0 =	sadd.s32 @!p0 s3, s0  }
0xbd: {  	_ =	swait.ge [sflag:s24], $0x2800;
	s21 =	smul.u32 @!p0 $0xA, s0  }
0xbe: {  	[sflag:s24] =	ssyncset.done $0x0  }
0xbf: {  	s31 =	simm.s32 @!p0 $0x0;
	[sflag:s24] =	ssyncadd.s32 $0xFFFFD800;
	s22 =	sadd.s32 @!p0 s10, s21  }
0xc0: {  	[tilespmem:s31], [sflag:$0xB] =	stream.linear.gather @!p0 [hbm4b:s22+s31], $0x50, $0x38;
	[tilespmem:$0x19400] =	vst v63  }
0xc1: {  	s22 =	simm.s32 @!p0 $0xB  }
0xc2: {  	_ =	swait.ge @!p0 [sflag:s22], $0x50  }
0xc3: {  	[sflag:s22] =	ssyncset.done @!p0 $0x0  }
0xc4: {  	s25 =	simm.s32 @!p0 $0x80;
	s3 =	sadd.s32 @!p0 s11, s21;
	[sflag:s22] =	ssyncadd.s32 @!p0 $0xFFFFFFB0  }
0xc5: {  	[tilespmem:s25], [sflag:$0xB] =	stream.linear.gather @!p0 [hbm4b:s3+s31], $0x50, $0x38;
	[tilespmem:$0x19400] =	vst v63  }
0xc6: {  	_ =	swait.ge @!p0 [sflag:s22], $0x50  }
0xc7: {  	[sflag:s22] =	ssyncset.done @!p0 $0x0  }
0xc8: {  	s18 =	simm.s32 @!p0 $0x100;
	s3 =	sadd.s32 @!p0 s13, s21;
	[sflag:s22] =	ssyncadd.s32 @!p0 $0xFFFFFFB0  }
0xc9: {  	[tilespmem:s18], [sflag:$0xB] =	stream.linear.gather @!p0 [hbm4b:s3+s31], $0x50, $0x38;
	[tilespmem:$0x19400] =	vst v63  }
0xca: {  	_ =	swait.ge @!p0 [sflag:s22], $0x50  }
0xcb: {  	[sflag:s22] =	ssyncset.done @!p0 $0x0  }
0xcc: {  	[sflag:s22] =	ssyncadd.s32 @!p0 $0xFFFFFFB0  }
0xcd: {  	s3 =	rddreg [dreg:$0x1]  }
0xce: {  	s3 =	sadd.s32 @!p0 s3, s21;
	s21 =	simm.s32 @!p0 $0x180  }
0xcf: {  	[tilespmem:s21], [sflag:$0xB] =	stream.linear.gather @!p0 [hbm4b:s3+s31], $0x50, $0x38;
	[tilespmem:$0x19400] =	vst v63  }
0xd0: {  	_ =	swait.ge @!p0 [sflag:s22], $0x50  }
0xd1: {  	[sflag:s22] =	ssyncset.done @!p0 $0x0  }
0xd2: {  	s3 =	simm.s32 @!p0 $0x50;
	[sflag:s22] =	ssyncadd.s32 @!p0 $0xFFFFFFB0;
	s22 =	simm.s32 @!p0 $0x2A00  }
0xd3: {  	[tilespmem:s22], [sflag:$0x1] =	stream.indirect.gather @!p0 [hbm4b:s5+s3], $0x80, s31, s3, $0xb8;
	[tilespmem:$0x19400] =	vst v63  }
0xd4: {  	s22 =	simm.s32 @!p0 $0x5200  }
0xd5: {  	[tilespmem:s22], [sflag:$0x2] =	stream.indirect.gather @!p0 [hbm4b:s6+s3], $0x80, s25, s3, $0xb8;
	[tilespmem:$0x19400] =	vst v63  }
0xd6: {  	s22 =	simm.s32 @!p0 $0x7A00  }
0xd7: {  	[tilespmem:s22], [sflag:$0x3] =	stream.indirect.gather @!p0 [hbm4b:s7+s3], $0x80, s18, s3, $0xb8;
	[tilespmem:$0x19400] =	vst v63  }
0xd8: {  	s0 =	smul.u32 @!p0 $0x500, s0;
	s18 =	simm.s32 @!p0 $0xA200  }
0xd9: {  	[tilespmem:s18], [sflag:$0x4] =	stream.indirect.gather @!p0 [hbm4b:s8+s3], $0x80, s21, s3, $0xb8;
	[tilespmem:$0x19400] =	vst v63  }
0xda: {  	s0 =	sadd.s32 @!p0 s4, s0;
	s3 =	simm.s32 @!p0 $0x200  }
0xdb: {  	[tilespmem:s3], [sflag:$0x5] =	stream.linear.gather @!p0 [hbm4b:s0+s31], $0x2800, $0x38;
	[tilespmem:$0x19400] =	vst v63  }
0xdc: {  	_ =	swait.ge [sflag:s28], $0x2800  }
0xdd: {  	[sflag:s28] =	ssyncset.done $0x0  }
0xde: {  	[sflag:s28] =	ssyncadd.s32 $0xFFFFD800  }
0xdf: {  	_ =	swait.ge [sflag:s17], $0x2800  }
0xe0: {  	[sflag:s17] =	ssyncset.done $0x0  }
0xe1: {  	[sflag:s17] =	ssyncadd.s32 $0xFFFFD800  }
0xe2: {  	_ =	swait.ge [sflag:s30], $0x2800  }
0xe3: {  	[sflag:s30] =	ssyncset.done $0x0  }
0xe4: {  	[sflag:s30] =	ssyncadd.s32 $0xFFFFD800  }
0xe5: {  	_ =	swait.ge [sflag:s1], $0x2800  }
0xe6: {  	[sflag:s1] =	ssyncset.done $0x0  }
0xe7: {  	[sflag:s1] =	ssyncadd.s32 $0xFFFFD800  }
0xe8: {  	_ =	swait.ge [sflag:s9], $0x2800  }
0xe9: {  	[sflag:s9] =	ssyncset.done $0x0  }
0xea: {  	s21 =	simm.s32 $0x0;
	[sflag:s9] =	ssyncadd.s32 $0xFFFFD800  }
0xeb: {  	v2 =	vld [tilespmem:s21+$0x16C00]  }
0xec: {  	v3 =	vld [tilespmem:s21+$0x16C10]  }
0xed: {  	v4 =	vld [tilespmem:s21+$0x16C20]  }
0xee: {  	v5 =	vld [tilespmem:s21+$0x16C30]  }
0xef: {  	v1 =	vld [tilespmem:s21+$0x16C40]  }
0xf0: {  	v0 =	vld [tilespmem:s21+$0x16C50]  }
0xf1: {  	v17 =	vld [tilespmem:s21+$0x14400]  }
0xf2: {  	v18 =	vld [tilespmem:s21+$0x14410]  }
0xf3: {  	v11 =	vld [tilespmem:s21+$0x14420]  }
0xf4: {  	v9 =	vld [tilespmem:s21+$0x14430]  }
0xf5: {  	v7 =	vld [tilespmem:s21+$0x14440]  }
0xf6: {  	v6 =	vld [tilespmem:s21+$0x14450]  }
0xf7: {  	v12 =	vld [tilespmem:s21+$0x11C00]  }
0xf8: {  	v16 =	vld [tilespmem:s21+$0x11C10]  }
0xf9: {  	v20 =	vld [tilespmem:s21+$0x11C20]  }
0xfa: {  	v22 =	vld [tilespmem:s21+$0x11C30]  }
0xfb: {  	v10 =	vld [tilespmem:s21+$0x11C40]  }
0xfc: {  	v8 =	vld [tilespmem:s21+$0x11C50]  }
0xfd: {  	v13 =	vld [tilespmem:s21+$0xF400]  }
0xfe: {  	v19 =	vld [tilespmem:s21+$0xF410]  }
0xff: {  	v21 =	vld [tilespmem:s21+$0xF420]  }
0x100: {  	v23 =	vld [tilespmem:s21+$0xF430]  }
0x101: {  	v14 =	vld [tilespmem:s21+$0xCC00]  }
0x102: {  	v24 =	vld [tilespmem:s21+$0xCC10]  }
0x103: {  	v25 =	vld [tilespmem:s21+$0xCC20]  }
0x104: {  	v26 =	vld [tilespmem:s21+$0xCC30]  }
0x105: {  	v15 =	vld [tilespmem:s21+$0xF440]  }
0x106: {  	v27 =	vadd.f32 v13, v14;
	v14 =	vld [tilespmem:s21+$0xF450]  }
0x107: {  	v19 =	vadd.f32 v19, v24;
	v13 =	vld [tilespmem:s21+$0xF460]  }
0x108: {  	v21 =	vadd.f32 v21, v25;
	v62 =	vadd.f32 v12, v27;
	v12 =	vld [tilespmem:s21+$0xF470]  }
0x109: {  	v23 =	vadd.f32 v23, v26;
	v63 =	vadd.f32 v16, v19;
	v16 =	vld [tilespmem:s21+$0xCC40]  }
0x10a: {  	v20 =	vadd.f32 v20, v21;
	v19 =	vadd.f32 v17, v62;
	v17 =	vld [tilespmem:s21+$0xCC50]  }
0x10b: {  	s22 =	simm.s32 $0x200;
	v22 =	vadd.f32 v22, v23;
	v21 =	vadd.f32 v18, v63;
	v18 =	vld [tilespmem:s21+$0xCC60]  }
.LBB2_5:
0x10c: {  	p0 =	sne.s32 s22, $0x9E00;
	v2 =	vadd.f32 v2, v19;
	v11 =	vadd.f32 v11, v20;
	v19 =	vld [tilespmem:s21+$0xCC70]  }
0x10d: {  	v3 =	vadd.f32 v3, v21;
	v9 =	vadd.f32 v9, v22;
	v20 =	vld [tilespmem:s21+$0x11C60]  }
0x10e: {  	v4 =	vadd.f32 v4, v11;
	v11 =	vadd.f32 v15, v16;
	v15 =	vld [tilespmem:s21+$0x11C70]  }
0x10f: {  	v5 =	vadd.f32 v5, v9;
	v9 =	vadd.f32 v14, v17;
	v14 =	vld [tilespmem:s21+$0x14460]  }
0x110: {  	v10 =	vadd.f32 v10, v11;
	v11 =	vadd.f32 v13, v18;
	v13 =	vld [tilespmem:s21+$0x14470]  }
0x111: {  	v8 =	vadd.f32 v8, v9;
	v9 =	vld [tilespmem:s21+$0x16C60];
	v12 =	vadd.f32 v12, v19  }
0x112: {  	s0 =	sshra.s32 s22, $0x2;
	v16 =	vmax.f32 v2, $0.0e+00;
	v7 =	vadd.f32 v7, v10;
	v10 =	vadd.f32 v20, v11;
	v11 =	vld [tilespmem:s21+$0x16C70]  }
0x113: {  	v2 =	vld [tilespmem:s0+$0x16C00];
	[tilespmem:s21+$0xCC00] =	vst v16;
	v16 =	vmax.f32 v3, $0.0e+00;
	v6 =	vadd.f32 v6, v8;
	v8 =	vadd.f32 v15, v12  }
0x114: {  	v12 =	vmax.f32 v4, $0.0e+00;
	v3 =	vld [tilespmem:s0+$0x16C10];
	[tilespmem:s21+$0xCC10] =	vst v16;
	v1 =	vadd.f32 v1, v7;
	v7 =	vadd.f32 v14, v10  }
0x115: {  	v10 =	vmax.f32 v5, $0.0e+00;
	v4 =	vld [tilespmem:s0+$0x16C20];
	[tilespmem:s21+$0xCC20] =	vst v12;
	v0 =	vadd.f32 v0, v6;
	v6 =	vadd.f32 v13, v8  }
0x116: {  	v5 =	vld [tilespmem:s0+$0x16C30];
	[tilespmem:s21+$0xCC30] =	vst v10;
	v8 =	vmax.f32 v1, $0.0e+00;
	v7 =	vadd.f32 v9, v7  }
0x117: {  	v1 =	vld [tilespmem:s0+$0x16C40];
	[tilespmem:s21+$0xCC40] =	vst v8;
	v8 =	vmax.f32 v0, $0.0e+00;
	v6 =	vadd.f32 v11, v6  }
0x118: {  	v0 =	vld [tilespmem:s0+$0x16C50];
	[tilespmem:s21+$0xCC50] =	vst v8;
	v7 =	vmax.f32 v7, $0.0e+00  }
0x119: {  	v17 =	vld [tilespmem:s0+$0x14400];
	[tilespmem:s21+$0xCC60] =	vst v7;
	v6 =	vmax.f32 v6, $0.0e+00  }
0x11a: {  	v18 =	vld [tilespmem:s0+$0x14410];
	[tilespmem:s21+$0xCC70] =	vst v6;
	s21 =	smov.u32 s0  }
0x11b: {  	v11 =	vld [tilespmem:s21+$0x14420]  }
0x11c: {  	v9 =	vld [tilespmem:s21+$0x14430]  }
0x11d: {  	v7 =	vld [tilespmem:s21+$0x14440]  }
0x11e: {  	v6 =	vld [tilespmem:s21+$0x14450]  }
0x11f: {  	v12 =	vld [tilespmem:s21+$0x11C00]  }
0x120: {  	v16 =	vld [tilespmem:s21+$0x11C10]  }
0x121: {  	v20 =	vld [tilespmem:s21+$0x11C20]  }
0x122: {  	v22 =	vld [tilespmem:s21+$0x11C30]  }
0x123: {  	v10 =	vld [tilespmem:s21+$0x11C40]  }
0x124: {  	v8 =	vld [tilespmem:s21+$0x11C50]  }
0x125: {  	v13 =	vld [tilespmem:s21+$0xF400]  }
0x126: {  	v19 =	vld [tilespmem:s21+$0xF410]  }
0x127: {  	v21 =	vld [tilespmem:s21+$0xF420]  }
0x128: {  	v23 =	vld [tilespmem:s21+$0xF430]  }
0x129: {  	v14 =	vld [tilespmem:s21+$0xCC00]  }
0x12a: {  	v24 =	vld [tilespmem:s21+$0xCC10]  }
0x12b: {  	v25 =	vld [tilespmem:s21+$0xCC20]  }
0x12c: {  	v26 =	vld [tilespmem:s21+$0xCC30]  }
0x12d: {  	v15 =	vld [tilespmem:s21+$0xF440]  }
0x12e: {  	v27 =	vadd.f32 v13, v14;
	v14 =	vld [tilespmem:s21+$0xF450]  }
.Ltmp1:
0x12f: {  	v19 =	vadd.f32 v19, v24;
	v13 =	vld [tilespmem:s21+$0xF460];
	(pc) =	sbr.rel @p0 .LBB2_5-.Ltmp1, $4  }
0x130: {  	v24 =	vadd.f32 v12, v27;
	v21 =	vadd.f32 v21, v25;
	v12 =	vld [tilespmem:s21+$0xF470]  }
0x131: {  	v25 =	vadd.f32 v16, v19;
	v23 =	vadd.f32 v23, v26;
	v16 =	vld [tilespmem:s21+$0xCC40]  }
0x132: {  	v19 =	vadd.f32 v17, v24;
	v20 =	vadd.f32 v20, v21;
	v17 =	vld [tilespmem:s21+$0xCC50]  }
0x133: {  	s22 =	sadd.s32 $0x200, s22;
	v21 =	vadd.f32 v18, v25;
	v22 =	vadd.f32 v22, v23;
	v18 =	vld [tilespmem:s21+$0xCC60]  }
0x134: {  	v2 =	vadd.f32 v2, v19;
	v11 =	vadd.f32 v11, v20;
	v42 =	vld [tilespmem:s21+$0xCC70]  }
0x135: {  	v43 =	vld [tilespmem:s21+$0x11C60];
	v3 =	vadd.f32 v3, v21;
	v9 =	vadd.f32 v9, v22  }
0x136: {  	v45 =	vld [tilespmem:s21+$0x11C70];
	v4 =	vadd.f32 v4, v11;
	v44 =	vadd.f32 v15, v16  }
0x137: {  	v47 =	vld [tilespmem:s21+$0x14460];
	v5 =	vadd.f32 v5, v9;
	v46 =	vadd.f32 v14, v17  }
0x138: {  	v49 =	vld [tilespmem:s21+$0x14470];
	v10 =	vadd.f32 v10, v44;
	v48 =	vadd.f32 v13, v18  }
0x139: {  	v50 =	vld [tilespmem:s21+$0x16C60];
	v8 =	vadd.f32 v8, v46;
	v12 =	vadd.f32 v12, v42  }
0x13a: {  	v52 =	vld [tilespmem:s21+$0x16C70];
	v2 =	vmax.f32 v2, $0.0e+00;
	v7 =	vadd.f32 v7, v10;
	v51 =	vadd.f32 v43, v48  }
0x13b: {  	[tilespmem:s21+$0xCC00] =	vst v2;
	v53 =	vmax.f32 v3, $0.0e+00;
	v54 =	vadd.f32 v6, v8;
	v55 =	vadd.f32 v45, v12  }
0x13c: {  	[tilespmem:s21+$0xCC10] =	vst v53;
	v56 =	vmax.f32 v4, $0.0e+00;
	v1 =	vadd.f32 v1, v7;
	v57 =	vadd.f32 v47, v51  }
0x13d: {  	[tilespmem:s21+$0xCC20] =	vst v56;
	v58 =	vmax.f32 v5, $0.0e+00;
	v0 =	vadd.f32 v0, v54;
	v59 =	vadd.f32 v49, v55  }
0x13e: {  	[tilespmem:s21+$0xCC30] =	vst v58;
	v1 =	vmax.f32 v1, $0.0e+00;
	v60 =	vadd.f32 v50, v57  }
0x13f: {  	[tilespmem:s21+$0xCC40] =	vst v1;
	v0 =	vmax.f32 v0, $0.0e+00;
	v61 =	vadd.f32 v52, v59  }
0x140: {  	[tilespmem:s21+$0xCC50] =	vst v0;
	v62 =	vmax.f32 v60, $0.0e+00  }
0x141: {  	[tilespmem:s21+$0xCC60] =	vst v62;
	v63 =	vmax.f32 v61, $0.0e+00  }
0x142: {  	s0 =	sadd.s32 s14, s15;
	s3 =	simm.s32 $0xCC00;
	[tilespmem:s21+$0xCC70] =	vst v63  }
0x143: {  	[hbm4b:s0+s2] =	stream.linear.scatter [tilespmem:s3], [sflag:$0xB], $0x2800, $0x38;
	[tilespmem:$0x19400] =	vst v63  }
0x144: {  	_ =	swait.ge [sflag:s24], $0x2800  }
0x145: {  	s12 =	sadd.s32 $0x1, s12;
	s31 =	rddreg [dreg:$0xb]  }
0x146: {  	p0 =	sne.s32 s12, s31  }
.Ltmp2:
0x147: {  	_ = 	snop;
	(pc) =	sbr.rel @p0 .LBB2_2-.Ltmp2, $3  }
0x148: {  	_ =	sdelay $0x1  }
0x149: {  	[sflag:s24] =	ssyncset.done $0x0  }
0x14a: {  	[sflag:s24] =	ssyncadd.s32 $0xFFFFD800  }
0x14b: {  	s3 =	rddreg [dreg:$0xe]  }
0x14c: {  	s0 =	rddreg [dreg:$0xd];
	s3 =	sadd.s32 $0x1, s3  }
0x14d: {  	p0 =	sne.s32 s3, s0  }
.Ltmp3:
0x14e: {  	_ = 	snop;
	(pc) =	sbr.rel @p0 .LBB2_1-.Ltmp3, $1  }
0x14f: {  	_ =	sdelay $0x3  }
0x150: {  	_ =	sfence.sel $0x180000  }
0x151: {  	[bflag:$0x0] =	sbarrier.arrive $0xFFFF  }
0x152: {  	_ =	strace $0x90000047  }
0x153: {  	s0 =	stileid.u32;
	[bflag:$0x2] =	sbarrier.arrive $0xFFFF  }
0x154: {  	p0 =	sne.s32 s0, $0x0;
	s0 =	rddreg [dreg:$0x2]  }
0x155: {  	s0 =	sadd.s32 @!p0 $0x100000, s0  }
0x156: {  	[sflag:s0] =	ssyncadd.tile.s32 @!p0 $0x1;
	_ =	shalt  }
.Lfunc_end2:
_tile_overlayer_lowered:
.L_overlay_start_2:
0x157: {  	(tag) =	ssettag $0x2  }
0x158: {  	s0 =	rddreg [dreg:$0x0];
	s2 =	stileid.u32  }
0x159: {  	s1 =	rddreg [dreg:$0x1];
	p0 =	sne.s32 s2, $0x0  }
0x15a: {  	s3 =	rddreg [dreg:$0x2];
	[bflag:$0x3] =	sbarrier.arrive $0xFFFF;
	s2 =	simm.s32 @!p0 $0x1C0B  }
0x15b: {  	[timem:s3], [sflag:s2] =	dma.local @!p0 [hbm:s0], s1  }
0x15c: {  	s0 =	simm.s32 @!p0 $0xB  }
0x15d: {  	_ =	swait.ge @!p0 [sflag:s0], s1  }
0x15e: {  	s1 =	ssub.s32 @!p0 $0x0, s1;
	[sflag:s0] =	ssyncset.done @!p0 $0x0  }
0x15f: {  	[sflag:s0] =	ssyncadd.s32 @!p0 s1  }
0x160: {  	[bflag:$0x3] =	sbarrier.arrive $0xFFFF  }
0x161: {  	_ =	shalt  }

// kernel: kernel.9.cloned.1.call-start
scs
__scs_entry_jumppad:
0x0: {  	(pc) =	sbr.rel $0x88, $3  }
0x1: {  	(tag) =	ssettag $0x0;
	lr =	simm.s32 $0x1  }
0x2: {  	[smem:$0x3F9B] =	sst lr;
	_ =	strace $0xD0000000  }
0x3: {  	_ = 	snop  }
0x4: {  	_ = 	snop  }
0x5: {  	_ = 	snop  }
0x6: {  	_ = 	snop  }
0x7: {  	_ = 	snop  }
__scs_overlays_trampoline_lowered:
0x8: {  	[smem:$0x3FAA] =	sst s0  }
0x9: {  	[smem:$0x3FAB] =	sst s1  }
0xa: {  	[smem:$0x3FAC] =	sst s2  }
0xb: {  	[smem:$0x3FAD] =	sst s3  }
0xc: {  	[smem:$0x3FAE] =	sst s4  }
0xd: {  	[smem:$0x3FAF] =	sst s5  }
0xe: {  	[smem:$0x3FB0] =	sst s6  }
0xf: {  	[smem:$0x3FB1] =	sst s7  }
0x10: {  	[smem:$0x3FB2] =	sst s8  }
0x11: {  	[smem:$0x3FB3] =	sst s9;
	s0 =	simm.s32 @!p0 $0x0  }
0x12: {  	s1 =	sld [smem:$0x3F99];
	s0 =	simm.s32 @p0 $0x1  }
0x13: {  	[smem:$0x3FB4] =	sst s0;
	s0 =	simm.s32 @!p1 $0x0  }
0x14: {  	s2 =	sld [smem:$0x3F98];
	s0 =	simm.s32 @p1 $0x1  }
0x15: {  	[smem:$0x3FB5] =	sst s0;
	s0 =	simm.s32 @!p2 $0x0  }
0x16: {  	s3 =	sld [smem:$0x3FDB];
	s0 =	simm.s32 @p2 $0x1  }
0x17: {  	s4 =	simm.s32 $0x1BF5;
	[smem:$0x3FB7] =	sst s0  }
0x18: {  	s0 =	sld [smem:$0x3F9A];
	_ =	swait.ge [sflag:s4], $0x0  }
0x19: {  	s7 =	sld [smem:$0x3F9B]  }
0x1a: {  	s8 =	sadd.s32 $0xFFFFE003, lr  }
0x1b: {  	s9 =	sadd.s32 $0xFFFFFEF7, lr;
	s5 =	simm.s32 $0xFFFFFFFF;
	p2 =	slt.u32 s8, $0xFFFFF086  }
0x1c: {  	p1 =	slt.u32 s9, $0xF7A;
	s5 =	simm.s32 @!p2 $0x0  }
0x1d: {  	s5 =	simm.s32 @p1 $0x1;
	p0 =	seq.s32 s7, s2  }
0x1e: {  	s7 =	smul.u32 @!p0 $0xF7A, s2;
	p2 =	seq.s32 @!p0 s5, $0x0  }
0x1f: {  	s9 =	smul.u32 $0xF7A, s1;
	s8 =	simm.s32 @!p0 $0x1BF5;
	p2 =	por !p2, p0  }
0x20: {  	[sflag:s8] =	ssyncset.s32 @!p0 $0xFFFFF086;
	s6 =	sadd.s32 @!p0 s3, s7;
	s7 =	simm.s32 @!p0 $0x108  }
0x21: {  	s3 =	sadd.s32 s3, s9;
	s6 =	sadd.s32 @!p0 $0x88, s6;
	s7 =	simm.s32 @p2 $0x1082  }
0x22: {  	[simem:s7], [sflag:s8] =	dma.local @!p0 [hbm:s6], $0xF7A  }
0x23: {  	s9 =	sor.u32 $0xD0000000, s2;
	s6 =	simm.s32 $0x108;
	_ =	swait.ge @!p0 [sflag:s8], $0x0  }
0x24: {  	s3 =	sadd.s32 $0x88, s3;
	s6 =	simm.s32 @!p1 $0x1082;
	[sflag:s4] =	ssyncset.s32 $0xFFFFF086  }
0x25: {  	[simem:s6], [sflag:s4] =	dma.local [hbm:s3], $0xF7A  }
0x26: {  	[smem:$0x3F9B] =	sst s1;
	(tag) =	ssettag s2;
	_ =	strace s9  }
0x27: {  	s1 =	sld [smem:$0x3FAB]  }
0x28: {  	s2 =	sld [smem:$0x3FAC]  }
0x29: {  	s4 =	sld [smem:$0x3FAE]  }
0x2a: {  	p0 =	seq.s32 s5, $0x0;
	s5 =	sld [smem:$0x3FAF]  }
0x2b: {  	s6 =	sld [smem:$0x3FB0]  }
0x2c: {  	s7 =	sld [smem:$0x3FB1]  }
0x2d: {  	s3 =	simm.s32 $0x108;
	s8 =	sld [smem:$0x3FB2]  }
0x2e: {  	s3 =	simm.s32 @!p0 $0x1082;
	s9 =	sld [smem:$0x3FB3]  }
0x2f: {  	lr =	sadd.s32 s0, s3;
	s0 =	sld [smem:$0x3FAA]  }
0x30: {  	s3 =	sld [smem:$0x3FAD]  }
0x31: {  	[smem:$0x3FB6] =	sst s10  }
0x32: {  	s10 =	sld [smem:$0x3FB4];
	_ =	sdelay $0x3  }
0x33: {  	p0 =	seq.s32 s10, $0x1;
	s10 =	sld [smem:$0x3FB6];
	_ =	sdelay $0x3  }
0x34: {  	[smem:$0x3FB6] =	sst s10  }
0x35: {  	s10 =	sld [smem:$0x3FB5];
	_ =	sdelay $0x3  }
0x36: {  	p1 =	seq.s32 s10, $0x1;
	s10 =	sld [smem:$0x3FB6];
	_ =	sdelay $0x3  }
0x37: {  	[smem:$0x3FB6] =	sst s10  }
0x38: {  	s10 =	sld [smem:$0x3FB7]  }
0x39: {  	_ = 	snop;
	(pc) =	sbr.ind lr, $3  }
0x3a: {  	_ = 	snop  }
0x3b: {  	_ = 	snop  }
0x3c: {  	p2 =	seq.s32 s10, $0x1;
	s10 =	sld [smem:$0x3FB6]  }
0x3d: {  	_ =	shalt  }
0x3e: {  	_ =	shalt  }
0x3f: {  	_ =	shalt  }
0x40: {  	_ =	shalt  }
0x41: {  	_ =	shalt  }
0x42: {  	_ =	shalt  }
0x43: {  	_ =	shalt  }
0x44: {  	_ =	shalt  }
0x45: {  	_ =	shalt  }
0x46: {  	_ =	shalt  }
0x47: {  	_ =	shalt  }
0x48: {  	_ =	shalt  }
0x49: {  	_ =	shalt  }
0x4a: {  	_ =	shalt  }
0x4b: {  	_ =	shalt  }
0x4c: {  	_ =	shalt  }
0x4d: {  	_ =	shalt  }
0x4e: {  	_ =	shalt  }
0x4f: {  	_ =	shalt  }
0x50: {  	_ =	shalt  }
0x51: {  	_ =	shalt  }
0x52: {  	_ =	shalt  }
0x53: {  	_ =	shalt  }
0x54: {  	_ =	shalt  }
0x55: {  	_ =	shalt  }
0x56: {  	_ =	shalt  }
0x57: {  	_ =	shalt  }
0x58: {  	_ =	shalt  }
0x59: {  	_ =	shalt  }
0x5a: {  	_ =	shalt  }
0x5b: {  	_ =	shalt  }
0x5c: {  	_ =	shalt  }
0x5d: {  	_ =	shalt  }
0x5e: {  	_ =	shalt  }
0x5f: {  	_ =	shalt  }
0x60: {  	_ =	shalt  }
0x61: {  	_ =	shalt  }
0x62: {  	_ =	shalt  }
0x63: {  	_ =	shalt  }
0x64: {  	_ =	shalt  }
0x65: {  	_ =	shalt  }
0x66: {  	_ =	shalt  }
0x67: {  	_ =	shalt  }
0x68: {  	_ =	shalt  }
0x69: {  	_ =	shalt  }
0x6a: {  	_ =	shalt  }
0x6b: {  	_ =	shalt  }
0x6c: {  	_ =	shalt  }
0x6d: {  	_ =	shalt  }
0x6e: {  	_ =	shalt  }
0x6f: {  	_ =	shalt  }
0x70: {  	_ =	shalt  }
0x71: {  	_ =	shalt  }
0x72: {  	_ =	shalt  }
0x73: {  	_ =	shalt  }
0x74: {  	_ =	shalt  }
0x75: {  	_ =	shalt  }
0x76: {  	_ =	shalt  }
0x77: {  	_ =	shalt  }
0x78: {  	_ =	shalt  }
0x79: {  	_ =	shalt  }
0x7a: {  	_ =	shalt  }
0x7b: {  	_ =	shalt  }
0x7c: {  	_ =	shalt  }
0x7d: {  	_ =	shalt  }
0x7e: {  	_ =	shalt  }
0x7f: {  	_ =	shalt  }
0x80: {  	_ =	shalt  }
0x81: {  	_ =	shalt  }
0x82: {  	_ =	shalt  }
0x83: {  	_ =	shalt  }
0x84: {  	_ =	shalt  }
0x85: {  	_ =	shalt  }
0x86: {  	_ =	shalt  }
0x87: {  	_ =	shalt  }
.Lfunc_end0:
.L_simem_size_0:
called_computation.1_lowered:
.L_overlay_start_0:
0x88: {  	s2 =	sld [smem:$0x3FD9]  }
0x89: {  	s3 =	sld [smem:$0x3FFE];
	_ =	sdelay $0x1  }
0x8a: {  	s1 =	srdreg.scid  }
0x8b: {  	s0 =	sand.u32 $0x1, s1  }
0x8c: {  	s17 =	sshll.u32 s0, $0xA;
	s2 =	sadd.s32 s3, s2  }
0x8d: {  	s2 =	sadd.s32 s2, s17  }
0x8e: {  	[smem:$0x3FC2] =	sst s2  }
0x8f: {  	_ = 	snop  }
0x90: {  	s2 =	sld [smem:$0x3FD0];
	(tm) =	ssettm $0x1  }
0x91: {  	s18 =	sld [smem:$0x3FFB];
	_ =	sdelay $0x3  }
0x92: {  	_ =	strace s18  }
0x93: {  	s3 =	sld [smem:$0x3FFC];
	_ =	sdelay $0x3  }
0x94: {  	_ =	strace s3  }
0x95: {  	s3 =	sld [smem:$0x3FFD];
	_ =	sdelay $0x3  }
0x96: {  	_ =	strace s3  }
0x97: {  	_ =	strace $0x8FFFFFFF  }
0x98: {  	s19 =	sld [smem:$0x3FDB];
	_ =	sdelay $0x1  }
0x99: {  	s4 =	simm.s32 $_scs_section_size  }
0x9a: {  	s5 =	simm.s32 $_size__tile_overlayer_lowered;
	s6 =	simm.s32 $_tile_overlayer_lowered  }
0x9b: {  	s22 =	simm.s32 $0x1BFF;
	s21 =	sshll.u32 s6, $0x1;
	s3 =	sadd.s32 s4, s19  }
0x9c: {  	s7 =	simm.s32 $0x0;
	s20 =	sshll.u32 s5, $0x1;
	s5 =	sadd.s32 s21, s3  }
0x9d: {  	[timem:s7], [sflag:s22] =	dma.local [hbm:s5], s20  }
0x9e: {  	_ =	swait.ge [sflag:s22], s20  }
0x9f: {  	s4 =	ssub.s32 $0x0, s20;
	[sflag:s22] =	ssyncset.done $0x0  }
0xa0: {  	[sflag:s22] =	ssyncadd.s32 s4;
	_ =	sdelay $0x1  }
0xa1: {  	s23 =	simm.s32 $0x1B8B  }
0xa2: {  	_ =	swait.ge [sflag:s23], $0x1  }
0xa3: {  	[sflag:s23] =	ssyncset.done $0x0  }
0xa4: {  	s25 =	simm.s32 $0x1B8E;
	s24 =	sld [smem:$0x3FFE];
	[sflag:s23] =	ssyncadd.s32 $0xFFFFFFFF  }
0xa5: {  	s26 =	simm.s32 $execute0_lowered;
	[smem:$0x3FD2] =	sst s25  }
0xa6: {  	s5 =	sshll.u32 s26, $0x1;
	_ =	strace $0x80000049;
	[dreg:$0x1] =	wrdreg $0xFFFFFFFF  }
0xa7: {  	s28 =	simm.s32 $_size_execute0_lowered;
	s3 =	sadd.s32 s3, s5;
	[dreg:$0x0] =	wrdreg $0x0  }
0xa8: {  	s5 =	sshll.u32 s28, $0x1;
	[dreg:$0x2] =	wrdreg s3  }
0xa9: {  	[dreg:$0x3] =	wrdreg s5  }
0xaa: {  	[dreg:$0x4] =	wrdreg $0xC0  }
0xab: {  	_ =	task [dreg:s7], $0x5FFFF  }
0xac: {  	[dreg:$0x1] =	wrdreg $0xFFFFFFFF  }
0xad: {  	[dreg:$0x0] =	wrdreg $0x60  }
0xae: {  	[dreg:$0x2] =	wrdreg s24  }
0xaf: {  	[dreg:$0x3] =	wrdreg s2  }
0xb0: {  	[dreg:$0x4] =	wrdreg $0x9  }
0xb1: {  	_ =	task.clear_ibuf [dreg:s7], $0x5FFFF;
	_ =	strace $0x90000049  }
0xb2: {  	s29 =	simm.s32 $0x9;
	_ =	strace $0x8000004B  }
0xb3: {  	_ =	swait.ge [sflag:s29], $0x1  }
0xb4: {  	[sflag:s29] =	ssyncadd.s32 $0xFFFFFFFF  }
0xb5: {  	_ =	strace $0x9000004B  }
0xb6: {  	_ =	sfence  }
0xb7: {  	s30 =	sld [smem:$0x0];
	_ =	sdelay $0x2  }
0xb8: {  	s31 =	sshll.u32 s1, $0xD;
	s1 =	sshrl.u32 s1, $0x2  }
0xb9: {  	s3 =	sand.u32 $0x4000, s31;
	s1 =	sadd.s32 s1, s30  }
0xba: {  	s0 =	sor.u32 s3, s0;
	s1 =	sshll.u32 s1, $0x11  }
0xbb: {  	s0 =	sor.u32 s1, s0  }
0xbc: {  	s0 =	sadd.s32 $0x8F2B, s0  }
0xbd: {  	[sflag:s0] =	ssyncadd.remote.s32 $0x1  }
0xbe: {  	_ =	sfence.sel $0xFFFF  }
0xbf: {  	[dreg:$0x0] =	wrdreg $0xFFFFFFFF;
	(pc) =	sbr.abs _section_cstart, $3  }
0xc0: {  	[dreg:$0x1] =	wrdreg $0xFFFFFFFF  }
0xc1: {  	_ =	task.clear_ibuf [dreg:s7], $0x2FFFF;
	_ =	strace $0x9FFFFFFF  }
0xc2: {  	(tm) =	ssettm $0x7FFFFFFF  }
0xc3: {  	_ =	shalt  }
tec
execute0_lowered:
.L_overlay_start_1:
0x0: {  	(tag) =	ssettag $0x1  }
0x1: {  	s0 =	rddreg [dreg:$0x0]  }
0x2: {  	s12 =	rddreg [dreg:$0x1]  }
0x3: {  	s2 =	simm.s32 $0x0;
	s8 =	stileid.u32;
	s16 =	simm.s32 $0x34  }
0x4: {  	s29 =	simm.s32 $0x50;
	[smem:$0x7FF] =	sst s2;
	s4 =	sadd.s32 $0x19AA00, s0  }
0x5: {  	s1 =	srdreg.scid;
	s5 =	sadd.s32 $0x32AA00, s0;
	s6 =	sadd.s32 $0x4BAA00, s0  }
0x6: {  	s3 =	smul.u32 $0x1C, s8;
	s7 =	sadd.s32 $0x64AA00, s0;
	s1 =	sand.u32 $0x1, s1  }
0x7: {  	s9 =	smul.u32 $0x34, s8;
	s8 =	sadd.s32 $0x7DAA00, s0;
	s10 =	sadd.s32 $0x7800, s0  }
0x8: {  	s11 =	sadd.s32 $0x1400, s0;
	s13 =	sadd.s32 $0x4600, s0;
	s14 =	sadd.s32 $0xAA00, s0  }
0x9: {  	_ =	strace $0x8000004A;
	p0 =	seq.s32 s1, $0x0;
	s1 =	ssub.s32 $0x2, s1  }
0xa: {  	s15 =	sadd.s32 $0x340, s3;
	s18 =	sshrl.u32 s1, $0x1;
	s16 =	simm.s32 @!p0 $0x1C  }
0xb: {  	s15 =	smov.u32 @p0 s9;
	s19 =	ssub.s32 s1, s18;
	[dreg:$0x5] =	wrdreg s16  }
0xc: {  	s26 =	sshrl.u32 s16, $0x1;
	s9 =	smul.u32 $0x50, s15;
	[dreg:$0x3] =	wrdreg s15  }
0xd: {  	s21 =	smul.u32 $0x500, s15;
	[dreg:$0xb] =	wrdreg s26;
	s0 =	smax.u32 s19, $0x1  }
0xe: {  	s28 =	simm.s32 $0x6;
	s17 =	simm.s32 $0x7;
	[dreg:$0xd] =	wrdreg s0  }
0xf: {  	s30 =	simm.s32 $0x8;
	s25 =	sadd.s32 s4, s21;
	[dreg:$0x4] =	wrdreg s9  }
0x10: {  	s20 =	sshrl.u32 s9, $0x3;
	s31 =	sadd.s32 $0x50, s9;
	[dreg:$0xa] =	wrdreg s25  }
0x11: {  	s3 =	simm.s32 $0x0;
	s22 =	sadd.s32 s10, s20;
	[dreg:$0xc] =	wrdreg s31  }
0x12: {  	s16 =	simm.s32 $0x5;
	s23 =	sadd.s32 s11, s20;
	[dreg:$0x6] =	wrdreg s22  }
0x13: {  	s26 =	simm.s32 $0x4;
	s24 =	sadd.s32 s13, s20;
	[dreg:$0x7] =	wrdreg s23  }
0x14: {  	s19 =	simm.s32 $0xCC00;
	s1 =	sadd.s32 s12, s20;
	[dreg:$0x8] =	wrdreg s24  }
0x15: {  	s9 =	simm.s32 $0xA;
	s20 =	simm.s32 $0x2;
	[dreg:$0x9] =	wrdreg s1  }
0x16: {  	s24 =	simm.s32 $0xB;
	s23 =	simm.s32 $0x3;
	s1 =	simm.s32 $0x9  }
.LBB2_1:
0x17: {  	[dreg:$0xe] =	wrdreg s3  }
0x18: {  	s0 =	rddreg [dreg:$0x6]  }
0x19: {  	[tilespmem:s2], [sflag:$0xB] =	stream.linear.gather [hbm4b:s0+s2], $0x50, $0x38;
	[tilespmem:$0x19400] =	vst v63  }
0x1a: {  	_ =	swait.ge [sflag:s24], $0x50  }
0x1b: {  	[sflag:s24] =	ssyncset.done $0x0  }
0x1c: {  	s21 =	simm.s32 $0x80;
	s18 =	rddreg [dreg:$0x7];
	[sflag:s24] =	ssyncadd.s32 $0xFFFFFFB0  }
0x1d: {  	[tilespmem:s21], [sflag:$0xB] =	stream.linear.gather [hbm4b:s18+s2], $0x50, $0x38;
	[tilespmem:$0x19400] =	vst v63  }
0x1e: {  	_ =	swait.ge [sflag:s24], $0x50  }
0x1f: {  	[sflag:s24] =	ssyncset.done $0x0  }
0x20: {  	s12 =	simm.s32 $0x100;
	s22 =	rddreg [dreg:$0x8];
	[sflag:s24] =	ssyncadd.s32 $0xFFFFFFB0  }
0x21: {  	[tilespmem:s12], [sflag:$0xB] =	stream.linear.gather [hbm4b:s22+s2], $0x50, $0x38;
	[tilespmem:$0x19400] =	vst v63  }
0x22: {  	_ =	swait.ge [sflag:s24], $0x50  }
0x23: {  	[sflag:s24] =	ssyncset.done $0x0  }
0x24: {  	s15 =	simm.s32 $0x180;
	s25 =	rddreg [dreg:$0x9];
	[sflag:s24] =	ssyncadd.s32 $0xFFFFFFB0  }
0x25: {  	[tilespmem:s15], [sflag:$0xB] =	stream.linear.gather [hbm4b:s25+s2], $0x50, $0x38;
	[tilespmem:$0x19400] =	vst v63  }
0x26: {  	_ =	swait.ge [sflag:s24], $0x50  }
0x27: {  	[sflag:s24] =	ssyncset.done $0x0  }
0x28: {  	s31 =	simm.s32 $0x2A00;
	[sflag:s24] =	ssyncadd.s32 $0xFFFFFFB0  }
0x29: {  	[tilespmem:s31], [sflag:$0x1] =	stream.indirect.gather [hbm4b:s5+s29], $0x80, s2, s29, $0xb8;
	[tilespmem:$0x19400] =	vst v63  }
0x2a: {  	s18 =	simm.s32 $0x5200  }
0x2b: {  	[tilespmem:s18], [sflag:$0x2] =	stream.indirect.gather [hbm4b:s6+s29], $0x80, s21, s29, $0xb8;
	[tilespmem:$0x19400] =	vst v63  }
0x2c: {  	s21 =	simm.s32 $0x7A00  }
0x2d: {  	[tilespmem:s21], [sflag:$0x3] =	stream.indirect.gather [hbm4b:s7+s29], $0x80, s12, s29, $0xb8;
	[tilespmem:$0x19400] =	vst v63  }
0x2e: {  	s22 =	simm.s32 $0xA200  }
0x2f: {  	[tilespmem:s22], [sflag:$0x4] =	stream.indirect.gather [hbm4b:s8+s29], $0x80, s15, s29, $0xb8;
	[tilespmem:$0x19400] =	vst v63  }
0x30: {  	s25 =	rddreg [dreg:$0xa];
	s31 =	simm.s32 $0x200;
	s12 =	simm.s32 $0x0  }
0x31: {  	[tilespmem:s31], [sflag:$0x5] =	stream.linear.gather [hbm4b:s25+s2], $0x2800, $0x38;
	[tilespmem:$0x19400] =	vst v63  }
.LBB2_2:
0x32: {  	s21 =	smul.u32 $0xA0, s12  }
0x33: {  	s0 =	rddreg [dreg:$0xc]  }
0x34: {  	s15 =	sadd.s32 s21, s0  }
0x35: {  	s22 =	sshrl.u32 s15, $0x3  }
0x36: {  	s18 =	simm.s32 $0xCA00;
	s0 =	simm.s32 $0x0;
	s31 =	sadd.s32 s10, s22  }
0x37: {  	[tilespmem:s18], [sflag:$0xB] =	stream.linear.gather [hbm4b:s31+s0], $0x50, $0x38;
	[tilespmem:$0x19400] =	vst v63  }
0x38: {  	_ =	swait.ge [sflag:s24], $0x50  }
0x39: {  	[sflag:s24] =	ssyncset.done $0x0  }
0x3a: {  	s25 =	simm.s32 $0xCA80;
	s31 =	sadd.s32 s11, s22;
	[sflag:s24] =	ssyncadd.s32 $0xFFFFFFB0  }
0x3b: {  	[tilespmem:s25], [sflag:$0xB] =	stream.linear.gather [hbm4b:s31+s0], $0x50, $0x38;
	[tilespmem:$0x19400] =	vst v63  }
0x3c: {  	_ =	swait.ge [sflag:s24], $0x50  }
0x3d: {  	[sflag:s24] =	ssyncset.done $0x0  }
0x3e: {  	s2 =	simm.s32 $0xCB00;
	s31 =	sadd.s32 s13, s22;
	[sflag:s24] =	ssyncadd.s32 $0xFFFFFFB0  }
0x3f: {  	[tilespmem:s2], [sflag:$0xB] =	stream.linear.gather [hbm4b:s31+s0], $0x50, $0x38;
	[tilespmem:$0x19400] =	vst v63  }
0x40: {  	_ =	swait.ge [sflag:s24], $0x50  }
0x41: {  	[sflag:s24] =	ssyncset.done $0x0  }
0x42: {  	[sflag:s24] =	ssyncadd.s32 $0xFFFFFFB0  }
0x43: {  	s3 =	rddreg [dreg:$0x1]  }
0x44: {  	s22 =	sadd.s32 s3, s22;
	s3 =	simm.s32 $0xCB80  }
0x45: {  	[tilespmem:s3], [sflag:$0xB] =	stream.linear.gather [hbm4b:s22+s0], $0x50, $0x38;
	[tilespmem:$0x19400] =	vst v63  }
0x46: {  	_ =	swait.ge [sflag:s24], $0x50  }
0x47: {  	[sflag:s24] =	ssyncset.done $0x0  }
0x48: {  	s22 =	simm.s32 $0xF400;
	[sflag:s24] =	ssyncadd.s32 $0xFFFFFFB0  }
0x49: {  	[tilespmem:s22], [sflag:$0x6] =	stream.indirect.gather [hbm4b:s5+s29], $0x80, s18, s29, $0xb8;
	[tilespmem:$0x19400] =	vst v63  }
0x4a: {  	s22 =	simm.s32 $0x11C00  }
0x4b: {  	[tilespmem:s22], [sflag:$0x7] =	stream.indirect.gather [hbm4b:s6+s29], $0x80, s25, s29, $0xb8;
	[tilespmem:$0x19400] =	vst v63  }
0x4c: {  	s22 =	simm.s32 $0x14400  }
0x4d: {  	[tilespmem:s22], [sflag:$0x8] =	stream.indirect.gather [hbm4b:s7+s29], $0x80, s2, s29, $0xb8;
	[tilespmem:$0x19400] =	vst v63  }
0x4e: {  	s15 =	sshll.u32 s15, $0x4;
	s25 =	simm.s32 $0x16C00  }
0x4f: {  	[tilespmem:s25], [sflag:$0x9] =	stream.indirect.gather [hbm4b:s8+s29], $0x80, s3, s29, $0xb8;
	[tilespmem:$0x19400] =	vst v63  }
0x50: {  	s18 =	sadd.s32 s4, s15;
	s25 =	simm.s32 $0x1  }
0x51: {  	[tilespmem:s19], [sflag:$0xA] =	stream.linear.gather [hbm4b:s18+s0], $0x2800, $0x38;
	[tilespmem:$0x19400] =	vst v63  }
0x52: {  	_ =	swait.ge [sflag:s25], $0x2800  }
0x53: {  	[sflag:s25] =	ssyncset.done $0x0  }
0x54: {  	[sflag:s25] =	ssyncadd.s32 $0xFFFFD800  }
0x55: {  	_ =	swait.ge [sflag:s20], $0x2800  }
0x56: {  	[sflag:s20] =	ssyncset.done $0x0  }
0x57: {  	[sflag:s20] =	ssyncadd.s32 $0xFFFFD800  }
0x58: {  	_ =	swait.ge [sflag:s23], $0x2800  }
0x59: {  	[sflag:s23] =	ssyncset.done $0x0  }
0x5a: {  	[sflag:s23] =	ssyncadd.s32 $0xFFFFD800  }
0x5b: {  	_ =	swait.ge [sflag:s26], $0x2800  }
0x5c: {  	[sflag:s26] =	ssyncset.done $0x0  }
0x5d: {  	[sflag:s26] =	ssyncadd.s32 $0xFFFFD800  }
0x5e: {  	_ =	swait.ge [sflag:s16], $0x2800  }
0x5f: {  	[sflag:s16] =	ssyncset.done $0x0  }
0x60: {  	s22 =	simm.s32 $0x0;
	[sflag:s16] =	ssyncadd.s32 $0xFFFFD800  }
0x61: {  	v2 =	vld [tilespmem:s22+$0xA200]  }
0x62: {  	v3 =	vld [tilespmem:s22+$0xA210]  }
0x63: {  	v4 =	vld [tilespmem:s22+$0xA220]  }
0x64: {  	v5 =	vld [tilespmem:s22+$0xA230]  }
0x65: {  	v1 =	vld [tilespmem:s22+$0xA240]  }
0x66: {  	v0 =	vld [tilespmem:s22+$0xA250]  }
0x67: {  	v17 =	vld [tilespmem:s22+$0x7A00]  }
0x68: {  	v18 =	vld [tilespmem:s22+$0x7A10]  }
0x69: {  	v11 =	vld [tilespmem:s22+$0x7A20]  }
0x6a: {  	v9 =	vld [tilespmem:s22+$0x7A30]  }
0x6b: {  	v7 =	vld [tilespmem:s22+$0x7A40]  }
0x6c: {  	v6 =	vld [tilespmem:s22+$0x7A50]  }
0x6d: {  	v12 =	vld [tilespmem:s22+$0x5200]  }
0x6e: {  	v16 =	vld [tilespmem:s22+$0x5210]  }
0x6f: {  	v20 =	vld [tilespmem:s22+$0x5220]  }
0x70: {  	v22 =	vld [tilespmem:s22+$0x5230]  }
0x71: {  	v10 =	vld [tilespmem:s22+$0x5240]  }
0x72: {  	v8 =	vld [tilespmem:s22+$0x5250]  }
0x73: {  	v13 =	vld [tilespmem:s22+$0x2A00]  }
0x74: {  	v19 =	vld [tilespmem:s22+$0x2A10]  }
0x75: {  	v21 =	vld [tilespmem:s22+$0x2A20]  }
0x76: {  	v23 =	vld [tilespmem:s22+$0x2A30]  }
0x77: {  	v14 =	vld [tilespmem:s22+$0x200]  }
0x78: {  	v24 =	vld [tilespmem:s22+$0x210]  }
0x79: {  	v25 =	vld [tilespmem:s22+$0x220]  }
0x7a: {  	v26 =	vld [tilespmem:s22+$0x230]  }
0x7b: {  	v15 =	vld [tilespmem:s22+$0x2A40]  }
0x7c: {  	v27 =	vadd.f32 v13, v14;
	v14 =	vld [tilespmem:s22+$0x2A50]  }
0x7d: {  	v19 =	vadd.f32 v19, v24;
	v13 =	vld [tilespmem:s22+$0x2A60]  }
0x7e: {  	v21 =	vadd.f32 v21, v25;
	v62 =	vadd.f32 v12, v27;
	v12 =	vld [tilespmem:s22+$0x2A70]  }
0x7f: {  	v23 =	vadd.f32 v23, v26;
	v63 =	vadd.f32 v16, v19;
	v16 =	vld [tilespmem:s22+$0x240]  }
0x80: {  	v20 =	vadd.f32 v20, v21;
	v19 =	vadd.f32 v17, v62;
	v17 =	vld [tilespmem:s22+$0x250]  }
0x81: {  	s31 =	simm.s32 $0x200;
	v22 =	vadd.f32 v22, v23;
	v21 =	vadd.f32 v18, v63;
	v18 =	vld [tilespmem:s22+$0x260]  }
.LBB2_3:
0x82: {  	p0 =	sne.s32 s31, $0x9E00;
	v2 =	vadd.f32 v2, v19;
	v11 =	vadd.f32 v11, v20;
	v19 =	vld [tilespmem:s22+$0x270]  }
0x83: {  	v3 =	vadd.f32 v3, v21;
	v9 =	vadd.f32 v9, v22;
	v20 =	vld [tilespmem:s22+$0x5260]  }
0x84: {  	v4 =	vadd.f32 v4, v11;
	v11 =	vadd.f32 v15, v16;
	v15 =	vld [tilespmem:s22+$0x5270]  }
0x85: {  	v5 =	vadd.f32 v5, v9;
	v9 =	vadd.f32 v14, v17;
	v14 =	vld [tilespmem:s22+$0x7A60]  }
0x86: {  	v10 =	vadd.f32 v10, v11;
	v11 =	vadd.f32 v13, v18;
	v13 =	vld [tilespmem:s22+$0x7A70]  }
0x87: {  	v8 =	vadd.f32 v8, v9;
	v9 =	vld [tilespmem:s22+$0xA260];
	v12 =	vadd.f32 v12, v19  }
0x88: {  	s0 =	sshra.s32 s31, $0x2;
	v16 =	vmax.f32 v2, $0.0e+00;
	v7 =	vadd.f32 v7, v10;
	v10 =	vadd.f32 v20, v11;
	v11 =	vld [tilespmem:s22+$0xA270]  }
0x89: {  	v2 =	vld [tilespmem:s0+$0xA200];
	[tilespmem:s22+$0x200] =	vst v16;
	v16 =	vmax.f32 v3, $0.0e+00;
	v6 =	vadd.f32 v6, v8;
	v8 =	vadd.f32 v15, v12  }
0x8a: {  	v12 =	vmax.f32 v4, $0.0e+00;
	v3 =	vld [tilespmem:s0+$0xA210];
	[tilespmem:s22+$0x210] =	vst v16;
	v1 =	vadd.f32 v1, v7;
	v7 =	vadd.f32 v14, v10  }
0x8b: {  	v10 =	vmax.f32 v5, $0.0e+00;
	v4 =	vld [tilespmem:s0+$0xA220];
	[tilespmem:s22+$0x220] =	vst v12;
	v0 =	vadd.f32 v0, v6;
	v6 =	vadd.f32 v13, v8  }
0x8c: {  	v5 =	vld [tilespmem:s0+$0xA230];
	[tilespmem:s22+$0x230] =	vst v10;
	v8 =	vmax.f32 v1, $0.0e+00;
	v7 =	vadd.f32 v9, v7  }
0x8d: {  	v1 =	vld [tilespmem:s0+$0xA240];
	[tilespmem:s22+$0x240] =	vst v8;
	v8 =	vmax.f32 v0, $0.0e+00;
	v6 =	vadd.f32 v11, v6  }
0x8e: {  	v0 =	vld [tilespmem:s0+$0xA250];
	[tilespmem:s22+$0x250] =	vst v8;
	v7 =	vmax.f32 v7, $0.0e+00  }
0x8f: {  	v17 =	vld [tilespmem:s0+$0x7A00];
	[tilespmem:s22+$0x260] =	vst v7;
	v6 =	vmax.f32 v6, $0.0e+00  }
0x90: {  	v18 =	vld [tilespmem:s0+$0x7A10];
	[tilespmem:s22+$0x270] =	vst v6;
	s22 =	smov.u32 s0  }
0x91: {  	v11 =	vld [tilespmem:s22+$0x7A20]  }
0x92: {  	v9 =	vld [tilespmem:s22+$0x7A30]  }
0x93: {  	v7 =	vld [tilespmem:s22+$0x7A40]  }
0x94: {  	v6 =	vld [tilespmem:s22+$0x7A50]  }
0x95: {  	v12 =	vld [tilespmem:s22+$0x5200]  }
0x96: {  	v16 =	vld [tilespmem:s22+$0x5210]  }
0x97: {  	v20 =	vld [tilespmem:s22+$0x5220]  }
0x98: {  	v22 =	vld [tilespmem:s22+$0x5230]  }
0x99: {  	v10 =	vld [tilespmem:s22+$0x5240]  }
0x9a: {  	v8 =	vld [tilespmem:s22+$0x5250]  }
0x9b: {  	v13 =	vld [tilespmem:s22+$0x2A00]  }
0x9c: {  	v19 =	vld [tilespmem:s22+$0x2A10]  }
0x9d: {  	v21 =	vld [tilespmem:s22+$0x2A20]  }
0x9e: {  	v23 =	vld [tilespmem:s22+$0x2A30]  }
0x9f: {  	v14 =	vld [tilespmem:s22+$0x200]  }
0xa0: {  	v24 =	vld [tilespmem:s22+$0x210]  }
0xa1: {  	v25 =	vld [tilespmem:s22+$0x220]  }
0xa2: {  	v26 =	vld [tilespmem:s22+$0x230]  }
0xa3: {  	v15 =	vld [tilespmem:s22+$0x2A40]  }
0xa4: {  	v27 =	vadd.f32 v13, v14;
	v14 =	vld [tilespmem:s22+$0x2A50]  }
.Ltmp0:
0xa5: {  	v19 =	vadd.f32 v19, v24;
	v13 =	vld [tilespmem:s22+$0x2A60];
	(pc) =	sbr.rel @p0 .LBB2_3-.Ltmp0, $4  }
0xa6: {  	v24 =	vadd.f32 v12, v27;
	v21 =	vadd.f32 v21, v25;
	v12 =	vld [tilespmem:s22+$0x2A70]  }
0xa7: {  	v25 =	vadd.f32 v16, v19;
	v23 =	vadd.f32 v23, v26;
	v16 =	vld [tilespmem:s22+$0x240]  }
0xa8: {  	v19 =	vadd.f32 v17, v24;
	v20 =	vadd.f32 v20, v21;
	v17 =	vld [tilespmem:s22+$0x250]  }
0xa9: {  	s31 =	sadd.s32 $0x200, s31;
	v21 =	vadd.f32 v18, v25;
	v22 =	vadd.f32 v22, v23;
	v18 =	vld [tilespmem:s22+$0x260]  }
0xaa: {  	v2 =	vadd.f32 v2, v19;
	v11 =	vadd.f32 v11, v20;
	v19 =	vld [tilespmem:s22+$0x270]  }
0xab: {  	v20 =	vld [tilespmem:s22+$0x5260];
	v3 =	vadd.f32 v3, v21;
	v9 =	vadd.f32 v9, v22  }
0xac: {  	v4 =	vadd.f32 v4, v11;
	v11 =	vadd.f32 v15, v16;
	v15 =	vld [tilespmem:s22+$0x5270]  }
0xad: {  	v5 =	vadd.f32 v5, v9;
	v9 =	vadd.f32 v14, v17;
	v14 =	vld [tilespmem:s22+$0x7A60]  }
0xae: {  	v10 =	vadd.f32 v10, v11;
	v11 =	vadd.f32 v13, v18;
	v13 =	vld [tilespmem:s22+$0x7A70]  }
0xaf: {  	v8 =	vadd.f32 v8, v9;
	v9 =	vld [tilespmem:s22+$0xA260];
	v12 =	vadd.f32 v12, v19  }
0xb0: {  	v2 =	vmax.f32 v2, $0.0e+00;
	v7 =	vadd.f32 v7, v10;
	v10 =	vadd.f32 v20, v11;
	v11 =	vld [tilespmem:s22+$0xA270]  }
0xb1: {  	[tilespmem:s22+$0x200] =	vst v2;
	v2 =	vmax.f32 v3, $0.0e+00;
	v3 =	vadd.f32 v6, v8;
	v6 =	vadd.f32 v15, v12  }
0xb2: {  	[tilespmem:s22+$0x210] =	vst v2;
	v2 =	vmax.f32 v4, $0.0e+00;
	v1 =	vadd.f32 v1, v7;
	v4 =	vadd.f32 v14, v10  }
0xb3: {  	[tilespmem:s22+$0x220] =	vst v2;
	v2 =	vmax.f32 v5, $0.0e+00;
	v0 =	vadd.f32 v0, v3;
	v3 =	vadd.f32 v13, v6  }
0xb4: {  	[tilespmem:s22+$0x230] =	vst v2;
	v1 =	vmax.f32 v1, $0.0e+00;
	v2 =	vadd.f32 v9, v4  }
0xb5: {  	s0 =	rddreg [dreg:$0x4];
	[tilespmem:s22+$0x240] =	vst v1;
	v0 =	vmax.f32 v0, $0.0e+00;
	v1 =	vadd.f32 v11, v3  }
0xb6: {  	s0 =	sadd.s32 s0, s21;
	[tilespmem:s22+$0x250] =	vst v0;
	v0 =	vmax.f32 v2, $0.0e+00  }
0xb7: {  	s25 =	sshll.u32 s12, $0x1;
	s0 =	sshll.u32 s0, $0x4;
	[tilespmem:s22+$0x260] =	vst v0;
	v0 =	vmax.f32 v1, $0.0e+00  }
0xb8: {  	s3 =	simm.s32 $0x200;
	s2 =	simm.s32 $0x0;
	s0 =	sadd.s32 s14, s0;
	[tilespmem:s22+$0x270] =	vst v0  }
0xb9: {  	[hbm4b:s0+s2] =	stream.linear.scatter [tilespmem:s3], [sflag:$0xB], $0x2800, $0x38;
	[tilespmem:$0x19400] =	vst v63  }
0xba: {  	s31 =	rddreg [dreg:$0x5];
	s0 =	sadd.s32 $0x2, s25  }
0xbb: {  	s3 =	rddreg [dreg:$0x3];
	p0 =	sge.u32 s0, s31  }
0xbc: {  	s0 =	sadd.s32 @!p0 s3, s0  }
0xbd: {  	_ =	swait.ge [sflag:s24], $0x2800;
	s21 =	smul.u32 @!p0 $0xA, s0  }
0xbe: {  	[sflag:s24] =	ssyncset.done $0x0  }
0xbf: {  	s31 =	simm.s32 @!p0 $0x0;
	[sflag:s24] =	ssyncadd.s32 $0xFFFFD800;
	s22 =	sadd.s32 @!p0 s10, s21  }
0xc0: {  	[tilespmem:s31], [sflag:$0xB] =	stream.linear.gather @!p0 [hbm4b:s22+s31], $0x50, $0x38;
	[tilespmem:$0x19400] =	vst v63  }
0xc1: {  	s22 =	simm.s32 @!p0 $0xB  }
0xc2: {  	_ =	swait.ge @!p0 [sflag:s22], $0x50  }
0xc3: {  	[sflag:s22] =	ssyncset.done @!p0 $0x0  }
0xc4: {  	s25 =	simm.s32 @!p0 $0x80;
	s3 =	sadd.s32 @!p0 s11, s21;
	[sflag:s22] =	ssyncadd.s32 @!p0 $0xFFFFFFB0  }
0xc5: {  	[tilespmem:s25], [sflag:$0xB] =	stream.linear.gather @!p0 [hbm4b:s3+s31], $0x50, $0x38;
	[tilespmem:$0x19400] =	vst v63  }
0xc6: {  	_ =	swait.ge @!p0 [sflag:s22], $0x50  }
0xc7: {  	[sflag:s22] =	ssyncset.done @!p0 $0x0  }
0xc8: {  	s18 =	simm.s32 @!p0 $0x100;
	s3 =	sadd.s32 @!p0 s13, s21;
	[sflag:s22] =	ssyncadd.s32 @!p0 $0xFFFFFFB0  }
0xc9: {  	[tilespmem:s18], [sflag:$0xB] =	stream.linear.gather @!p0 [hbm4b:s3+s31], $0x50, $0x38;
	[tilespmem:$0x19400] =	vst v63  }
0xca: {  	_ =	swait.ge @!p0 [sflag:s22], $0x50  }
0xcb: {  	[sflag:s22] =	ssyncset.done @!p0 $0x0  }
0xcc: {  	[sflag:s22] =	ssyncadd.s32 @!p0 $0xFFFFFFB0  }
0xcd: {  	s3 =	rddreg [dreg:$0x1]  }
0xce: {  	s3 =	sadd.s32 @!p0 s3, s21;
	s21 =	simm.s32 @!p0 $0x180  }
0xcf: {  	[tilespmem:s21], [sflag:$0xB] =	stream.linear.gather @!p0 [hbm4b:s3+s31], $0x50, $0x38;
	[tilespmem:$0x19400] =	vst v63  }
0xd0: {  	_ =	swait.ge @!p0 [sflag:s22], $0x50  }
0xd1: {  	[sflag:s22] =	ssyncset.done @!p0 $0x0  }
0xd2: {  	s3 =	simm.s32 @!p0 $0x50;
	[sflag:s22] =	ssyncadd.s32 @!p0 $0xFFFFFFB0;
	s22 =	simm.s32 @!p0 $0x2A00  }
0xd3: {  	[tilespmem:s22], [sflag:$0x1] =	stream.indirect.gather @!p0 [hbm4b:s5+s3], $0x80, s31, s3, $0xb8;
	[tilespmem:$0x19400] =	vst v63  }
0xd4: {  	s22 =	simm.s32 @!p0 $0x5200  }
0xd5: {  	[tilespmem:s22], [sflag:$0x2] =	stream.indirect.gather @!p0 [hbm4b:s6+s3], $0x80, s25, s3, $0xb8;
	[tilespmem:$0x19400] =	vst v63  }
0xd6: {  	s22 =	simm.s32 @!p0 $0x7A00  }
0xd7: {  	[tilespmem:s22], [sflag:$0x3] =	stream.indirect.gather @!p0 [hbm4b:s7+s3], $0x80, s18, s3, $0xb8;
	[tilespmem:$0x19400] =	vst v63  }
0xd8: {  	s0 =	smul.u32 @!p0 $0x500, s0;
	s18 =	simm.s32 @!p0 $0xA200  }
0xd9: {  	[tilespmem:s18], [sflag:$0x4] =	stream.indirect.gather @!p0 [hbm4b:s8+s3], $0x80, s21, s3, $0xb8;
	[tilespmem:$0x19400] =	vst v63  }
0xda: {  	s0 =	sadd.s32 @!p0 s4, s0;
	s3 =	simm.s32 @!p0 $0x200  }
0xdb: {  	[tilespmem:s3], [sflag:$0x5] =	stream.linear.gather @!p0 [hbm4b:s0+s31], $0x2800, $0x38;
	[tilespmem:$0x19400] =	vst v63  }
0xdc: {  	_ =	swait.ge [sflag:s28], $0x2800  }
0xdd: {  	[sflag:s28] =	ssyncset.done $0x0  }
0xde: {  	[sflag:s28] =	ssyncadd.s32 $0xFFFFD800  }
0xdf: {  	_ =	swait.ge [sflag:s17], $0x2800  }
0xe0: {  	[sflag:s17] =	ssyncset.done $0x0  }
0xe1: {  	[sflag:s17] =	ssyncadd.s32 $0xFFFFD800  }
0xe2: {  	_ =	swait.ge [sflag:s30], $0x2800  }
0xe3: {  	[sflag:s30] =	ssyncset.done $0x0  }
0xe4: {  	[sflag:s30] =	ssyncadd.s32 $0xFFFFD800  }
0xe5: {  	_ =	swait.ge [sflag:s1], $0x2800  }
0xe6: {  	[sflag:s1] =	ssyncset.done $0x0  }
0xe7: {  	[sflag:s1] =	ssyncadd.s32 $0xFFFFD800  }
0xe8: {  	_ =	swait.ge [sflag:s9], $0x2800  }
0xe9: {  	[sflag:s9] =	ssyncset.done $0x0  }
0xea: {  	s21 =	simm.s32 $0x0;
	[sflag:s9] =	ssyncadd.s32 $0xFFFFD800  }
0xeb: {  	v2 =	vld [tilespmem:s21+$0x16C00]  }
0xec: {  	v3 =	vld [tilespmem:s21+$0x16C10]  }
0xed: {  	v4 =	vld [tilespmem:s21+$0x16C20]  }
0xee: {  	v5 =	vld [tilespmem:s21+$0x16C30]  }
0xef: {  	v1 =	vld [tilespmem:s21+$0x16C40]  }
0xf0: {  	v0 =	vld [tilespmem:s21+$0x16C50]  }
0xf1: {  	v17 =	vld [tilespmem:s21+$0x14400]  }
0xf2: {  	v18 =	vld [tilespmem:s21+$0x14410]  }
0xf3: {  	v11 =	vld [tilespmem:s21+$0x14420]  }
0xf4: {  	v9 =	vld [tilespmem:s21+$0x14430]  }
0xf5: {  	v7 =	vld [tilespmem:s21+$0x14440]  }
0xf6: {  	v6 =	vld [tilespmem:s21+$0x14450]  }
0xf7: {  	v12 =	vld [tilespmem:s21+$0x11C00]  }
0xf8: {  	v16 =	vld [tilespmem:s21+$0x11C10]  }
0xf9: {  	v20 =	vld [tilespmem:s21+$0x11C20]  }
0xfa: {  	v22 =	vld [tilespmem:s21+$0x11C30]  }
0xfb: {  	v10 =	vld [tilespmem:s21+$0x11C40]  }
0xfc: {  	v8 =	vld [tilespmem:s21+$0x11C50]  }
0xfd: {  	v13 =	vld [tilespmem:s21+$0xF400]  }
0xfe: {  	v19 =	vld [tilespmem:s21+$0xF410]  }
0xff: {  	v21 =	vld [tilespmem:s21+$0xF420]  }
0x100: {  	v23 =	vld [tilespmem:s21+$0xF430]  }
0x101: {  	v14 =	vld [tilespmem:s21+$0xCC00]  }
0x102: {  	v24 =	vld [tilespmem:s21+$0xCC10]  }
0x103: {  	v25 =	vld [tilespmem:s21+$0xCC20]  }
0x104: {  	v26 =	vld [tilespmem:s21+$0xCC30]  }
0x105: {  	v15 =	vld [tilespmem:s21+$0xF440]  }
0x106: {  	v27 =	vadd.f32 v13, v14;
	v14 =	vld [tilespmem:s21+$0xF450]  }
0x107: {  	v19 =	vadd.f32 v19, v24;
	v13 =	vld [tilespmem:s21+$0xF460]  }
0x108: {  	v21 =	vadd.f32 v21, v25;
	v62 =	vadd.f32 v12, v27;
	v12 =	vld [tilespmem:s21+$0xF470]  }
0x109: {  	v23 =	vadd.f32 v23, v26;
	v63 =	vadd.f32 v16, v19;
	v16 =	vld [tilespmem:s21+$0xCC40]  }
0x10a: {  	v20 =	vadd.f32 v20, v21;
	v19 =	vadd.f32 v17, v62;
	v17 =	vld [tilespmem:s21+$0xCC50]  }
0x10b: {  	s22 =	simm.s32 $0x200;
	v22 =	vadd.f32 v22, v23;
	v21 =	vadd.f32 v18, v63;
	v18 =	vld [tilespmem:s21+$0xCC60]  }
.LBB2_5:
0x10c: {  	p0 =	sne.s32 s22, $0x9E00;
	v2 =	vadd.f32 v2, v19;
	v11 =	vadd.f32 v11, v20;
	v19 =	vld [tilespmem:s21+$0xCC70]  }
0x10d: {  	v3 =	vadd.f32 v3, v21;
	v9 =	vadd.f32 v9, v22;
	v20 =	vld [tilespmem:s21+$0x11C60]  }
0x10e: {  	v4 =	vadd.f32 v4, v11;
	v11 =	vadd.f32 v15, v16;
	v15 =	vld [tilespmem:s21+$0x11C70]  }
0x10f: {  	v5 =	vadd.f32 v5, v9;
	v9 =	vadd.f32 v14, v17;
	v14 =	vld [tilespmem:s21+$0x14460]  }
0x110: {  	v10 =	vadd.f32 v10, v11;
	v11 =	vadd.f32 v13, v18;
	v13 =	vld [tilespmem:s21+$0x14470]  }
0x111: {  	v8 =	vadd.f32 v8, v9;
	v9 =	vld [tilespmem:s21+$0x16C60];
	v12 =	vadd.f32 v12, v19  }
0x112: {  	s0 =	sshra.s32 s22, $0x2;
	v16 =	vmax.f32 v2, $0.0e+00;
	v7 =	vadd.f32 v7, v10;
	v10 =	vadd.f32 v20, v11;
	v11 =	vld [tilespmem:s21+$0x16C70]  }
0x113: {  	v2 =	vld [tilespmem:s0+$0x16C00];
	[tilespmem:s21+$0xCC00] =	vst v16;
	v16 =	vmax.f32 v3, $0.0e+00;
	v6 =	vadd.f32 v6, v8;
	v8 =	vadd.f32 v15, v12  }
0x114: {  	v12 =	vmax.f32 v4, $0.0e+00;
	v3 =	vld [tilespmem:s0+$0x16C10];
	[tilespmem:s21+$0xCC10] =	vst v16;
	v1 =	vadd.f32 v1, v7;
	v7 =	vadd.f32 v14, v10  }
0x115: {  	v10 =	vmax.f32 v5, $0.0e+00;
	v4 =	vld [tilespmem:s0+$0x16C20];
	[tilespmem:s21+$0xCC20] =	vst v12;
	v0 =	vadd.f32 v0, v6;
	v6 =	vadd.f32 v13, v8  }
0x116: {  	v5 =	vld [tilespmem:s0+$0x16C30];
	[tilespmem:s21+$0xCC30] =	vst v10;
	v8 =	vmax.f32 v1, $0.0e+00;
	v7 =	vadd.f32 v9, v7  }
0x117: {  	v1 =	vld [tilespmem:s0+$0x16C40];
	[tilespmem:s21+$0xCC40] =	vst v8;
	v8 =	vmax.f32 v0, $0.0e+00;
	v6 =	vadd.f32 v11, v6  }
0x118: {  	v0 =	vld [tilespmem:s0+$0x16C50];
	[tilespmem:s21+$0xCC50] =	vst v8;
	v7 =	vmax.f32 v7, $0.0e+00  }
0x119: {  	v17 =	vld [tilespmem:s0+$0x14400];
	[tilespmem:s21+$0xCC60] =	vst v7;
	v6 =	vmax.f32 v6, $0.0e+00  }
0x11a: {  	v18 =	vld [tilespmem:s0+$0x14410];
	[tilespmem:s21+$0xCC70] =	vst v6;
	s21 =	smov.u32 s0  }
0x11b: {  	v11 =	vld [tilespmem:s21+$0x14420]  }
0x11c: {  	v9 =	vld [tilespmem:s21+$0x14430]  }
0x11d: {  	v7 =	vld [tilespmem:s21+$0x14440]  }
0x11e: {  	v6 =	vld [tilespmem:s21+$0x14450]  }
0x11f: {  	v12 =	vld [tilespmem:s21+$0x11C00]  }
0x120: {  	v16 =	vld [tilespmem:s21+$0x11C10]  }
0x121: {  	v20 =	vld [tilespmem:s21+$0x11C20]  }
0x122: {  	v22 =	vld [tilespmem:s21+$0x11C30]  }
0x123: {  	v10 =	vld [tilespmem:s21+$0x11C40]  }
0x124: {  	v8 =	vld [tilespmem:s21+$0x11C50]  }
0x125: {  	v13 =	vld [tilespmem:s21+$0xF400]  }
0x126: {  	v19 =	vld [tilespmem:s21+$0xF410]  }
0x127: {  	v21 =	vld [tilespmem:s21+$0xF420]  }
0x128: {  	v23 =	vld [tilespmem:s21+$0xF430]  }
0x129: {  	v14 =	vld [tilespmem:s21+$0xCC00]  }
0x12a: {  	v24 =	vld [tilespmem:s21+$0xCC10]  }
0x12b: {  	v25 =	vld [tilespmem:s21+$0xCC20]  }
0x12c: {  	v26 =	vld [tilespmem:s21+$0xCC30]  }
0x12d: {  	v15 =	vld [tilespmem:s21+$0xF440]  }
0x12e: {  	v27 =	vadd.f32 v13, v14;
	v14 =	vld [tilespmem:s21+$0xF450]  }
.Ltmp1:
0x12f: {  	v19 =	vadd.f32 v19, v24;
	v13 =	vld [tilespmem:s21+$0xF460];
	(pc) =	sbr.rel @p0 .LBB2_5-.Ltmp1, $4  }
0x130: {  	v24 =	vadd.f32 v12, v27;
	v21 =	vadd.f32 v21, v25;
	v12 =	vld [tilespmem:s21+$0xF470]  }
0x131: {  	v25 =	vadd.f32 v16, v19;
	v23 =	vadd.f32 v23, v26;
	v16 =	vld [tilespmem:s21+$0xCC40]  }
0x132: {  	v19 =	vadd.f32 v17, v24;
	v20 =	vadd.f32 v20, v21;
	v17 =	vld [tilespmem:s21+$0xCC50]  }
0x133: {  	s22 =	sadd.s32 $0x200, s22;
	v21 =	vadd.f32 v18, v25;
	v22 =	vadd.f32 v22, v23;
	v18 =	vld [tilespmem:s21+$0xCC60]  }
0x134: {  	v2 =	vadd.f32 v2, v19;
	v11 =	vadd.f32 v11, v20;
	v42 =	vld [tilespmem:s21+$0xCC70]  }
0x135: {  	v43 =	vld [tilespmem:s21+$0x11C60];
	v3 =	vadd.f32 v3, v21;
	v9 =	vadd.f32 v9, v22  }
0x136: {  	v45 =	vld [tilespmem:s21+$0x11C70];
	v4 =	vadd.f32 v4, v11;
	v44 =	vadd.f32 v15, v16  }
0x137: {  	v47 =	vld [tilespmem:s21+$0x14460];
	v5 =	vadd.f32 v5, v9;
	v46 =	vadd.f32 v14, v17  }
0x138: {  	v49 =	vld [tilespmem:s21+$0x14470];
	v10 =	vadd.f32 v10, v44;
	v48 =	vadd.f32 v13, v18  }
0x139: {  	v50 =	vld [tilespmem:s21+$0x16C60];
	v8 =	vadd.f32 v8, v46;
	v12 =	vadd.f32 v12, v42  }
0x13a: {  	v52 =	vld [tilespmem:s21+$0x16C70];
	v2 =	vmax.f32 v2, $0.0e+00;
	v7 =	vadd.f32 v7, v10;
	v51 =	vadd.f32 v43, v48  }
0x13b: {  	[tilespmem:s21+$0xCC00] =	vst v2;
	v53 =	vmax.f32 v3, $0.0e+00;
	v54 =	vadd.f32 v6, v8;
	v55 =	vadd.f32 v45, v12  }
0x13c: {  	[tilespmem:s21+$0xCC10] =	vst v53;
	v56 =	vmax.f32 v4, $0.0e+00;
	v1 =	vadd.f32 v1, v7;
	v57 =	vadd.f32 v47, v51  }
0x13d: {  	[tilespmem:s21+$0xCC20] =	vst v56;
	v58 =	vmax.f32 v5, $0.0e+00;
	v0 =	vadd.f32 v0, v54;
	v59 =	vadd.f32 v49, v55  }
0x13e: {  	[tilespmem:s21+$0xCC30] =	vst v58;
	v1 =	vmax.f32 v1, $0.0e+00;
	v60 =	vadd.f32 v50, v57  }
0x13f: {  	[tilespmem:s21+$0xCC40] =	vst v1;
	v0 =	vmax.f32 v0, $0.0e+00;
	v61 =	vadd.f32 v52, v59  }
0x140: {  	[tilespmem:s21+$0xCC50] =	vst v0;
	v62 =	vmax.f32 v60, $0.0e+00  }
0x141: {  	[tilespmem:s21+$0xCC60] =	vst v62;
	v63 =	vmax.f32 v61, $0.0e+00  }
0x142: {  	s0 =	sadd.s32 s14, s15;
	s3 =	simm.s32 $0xCC00;
	[tilespmem:s21+$0xCC70] =	vst v63  }
0x143: {  	[hbm4b:s0+s2] =	stream.linear.scatter [tilespmem:s3], [sflag:$0xB], $0x2800, $0x38;
	[tilespmem:$0x19400] =	vst v63  }
0x144: {  	_ =	swait.ge [sflag:s24], $0x2800  }
0x145: {  	s12 =	sadd.s32 $0x1, s12;
	s31 =	rddreg [dreg:$0xb]  }
0x146: {  	p0 =	sne.s32 s12, s31  }
.Ltmp2:
0x147: {  	_ = 	snop;
	(pc) =	sbr.rel @p0 .LBB2_2-.Ltmp2, $3  }
0x148: {  	_ =	sdelay $0x1  }
0x149: {  	[sflag:s24] =	ssyncset.done $0x0  }
0x14a: {  	[sflag:s24] =	ssyncadd.s32 $0xFFFFD800  }
0x14b: {  	s3 =	rddreg [dreg:$0xe]  }
0x14c: {  	s0 =	rddreg [dreg:$0xd];
	s3 =	sadd.s32 $0x1, s3  }
0x14d: {  	p0 =	sne.s32 s3, s0  }
.Ltmp3:
0x14e: {  	_ = 	snop;
	(pc) =	sbr.rel @p0 .LBB2_1-.Ltmp3, $1  }
0x14f: {  	_ =	sdelay $0x3  }
0x150: {  	_ =	sfence.sel $0x180000  }
0x151: {  	[bflag:$0x0] =	sbarrier.arrive $0xFFFF  }
0x152: {  	_ =	strace $0x9000004A  }
0x153: {  	s0 =	stileid.u32;
	[bflag:$0x2] =	sbarrier.arrive $0xFFFF  }
0x154: {  	p0 =	sne.s32 s0, $0x0;
	s0 =	rddreg [dreg:$0x2]  }
0x155: {  	s0 =	sadd.s32 @!p0 $0x100000, s0  }
0x156: {  	[sflag:s0] =	ssyncadd.tile.s32 @!p0 $0x1;
	_ =	shalt  }
.Lfunc_end2:
_tile_overlayer_lowered:
.L_overlay_start_2:
0x157: {  	(tag) =	ssettag $0x2  }
0x158: {  	s0 =	rddreg [dreg:$0x0];
	s2 =	stileid.u32  }
0x159: {  	s1 =	rddreg [dreg:$0x1];
	p0 =	sne.s32 s2, $0x0  }
0x15a: {  	s3 =	rddreg [dreg:$0x2];
	[bflag:$0x3] =	sbarrier.arrive $0xFFFF;
	s2 =	simm.s32 @!p0 $0x1C0B  }
0x15b: {  	[timem:s3], [sflag:s2] =	dma.local @!p0 [hbm:s0], s1  }
0x15c: {  	s0 =	simm.s32 @!p0 $0xB  }
0x15d: {  	_ =	swait.ge @!p0 [sflag:s0], s1  }
0x15e: {  	s1 =	ssub.s32 @!p0 $0x0, s1;
	[sflag:s0] =	ssyncset.done @!p0 $0x0  }
0x15f: {  	[sflag:s0] =	ssyncadd.s32 @!p0 s1  }
0x160: {  	[bflag:$0x3] =	sbarrier.arrive $0xFFFF  }
0x161: {  	_ =	shalt  }

</sc_bundles>
